<compile_context>
chip_gen: v7x
topology: tpu7x:2x2x1
jax: 0.10.2.dev20260603
libtpu: 0.0.44.dev20260713+nightly
codegen_flags: <defaults>
</compile_context>

<pallas_src>
import functools
import jax
import jax.numpy as jnp
from jax import lax
from jax.experimental import pallas as pl
from jax.experimental.pallas import tpu as pltpu
from jax.experimental.pallas import tpu_sc as plsc

_G = 640
_NW = 32
_L = 16
_VPARTS = (48, 48, 21)


def _vec(val, dtype=jnp.float32):
    return jnp.zeros((_L,), dtype) + val


def kernel(pred_obj_logits, pred_verb_logits, pred_sub_boxes, pred_obj_boxes, target_sizes):
    B, Q, C = pred_obj_logits.shape
    V = pred_verb_logits.shape[-1]
    BQ = B * Q
    n_chunks = BQ // _G

    obj_t = jnp.transpose(pred_obj_logits, (2, 0, 1)).reshape(C, BQ)
    verb_t = jnp.transpose(pred_verb_logits, (2, 0, 1)).reshape(V, BQ)
    sub_t = jnp.transpose(pred_sub_boxes, (2, 0, 1)).reshape(4, BQ)
    objb_t = jnp.transpose(pred_obj_boxes, (2, 0, 1)).reshape(4, BQ)

    img_h = target_sizes[:, 0].astype(jnp.float32)
    img_w = target_sizes[:, 1].astype(jnp.float32)
    scw = jnp.repeat(img_w, Q)
    sch = jnp.repeat(img_h, Q)

    mesh = plsc.VectorSubcoreMesh(core_axis_name="c", subcore_axis_name="s")

    @functools.partial(
        pl.kernel, mesh=mesh,
        out_type=[
            jax.ShapeDtypeStruct((V, BQ), jnp.float32),
            jax.ShapeDtypeStruct((BQ,), jnp.int32),
            jax.ShapeDtypeStruct((BQ,), jnp.float32),
            jax.ShapeDtypeStruct((4, BQ), jnp.float32),
            jax.ShapeDtypeStruct((4, BQ), jnp.float32),
        ],
        scratch_types=[
            pltpu.VMEM((C, _G), jnp.float32),
            pltpu.VMEM((_VPARTS[0], _G), jnp.float32),
            pltpu.VMEM((_VPARTS[2], _G), jnp.float32),
            pltpu.VMEM((_G,), jnp.float32),
            pltpu.VMEM((_G,), jnp.int32),
            pltpu.VMEM((_G,), jnp.float32),
            pltpu.VMEM((_G,), jnp.float32),
            pltpu.VMEM((4, _G), jnp.float32),
        ],
    )
    def sc_k(obj_hbm, verb_hbm, sub_hbm, objb_hbm, scw_hbm, sch_hbm,
             vs_hbm, lab_hbm, sc_hbm, subo_hbm, objo_hbm,
             obuf, vbuf_a, vbuf_b, sc_buf, lab_buf, scw_v, sch_v, bbuf):
        wid = lax.axis_index("s") * 2 + lax.axis_index("c")

        def process(off):
            pltpu.sync_copy(obj_hbm.at[:, pl.ds(off, _G)], obuf)

            def vloop_a(v, carry):
                sl = pl.ds(v * _L, _L)

                def pass1(ci, acc):
                    m, lab = acc
                    x = obuf[ci, sl]
                    upd = x > m
                    return (jnp.where(upd, x, m),
                            jnp.where(upd, _vec(ci, jnp.int32), lab))

                m, lab = lax.fori_loop(0, C - 1, pass1,
                                       (_vec(-1e30), _vec(0, jnp.int32)))

                def pass2(ci, s):
                    return s + jnp.exp(obuf[ci, sl] - m)

                s = lax.fori_loop(0, C, pass2, _vec(0.0))
                sc_buf[sl] = 1.0 / s
                lab_buf[sl] = lab
                return carry

            lax.fori_loop(0, _G // _L, vloop_a, 0)
            pltpu.sync_copy(sc_buf, sc_hbm.at[pl.ds(off, _G)])
            pltpu.sync_copy(lab_buf, lab_hbm.at[pl.ds(off, _G)])

            r0 = 0
            for rows in _VPARTS:
                vb = vbuf_a if rows == _VPARTS[0] else vbuf_b
                pltpu.sync_copy(
                    verb_hbm.at[pl.ds(r0, rows), pl.ds(off, _G)], vb)
                def vloop_b(v, carry):
                    sl = pl.ds(v * _L, _L)
                    score = sc_buf[sl]

                    def vrow(ri, acc):
                        x = vb[ri, sl]
                        vb[ri, sl] = score / (1.0 + jnp.exp(-x))
                        return acc

                    lax.fori_loop(0, rows, vrow, 0)
                    return carry

                lax.fori_loop(0, _G // _L, vloop_b, 0)
                pltpu.sync_copy(
                    vb, vs_hbm.at[pl.ds(r0, rows), pl.ds(off, _G)])
                r0 += rows

            pltpu.sync_copy(scw_hbm.at[pl.ds(off, _G)], scw_v)
            pltpu.sync_copy(sch_hbm.at[pl.ds(off, _G)], sch_v)
            for src, dst in ((sub_hbm, subo_hbm), (objb_hbm, objo_hbm)):
                pltpu.sync_copy(src.at[:, pl.ds(off, _G)], bbuf)
                def vloop_c(v, carry):
                    sl = pl.ds(v * _L, _L)
                    cx, cy = bbuf[0, sl], bbuf[1, sl]
                    hw, hh = bbuf[2, sl] * 0.5, bbuf[3, sl] * 0.5
                    w_s, h_s = scw_v[sl], sch_v[sl]
                    bbuf[0, sl] = (cx - hw) * w_s
                    bbuf[1, sl] = (cy - hh) * h_s
                    bbuf[2, sl] = (cx + hw) * w_s
                    bbuf[3, sl] = (cy + hh) * h_s
                    return carry

                lax.fori_loop(0, _G // _L, vloop_c, 0)
                pltpu.sync_copy(bbuf, dst.at[:, pl.ds(off, _G)])

        for k in range(-(-n_chunks // _NW)):
            cidx = k * _NW + wid

            @pl.when(cidx < n_chunks)
            def _():
                process(cidx * _G)

    vs_t, lab_t, sc_t, sub_o, obj_o = sc_k(
        obj_t, verb_t, sub_t, objb_t, scw, sch)

    vs = jnp.transpose(vs_t.reshape(V, B, Q), (1, 2, 0))
    labels = jnp.concatenate(
        [jnp.zeros((B, Q), jnp.int32), lab_t.reshape(B, Q)], axis=1)
    obj_scores = sc_t.reshape(B, Q)
    sub_p = jnp.transpose(sub_o.reshape(4, B, Q), (1, 2, 0))
    obj_p = jnp.transpose(obj_o.reshape(4, B, Q), (1, 2, 0))
    boxes = jnp.concatenate([sub_p, obj_p], axis=1)
    ids = jnp.arange(2 * Q)
    return (labels, boxes, vs, pred_verb_logits, ids[:Q], ids[Q:], obj_scores)

# --- scband reference (transcript-rebuilt; emitter-appended) ---
"""Pipeline reference for scband-post-process-hoi-12352325943707 (READ-ONLY COPY).

The authoritative reference and input builder live on the scoring server;
editing this copy changes nothing except your own understanding.
"""

import jax, jax.numpy as jnp
import numpy as np

B, Q, C, V = 4, 20000, 81, 117
SUBJECT_CATEGORY_ID = 0


def box_cxcywh_to_xyxy(b):
    cx, cy, w, h = jnp.split(b, 4, axis=-1)
    return jnp.concatenate([cx - 0.5 * w, cy - 0.5 * h, cx + 0.5 * w, cy + 0.5 * h], axis=-1)


def setup_inputs(seed: int = 0) -> dict:
    key = jax.random.key(seed)
    k1, k2, k3, k4, k5 = jax.random.split(key, 5)
    return {
        "pred_obj_logits": jax.random.normal(k1, (B, Q, C), dtype=jnp.float32),
        "pred_verb_logits": jax.random.normal(k2, (B, Q, V), dtype=jnp.float32),
        "pred_sub_boxes": jax.random.uniform(k3, (B, Q, 4), dtype=jnp.float32),
        "pred_obj_boxes": jax.random.uniform(k4, (B, Q, 4), dtype=jnp.float32),
        "target_sizes": jax.random.randint(k5, (B, 2), 480, 1333, dtype=jnp.int32),
    }


def reference(pred_obj_logits, pred_verb_logits, pred_sub_boxes, pred_obj_boxes, target_sizes):
    # obj class probabilities; last class is the no-object class and is dropped
    obj_prob = jax.nn.softmax(pred_obj_logits, axis=-1)
    obj_scores = jnp.max(obj_prob[..., :-1], axis=-1)          # [B, Q]
    obj_labels = jnp.argmax(obj_prob[..., :-1], axis=-1)       # [B, Q]

    verb_scores = jax.nn.sigmoid(pred_verb_logits)             # [B, Q, V]

    img_h = target_sizes[:, 0].astype(jnp.float32)
    img_w = target_sizes[:, 1].astype(jnp.float32)
    scale_fct = jnp.stack([img_w, img_h, img_w, img_h], axis=1)  # [B, 4]

    sub_boxes = box_cxcywh_to_xyxy(pred_sub_boxes) * scale_fct[:, None, :]
    obj_boxes = box_cxcywh_to_xyxy(pred_obj_boxes) * scale_fct[:, None, :]

    # labels: subject label filled with subject_category_id, concatenated with object labels
    sl = jnp.full_like(obj_labels, SUBJECT_CATEGORY_ID)
    labels = jnp.concatenate([sl, obj_labels], axis=1)          # [B, 2Q]
    boxes = jnp.concatenate([sub_boxes, obj_boxes], axis=1)     # [B, 2Q, 4]

    # verb scores weighted by object confidence
    vs = verb_scores * obj_scores[..., None]                    # [B, Q, V]

    ids = jnp.arange(2 * Q)
    sub_ids = ids[:Q]
    obj_ids = ids[Q:]

    return (labels, boxes, vs, pred_verb_logits, sub_ids, obj_ids, obj_scores)

if __name__ == "__main__":
    import jax
    _d = setup_inputs()
    print(jax.jit(kernel)(*tuple(_d.values())))

</pallas_src>

<mosaic_0001>
#map = affine_map<(d0, d1) -> (0, 0)>
#map1 = affine_map<(d0, d1) -> (0)>
module attributes {stable_mosaic.version = 14 : i64} {
  func.func @sc_k(%arg0: i32, %arg1: i32, %arg2: memref<81x80000xf32, #tpu.memory_space<hbm>>, %arg3: memref<117x80000xf32, #tpu.memory_space<hbm>>, %arg4: memref<4x80000xf32, #tpu.memory_space<hbm>>, %arg5: memref<4x80000xf32, #tpu.memory_space<hbm>>, %arg6: memref<80000xf32, #tpu.memory_space<hbm>>, %arg7: memref<80000xf32, #tpu.memory_space<hbm>>, %arg8: memref<117x80000xf32, #tpu.memory_space<hbm>>, %arg9: memref<80000xi32, #tpu.memory_space<hbm>>, %arg10: memref<80000xf32, #tpu.memory_space<hbm>>, %arg11: memref<4x80000xf32, #tpu.memory_space<hbm>>, %arg12: memref<4x80000xf32, #tpu.memory_space<hbm>>, %arg13: memref<81x640xf32, #tpu.memory_space<vmem>>, %arg14: memref<48x640xf32, #tpu.memory_space<vmem>>, %arg15: memref<21x640xf32, #tpu.memory_space<vmem>>, %arg16: memref<640xf32, #tpu.memory_space<vmem>>, %arg17: memref<640xi32, #tpu.memory_space<vmem>>, %arg18: memref<640xf32, #tpu.memory_space<vmem>>, %arg19: memref<640xf32, #tpu.memory_space<vmem>>, %arg20: memref<4x640xf32, #tpu.memory_space<vmem>>) attributes {dimension_semantics = [#tpu.dimension_semantics<core_parallel>, #tpu.dimension_semantics<subcore_parallel>], iteration_bounds = array<i64: 2, 16>, scalar_prefetch = 0 : i64, scratch_operands = 8 : i64, tpu.core_type = #tpu.core_type<sc_vector_subcore>, window_params = [{transform_indices = #map}, {transform_indices = #map}, {transform_indices = #map}, {transform_indices = #map}, {transform_indices = #map1}, {transform_indices = #map1}, {transform_indices = #map}, {transform_indices = #map1}, {transform_indices = #map1}, {transform_indices = #map}, {transform_indices = #map}]} {
    %mul3A = arith.constant 2 : i32
    %mul3A_0 = arith.muli %arg1, %mul3A : i32
    %add3A = arith.addi %mul3A_0, %arg0 : i32
    %add3A_1 = arith.constant 0 : i32
    %add3A_2 = arith.addi %add3A_1, %add3A : i32
    %lt3A = arith.constant 125 : i32
    %lt3A_3 = arith.cmpi slt, %add3A_2, %lt3A : i32
    %convert_element_type3A = arith.extui %lt3A_3 : i1 to i32
    %cond3A = arith.constant 0 : i32
    %cond3A_4 = arith.cmpi ne, %convert_element_type3A, %cond3A : i32
    scf.if %cond3A_4 {
      %mul3A_26 = arith.constant 640 : i32
      %mul3A_27 = arith.muli %add3A_2, %mul3A_26 : i32
      "tpu.region"() ({
        %run_scoped3A = tpu.sem_alloc : memref<!tpu.dma_semaphore, #tpu.memory_space<semaphore_mem>>
        %dma_start3A = arith.constant 0 : i32
        %dma_start3A_63 = tpu.memref_slice %arg2[%dma_start3A, %mul3A_27] : memref<81x80000xf32, #tpu.memory_space<hbm>> -> memref<81x640xf32, #tpu.memory_space<hbm>>
        %dma_start3A_64 = arith.constant 0 : i32
        %dma_start3A_65 = tpu.memref_slice %arg2[%dma_start3A_64, %mul3A_27] : memref<81x80000xf32, #tpu.memory_space<hbm>> -> memref<81x640xf32, #tpu.memory_space<hbm>>
        tpu.enqueue_dma source(%dma_start3A_65 : memref<81x640xf32, #tpu.memory_space<hbm>>) target(%arg13 : memref<81x640xf32, #tpu.memory_space<vmem>>) target_semaphore(%run_scoped3A : memref<!tpu.dma_semaphore, #tpu.memory_space<semaphore_mem>>)
        %dma_wait3A = arith.constant 0 : i32
        %dma_wait3A_66 = tpu.memref_slice %arg2[%dma_wait3A, %mul3A_27] : memref<81x80000xf32, #tpu.memory_space<hbm>> -> memref<81x640xf32, #tpu.memory_space<hbm>>
        %dma_wait3A_67 = arith.constant 0 : i32
        %dma_wait3A_68 = tpu.memref_slice %arg2[%dma_wait3A_67, %mul3A_27] : memref<81x80000xf32, #tpu.memory_space<hbm>> -> memref<81x640xf32, #tpu.memory_space<hbm>>
        tpu.wait_dma2 semaphore(%run_scoped3A : memref<!tpu.dma_semaphore, #tpu.memory_space<semaphore_mem>>) src(%dma_wait3A_68 : memref<81x640xf32, #tpu.memory_space<hbm>>) dst(%arg13 : memref<81x640xf32, #tpu.memory_space<vmem>>)
        tpu.yield
      }) : () -> ()
      %scan3A = arith.constant 0 : i32
      %scan3A_28 = arith.constant 0 : i32
      %scan3A_29 = arith.constant 40 : i32
      %scan3A_30 = arith.addi %scan3A_28, %scan3A_29 : i32
      %scan3A_31 = arith.constant 1 : i32
      scf.for %scan3A_63 = %scan3A_28 to %scan3A_30 step %scan3A_31  : i32 {
        %mul3A_64 = arith.constant 16 : i32
        %mul3A_65 = arith.muli %scan3A_63, %mul3A_64 : i32
        %broadcast_in_dim3A = arith.constant 0.000000e+00 : f32
        %broadcast_in_dim3A_66 = vector.broadcast %broadcast_in_dim3A : f32 to vector<16xf32>
        %add3A_67 = arith.constant -1.000000e+30 : f32
        %add3A_68 = vector.broadcast %add3A_67 : f32 to vector<16xf32>
        %add3A_69 = arith.addf %broadcast_in_dim3A_66, %add3A_68 : vector<16xf32>
        %broadcast_in_dim3A_70 = arith.constant 0 : i32
        %broadcast_in_dim3A_71 = vector.broadcast %broadcast_in_dim3A_70 : i32 to vector<16xi32>
        %add3A_72 = arith.constant 0 : i32
        %add3A_73 = vector.broadcast %add3A_72 : i32 to vector<16xi32>
        %add3A_74 = arith.addi %broadcast_in_dim3A_71, %add3A_73 : vector<16xi32>
        %scan3A_75 = arith.constant 0 : i32
        %scan3A_76 = arith.constant 80 : i32
        %scan3A_77 = arith.addi %scan3A_75, %scan3A_76 : i32
        %scan3A_78 = arith.constant 1 : i32
        %scan3A_79:2 = scf.for %scan3A_101 = %scan3A_75 to %scan3A_77 step %scan3A_78 iter_args(%scan3A_102 = %add3A_69, %scan3A_103 = %add3A_74) -> (vector<16xf32>, vector<16xi32>)  : i32 {
          %get3A = arith.index_cast %scan3A_101 : i32 to index
          %get3A_104 = arith.index_cast %mul3A_65 : i32 to index
          %get3A_105 = tpu.vector_load %arg13[%get3A, %get3A_104] {strides = array<i32>} : memref<81x640xf32, #tpu.memory_space<vmem>>, vector<1x16xf32>,
          %get3A_106 = vector.shape_cast %get3A_105 : vector<1x16xf32> to vector<16xf32>
          %gt3A = arith.cmpf ogt, %get3A_106, %scan3A_102 : vector<16xf32>
          %select_n3A = arith.select %gt3A, %get3A_106, %scan3A_102 : vector<16xi1>, vector<16xf32>
          %broadcast_in_dim3A_107 = arith.constant 0 : i32
          %broadcast_in_dim3A_108 = vector.broadcast %broadcast_in_dim3A_107 : i32 to vector<16xi32>
          %add3A_109 = vector.broadcast %scan3A_101 : i32 to vector<16xi32>
          %add3A_110 = arith.addi %broadcast_in_dim3A_108, %add3A_109 : vector<16xi32>
          %select_n3A_111 = arith.select %gt3A, %add3A_110, %scan3A_103 : vector<16xi1>, vector<16xi32>
          scf.yield %select_n3A, %select_n3A_111 : vector<16xf32>, vector<16xi32>
        }
        %scan3A_80 = arith.constant 80 : i32
        %broadcast_in_dim3A_81 = arith.constant 0.000000e+00 : f32
        %broadcast_in_dim3A_82 = vector.broadcast %broadcast_in_dim3A_81 : f32 to vector<16xf32>
        %add3A_83 = arith.constant 0.000000e+00 : f32
        %add3A_84 = vector.broadcast %add3A_83 : f32 to vector<16xf32>
        %add3A_85 = arith.addf %broadcast_in_dim3A_82, %add3A_84 : vector<16xf32>
        %scan3A_86 = arith.constant 0 : i32
        %scan3A_87 = arith.constant 81 : i32
        %scan3A_88 = arith.addi %scan3A_86, %scan3A_87 : i32
        %scan3A_89 = arith.constant 1 : i32
        %scan3A_90 = scf.for %scan3A_101 = %scan3A_86 to %scan3A_88 step %scan3A_89 iter_args(%scan3A_102 = %add3A_85) -> (vector<16xf32>)  : i32 {
          %get3A = arith.index_cast %scan3A_101 : i32 to index
          %get3A_103 = arith.index_cast %mul3A_65 : i32 to index
          %get3A_104 = tpu.vector_load %arg13[%get3A, %get3A_103] {strides = array<i32>} : memref<81x640xf32, #tpu.memory_space<vmem>>, vector<1x16xf32>,
          %get3A_105 = vector.shape_cast %get3A_104 : vector<1x16xf32> to vector<16xf32>
          %sub3A = arith.subf %get3A_105, %scan3A_79#0 : vector<16xf32>
          %exp3A = math.exp %sub3A : vector<16xf32>
          %add3A_106 = arith.addf %scan3A_102, %exp3A : vector<16xf32>
          scf.yield %add3A_106 : vector<16xf32>
        }
        %scan3A_91 = arith.constant 81 : i32
        %div3A = arith.constant 1.000000e+00 : f32
        %div3A_92 = vector.broadcast %div3A : f32 to vector<16xf32>
        %div3A_93 = arith.divf %div3A_92, %scan3A_90 : vector<16xf32>
        %swap3A = arith.index_cast %mul3A_65 : i32 to index
        %swap3A_94 = tpu.vector_load %arg16[%swap3A] {strides = array<i32>} : memref<640xf32, #tpu.memory_space<vmem>>, vector<16xf32>,
        %swap3A_95 = vector.shape_cast %swap3A_94 : vector<16xf32> to vector<16xf32>
        %swap3A_96 = vector.shape_cast %div3A_93 : vector<16xf32> to vector<16xf32>
        tpu.vector_store %arg16[%swap3A], %swap3A_96 {strides = array<i32>} : memref<640xf32, #tpu.memory_space<vmem>>, vector<16xf32>,
        %swap3A_97 = arith.index_cast %mul3A_65 : i32 to index
        %swap3A_98 = tpu.vector_load %arg17[%swap3A_97] {strides = array<i32>} : memref<640xi32, #tpu.memory_space<vmem>>, vector<16xi32>,
        %swap3A_99 = vector.shape_cast %swap3A_98 : vector<16xi32> to vector<16xi32>
        %swap3A_100 = vector.shape_cast %scan3A_79#1 : vector<16xi32> to vector<16xi32>
        tpu.vector_store %arg17[%swap3A_97], %swap3A_100 {strides = array<i32>} : memref<640xi32, #tpu.memory_space<vmem>>, vector<16xi32>,
      }
      %scan3A_32 = arith.constant 40 : i32
      "tpu.region"() ({
        %run_scoped3A = tpu.sem_alloc : memref<!tpu.dma_semaphore, #tpu.memory_space<semaphore_mem>>
        %dma_start3A = tpu.memref_slice %arg10[%mul3A_27] : memref<80000xf32, #tpu.memory_space<hbm>> -> memref<640xf32, #tpu.memory_space<hbm>>
        %dma_start3A_63 = tpu.memref_slice %arg10[%mul3A_27] : memref<80000xf32, #tpu.memory_space<hbm>> -> memref<640xf32, #tpu.memory_space<hbm>>
        tpu.enqueue_dma source(%arg16 : memref<640xf32, #tpu.memory_space<vmem>>) target(%dma_start3A_63 : memref<640xf32, #tpu.memory_space<hbm>>) target_semaphore(%run_scoped3A : memref<!tpu.dma_semaphore, #tpu.memory_space<semaphore_mem>>)
        %dma_wait3A = tpu.memref_slice %arg10[%mul3A_27] : memref<80000xf32, #tpu.memory_space<hbm>> -> memref<640xf32, #tpu.memory_space<hbm>>
        %dma_wait3A_64 = tpu.memref_slice %arg10[%mul3A_27] : memref<80000xf32, #tpu.memory_space<hbm>> -> memref<640xf32, #tpu.memory_space<hbm>>
        tpu.wait_dma2 semaphore(%run_scoped3A : memref<!tpu.dma_semaphore, #tpu.memory_space<semaphore_mem>>) src(%arg16 : memref<640xf32, #tpu.memory_space<vmem>>) dst(%dma_wait3A_64 : memref<640xf32, #tpu.memory_space<hbm>>)
        tpu.yield
      }) : () -> ()
      "tpu.region"() ({
        %run_scoped3A = tpu.sem_alloc : memref<!tpu.dma_semaphore, #tpu.memory_space<semaphore_mem>>
        %dma_start3A = tpu.memref_slice %arg9[%mul3A_27] : memref<80000xi32, #tpu.memory_space<hbm>> -> memref<640xi32, #tpu.memory_space<hbm>>
        %dma_start3A_63 = tpu.memref_slice %arg9[%mul3A_27] : memref<80000xi32, #tpu.memory_space<hbm>> -> memref<640xi32, #tpu.memory_space<hbm>>
        tpu.enqueue_dma source(%arg17 : memref<640xi32, #tpu.memory_space<vmem>>) target(%dma_start3A_63 : memref<640xi32, #tpu.memory_space<hbm>>) target_semaphore(%run_scoped3A : memref<!tpu.dma_semaphore, #tpu.memory_space<semaphore_mem>>)
        %dma_wait3A = tpu.memref_slice %arg9[%mul3A_27] : memref<80000xi32, #tpu.memory_space<hbm>> -> memref<640xi32, #tpu.memory_space<hbm>>
        %dma_wait3A_64 = tpu.memref_slice %arg9[%mul3A_27] : memref<80000xi32, #tpu.memory_space<hbm>> -> memref<640xi32, #tpu.memory_space<hbm>>
        tpu.wait_dma2 semaphore(%run_scoped3A : memref<!tpu.dma_semaphore, #tpu.memory_space<semaphore_mem>>) src(%arg17 : memref<640xi32, #tpu.memory_space<vmem>>) dst(%dma_wait3A_64 : memref<640xi32, #tpu.memory_space<hbm>>)
        tpu.yield
      }) : () -> ()
      "tpu.region"() ({
        %run_scoped3A = tpu.sem_alloc : memref<!tpu.dma_semaphore, #tpu.memory_space<semaphore_mem>>
        %dma_start3A = arith.constant 0 : i32
        %dma_start3A_63 = tpu.memref_slice %arg3[%dma_start3A, %mul3A_27] : memref<117x80000xf32, #tpu.memory_space<hbm>> -> memref<48x640xf32, #tpu.memory_space<hbm>>
        %dma_start3A_64 = arith.constant 0 : i32
        %dma_start3A_65 = tpu.memref_slice %arg3[%dma_start3A_64, %mul3A_27] : memref<117x80000xf32, #tpu.memory_space<hbm>> -> memref<48x640xf32, #tpu.memory_space<hbm>>
        tpu.enqueue_dma source(%dma_start3A_65 : memref<48x640xf32, #tpu.memory_space<hbm>>) target(%arg14 : memref<48x640xf32, #tpu.memory_space<vmem>>) target_semaphore(%run_scoped3A : memref<!tpu.dma_semaphore, #tpu.memory_space<semaphore_mem>>)
        %dma_wait3A = arith.constant 0 : i32
        %dma_wait3A_66 = tpu.memref_slice %arg3[%dma_wait3A, %mul3A_27] : memref<117x80000xf32, #tpu.memory_space<hbm>> -> memref<48x640xf32, #tpu.memory_space<hbm>>
        %dma_wait3A_67 = arith.constant 0 : i32
        %dma_wait3A_68 = tpu.memref_slice %arg3[%dma_wait3A_67, %mul3A_27] : memref<117x80000xf32, #tpu.memory_space<hbm>> -> memref<48x640xf32, #tpu.memory_space<hbm>>
        tpu.wait_dma2 semaphore(%run_scoped3A : memref<!tpu.dma_semaphore, #tpu.memory_space<semaphore_mem>>) src(%dma_wait3A_68 : memref<48x640xf32, #tpu.memory_space<hbm>>) dst(%arg14 : memref<48x640xf32, #tpu.memory_space<vmem>>)
        tpu.yield
      }) : () -> ()
      %scan3A_33 = arith.constant 0 : i32
      %scan3A_34 = arith.constant 0 : i32
      %scan3A_35 = arith.constant 40 : i32
      %scan3A_36 = arith.addi %scan3A_34, %scan3A_35 : i32
      %scan3A_37 = arith.constant 1 : i32
      scf.for %scan3A_63 = %scan3A_34 to %scan3A_36 step %scan3A_37  : i32 {
        %mul3A_64 = arith.constant 16 : i32
        %mul3A_65 = arith.muli %scan3A_63, %mul3A_64 : i32
        %get3A = arith.index_cast %mul3A_65 : i32 to index
        %get3A_66 = tpu.vector_load %arg16[%get3A] {strides = array<i32>} : memref<640xf32, #tpu.memory_space<vmem>>, vector<16xf32>,
        %get3A_67 = vector.shape_cast %get3A_66 : vector<16xf32> to vector<16xf32>
        %scan3A_68 = arith.constant 0 : i32
        %scan3A_69 = arith.constant 0 : i32
        %scan3A_70 = arith.constant 48 : i32
        %scan3A_71 = arith.addi %scan3A_69, %scan3A_70 : i32
        %scan3A_72 = arith.constant 1 : i32
        scf.for %scan3A_74 = %scan3A_69 to %scan3A_71 step %scan3A_72  : i32 {
          %get3A_75 = arith.index_cast %scan3A_74 : i32 to index
          %get3A_76 = arith.index_cast %mul3A_65 : i32 to index
          %get3A_77 = tpu.vector_load %arg14[%get3A_75, %get3A_76] {strides = array<i32>} : memref<48x640xf32, #tpu.memory_space<vmem>>, vector<1x16xf32>,
          %get3A_78 = vector.shape_cast %get3A_77 : vector<1x16xf32> to vector<16xf32>
          %neg3A = arith.constant 0.000000e+00 : f32
          %neg3A_79 = vector.broadcast %neg3A : f32 to vector<16xf32>
          %neg3A_80 = arith.subf %neg3A_79, %get3A_78 : vector<16xf32>
          %exp3A = math.exp %neg3A_80 : vector<16xf32>
          %add3A_81 = arith.constant 1.000000e+00 : f32
          %add3A_82 = vector.broadcast %add3A_81 : f32 to vector<16xf32>
          %add3A_83 = arith.addf %add3A_82, %exp3A : vector<16xf32>
          %div3A = arith.divf %get3A_67, %add3A_83 : vector<16xf32>
          %swap3A = arith.index_cast %scan3A_74 : i32 to index
          %swap3A_84 = arith.index_cast %mul3A_65 : i32 to index
          %swap3A_85 = tpu.vector_load %arg14[%swap3A, %swap3A_84] {strides = array<i32>} : memref<48x640xf32, #tpu.memory_space<vmem>>, vector<1x16xf32>,
          %swap3A_86 = vector.shape_cast %swap3A_85 : vector<1x16xf32> to vector<16xf32>
          %swap3A_87 = vector.shape_cast %div3A : vector<16xf32> to vector<1x16xf32>
          tpu.vector_store %arg14[%swap3A, %swap3A_84], %swap3A_87 {strides = array<i32>} : memref<48x640xf32, #tpu.memory_space<vmem>>, vector<1x16xf32>,
        }
        %scan3A_73 = arith.constant 48 : i32
      }
      %scan3A_38 = arith.constant 40 : i32
      "tpu.region"() ({
        %run_scoped3A = tpu.sem_alloc : memref<!tpu.dma_semaphore, #tpu.memory_space<semaphore_mem>>
        %dma_start3A = arith.constant 0 : i32
        %dma_start3A_63 = tpu.memref_slice %arg8[%dma_start3A, %mul3A_27] : memref<117x80000xf32, #tpu.memory_space<hbm>> -> memref<48x640xf32, #tpu.memory_space<hbm>>
        %dma_start3A_64 = arith.constant 0 : i32
        %dma_start3A_65 = tpu.memref_slice %arg8[%dma_start3A_64, %mul3A_27] : memref<117x80000xf32, #tpu.memory_space<hbm>> -> memref<48x640xf32, #tpu.memory_space<hbm>>
        tpu.enqueue_dma source(%arg14 : memref<48x640xf32, #tpu.memory_space<vmem>>) target(%dma_start3A_65 : memref<48x640xf32, #tpu.memory_space<hbm>>) target_semaphore(%run_scoped3A : memref<!tpu.dma_semaphore, #tpu.memory_space<semaphore_mem>>)
        %dma_wait3A = arith.constant 0 : i32
        %dma_wait3A_66 = tpu.memref_slice %arg8[%dma_wait3A, %mul3A_27] : memref<117x80000xf32, #tpu.memory_space<hbm>> -> memref<48x640xf32, #tpu.memory_space<hbm>>
        %dma_wait3A_67 = arith.constant 0 : i32
        %dma_wait3A_68 = tpu.memref_slice %arg8[%dma_wait3A_67, %mul3A_27] : memref<117x80000xf32, #tpu.memory_space<hbm>> -> memref<48x640xf32, #tpu.memory_space<hbm>>
        tpu.wait_dma2 semaphore(%run_scoped3A : memref<!tpu.dma_semaphore, #tpu.memory_space<semaphore_mem>>) src(%arg14 : memref<48x640xf32, #tpu.memory_space<vmem>>) dst(%dma_wait3A_68 : memref<48x640xf32, #tpu.memory_space<hbm>>)
        tpu.yield
      }) : () -> ()
      "tpu.region"() ({
        %run_scoped3A = tpu.sem_alloc : memref<!tpu.dma_semaphore, #tpu.memory_space<semaphore_mem>>
        %dma_start3A = arith.constant 48 : i32
        %dma_start3A_63 = tpu.memref_slice %arg3[%dma_start3A, %mul3A_27] : memref<117x80000xf32, #tpu.memory_space<hbm>> -> memref<48x640xf32, #tpu.memory_space<hbm>>
        %dma_start3A_64 = arith.constant 48 : i32
        %dma_start3A_65 = tpu.memref_slice %arg3[%dma_start3A_64, %mul3A_27] : memref<117x80000xf32, #tpu.memory_space<hbm>> -> memref<48x640xf32, #tpu.memory_space<hbm>>
        tpu.enqueue_dma source(%dma_start3A_65 : memref<48x640xf32, #tpu.memory_space<hbm>>) target(%arg14 : memref<48x640xf32, #tpu.memory_space<vmem>>) target_semaphore(%run_scoped3A : memref<!tpu.dma_semaphore, #tpu.memory_space<semaphore_mem>>)
        %dma_wait3A = arith.constant 48 : i32
        %dma_wait3A_66 = tpu.memref_slice %arg3[%dma_wait3A, %mul3A_27] : memref<117x80000xf32, #tpu.memory_space<hbm>> -> memref<48x640xf32, #tpu.memory_space<hbm>>
        %dma_wait3A_67 = arith.constant 48 : i32
        %dma_wait3A_68 = tpu.memref_slice %arg3[%dma_wait3A_67, %mul3A_27] : memref<117x80000xf32, #tpu.memory_space<hbm>> -> memref<48x640xf32, #tpu.memory_space<hbm>>
        tpu.wait_dma2 semaphore(%run_scoped3A : memref<!tpu.dma_semaphore, #tpu.memory_space<semaphore_mem>>) src(%dma_wait3A_68 : memref<48x640xf32, #tpu.memory_space<hbm>>) dst(%arg14 : memref<48x640xf32, #tpu.memory_space<vmem>>)
        tpu.yield
      }) : () -> ()
      %scan3A_39 = arith.constant 0 : i32
      %scan3A_40 = arith.constant 0 : i32
      %scan3A_41 = arith.constant 40 : i32
      %scan3A_42 = arith.addi %scan3A_40, %scan3A_41 : i32
      %scan3A_43 = arith.constant 1 : i32
      scf.for %scan3A_63 = %scan3A_40 to %scan3A_42 step %scan3A_43  : i32 {
        %mul3A_64 = arith.constant 16 : i32
        %mul3A_65 = arith.muli %scan3A_63, %mul3A_64 : i32
        %get3A = arith.index_cast %mul3A_65 : i32 to index
        %get3A_66 = tpu.vector_load %arg16[%get3A] {strides = array<i32>} : memref<640xf32, #tpu.memory_space<vmem>>, vector<16xf32>,
        %get3A_67 = vector.shape_cast %get3A_66 : vector<16xf32> to vector<16xf32>
        %scan3A_68 = arith.constant 0 : i32
        %scan3A_69 = arith.constant 0 : i32
        %scan3A_70 = arith.constant 48 : i32
        %scan3A_71 = arith.addi %scan3A_69, %scan3A_70 : i32
        %scan3A_72 = arith.constant 1 : i32
        scf.for %scan3A_74 = %scan3A_69 to %scan3A_71 step %scan3A_72  : i32 {
          %get3A_75 = arith.index_cast %scan3A_74 : i32 to index
          %get3A_76 = arith.index_cast %mul3A_65 : i32 to index
          %get3A_77 = tpu.vector_load %arg14[%get3A_75, %get3A_76] {strides = array<i32>} : memref<48x640xf32, #tpu.memory_space<vmem>>, vector<1x16xf32>,
          %get3A_78 = vector.shape_cast %get3A_77 : vector<1x16xf32> to vector<16xf32>
          %neg3A = arith.constant 0.000000e+00 : f32
          %neg3A_79 = vector.broadcast %neg3A : f32 to vector<16xf32>
          %neg3A_80 = arith.subf %neg3A_79, %get3A_78 : vector<16xf32>
          %exp3A = math.exp %neg3A_80 : vector<16xf32>
          %add3A_81 = arith.constant 1.000000e+00 : f32
          %add3A_82 = vector.broadcast %add3A_81 : f32 to vector<16xf32>
          %add3A_83 = arith.addf %add3A_82, %exp3A : vector<16xf32>
          %div3A = arith.divf %get3A_67, %add3A_83 : vector<16xf32>
          %swap3A = arith.index_cast %scan3A_74 : i32 to index
          %swap3A_84 = arith.index_cast %mul3A_65 : i32 to index
          %swap3A_85 = tpu.vector_load %arg14[%swap3A, %swap3A_84] {strides = array<i32>} : memref<48x640xf32, #tpu.memory_space<vmem>>, vector<1x16xf32>,
          %swap3A_86 = vector.shape_cast %swap3A_85 : vector<1x16xf32> to vector<16xf32>
          %swap3A_87 = vector.shape_cast %div3A : vector<16xf32> to vector<1x16xf32>
          tpu.vector_store %arg14[%swap3A, %swap3A_84], %swap3A_87 {strides = array<i32>} : memref<48x640xf32, #tpu.memory_space<vmem>>, vector<1x16xf32>,
        }
        %scan3A_73 = arith.constant 48 : i32
      }
      %scan3A_44 = arith.constant 40 : i32
      "tpu.region"() ({
        %run_scoped3A = tpu.sem_alloc : memref<!tpu.dma_semaphore, #tpu.memory_space<semaphore_mem>>
        %dma_start3A = arith.constant 48 : i32
        %dma_start3A_63 = tpu.memref_slice %arg8[%dma_start3A, %mul3A_27] : memref<117x80000xf32, #tpu.memory_space<hbm>> -> memref<48x640xf32, #tpu.memory_space<hbm>>
        %dma_start3A_64 = arith.constant 48 : i32
        %dma_start3A_65 = tpu.memref_slice %arg8[%dma_start3A_64, %mul3A_27] : memref<117x80000xf32, #tpu.memory_space<hbm>> -> memref<48x640xf32, #tpu.memory_space<hbm>>
        tpu.enqueue_dma source(%arg14 : memref<48x640xf32, #tpu.memory_space<vmem>>) target(%dma_start3A_65 : memref<48x640xf32, #tpu.memory_space<hbm>>) target_semaphore(%run_scoped3A : memref<!tpu.dma_semaphore, #tpu.memory_space<semaphore_mem>>)
        %dma_wait3A = arith.constant 48 : i32
        %dma_wait3A_66 = tpu.memref_slice %arg8[%dma_wait3A, %mul3A_27] : memref<117x80000xf32, #tpu.memory_space<hbm>> -> memref<48x640xf32, #tpu.memory_space<hbm>>
        %dma_wait3A_67 = arith.constant 48 : i32
        %dma_wait3A_68 = tpu.memref_slice %arg8[%dma_wait3A_67, %mul3A_27] : memref<117x80000xf32, #tpu.memory_space<hbm>> -> memref<48x640xf32, #tpu.memory_space<hbm>>
        tpu.wait_dma2 semaphore(%run_scoped3A : memref<!tpu.dma_semaphore, #tpu.memory_space<semaphore_mem>>) src(%arg14 : memref<48x640xf32, #tpu.memory_space<vmem>>) dst(%dma_wait3A_68 : memref<48x640xf32, #tpu.memory_space<hbm>>)
        tpu.yield
      }) : () -> ()
      "tpu.region"() ({
        %run_scoped3A = tpu.sem_alloc : memref<!tpu.dma_semaphore, #tpu.memory_space<semaphore_mem>>
        %dma_start3A = arith.constant 96 : i32
        %dma_start3A_63 = tpu.memref_slice %arg3[%dma_start3A, %mul3A_27] : memref<117x80000xf32, #tpu.memory_space<hbm>> -> memref<21x640xf32, #tpu.memory_space<hbm>>
        %dma_start3A_64 = arith.constant 96 : i32
        %dma_start3A_65 = tpu.memref_slice %arg3[%dma_start3A_64, %mul3A_27] : memref<117x80000xf32, #tpu.memory_space<hbm>> -> memref<21x640xf32, #tpu.memory_space<hbm>>
        tpu.enqueue_dma source(%dma_start3A_65 : memref<21x640xf32, #tpu.memory_space<hbm>>) target(%arg15 : memref<21x640xf32, #tpu.memory_space<vmem>>) target_semaphore(%run_scoped3A : memref<!tpu.dma_semaphore, #tpu.memory_space<semaphore_mem>>)
        %dma_wait3A = arith.constant 96 : i32
        %dma_wait3A_66 = tpu.memref_slice %arg3[%dma_wait3A, %mul3A_27] : memref<117x80000xf32, #tpu.memory_space<hbm>> -> memref<21x640xf32, #tpu.memory_space<hbm>>
        %dma_wait3A_67 = arith.constant 96 : i32
        %dma_wait3A_68 = tpu.memref_slice %arg3[%dma_wait3A_67, %mul3A_27] : memref<117x80000xf32, #tpu.memory_space<hbm>> -> memref<21x640xf32, #tpu.memory_space<hbm>>
        tpu.wait_dma2 semaphore(%run_scoped3A : memref<!tpu.dma_semaphore, #tpu.memory_space<semaphore_mem>>) src(%dma_wait3A_68 : memref<21x640xf32, #tpu.memory_space<hbm>>) dst(%arg15 : memref<21x640xf32, #tpu.memory_space<vmem>>)
        tpu.yield
      }) : () -> ()
      %scan3A_45 = arith.constant 0 : i32
      %scan3A_46 = arith.constant 0 : i32
      %scan3A_47 = arith.constant 40 : i32
      %scan3A_48 = arith.addi %scan3A_46, %scan3A_47 : i32
      %scan3A_49 = arith.constant 1 : i32
      scf.for %scan3A_63 = %scan3A_46 to %scan3A_48 step %scan3A_49  : i32 {
        %mul3A_64 = arith.constant 16 : i32
        %mul3A_65 = arith.muli %scan3A_63, %mul3A_64 : i32
        %get3A = arith.index_cast %mul3A_65 : i32 to index
        %get3A_66 = tpu.vector_load %arg16[%get3A] {strides = array<i32>} : memref<640xf32, #tpu.memory_space<vmem>>, vector<16xf32>,
        %get3A_67 = vector.shape_cast %get3A_66 : vector<16xf32> to vector<16xf32>
        %scan3A_68 = arith.constant 0 : i32
        %scan3A_69 = arith.constant 0 : i32
        %scan3A_70 = arith.constant 21 : i32
        %scan3A_71 = arith.addi %scan3A_69, %scan3A_70 : i32
        %scan3A_72 = arith.constant 1 : i32
        scf.for %scan3A_74 = %scan3A_69 to %scan3A_71 step %scan3A_72  : i32 {
          %get3A_75 = arith.index_cast %scan3A_74 : i32 to index
          %get3A_76 = arith.index_cast %mul3A_65 : i32 to index
          %get3A_77 = tpu.vector_load %arg15[%get3A_75, %get3A_76] {strides = array<i32>} : memref<21x640xf32, #tpu.memory_space<vmem>>, vector<1x16xf32>,
          %get3A_78 = vector.shape_cast %get3A_77 : vector<1x16xf32> to vector<16xf32>
          %neg3A = arith.constant 0.000000e+00 : f32
          %neg3A_79 = vector.broadcast %neg3A : f32 to vector<16xf32>
          %neg3A_80 = arith.subf %neg3A_79, %get3A_78 : vector<16xf32>
          %exp3A = math.exp %neg3A_80 : vector<16xf32>
          %add3A_81 = arith.constant 1.000000e+00 : f32
          %add3A_82 = vector.broadcast %add3A_81 : f32 to vector<16xf32>
          %add3A_83 = arith.addf %add3A_82, %exp3A : vector<16xf32>
          %div3A = arith.divf %get3A_67, %add3A_83 : vector<16xf32>
          %swap3A = arith.index_cast %scan3A_74 : i32 to index
          %swap3A_84 = arith.index_cast %mul3A_65 : i32 to index
          %swap3A_85 = tpu.vector_load %arg15[%swap3A, %swap3A_84] {strides = array<i32>} : memref<21x640xf32, #tpu.memory_space<vmem>>, vector<1x16xf32>,
          %swap3A_86 = vector.shape_cast %swap3A_85 : vector<1x16xf32> to vector<16xf32>
          %swap3A_87 = vector.shape_cast %div3A : vector<16xf32> to vector<1x16xf32>
          tpu.vector_store %arg15[%swap3A, %swap3A_84], %swap3A_87 {strides = array<i32>} : memref<21x640xf32, #tpu.memory_space<vmem>>, vector<1x16xf32>,
        }
        %scan3A_73 = arith.constant 21 : i32
      }
      %scan3A_50 = arith.constant 40 : i32
      "tpu.region"() ({
        %run_scoped3A = tpu.sem_alloc : memref<!tpu.dma_semaphore, #tpu.memory_space<semaphore_mem>>
        %dma_start3A = arith.constant 96 : i32
        %dma_start3A_63 = tpu.memref_slice %arg8[%dma_start3A, %mul3A_27] : memref<117x80000xf32, #tpu.memory_space<hbm>> -> memref<21x640xf32, #tpu.memory_space<hbm>>
        %dma_start3A_64 = arith.constant 96 : i32
        %dma_start3A_65 = tpu.memref_slice %arg8[%dma_start3A_64, %mul3A_27] : memref<117x80000xf32, #tpu.memory_space<hbm>> -> memref<21x640xf32, #tpu.memory_space<hbm>>
        tpu.enqueue_dma source(%arg15 : memref<21x640xf32, #tpu.memory_space<vmem>>) target(%dma_start3A_65 : memref<21x640xf32, #tpu.memory_space<hbm>>) target_semaphore(%run_scoped3A : memref<!tpu.dma_semaphore, #tpu.memory_space<semaphore_mem>>)
        %dma_wait3A = arith.constant 96 : i32
        %dma_wait3A_66 = tpu.memref_slice %arg8[%dma_wait3A, %mul3A_27] : memref<117x80000xf32, #tpu.memory_space<hbm>> -> memref<21x640xf32, #tpu.memory_space<hbm>>
        %dma_wait3A_67 = arith.constant 96 : i32
        %dma_wait3A_68 = tpu.memref_slice %arg8[%dma_wait3A_67, %mul3A_27] : memref<117x80000xf32, #tpu.memory_space<hbm>> -> memref<21x640xf32, #tpu.memory_space<hbm>>
        tpu.wait_dma2 semaphore(%run_scoped3A : memref<!tpu.dma_semaphore, #tpu.memory_space<semaphore_mem>>) src(%arg15 : memref<21x640xf32, #tpu.memory_space<vmem>>) dst(%dma_wait3A_68 : memref<21x640xf32, #tpu.memory_space<hbm>>)
        tpu.yield
      }) : () -> ()
      "tpu.region"() ({
        %run_scoped3A = tpu.sem_alloc : memref<!tpu.dma_semaphore, #tpu.memory_space<semaphore_mem>>
        %dma_start3A = tpu.memref_slice %arg6[%mul3A_27] : memref<80000xf32, #tpu.memory_space<hbm>> -> memref<640xf32, #tpu.memory_space<hbm>>
        %dma_start3A_63 = tpu.memref_slice %arg6[%mul3A_27] : memref<80000xf32, #tpu.memory_space<hbm>> -> memref<640xf32, #tpu.memory_space<hbm>>
        tpu.enqueue_dma source(%dma_start3A_63 : memref<640xf32, #tpu.memory_space<hbm>>) target(%arg18 : memref<640xf32, #tpu.memory_space<vmem>>) target_semaphore(%run_scoped3A : memref<!tpu.dma_semaphore, #tpu.memory_space<semaphore_mem>>)
        %dma_wait3A = tpu.memref_slice %arg6[%mul3A_27] : memref<80000xf32, #tpu.memory_space<hbm>> -> memref<640xf32, #tpu.memory_space<hbm>>
        %dma_wait3A_64 = tpu.memref_slice %arg6[%mul3A_27] : memref<80000xf32, #tpu.memory_space<hbm>> -> memref<640xf32, #tpu.memory_space<hbm>>
        tpu.wait_dma2 semaphore(%run_scoped3A : memref<!tpu.dma_semaphore, #tpu.memory_space<semaphore_mem>>) src(%dma_wait3A_64 : memref<640xf32, #tpu.memory_space<hbm>>) dst(%arg18 : memref<640xf32, #tpu.memory_space<vmem>>)
        tpu.yield
      }) : () -> ()
      "tpu.region"() ({
        %run_scoped3A = tpu.sem_alloc : memref<!tpu.dma_semaphore, #tpu.memory_space<semaphore_mem>>
        %dma_start3A = tpu.memref_slice %arg7[%mul3A_27] : memref<80000xf32, #tpu.memory_space<hbm>> -> memref<640xf32, #tpu.memory_space<hbm>>
        %dma_start3A_63 = tpu.memref_slice %arg7[%mul3A_27] : memref<80000xf32, #tpu.memory_space<hbm>> -> memref<640xf32, #tpu.memory_space<hbm>>
        tpu.enqueue_dma source(%dma_start3A_63 : memref<640xf32, #tpu.memory_space<hbm>>) target(%arg19 : memref<640xf32, #tpu.memory_space<vmem>>) target_semaphore(%run_scoped3A : memref<!tpu.dma_semaphore, #tpu.memory_space<semaphore_mem>>)
        %dma_wait3A = tpu.memref_slice %arg7[%mul3A_27] : memref<80000xf32, #tpu.memory_space<hbm>> -> memref<640xf32, #tpu.memory_space<hbm>>
        %dma_wait3A_64 = tpu.memref_slice %arg7[%mul3A_27] : memref<80000xf32, #tpu.memory_space<hbm>> -> memref<640xf32, #tpu.memory_space<hbm>>
        tpu.wait_dma2 semaphore(%run_scoped3A : memref<!tpu.dma_semaphore, #tpu.memory_space<semaphore_mem>>) src(%dma_wait3A_64 : memref<640xf32, #tpu.memory_space<hbm>>) dst(%arg19 : memref<640xf32, #tpu.memory_space<vmem>>)
        tpu.yield
      }) : () -> ()
      "tpu.region"() ({
        %run_scoped3A = tpu.sem_alloc : memref<!tpu.dma_semaphore, #tpu.memory_space<semaphore_mem>>
        %dma_start3A = arith.constant 0 : i32
        %dma_start3A_63 = tpu.memref_slice %arg4[%dma_start3A, %mul3A_27] : memref<4x80000xf32, #tpu.memory_space<hbm>> -> memref<4x640xf32, #tpu.memory_space<hbm>>
        %dma_start3A_64 = arith.constant 0 : i32
        %dma_start3A_65 = tpu.memref_slice %arg4[%dma_start3A_64, %mul3A_27] : memref<4x80000xf32, #tpu.memory_space<hbm>> -> memref<4x640xf32, #tpu.memory_space<hbm>>
        tpu.enqueue_dma source(%dma_start3A_65 : memref<4x640xf32, #tpu.memory_space<hbm>>) target(%arg20 : memref<4x640xf32, #tpu.memory_space<vmem>>) target_semaphore(%run_scoped3A : memref<!tpu.dma_semaphore, #tpu.memory_space<semaphore_mem>>)
        %dma_wait3A = arith.constant 0 : i32
        %dma_wait3A_66 = tpu.memref_slice %arg4[%dma_wait3A, %mul3A_27] : memref<4x80000xf32, #tpu.memory_space<hbm>> -> memref<4x640xf32, #tpu.memory_space<hbm>>
        %dma_wait3A_67 = arith.constant 0 : i32
        %dma_wait3A_68 = tpu.memref_slice %arg4[%dma_wait3A_67, %mul3A_27] : memref<4x80000xf32, #tpu.memory_space<hbm>> -> memref<4x640xf32, #tpu.memory_space<hbm>>
        tpu.wait_dma2 semaphore(%run_scoped3A : memref<!tpu.dma_semaphore, #tpu.memory_space<semaphore_mem>>) src(%dma_wait3A_68 : memref<4x640xf32, #tpu.memory_space<hbm>>) dst(%arg20 : memref<4x640xf32, #tpu.memory_space<vmem>>)
        tpu.yield
      }) : () -> ()
      %scan3A_51 = arith.constant 0 : i32
      %scan3A_52 = arith.constant 0 : i32
      %scan3A_53 = arith.constant 40 : i32
      %scan3A_54 = arith.addi %scan3A_52, %scan3A_53 : i32
      %scan3A_55 = arith.constant 1 : i32
      scf.for %scan3A_63 = %scan3A_52 to %scan3A_54 step %scan3A_55  : i32 {
        %mul3A_64 = arith.constant 16 : i32
        %mul3A_65 = arith.muli %scan3A_63, %mul3A_64 : i32
        %get3A = arith.constant 0 : i32
        %get3A_66 = arith.index_cast %get3A : i32 to index
        %get3A_67 = arith.index_cast %mul3A_65 : i32 to index
        %get3A_68 = tpu.vector_load %arg20[%get3A_66, %get3A_67] {strides = array<i32>} : memref<4x640xf32, #tpu.memory_space<vmem>>, vector<1x16xf32>,
        %get3A_69 = vector.shape_cast %get3A_68 : vector<1x16xf32> to vector<16xf32>
        %get3A_70 = arith.constant 1 : i32
        %get3A_71 = arith.index_cast %get3A_70 : i32 to index
        %get3A_72 = arith.index_cast %mul3A_65 : i32 to index
        %get3A_73 = tpu.vector_load %arg20[%get3A_71, %get3A_72] {strides = array<i32>} : memref<4x640xf32, #tpu.memory_space<vmem>>, vector<1x16xf32>,
        %get3A_74 = vector.shape_cast %get3A_73 : vector<1x16xf32> to vector<16xf32>
        %get3A_75 = arith.constant 2 : i32
        %get3A_76 = arith.index_cast %get3A_75 : i32 to index
        %get3A_77 = arith.index_cast %mul3A_65 : i32 to index
        %get3A_78 = tpu.vector_load %arg20[%get3A_76, %get3A_77] {strides = array<i32>} : memref<4x640xf32, #tpu.memory_space<vmem>>, vector<1x16xf32>,
        %get3A_79 = vector.shape_cast %get3A_78 : vector<1x16xf32> to vector<16xf32>
        %mul3A_80 = arith.constant 5.000000e-01 : f32
        %mul3A_81 = vector.broadcast %mul3A_80 : f32 to vector<16xf32>
        %mul3A_82 = arith.mulf %get3A_79, %mul3A_81 : vector<16xf32>
        %get3A_83 = arith.constant 3 : i32
        %get3A_84 = arith.index_cast %get3A_83 : i32 to index
        %get3A_85 = arith.index_cast %mul3A_65 : i32 to index
        %get3A_86 = tpu.vector_load %arg20[%get3A_84, %get3A_85] {strides = array<i32>} : memref<4x640xf32, #tpu.memory_space<vmem>>, vector<1x16xf32>,
        %get3A_87 = vector.shape_cast %get3A_86 : vector<1x16xf32> to vector<16xf32>
        %mul3A_88 = arith.constant 5.000000e-01 : f32
        %mul3A_89 = vector.broadcast %mul3A_88 : f32 to vector<16xf32>
        %mul3A_90 = arith.mulf %get3A_87, %mul3A_89 : vector<16xf32>
        %get3A_91 = arith.index_cast %mul3A_65 : i32 to index
        %get3A_92 = tpu.vector_load %arg18[%get3A_91] {strides = array<i32>} : memref<640xf32, #tpu.memory_space<vmem>>, vector<16xf32>,
        %get3A_93 = vector.shape_cast %get3A_92 : vector<16xf32> to vector<16xf32>
        %get3A_94 = arith.index_cast %mul3A_65 : i32 to index
        %get3A_95 = tpu.vector_load %arg19[%get3A_94] {strides = array<i32>} : memref<640xf32, #tpu.memory_space<vmem>>, vector<16xf32>,
        %get3A_96 = vector.shape_cast %get3A_95 : vector<16xf32> to vector<16xf32>
        %sub3A = arith.subf %get3A_69, %mul3A_82 : vector<16xf32>
        %mul3A_97 = arith.mulf %sub3A, %get3A_93 : vector<16xf32>
        %swap3A = arith.constant 0 : i32
        %swap3A_98 = arith.index_cast %swap3A : i32 to index
        %swap3A_99 = arith.index_cast %mul3A_65 : i32 to index
        %swap3A_100 = tpu.vector_load %arg20[%swap3A_98, %swap3A_99] {strides = array<i32>} : memref<4x640xf32, #tpu.memory_space<vmem>>, vector<1x16xf32>,
        %swap3A_101 = vector.shape_cast %swap3A_100 : vector<1x16xf32> to vector<16xf32>
        %swap3A_102 = vector.shape_cast %mul3A_97 : vector<16xf32> to vector<1x16xf32>
        tpu.vector_store %arg20[%swap3A_98, %swap3A_99], %swap3A_102 {strides = array<i32>} : memref<4x640xf32, #tpu.memory_space<vmem>>, vector<1x16xf32>,
        %sub3A_103 = arith.subf %get3A_74, %mul3A_90 : vector<16xf32>
        %mul3A_104 = arith.mulf %sub3A_103, %get3A_96 : vector<16xf32>
        %swap3A_105 = arith.constant 1 : i32
        %swap3A_106 = arith.index_cast %swap3A_105 : i32 to index
        %swap3A_107 = arith.index_cast %mul3A_65 : i32 to index
        %swap3A_108 = tpu.vector_load %arg20[%swap3A_106, %swap3A_107] {strides = array<i32>} : memref<4x640xf32, #tpu.memory_space<vmem>>, vector<1x16xf32>,
        %swap3A_109 = vector.shape_cast %swap3A_108 : vector<1x16xf32> to vector<16xf32>
        %swap3A_110 = vector.shape_cast %mul3A_104 : vector<16xf32> to vector<1x16xf32>
        tpu.vector_store %arg20[%swap3A_106, %swap3A_107], %swap3A_110 {strides = array<i32>} : memref<4x640xf32, #tpu.memory_space<vmem>>, vector<1x16xf32>,
        %add3A_111 = arith.addf %get3A_69, %mul3A_82 : vector<16xf32>
        %mul3A_112 = arith.mulf %add3A_111, %get3A_93 : vector<16xf32>
        %swap3A_113 = arith.constant 2 : i32
        %swap3A_114 = arith.index_cast %swap3A_113 : i32 to index
        %swap3A_115 = arith.index_cast %mul3A_65 : i32 to index
        %swap3A_116 = tpu.vector_load %arg20[%swap3A_114, %swap3A_115] {strides = array<i32>} : memref<4x640xf32, #tpu.memory_space<vmem>>, vector<1x16xf32>,
        %swap3A_117 = vector.shape_cast %swap3A_116 : vector<1x16xf32> to vector<16xf32>
        %swap3A_118 = vector.shape_cast %mul3A_112 : vector<16xf32> to vector<1x16xf32>
        tpu.vector_store %arg20[%swap3A_114, %swap3A_115], %swap3A_118 {strides = array<i32>} : memref<4x640xf32, #tpu.memory_space<vmem>>, vector<1x16xf32>,
        %add3A_119 = arith.addf %get3A_74, %mul3A_90 : vector<16xf32>
        %mul3A_120 = arith.mulf %add3A_119, %get3A_96 : vector<16xf32>
        %swap3A_121 = arith.constant 3 : i32
        %swap3A_122 = arith.index_cast %swap3A_121 : i32 to index
        %swap3A_123 = arith.index_cast %mul3A_65 : i32 to index
        %swap3A_124 = tpu.vector_load %arg20[%swap3A_122, %swap3A_123] {strides = array<i32>} : memref<4x640xf32, #tpu.memory_space<vmem>>, vector<1x16xf32>,
        %swap3A_125 = vector.shape_cast %swap3A_124 : vector<1x16xf32> to vector<16xf32>
        %swap3A_126 = vector.shape_cast %mul3A_120 : vector<16xf32> to vector<1x16xf32>
        tpu.vector_store %arg20[%swap3A_122, %swap3A_123], %swap3A_126 {strides = array<i32>} : memref<4x640xf32, #tpu.memory_space<vmem>>, vector<1x16xf32>,
      }
      %scan3A_56 = arith.constant 40 : i32
      "tpu.region"() ({
        %run_scoped3A = tpu.sem_alloc : memref<!tpu.dma_semaphore, #tpu.memory_space<semaphore_mem>>
        %dma_start3A = arith.constant 0 : i32
        %dma_start3A_63 = tpu.memref_slice %arg11[%dma_start3A, %mul3A_27] : memref<4x80000xf32, #tpu.memory_space<hbm>> -> memref<4x640xf32, #tpu.memory_space<hbm>>
        %dma_start3A_64 = arith.constant 0 : i32
        %dma_start3A_65 = tpu.memref_slice %arg11[%dma_start3A_64, %mul3A_27] : memref<4x80000xf32, #tpu.memory_space<hbm>> -> memref<4x640xf32, #tpu.memory_space<hbm>>
        tpu.enqueue_dma source(%arg20 : memref<4x640xf32, #tpu.memory_space<vmem>>) target(%dma_start3A_65 : memref<4x640xf32, #tpu.memory_space<hbm>>) target_semaphore(%run_scoped3A : memref<!tpu.dma_semaphore, #tpu.memory_space<semaphore_mem>>)
        %dma_wait3A = arith.constant 0 : i32
        %dma_wait3A_66 = tpu.memref_slice %arg11[%dma_wait3A, %mul3A_27] : memref<4x80000xf32, #tpu.memory_space<hbm>> -> memref<4x640xf32, #tpu.memory_space<hbm>>
        %dma_wait3A_67 = arith.constant 0 : i32
        %dma_wait3A_68 = tpu.memref_slice %arg11[%dma_wait3A_67, %mul3A_27] : memref<4x80000xf32, #tpu.memory_space<hbm>> -> memref<4x640xf32, #tpu.memory_space<hbm>>
        tpu.wait_dma2 semaphore(%run_scoped3A : memref<!tpu.dma_semaphore, #tpu.memory_space<semaphore_mem>>) src(%arg20 : memref<4x640xf32, #tpu.memory_space<vmem>>) dst(%dma_wait3A_68 : memref<4x640xf32, #tpu.memory_space<hbm>>)
        tpu.yield
      }) : () -> ()
      "tpu.region"() ({
        %run_scoped3A = tpu.sem_alloc : memref<!tpu.dma_semaphore, #tpu.memory_space<semaphore_mem>>
        %dma_start3A = arith.constant 0 : i32
        %dma_start3A_63 = tpu.memref_slice %arg5[%dma_start3A, %mul3A_27] : memref<4x80000xf32, #tpu.memory_space<hbm>> -> memref<4x640xf32, #tpu.memory_space<hbm>>
        %dma_start3A_64 = arith.constant 0 : i32
        %dma_start3A_65 = tpu.memref_slice %arg5[%dma_start3A_64, %mul3A_27] : memref<4x80000xf32, #tpu.memory_space<hbm>> -> memref<4x640xf32, #tpu.memory_space<hbm>>
        tpu.enqueue_dma source(%dma_start3A_65 : memref<4x640xf32, #tpu.memory_space<hbm>>) target(%arg20 : memref<4x640xf32, #tpu.memory_space<vmem>>) target_semaphore(%run_scoped3A : memref<!tpu.dma_semaphore, #tpu.memory_space<semaphore_mem>>)
        %dma_wait3A = arith.constant 0 : i32
        %dma_wait3A_66 = tpu.memref_slice %arg5[%dma_wait3A, %mul3A_27] : memref<4x80000xf32, #tpu.memory_space<hbm>> -> memref<4x640xf32, #tpu.memory_space<hbm>>
        %dma_wait3A_67 = arith.constant 0 : i32
        %dma_wait3A_68 = tpu.memref_slice %arg5[%dma_wait3A_67, %mul3A_27] : memref<4x80000xf32, #tpu.memory_space<hbm>> -> memref<4x640xf32, #tpu.memory_space<hbm>>
        tpu.wait_dma2 semaphore(%run_scoped3A : memref<!tpu.dma_semaphore, #tpu.memory_space<semaphore_mem>>) src(%dma_wait3A_68 : memref<4x640xf32, #tpu.memory_space<hbm>>) dst(%arg20 : memref<4x640xf32, #tpu.memory_space<vmem>>)
        tpu.yield
      }) : () -> ()
      %scan3A_57 = arith.constant 0 : i32
      %scan3A_58 = arith.constant 0 : i32
      %scan3A_59 = arith.constant 40 : i32
      %scan3A_60 = arith.addi %scan3A_58, %scan3A_59 : i32
      %scan3A_61 = arith.constant 1 : i32
      scf.for %scan3A_63 = %scan3A_58 to %scan3A_60 step %scan3A_61  : i32 {
        %mul3A_64 = arith.constant 16 : i32
        %mul3A_65 = arith.muli %scan3A_63, %mul3A_64 : i32
        %get3A = arith.constant 0 : i32
        %get3A_66 = arith.index_cast %get3A : i32 to index
        %get3A_67 = arith.index_cast %mul3A_65 : i32 to index
        %get3A_68 = tpu.vector_load %arg20[%get3A_66, %get3A_67] {strides = array<i32>} : memref<4x640xf32, #tpu.memory_space<vmem>>, vector<1x16xf32>,
        %get3A_69 = vector.shape_cast %get3A_68 : vector<1x16xf32> to vector<16xf32>
        %get3A_70 = arith.constant 1 : i32
        %get3A_71 = arith.index_cast %get3A_70 : i32 to index
        %get3A_72 = arith.index_cast %mul3A_65 : i32 to index
        %get3A_73 = tpu.vector_load %arg20[%get3A_71, %get3A_72] {strides = array<i32>} : memref<4x640xf32, #tpu.memory_space<vmem>>, vector<1x16xf32>,
        %get3A_74 = vector.shape_cast %get3A_73 : vector<1x16xf32> to vector<16xf32>
        %get3A_75 = arith.constant 2 : i32
        %get3A_76 = arith.index_cast %get3A_75 : i32 to index
        %get3A_77 = arith.index_cast %mul3A_65 : i32 to index
        %get3A_78 = tpu.vector_load %arg20[%get3A_76, %get3A_77] {strides = array<i32>} : memref<4x640xf32, #tpu.memory_space<vmem>>, vector<1x16xf32>,
        %get3A_79 = vector.shape_cast %get3A_78 : vector<1x16xf32> to vector<16xf32>
        %mul3A_80 = arith.constant 5.000000e-01 : f32
        %mul3A_81 = vector.broadcast %mul3A_80 : f32 to vector<16xf32>
        %mul3A_82 = arith.mulf %get3A_79, %mul3A_81 : vector<16xf32>
        %get3A_83 = arith.constant 3 : i32
        %get3A_84 = arith.index_cast %get3A_83 : i32 to index
        %get3A_85 = arith.index_cast %mul3A_65 : i32 to index
        %get3A_86 = tpu.vector_load %arg20[%get3A_84, %get3A_85] {strides = array<i32>} : memref<4x640xf32, #tpu.memory_space<vmem>>, vector<1x16xf32>,
        %get3A_87 = vector.shape_cast %get3A_86 : vector<1x16xf32> to vector<16xf32>
        %mul3A_88 = arith.constant 5.000000e-01 : f32
        %mul3A_89 = vector.broadcast %mul3A_88 : f32 to vector<16xf32>
        %mul3A_90 = arith.mulf %get3A_87, %mul3A_89 : vector<16xf32>
        %get3A_91 = arith.index_cast %mul3A_65 : i32 to index
        %get3A_92 = tpu.vector_load %arg18[%get3A_91] {strides = array<i32>} : memref<640xf32, #tpu.memory_space<vmem>>, vector<16xf32>,
        %get3A_93 = vector.shape_cast %get3A_92 : vector<16xf32> to vector<16xf32>
        %get3A_94 = arith.index_cast %mul3A_65 : i32 to index
        %get3A_95 = tpu.vector_load %arg19[%get3A_94] {strides = array<i32>} : memref<640xf32, #tpu.memory_space<vmem>>, vector<16xf32>,
        %get3A_96 = vector.shape_cast %get3A_95 : vector<16xf32> to vector<16xf32>
        %sub3A = arith.subf %get3A_69, %mul3A_82 : vector<16xf32>
        %mul3A_97 = arith.mulf %sub3A, %get3A_93 : vector<16xf32>
        %swap3A = arith.constant 0 : i32
        %swap3A_98 = arith.index_cast %swap3A : i32 to index
        %swap3A_99 = arith.index_cast %mul3A_65 : i32 to index
        %swap3A_100 = tpu.vector_load %arg20[%swap3A_98, %swap3A_99] {strides = array<i32>} : memref<4x640xf32, #tpu.memory_space<vmem>>, vector<1x16xf32>,
        %swap3A_101 = vector.shape_cast %swap3A_100 : vector<1x16xf32> to vector<16xf32>
        %swap3A_102 = vector.shape_cast %mul3A_97 : vector<16xf32> to vector<1x16xf32>
        tpu.vector_store %arg20[%swap3A_98, %swap3A_99], %swap3A_102 {strides = array<i32>} : memref<4x640xf32, #tpu.memory_space<vmem>>, vector<1x16xf32>,
        %sub3A_103 = arith.subf %get3A_74, %mul3A_90 : vector<16xf32>
        %mul3A_104 = arith.mulf %sub3A_103, %get3A_96 : vector<16xf32>
        %swap3A_105 = arith.constant 1 : i32
        %swap3A_106 = arith.index_cast %swap3A_105 : i32 to index
        %swap3A_107 = arith.index_cast %mul3A_65 : i32 to index
        %swap3A_108 = tpu.vector_load %arg20[%swap3A_106, %swap3A_107] {strides = array<i32>} : memref<4x640xf32, #tpu.memory_space<vmem>>, vector<1x16xf32>,
        %swap3A_109 = vector.shape_cast %swap3A_108 : vector<1x16xf32> to vector<16xf32>
        %swap3A_110 = vector.shape_cast %mul3A_104 : vector<16xf32> to vector<1x16xf32>
        tpu.vector_store %arg20[%swap3A_106, %swap3A_107], %swap3A_110 {strides = array<i32>} : memref<4x640xf32, #tpu.memory_space<vmem>>, vector<1x16xf32>,
        %add3A_111 = arith.addf %get3A_69, %mul3A_82 : vector<16xf32>
        %mul3A_112 = arith.mulf %add3A_111, %get3A_93 : vector<16xf32>
        %swap3A_113 = arith.constant 2 : i32
        %swap3A_114 = arith.index_cast %swap3A_113 : i32 to index
        %swap3A_115 = arith.index_cast %mul3A_65 : i32 to index
        %swap3A_116 = tpu.vector_load %arg20[%swap3A_114, %swap3A_115] {strides = array<i32>} : memref<4x640xf32, #tpu.memory_space<vmem>>, vector<1x16xf32>,
        %swap3A_117 = vector.shape_cast %swap3A_116 : vector<1x16xf32> to vector<16xf32>
        %swap3A_118 = vector.shape_cast %mul3A_112 : vector<16xf32> to vector<1x16xf32>
        tpu.vector_store %arg20[%swap3A_114, %swap3A_115], %swap3A_118 {strides = array<i32>} : memref<4x640xf32, #tpu.memory_space<vmem>>, vector<1x16xf32>,
        %add3A_119 = arith.addf %get3A_74, %mul3A_90 : vector<16xf32>
        %mul3A_120 = arith.mulf %add3A_119, %get3A_96 : vector<16xf32>
        %swap3A_121 = arith.constant 3 : i32
        %swap3A_122 = arith.index_cast %swap3A_121 : i32 to index
        %swap3A_123 = arith.index_cast %mul3A_65 : i32 to index
        %swap3A_124 = tpu.vector_load %arg20[%swap3A_122, %swap3A_123] {strides = array<i32>} : memref<4x640xf32, #tpu.memory_space<vmem>>, vector<1x16xf32>,
        %swap3A_125 = vector.shape_cast %swap3A_124 : vector<1x16xf32> to vector<16xf32>
        %swap3A_126 = vector.shape_cast %mul3A_120 : vector<16xf32> to vector<1x16xf32>
        tpu.vector_store %arg20[%swap3A_122, %swap3A_123], %swap3A_126 {strides = array<i32>} : memref<4x640xf32, #tpu.memory_space<vmem>>, vector<1x16xf32>,
      }
      %scan3A_62 = arith.constant 40 : i32
      "tpu.region"() ({
        %run_scoped3A = tpu.sem_alloc : memref<!tpu.dma_semaphore, #tpu.memory_space<semaphore_mem>>
        %dma_start3A = arith.constant 0 : i32
        %dma_start3A_63 = tpu.memref_slice %arg12[%dma_start3A, %mul3A_27] : memref<4x80000xf32, #tpu.memory_space<hbm>> -> memref<4x640xf32, #tpu.memory_space<hbm>>
        %dma_start3A_64 = arith.constant 0 : i32
        %dma_start3A_65 = tpu.memref_slice %arg12[%dma_start3A_64, %mul3A_27] : memref<4x80000xf32, #tpu.memory_space<hbm>> -> memref<4x640xf32, #tpu.memory_space<hbm>>
        tpu.enqueue_dma source(%arg20 : memref<4x640xf32, #tpu.memory_space<vmem>>) target(%dma_start3A_65 : memref<4x640xf32, #tpu.memory_space<hbm>>) target_semaphore(%run_scoped3A : memref<!tpu.dma_semaphore, #tpu.memory_space<semaphore_mem>>)
        %dma_wait3A = arith.constant 0 : i32
        %dma_wait3A_66 = tpu.memref_slice %arg12[%dma_wait3A, %mul3A_27] : memref<4x80000xf32, #tpu.memory_space<hbm>> -> memref<4x640xf32, #tpu.memory_space<hbm>>
        %dma_wait3A_67 = arith.constant 0 : i32
        %dma_wait3A_68 = tpu.memref_slice %arg12[%dma_wait3A_67, %mul3A_27] : memref<4x80000xf32, #tpu.memory_space<hbm>> -> memref<4x640xf32, #tpu.memory_space<hbm>>
        tpu.wait_dma2 semaphore(%run_scoped3A : memref<!tpu.dma_semaphore, #tpu.memory_space<semaphore_mem>>) src(%arg20 : memref<4x640xf32, #tpu.memory_space<vmem>>) dst(%dma_wait3A_68 : memref<4x640xf32, #tpu.memory_space<hbm>>)
        tpu.yield
      }) : () -> ()
    } else {
    }
    %add3A_5 = arith.constant 32 : i32
    %add3A_6 = arith.addi %add3A_5, %add3A : i32
    %lt3A_7 = arith.constant 125 : i32
    %lt3A_8 = arith.cmpi slt, %add3A_6, %lt3A_7 : i32
    %convert_element_type3A_9 = arith.extui %lt3A_8 : i1 to i32
    %cond3A_10 = arith.constant 0 : i32
    %cond3A_11 = arith.cmpi ne, %convert_element_type3A_9, %cond3A_10 : i32
    scf.if %cond3A_11 {
      %mul3A_26 = arith.constant 640 : i32
      %mul3A_27 = arith.muli %add3A_6, %mul3A_26 : i32
      "tpu.region"() ({
        %run_scoped3A = tpu.sem_alloc : memref<!tpu.dma_semaphore, #tpu.memory_space<semaphore_mem>>
        %dma_start3A = arith.constant 0 : i32
        %dma_start3A_63 = tpu.memref_slice %arg2[%dma_start3A, %mul3A_27] : memref<81x80000xf32, #tpu.memory_space<hbm>> -> memref<81x640xf32, #tpu.memory_space<hbm>>
        %dma_start3A_64 = arith.constant 0 : i32
        %dma_start3A_65 = tpu.memref_slice %arg2[%dma_start3A_64, %mul3A_27] : memref<81x80000xf32, #tpu.memory_space<hbm>> -> memref<81x640xf32, #tpu.memory_space<hbm>>
        tpu.enqueue_dma source(%dma_start3A_65 : memref<81x640xf32, #tpu.memory_space<hbm>>) target(%arg13 : memref<81x640xf32, #tpu.memory_space<vmem>>) target_semaphore(%run_scoped3A : memref<!tpu.dma_semaphore, #tpu.memory_space<semaphore_mem>>)
        %dma_wait3A = arith.constant 0 : i32
        %dma_wait3A_66 = tpu.memref_slice %arg2[%dma_wait3A, %mul3A_27] : memref<81x80000xf32, #tpu.memory_space<hbm>> -> memref<81x640xf32, #tpu.memory_space<hbm>>
        %dma_wait3A_67 = arith.constant 0 : i32
        %dma_wait3A_68 = tpu.memref_slice %arg2[%dma_wait3A_67, %mul3A_27] : memref<81x80000xf32, #tpu.memory_space<hbm>> -> memref<81x640xf32, #tpu.memory_space<hbm>>
        tpu.wait_dma2 semaphore(%run_scoped3A : memref<!tpu.dma_semaphore, #tpu.memory_space<semaphore_mem>>) src(%dma_wait3A_68 : memref<81x640xf32, #tpu.memory_space<hbm>>) dst(%arg13 : memref<81x640xf32, #tpu.memory_space<vmem>>)
        tpu.yield
      }) : () -> ()
      %scan3A = arith.constant 0 : i32
      %scan3A_28 = arith.constant 0 : i32
      %scan3A_29 = arith.constant 40 : i32
      %scan3A_30 = arith.addi %scan3A_28, %scan3A_29 : i32
      %scan3A_31 = arith.constant 1 : i32
      scf.for %scan3A_63 = %scan3A_28 to %scan3A_30 step %scan3A_31  : i32 {
        %mul3A_64 = arith.constant 16 : i32
        %mul3A_65 = arith.muli %scan3A_63, %mul3A_64 : i32
        %broadcast_in_dim3A = arith.constant 0.000000e+00 : f32
        %broadcast_in_dim3A_66 = vector.broadcast %broadcast_in_dim3A : f32 to vector<16xf32>
        %add3A_67 = arith.constant -1.000000e+30 : f32
        %add3A_68 = vector.broadcast %add3A_67 : f32 to vector<16xf32>
        %add3A_69 = arith.addf %broadcast_in_dim3A_66, %add3A_68 : vector<16xf32>
        %broadcast_in_dim3A_70 = arith.constant 0 : i32
        %broadcast_in_dim3A_71 = vector.broadcast %broadcast_in_dim3A_70 : i32 to vector<16xi32>
        %add3A_72 = arith.constant 0 : i32
        %add3A_73 = vector.broadcast %add3A_72 : i32 to vector<16xi32>
        %add3A_74 = arith.addi %broadcast_in_dim3A_71, %add3A_73 : vector<16xi32>
        %scan3A_75 = arith.constant 0 : i32
        %scan3A_76 = arith.constant 80 : i32
        %scan3A_77 = arith.addi %scan3A_75, %scan3A_76 : i32
        %scan3A_78 = arith.constant 1 : i32
        %scan3A_79:2 = scf.for %scan3A_101 = %scan3A_75 to %scan3A_77 step %scan3A_78 iter_args(%scan3A_102 = %add3A_69, %scan3A_103 = %add3A_74) -> (vector<16xf32>, vector<16xi32>)  : i32 {
          %get3A = arith.index_cast %scan3A_101 : i32 to index
          %get3A_104 = arith.index_cast %mul3A_65 : i32 to index
          %get3A_105 = tpu.vector_load %arg13[%get3A, %get3A_104] {strides = array<i32>} : memref<81x640xf32, #tpu.memory_space<vmem>>, vector<1x16xf32>,
          %get3A_106 = vector.shape_cast %get3A_105 : vector<1x16xf32> to vector<16xf32>
          %gt3A = arith.cmpf ogt, %get3A_106, %scan3A_102 : vector<16xf32>
          %select_n3A = arith.select %gt3A, %get3A_106, %scan3A_102 : vector<16xi1>, vector<16xf32>
          %broadcast_in_dim3A_107 = arith.constant 0 : i32
          %broadcast_in_dim3A_108 = vector.broadcast %broadcast_in_dim3A_107 : i32 to vector<16xi32>
          %add3A_109 = vector.broadcast %scan3A_101 : i32 to vector<16xi32>
          %add3A_110 = arith.addi %broadcast_in_dim3A_108, %add3A_109 : vector<16xi32>
          %select_n3A_111 = arith.select %gt3A, %add3A_110, %scan3A_103 : vector<16xi1>, vector<16xi32>
          scf.yield %select_n3A, %select_n3A_111 : vector<16xf32>, vector<16xi32>
        }
        %scan3A_80 = arith.constant 80 : i32
        %broadcast_in_dim3A_81 = arith.constant 0.000000e+00 : f32
        %broadcast_in_dim3A_82 = vector.broadcast %broadcast_in_dim3A_81 : f32 to vector<16xf32>
        %add3A_83 = arith.constant 0.000000e+00 : f32
        %add3A_84 = vector.broadcast %add3A_83 : f32 to vector<16xf32>
        %add3A_85 = arith.addf %broadcast_in_dim3A_82, %add3A_84 : vector<16xf32>
        %scan3A_86 = arith.constant 0 : i32
        %scan3A_87 = arith.constant 81 : i32
        %scan3A_88 = arith.addi %scan3A_86, %scan3A_87 : i32
        %scan3A_89 = arith.constant 1 : i32
        %scan3A_90 = scf.for %scan3A_101 = %scan3A_86 to %scan3A_88 step %scan3A_89 iter_args(%scan3A_102 = %add3A_85) -> (vector<16xf32>)  : i32 {
          %get3A = arith.index_cast %scan3A_101 : i32 to index
          %get3A_103 = arith.index_cast %mul3A_65 : i32 to index
          %get3A_104 = tpu.vector_load %arg13[%get3A, %get3A_103] {strides = array<i32>} : memref<81x640xf32, #tpu.memory_space<vmem>>, vector<1x16xf32>,
          %get3A_105 = vector.shape_cast %get3A_104 : vector<1x16xf32> to vector<16xf32>
          %sub3A = arith.subf %get3A_105, %scan3A_79#0 : vector<16xf32>
          %exp3A = math.exp %sub3A : vector<16xf32>
          %add3A_106 = arith.addf %scan3A_102, %exp3A : vector<16xf32>
          scf.yield %add3A_106 : vector<16xf32>
        }
        %scan3A_91 = arith.constant 81 : i32
        %div3A = arith.constant 1.000000e+00 : f32
        %div3A_92 = vector.broadcast %div3A : f32 to vector<16xf32>
        %div3A_93 = arith.divf %div3A_92, %scan3A_90 : vector<16xf32>
        %swap3A = arith.index_cast %mul3A_65 : i32 to index
        %swap3A_94 = tpu.vector_load %arg16[%swap3A] {strides = array<i32>} : memref<640xf32, #tpu.memory_space<vmem>>, vector<16xf32>,
        %swap3A_95 = vector.shape_cast %swap3A_94 : vector<16xf32> to vector<16xf32>
        %swap3A_96 = vector.shape_cast %div3A_93 : vector<16xf32> to vector<16xf32>
        tpu.vector_store %arg16[%swap3A], %swap3A_96 {strides = array<i32>} : memref<640xf32, #tpu.memory_space<vmem>>, vector<16xf32>,
        %swap3A_97 = arith.index_cast %mul3A_65 : i32 to index
        %swap3A_98 = tpu.vector_load %arg17[%swap3A_97] {strides = array<i32>} : memref<640xi32, #tpu.memory_space<vmem>>, vector<16xi32>,
        %swap3A_99 = vector.shape_cast %swap3A_98 : vector<16xi32> to vector<16xi32>
        %swap3A_100 = vector.shape_cast %scan3A_79#1 : vector<16xi32> to vector<16xi32>
        tpu.vector_store %arg17[%swap3A_97], %swap3A_100 {strides = array<i32>} : memref<640xi32, #tpu.memory_space<vmem>>, vector<16xi32>,
      }
      %scan3A_32 = arith.constant 40 : i32
      "tpu.region"() ({
        %run_scoped3A = tpu.sem_alloc : memref<!tpu.dma_semaphore, #tpu.memory_space<semaphore_mem>>
        %dma_start3A = tpu.memref_slice %arg10[%mul3A_27] : memref<80000xf32, #tpu.memory_space<hbm>> -> memref<640xf32, #tpu.memory_space<hbm>>
        %dma_start3A_63 = tpu.memref_slice %arg10[%mul3A_27] : memref<80000xf32, #tpu.memory_space<hbm>> -> memref<640xf32, #tpu.memory_space<hbm>>
        tpu.enqueue_dma source(%arg16 : memref<640xf32, #tpu.memory_space<vmem>>) target(%dma_start3A_63 : memref<640xf32, #tpu.memory_space<hbm>>) target_semaphore(%run_scoped3A : memref<!tpu.dma_semaphore, #tpu.memory_space<semaphore_mem>>)
        %dma_wait3A = tpu.memref_slice %arg10[%mul3A_27] : memref<80000xf32, #tpu.memory_space<hbm>> -> memref<640xf32, #tpu.memory_space<hbm>>
        %dma_wait3A_64 = tpu.memref_slice %arg10[%mul3A_27] : memref<80000xf32, #tpu.memory_space<hbm>> -> memref<640xf32, #tpu.memory_space<hbm>>
        tpu.wait_dma2 semaphore(%run_scoped3A : memref<!tpu.dma_semaphore, #tpu.memory_space<semaphore_mem>>) src(%arg16 : memref<640xf32, #tpu.memory_space<vmem>>) dst(%dma_wait3A_64 : memref<640xf32, #tpu.memory_space<hbm>>)
        tpu.yield
      }) : () -> ()
      "tpu.region"() ({
        %run_scoped3A = tpu.sem_alloc : memref<!tpu.dma_semaphore, #tpu.memory_space<semaphore_mem>>
        %dma_start3A = tpu.memref_slice %arg9[%mul3A_27] : memref<80000xi32, #tpu.memory_space<hbm>> -> memref<640xi32, #tpu.memory_space<hbm>>
        %dma_start3A_63 = tpu.memref_slice %arg9[%mul3A_27] : memref<80000xi32, #tpu.memory_space<hbm>> -> memref<640xi32, #tpu.memory_space<hbm>>
        tpu.enqueue_dma source(%arg17 : memref<640xi32, #tpu.memory_space<vmem>>) target(%dma_start3A_63 : memref<640xi32, #tpu.memory_space<hbm>>) target_semaphore(%run_scoped3A : memref<!tpu.dma_semaphore, #tpu.memory_space<semaphore_mem>>)
        %dma_wait3A = tpu.memref_slice %arg9[%mul3A_27] : memref<80000xi32, #tpu.memory_space<hbm>> -> memref<640xi32, #tpu.memory_space<hbm>>
        %dma_wait3A_64 = tpu.memref_slice %arg9[%mul3A_27] : memref<80000xi32, #tpu.memory_space<hbm>> -> memref<640xi32, #tpu.memory_space<hbm>>
        tpu.wait_dma2 semaphore(%run_scoped3A : memref<!tpu.dma_semaphore, #tpu.memory_space<semaphore_mem>>) src(%arg17 : memref<640xi32, #tpu.memory_space<vmem>>) dst(%dma_wait3A_64 : memref<640xi32, #tpu.memory_space<hbm>>)
        tpu.yield
      }) : () -> ()
      "tpu.region"() ({
        %run_scoped3A = tpu.sem_alloc : memref<!tpu.dma_semaphore, #tpu.memory_space<semaphore_mem>>
        %dma_start3A = arith.constant 0 : i32
        %dma_start3A_63 = tpu.memref_slice %arg3[%dma_start3A, %mul3A_27] : memref<117x80000xf32, #tpu.memory_space<hbm>> -> memref<48x640xf32, #tpu.memory_space<hbm>>
        %dma_start3A_64 = arith.constant 0 : i32
        %dma_start3A_65 = tpu.memref_slice %arg3[%dma_start3A_64, %mul3A_27] : memref<117x80000xf32, #tpu.memory_space<hbm>> -> memref<48x640xf32, #tpu.memory_space<hbm>>
        tpu.enqueue_dma source(%dma_start3A_65 : memref<48x640xf32, #tpu.memory_space<hbm>>) target(%arg14 : memref<48x640xf32, #tpu.memory_space<vmem>>) target_semaphore(%run_scoped3A : memref<!tpu.dma_semaphore, #tpu.memory_space<semaphore_mem>>)
        %dma_wait3A = arith.constant 0 : i32
        %dma_wait3A_66 = tpu.memref_slice %arg3[%dma_wait3A, %mul3A_27] : memref<117x80000xf32, #tpu.memory_space<hbm>> -> memref<48x640xf32, #tpu.memory_space<hbm>>
        %dma_wait3A_67 = arith.constant 0 : i32
        %dma_wait3A_68 = tpu.memref_slice %arg3[%dma_wait3A_67, %mul3A_27] : memref<117x80000xf32, #tpu.memory_space<hbm>> -> memref<48x640xf32, #tpu.memory_space<hbm>>
        tpu.wait_dma2 semaphore(%run_scoped3A : memref<!tpu.dma_semaphore, #tpu.memory_space<semaphore_mem>>) src(%dma_wait3A_68 : memref<48x640xf32, #tpu.memory_space<hbm>>) dst(%arg14 : memref<48x640xf32, #tpu.memory_space<vmem>>)
        tpu.yield
      }) : () -> ()
      %scan3A_33 = arith.constant 0 : i32
      %scan3A_34 = arith.constant 0 : i32
      %scan3A_35 = arith.constant 40 : i32
      %scan3A_36 = arith.addi %scan3A_34, %scan3A_35 : i32
      %scan3A_37 = arith.constant 1 : i32
      scf.for %scan3A_63 = %scan3A_34 to %scan3A_36 step %scan3A_37  : i32 {
        %mul3A_64 = arith.constant 16 : i32
        %mul3A_65 = arith.muli %scan3A_63, %mul3A_64 : i32
        %get3A = arith.index_cast %mul3A_65 : i32 to index
        %get3A_66 = tpu.vector_load %arg16[%get3A] {strides = array<i32>} : memref<640xf32, #tpu.memory_space<vmem>>, vector<16xf32>,
        %get3A_67 = vector.shape_cast %get3A_66 : vector<16xf32> to vector<16xf32>
        %scan3A_68 = arith.constant 0 : i32
        %scan3A_69 = arith.constant 0 : i32
        %scan3A_70 = arith.constant 48 : i32
        %scan3A_71 = arith.addi %scan3A_69, %scan3A_70 : i32
        %scan3A_72 = arith.constant 1 : i32
        scf.for %scan3A_74 = %scan3A_69 to %scan3A_71 step %scan3A_72  : i32 {
          %get3A_75 = arith.index_cast %scan3A_74 : i32 to index
          %get3A_76 = arith.index_cast %mul3A_65 : i32 to index
          %get3A_77 = tpu.vector_load %arg14[%get3A_75, %get3A_76] {strides = array<i32>} : memref<48x640xf32, #tpu.memory_space<vmem>>, vector<1x16xf32>,
          %get3A_78 = vector.shape_cast %get3A_77 : vector<1x16xf32> to vector<16xf32>
          %neg3A = arith.constant 0.000000e+00 : f32
          %neg3A_79 = vector.broadcast %neg3A : f32 to vector<16xf32>
          %neg3A_80 = arith.subf %neg3A_79, %get3A_78 : vector<16xf32>
          %exp3A = math.exp %neg3A_80 : vector<16xf32>
          %add3A_81 = arith.constant 1.000000e+00 : f32
          %add3A_82 = vector.broadcast %add3A_81 : f32 to vector<16xf32>
          %add3A_83 = arith.addf %add3A_82, %exp3A : vector<16xf32>
          %div3A = arith.divf %get3A_67, %add3A_83 : vector<16xf32>
          %swap3A = arith.index_cast %scan3A_74 : i32 to index
          %swap3A_84 = arith.index_cast %mul3A_65 : i32 to index
          %swap3A_85 = tpu.vector_load %arg14[%swap3A, %swap3A_84] {strides = array<i32>} : memref<48x640xf32, #tpu.memory_space<vmem>>, vector<1x16xf32>,
          %swap3A_86 = vector.shape_cast %swap3A_85 : vector<1x16xf32> to vector<16xf32>
          %swap3A_87 = vector.shape_cast %div3A : vector<16xf32> to vector<1x16xf32>
          tpu.vector_store %arg14[%swap3A, %swap3A_84], %swap3A_87 {strides = array<i32>} : memref<48x640xf32, #tpu.memory_space<vmem>>, vector<1x16xf32>,
        }
        %scan3A_73 = arith.constant 48 : i32
      }
      %scan3A_38 = arith.constant 40 : i32
      "tpu.region"() ({
        %run_scoped3A = tpu.sem_alloc : memref<!tpu.dma_semaphore, #tpu.memory_space<semaphore_mem>>
        %dma_start3A = arith.constant 0 : i32
        %dma_start3A_63 = tpu.memref_slice %arg8[%dma_start3A, %mul3A_27] : memref<117x80000xf32, #tpu.memory_space<hbm>> -> memref<48x640xf32, #tpu.memory_space<hbm>>
        %dma_start3A_64 = arith.constant 0 : i32
        %dma_start3A_65 = tpu.memref_slice %arg8[%dma_start3A_64, %mul3A_27] : memref<117x80000xf32, #tpu.memory_space<hbm>> -> memref<48x640xf32, #tpu.memory_space<hbm>>
        tpu.enqueue_dma source(%arg14 : memref<48x640xf32, #tpu.memory_space<vmem>>) target(%dma_start3A_65 : memref<48x640xf32, #tpu.memory_space<hbm>>) target_semaphore(%run_scoped3A : memref<!tpu.dma_semaphore, #tpu.memory_space<semaphore_mem>>)
        %dma_wait3A = arith.constant 0 : i32
        %dma_wait3A_66 = tpu.memref_slice %arg8[%dma_wait3A, %mul3A_27] : memref<117x80000xf32, #tpu.memory_space<hbm>> -> memref<48x640xf32, #tpu.memory_space<hbm>>
        %dma_wait3A_67 = arith.constant 0 : i32
        %dma_wait3A_68 = tpu.memref_slice %arg8[%dma_wait3A_67, %mul3A_27] : memref<117x80000xf32, #tpu.memory_space<hbm>> -> memref<48x640xf32, #tpu.memory_space<hbm>>
        tpu.wait_dma2 semaphore(%run_scoped3A : memref<!tpu.dma_semaphore, #tpu.memory_space<semaphore_mem>>) src(%arg14 : memref<48x640xf32, #tpu.memory_space<vmem>>) dst(%dma_wait3A_68 : memref<48x640xf32, #tpu.memory_space<hbm>>)
        tpu.yield
      }) : () -> ()
      "tpu.region"() ({
        %run_scoped3A = tpu.sem_alloc : memref<!tpu.dma_semaphore, #tpu.memory_space<semaphore_mem>>
        %dma_start3A = arith.constant 48 : i32
        %dma_start3A_63 = tpu.memref_slice %arg3[%dma_start3A, %mul3A_27] : memref<117x80000xf32, #tpu.memory_space<hbm>> -> memref<48x640xf32, #tpu.memory_space<hbm>>
        %dma_start3A_64 = arith.constant 48 : i32
        %dma_start3A_65 = tpu.memref_slice %arg3[%dma_start3A_64, %mul3A_27] : memref<117x80000xf32, #tpu.memory_space<hbm>> -> memref<48x640xf32, #tpu.memory_space<hbm>>
        tpu.enqueue_dma source(%dma_start3A_65 : memref<48x640xf32, #tpu.memory_space<hbm>>) target(%arg14 : memref<48x640xf32, #tpu.memory_space<vmem>>) target_semaphore(%run_scoped3A : memref<!tpu.dma_semaphore, #tpu.memory_space<semaphore_mem>>)
        %dma_wait3A = arith.constant 48 : i32
        %dma_wait3A_66 = tpu.memref_slice %arg3[%dma_wait3A, %mul3A_27] : memref<117x80000xf32, #tpu.memory_space<hbm>> -> memref<48x640xf32, #tpu.memory_space<hbm>>
        %dma_wait3A_67 = arith.constant 48 : i32
        %dma_wait3A_68 = tpu.memref_slice %arg3[%dma_wait3A_67, %mul3A_27] : memref<117x80000xf32, #tpu.memory_space<hbm>> -> memref<48x640xf32, #tpu.memory_space<hbm>>
        tpu.wait_dma2 semaphore(%run_scoped3A : memref<!tpu.dma_semaphore, #tpu.memory_space<semaphore_mem>>) src(%dma_wait3A_68 : memref<48x640xf32, #tpu.memory_space<hbm>>) dst(%arg14 : memref<48x640xf32, #tpu.memory_space<vmem>>)
        tpu.yield
      }) : () -> ()
      %scan3A_39 = arith.constant 0 : i32
      %scan3A_40 = arith.constant 0 : i32
      %scan3A_41 = arith.constant 40 : i32
      %scan3A_42 = arith.addi %scan3A_40, %scan3A_41 : i32
      %scan3A_43 = arith.constant 1 : i32
      scf.for %scan3A_63 = %scan3A_40 to %scan3A_42 step %scan3A_43  : i32 {
        %mul3A_64 = arith.constant 16 : i32
        %mul3A_65 = arith.muli %scan3A_63, %mul3A_64 : i32
        %get3A = arith.index_cast %mul3A_65 : i32 to index
        %get3A_66 = tpu.vector_load %arg16[%get3A] {strides = array<i32>} : memref<640xf32, #tpu.memory_space<vmem>>, vector<16xf32>,
        %get3A_67 = vector.shape_cast %get3A_66 : vector<16xf32> to vector<16xf32>
        %scan3A_68 = arith.constant 0 : i32
        %scan3A_69 = arith.constant 0 : i32
        %scan3A_70 = arith.constant 48 : i32
        %scan3A_71 = arith.addi %scan3A_69, %scan3A_70 : i32
        %scan3A_72 = arith.constant 1 : i32
        scf.for %scan3A_74 = %scan3A_69 to %scan3A_71 step %scan3A_72  : i32 {
          %get3A_75 = arith.index_cast %scan3A_74 : i32 to index
          %get3A_76 = arith.index_cast %mul3A_65 : i32 to index
          %get3A_77 = tpu.vector_load %arg14[%get3A_75, %get3A_76] {strides = array<i32>} : memref<48x640xf32, #tpu.memory_space<vmem>>, vector<1x16xf32>,
          %get3A_78 = vector.shape_cast %get3A_77 : vector<1x16xf32> to vector<16xf32>
          %neg3A = arith.constant 0.000000e+00 : f32
          %neg3A_79 = vector.broadcast %neg3A : f32 to vector<16xf32>
          %neg3A_80 = arith.subf %neg3A_79, %get3A_78 : vector<16xf32>
          %exp3A = math.exp %neg3A_80 : vector<16xf32>
          %add3A_81 = arith.constant 1.000000e+00 : f32
          %add3A_82 = vector.broadcast %add3A_81 : f32 to vector<16xf32>
          %add3A_83 = arith.addf %add3A_82, %exp3A : vector<16xf32>
          %div3A = arith.divf %get3A_67, %add3A_83 : vector<16xf32>
          %swap3A = arith.index_cast %scan3A_74 : i32 to index
          %swap3A_84 = arith.index_cast %mul3A_65 : i32 to index
          %swap3A_85 = tpu.vector_load %arg14[%swap3A, %swap3A_84] {strides = array<i32>} : memref<48x640xf32, #tpu.memory_space<vmem>>, vector<1x16xf32>,
          %swap3A_86 = vector.shape_cast %swap3A_85 : vector<1x16xf32> to vector<16xf32>
          %swap3A_87 = vector.shape_cast %div3A : vector<16xf32> to vector<1x16xf32>
          tpu.vector_store %arg14[%swap3A, %swap3A_84], %swap3A_87 {strides = array<i32>} : memref<48x640xf32, #tpu.memory_space<vmem>>, vector<1x16xf32>,
        }
        %scan3A_73 = arith.constant 48 : i32
      }
      %scan3A_44 = arith.constant 40 : i32
      "tpu.region"() ({
        %run_scoped3A = tpu.sem_alloc : memref<!tpu.dma_semaphore, #tpu.memory_space<semaphore_mem>>
        %dma_start3A = arith.constant 48 : i32
        %dma_start3A_63 = tpu.memref_slice %arg8[%dma_start3A, %mul3A_27] : memref<117x80000xf32, #tpu.memory_space<hbm>> -> memref<48x640xf32, #tpu.memory_space<hbm>>
        %dma_start3A_64 = arith.constant 48 : i32
        %dma_start3A_65 = tpu.memref_slice %arg8[%dma_start3A_64, %mul3A_27] : memref<117x80000xf32, #tpu.memory_space<hbm>> -> memref<48x640xf32, #tpu.memory_space<hbm>>
        tpu.enqueue_dma source(%arg14 : memref<48x640xf32, #tpu.memory_space<vmem>>) target(%dma_start3A_65 : memref<48x640xf32, #tpu.memory_space<hbm>>) target_semaphore(%run_scoped3A : memref<!tpu.dma_semaphore, #tpu.memory_space<semaphore_mem>>)
        %dma_wait3A = arith.constant 48 : i32
        %dma_wait3A_66 = tpu.memref_slice %arg8[%dma_wait3A, %mul3A_27] : memref<117x80000xf32, #tpu.memory_space<hbm>> -> memref<48x640xf32, #tpu.memory_space<hbm>>
        %dma_wait3A_67 = arith.constant 48 : i32
        %dma_wait3A_68 = tpu.memref_slice %arg8[%dma_wait3A_67, %mul3A_27] : memref<117x80000xf32, #tpu.memory_space<hbm>> -> memref<48x640xf32, #tpu.memory_space<hbm>>
        tpu.wait_dma2 semaphore(%run_scoped3A : memref<!tpu.dma_semaphore, #tpu.memory_space<semaphore_mem>>) src(%arg14 : memref<48x640xf32, #tpu.memory_space<vmem>>) dst(%dma_wait3A_68 : memref<48x640xf32, #tpu.memory_space<hbm>>)
        tpu.yield
      }) : () -> ()
      "tpu.region"() ({
        %run_scoped3A = tpu.sem_alloc : memref<!tpu.dma_semaphore, #tpu.memory_space<semaphore_mem>>
        %dma_start3A = arith.constant 96 : i32
        %dma_start3A_63 = tpu.memref_slice %arg3[%dma_start3A, %mul3A_27] : memref<117x80000xf32, #tpu.memory_space<hbm>> -> memref<21x640xf32, #tpu.memory_space<hbm>>
        %dma_start3A_64 = arith.constant 96 : i32
        %dma_start3A_65 = tpu.memref_slice %arg3[%dma_start3A_64, %mul3A_27] : memref<117x80000xf32, #tpu.memory_space<hbm>> -> memref<21x640xf32, #tpu.memory_space<hbm>>
        tpu.enqueue_dma source(%dma_start3A_65 : memref<21x640xf32, #tpu.memory_space<hbm>>) target(%arg15 : memref<21x640xf32, #tpu.memory_space<vmem>>) target_semaphore(%run_scoped3A : memref<!tpu.dma_semaphore, #tpu.memory_space<semaphore_mem>>)
        %dma_wait3A = arith.constant 96 : i32
        %dma_wait3A_66 = tpu.memref_slice %arg3[%dma_wait3A, %mul3A_27] : memref<117x80000xf32, #tpu.memory_space<hbm>> -> memref<21x640xf32, #tpu.memory_space<hbm>>
        %dma_wait3A_67 = arith.constant 96 : i32
        %dma_wait3A_68 = tpu.memref_slice %arg3[%dma_wait3A_67, %mul3A_27] : memref<117x80000xf32, #tpu.memory_space<hbm>> -> memref<21x640xf32, #tpu.memory_space<hbm>>
        tpu.wait_dma2 semaphore(%run_scoped3A : memref<!tpu.dma_semaphore, #tpu.memory_space<semaphore_mem>>) src(%dma_wait3A_68 : memref<21x640xf32, #tpu.memory_space<hbm>>) dst(%arg15 : memref<21x640xf32, #tpu.memory_space<vmem>>)
        tpu.yield
      }) : () -> ()
      %scan3A_45 = arith.constant 0 : i32
      %scan3A_46 = arith.constant 0 : i32
      %scan3A_47 = arith.constant 40 : i32
      %scan3A_48 = arith.addi %scan3A_46, %scan3A_47 : i32
      %scan3A_49 = arith.constant 1 : i32
      scf.for %scan3A_63 = %scan3A_46 to %scan3A_48 step %scan3A_49  : i32 {
        %mul3A_64 = arith.constant 16 : i32
        %mul3A_65 = arith.muli %scan3A_63, %mul3A_64 : i32
        %get3A = arith.index_cast %mul3A_65 : i32 to index
        %get3A_66 = tpu.vector_load %arg16[%get3A] {strides = array<i32>} : memref<640xf32, #tpu.memory_space<vmem>>, vector<16xf32>,
        %get3A_67 = vector.shape_cast %get3A_66 : vector<16xf32> to vector<16xf32>
        %scan3A_68 = arith.constant 0 : i32
        %scan3A_69 = arith.constant 0 : i32
        %scan3A_70 = arith.constant 21 : i32
        %scan3A_71 = arith.addi %scan3A_69, %scan3A_70 : i32
        %scan3A_72 = arith.constant 1 : i32
        scf.for %scan3A_74 = %scan3A_69 to %scan3A_71 step %scan3A_72  : i32 {
          %get3A_75 = arith.index_cast %scan3A_74 : i32 to index
          %get3A_76 = arith.index_cast %mul3A_65 : i32 to index
          %get3A_77 = tpu.vector_load %arg15[%get3A_75, %get3A_76] {strides = array<i32>} : memref<21x640xf32, #tpu.memory_space<vmem>>, vector<1x16xf32>,
          %get3A_78 = vector.shape_cast %get3A_77 : vector<1x16xf32> to vector<16xf32>
          %neg3A = arith.constant 0.000000e+00 : f32
          %neg3A_79 = vector.broadcast %neg3A : f32 to vector<16xf32>
          %neg3A_80 = arith.subf %neg3A_79, %get3A_78 : vector<16xf32>
          %exp3A = math.exp %neg3A_80 : vector<16xf32>
          %add3A_81 = arith.constant 1.000000e+00 : f32
          %add3A_82 = vector.broadcast %add3A_81 : f32 to vector<16xf32>
          %add3A_83 = arith.addf %add3A_82, %exp3A : vector<16xf32>
          %div3A = arith.divf %get3A_67, %add3A_83 : vector<16xf32>
          %swap3A = arith.index_cast %scan3A_74 : i32 to index
          %swap3A_84 = arith.index_cast %mul3A_65 : i32 to index
          %swap3A_85 = tpu.vector_load %arg15[%swap3A, %swap3A_84] {strides = array<i32>} : memref<21x640xf32, #tpu.memory_space<vmem>>, vector<1x16xf32>,
          %swap3A_86 = vector.shape_cast %swap3A_85 : vector<1x16xf32> to vector<16xf32>
          %swap3A_87 = vector.shape_cast %div3A : vector<16xf32> to vector<1x16xf32>
          tpu.vector_store %arg15[%swap3A, %swap3A_84], %swap3A_87 {strides = array<i32>} : memref<21x640xf32, #tpu.memory_space<vmem>>, vector<1x16xf32>,
        }
        %scan3A_73 = arith.constant 21 : i32
      }
      %scan3A_50 = arith.constant 40 : i32
      "tpu.region"() ({
        %run_scoped3A = tpu.sem_alloc : memref<!tpu.dma_semaphore, #tpu.memory_space<semaphore_mem>>
        %dma_start3A = arith.constant 96 : i32
        %dma_start3A_63 = tpu.memref_slice %arg8[%dma_start3A, %mul3A_27] : memref<117x80000xf32, #tpu.memory_space<hbm>> -> memref<21x640xf32, #tpu.memory_space<hbm>>
        %dma_start3A_64 = arith.constant 96 : i32
        %dma_start3A_65 = tpu.memref_slice %arg8[%dma_start3A_64, %mul3A_27] : memref<117x80000xf32, #tpu.memory_space<hbm>> -> memref<21x640xf32, #tpu.memory_space<hbm>>
        tpu.enqueue_dma source(%arg15 : memref<21x640xf32, #tpu.memory_space<vmem>>) target(%dma_start3A_65 : memref<21x640xf32, #tpu.memory_space<hbm>>) target_semaphore(%run_scoped3A : memref<!tpu.dma_semaphore, #tpu.memory_space<semaphore_mem>>)
        %dma_wait3A = arith.constant 96 : i32
        %dma_wait3A_66 = tpu.memref_slice %arg8[%dma_wait3A, %mul3A_27] : memref<117x80000xf32, #tpu.memory_space<hbm>> -> memref<21x640xf32, #tpu.memory_space<hbm>>
        %dma_wait3A_67 = arith.constant 96 : i32
        %dma_wait3A_68 = tpu.memref_slice %arg8[%dma_wait3A_67, %mul3A_27] : memref<117x80000xf32, #tpu.memory_space<hbm>> -> memref<21x640xf32, #tpu.memory_space<hbm>>
        tpu.wait_dma2 semaphore(%run_scoped3A : memref<!tpu.dma_semaphore, #tpu.memory_space<semaphore_mem>>) src(%arg15 : memref<21x640xf32, #tpu.memory_space<vmem>>) dst(%dma_wait3A_68 : memref<21x640xf32, #tpu.memory_space<hbm>>)
        tpu.yield
      }) : () -> ()
      "tpu.region"() ({
        %run_scoped3A = tpu.sem_alloc : memref<!tpu.dma_semaphore, #tpu.memory_space<semaphore_mem>>
        %dma_start3A = tpu.memref_slice %arg6[%mul3A_27] : memref<80000xf32, #tpu.memory_space<hbm>> -> memref<640xf32, #tpu.memory_space<hbm>>
        %dma_start3A_63 = tpu.memref_slice %arg6[%mul3A_27] : memref<80000xf32, #tpu.memory_space<hbm>> -> memref<640xf32, #tpu.memory_space<hbm>>
        tpu.enqueue_dma source(%dma_start3A_63 : memref<640xf32, #tpu.memory_space<hbm>>) target(%arg18 : memref<640xf32, #tpu.memory_space<vmem>>) target_semaphore(%run_scoped3A : memref<!tpu.dma_semaphore, #tpu.memory_space<semaphore_mem>>)
        %dma_wait3A = tpu.memref_slice %arg6[%mul3A_27] : memref<80000xf32, #tpu.memory_space<hbm>> -> memref<640xf32, #tpu.memory_space<hbm>>
        %dma_wait3A_64 = tpu.memref_slice %arg6[%mul3A_27] : memref<80000xf32, #tpu.memory_space<hbm>> -> memref<640xf32, #tpu.memory_space<hbm>>
        tpu.wait_dma2 semaphore(%run_scoped3A : memref<!tpu.dma_semaphore, #tpu.memory_space<semaphore_mem>>) src(%dma_wait3A_64 : memref<640xf32, #tpu.memory_space<hbm>>) dst(%arg18 : memref<640xf32, #tpu.memory_space<vmem>>)
        tpu.yield
      }) : () -> ()
      "tpu.region"() ({
        %run_scoped3A = tpu.sem_alloc : memref<!tpu.dma_semaphore, #tpu.memory_space<semaphore_mem>>
        %dma_start3A = tpu.memref_slice %arg7[%mul3A_27] : memref<80000xf32, #tpu.memory_space<hbm>> -> memref<640xf32, #tpu.memory_space<hbm>>
        %dma_start3A_63 = tpu.memref_slice %arg7[%mul3A_27] : memref<80000xf32, #tpu.memory_space<hbm>> -> memref<640xf32, #tpu.memory_space<hbm>>
        tpu.enqueue_dma source(%dma_start3A_63 : memref<640xf32, #tpu.memory_space<hbm>>) target(%arg19 : memref<640xf32, #tpu.memory_space<vmem>>) target_semaphore(%run_scoped3A : memref<!tpu.dma_semaphore, #tpu.memory_space<semaphore_mem>>)
        %dma_wait3A = tpu.memref_slice %arg7[%mul3A_27] : memref<80000xf32, #tpu.memory_space<hbm>> -> memref<640xf32, #tpu.memory_space<hbm>>
        %dma_wait3A_64 = tpu.memref_slice %arg7[%mul3A_27] : memref<80000xf32, #tpu.memory_space<hbm>> -> memref<640xf32, #tpu.memory_space<hbm>>
        tpu.wait_dma2 semaphore(%run_scoped3A : memref<!tpu.dma_semaphore, #tpu.memory_space<semaphore_mem>>) src(%dma_wait3A_64 : memref<640xf32, #tpu.memory_space<hbm>>) dst(%arg19 : memref<640xf32, #tpu.memory_space<vmem>>)
        tpu.yield
      }) : () -> ()
      "tpu.region"() ({
        %run_scoped3A = tpu.sem_alloc : memref<!tpu.dma_semaphore, #tpu.memory_space<semaphore_mem>>
        %dma_start3A = arith.constant 0 : i32
        %dma_start3A_63 = tpu.memref_slice %arg4[%dma_start3A, %mul3A_27] : memref<4x80000xf32, #tpu.memory_space<hbm>> -> memref<4x640xf32, #tpu.memory_space<hbm>>
        %dma_start3A_64 = arith.constant 0 : i32
        %dma_start3A_65 = tpu.memref_slice %arg4[%dma_start3A_64, %mul3A_27] : memref<4x80000xf32, #tpu.memory_space<hbm>> -> memref<4x640xf32, #tpu.memory_space<hbm>>
        tpu.enqueue_dma source(%dma_start3A_65 : memref<4x640xf32, #tpu.memory_space<hbm>>) target(%arg20 : memref<4x640xf32, #tpu.memory_space<vmem>>) target_semaphore(%run_scoped3A : memref<!tpu.dma_semaphore, #tpu.memory_space<semaphore_mem>>)
        %dma_wait3A = arith.constant 0 : i32
        %dma_wait3A_66 = tpu.memref_slice %arg4[%dma_wait3A, %mul3A_27] : memref<4x80000xf32, #tpu.memory_space<hbm>> -> memref<4x640xf32, #tpu.memory_space<hbm>>
        %dma_wait3A_67 = arith.constant 0 : i32
        %dma_wait3A_68 = tpu.memref_slice %arg4[%dma_wait3A_67, %mul3A_27] : memref<4x80000xf32, #tpu.memory_space<hbm>> -> memref<4x640xf32, #tpu.memory_space<hbm>>
        tpu.wait_dma2 semaphore(%run_scoped3A : memref<!tpu.dma_semaphore, #tpu.memory_space<semaphore_mem>>) src(%dma_wait3A_68 : memref<4x640xf32, #tpu.memory_space<hbm>>) dst(%arg20 : memref<4x640xf32, #tpu.memory_space<vmem>>)
        tpu.yield
      }) : () -> ()
      %scan3A_51 = arith.constant 0 : i32
      %scan3A_52 = arith.constant 0 : i32
      %scan3A_53 = arith.constant 40 : i32
      %scan3A_54 = arith.addi %scan3A_52, %scan3A_53 : i32
      %scan3A_55 = arith.constant 1 : i32
      scf.for %scan3A_63 = %scan3A_52 to %scan3A_54 step %scan3A_55  : i32 {
        %mul3A_64 = arith.constant 16 : i32
        %mul3A_65 = arith.muli %scan3A_63, %mul3A_64 : i32
        %get3A = arith.constant 0 : i32
        %get3A_66 = arith.index_cast %get3A : i32 to index
        %get3A_67 = arith.index_cast %mul3A_65 : i32 to index
        %get3A_68 = tpu.vector_load %arg20[%get3A_66, %get3A_67] {strides = array<i32>} : memref<4x640xf32, #tpu.memory_space<vmem>>, vector<1x16xf32>,
        %get3A_69 = vector.shape_cast %get3A_68 : vector<1x16xf32> to vector<16xf32>
        %get3A_70 = arith.constant 1 : i32
        %get3A_71 = arith.index_cast %get3A_70 : i32 to index
        %get3A_72 = arith.index_cast %mul3A_65 : i32 to index
        %get3A_73 = tpu.vector_load %arg20[%get3A_71, %get3A_72] {strides = array<i32>} : memref<4x640xf32, #tpu.memory_space<vmem>>, vector<1x16xf32>,
        %get3A_74 = vector.shape_cast %get3A_73 : vector<1x16xf32> to vector<16xf32>
        %get3A_75 = arith.constant 2 : i32
        %get3A_76 = arith.index_cast %get3A_75 : i32 to index
        %get3A_77 = arith.index_cast %mul3A_65 : i32 to index
        %get3A_78 = tpu.vector_load %arg20[%get3A_76, %get3A_77] {strides = array<i32>} : memref<4x640xf32, #tpu.memory_space<vmem>>, vector<1x16xf32>,
        %get3A_79 = vector.shape_cast %get3A_78 : vector<1x16xf32> to vector<16xf32>
        %mul3A_80 = arith.constant 5.000000e-01 : f32
        %mul3A_81 = vector.broadcast %mul3A_80 : f32 to vector<16xf32>
        %mul3A_82 = arith.mulf %get3A_79, %mul3A_81 : vector<16xf32>
        %get3A_83 = arith.constant 3 : i32
        %get3A_84 = arith.index_cast %get3A_83 : i32 to index
        %get3A_85 = arith.index_cast %mul3A_65 : i32 to index
        %get3A_86 = tpu.vector_load %arg20[%get3A_84, %get3A_85] {strides = array<i32>} : memref<4x640xf32, #tpu.memory_space<vmem>>, vector<1x16xf32>,
        %get3A_87 = vector.shape_cast %get3A_86 : vector<1x16xf32> to vector<16xf32>
        %mul3A_88 = arith.constant 5.000000e-01 : f32
        %mul3A_89 = vector.broadcast %mul3A_88 : f32 to vector<16xf32>
        %mul3A_90 = arith.mulf %get3A_87, %mul3A_89 : vector<16xf32>
        %get3A_91 = arith.index_cast %mul3A_65 : i32 to index
        %get3A_92 = tpu.vector_load %arg18[%get3A_91] {strides = array<i32>} : memref<640xf32, #tpu.memory_space<vmem>>, vector<16xf32>,
        %get3A_93 = vector.shape_cast %get3A_92 : vector<16xf32> to vector<16xf32>
        %get3A_94 = arith.index_cast %mul3A_65 : i32 to index
        %get3A_95 = tpu.vector_load %arg19[%get3A_94] {strides = array<i32>} : memref<640xf32, #tpu.memory_space<vmem>>, vector<16xf32>,
        %get3A_96 = vector.shape_cast %get3A_95 : vector<16xf32> to vector<16xf32>
        %sub3A = arith.subf %get3A_69, %mul3A_82 : vector<16xf32>
        %mul3A_97 = arith.mulf %sub3A, %get3A_93 : vector<16xf32>
        %swap3A = arith.constant 0 : i32
        %swap3A_98 = arith.index_cast %swap3A : i32 to index
        %swap3A_99 = arith.index_cast %mul3A_65 : i32 to index
        %swap3A_100 = tpu.vector_load %arg20[%swap3A_98, %swap3A_99] {strides = array<i32>} : memref<4x640xf32, #tpu.memory_space<vmem>>, vector<1x16xf32>,
        %swap3A_101 = vector.shape_cast %swap3A_100 : vector<1x16xf32> to vector<16xf32>
        %swap3A_102 = vector.shape_cast %mul3A_97 : vector<16xf32> to vector<1x16xf32>
        tpu.vector_store %arg20[%swap3A_98, %swap3A_99], %swap3A_102 {strides = array<i32>} : memref<4x640xf32, #tpu.memory_space<vmem>>, vector<1x16xf32>,
        %sub3A_103 = arith.subf %get3A_74, %mul3A_90 : vector<16xf32>
        %mul3A_104 = arith.mulf %sub3A_103, %get3A_96 : vector<16xf32>
        %swap3A_105 = arith.constant 1 : i32
        %swap3A_106 = arith.index_cast %swap3A_105 : i32 to index
        %swap3A_107 = arith.index_cast %mul3A_65 : i32 to index
        %swap3A_108 = tpu.vector_load %arg20[%swap3A_106, %swap3A_107] {strides = array<i32>} : memref<4x640xf32, #tpu.memory_space<vmem>>, vector<1x16xf32>,
        %swap3A_109 = vector.shape_cast %swap3A_108 : vector<1x16xf32> to vector<16xf32>
        %swap3A_110 = vector.shape_cast %mul3A_104 : vector<16xf32> to vector<1x16xf32>
        tpu.vector_store %arg20[%swap3A_106, %swap3A_107], %swap3A_110 {strides = array<i32>} : memref<4x640xf32, #tpu.memory_space<vmem>>, vector<1x16xf32>,
        %add3A_111 = arith.addf %get3A_69, %mul3A_82 : vector<16xf32>
        %mul3A_112 = arith.mulf %add3A_111, %get3A_93 : vector<16xf32>
        %swap3A_113 = arith.constant 2 : i32
        %swap3A_114 = arith.index_cast %swap3A_113 : i32 to index
        %swap3A_115 = arith.index_cast %mul3A_65 : i32 to index
        %swap3A_116 = tpu.vector_load %arg20[%swap3A_114, %swap3A_115] {strides = array<i32>} : memref<4x640xf32, #tpu.memory_space<vmem>>, vector<1x16xf32>,
        %swap3A_117 = vector.shape_cast %swap3A_116 : vector<1x16xf32> to vector<16xf32>
        %swap3A_118 = vector.shape_cast %mul3A_112 : vector<16xf32> to vector<1x16xf32>
        tpu.vector_store %arg20[%swap3A_114, %swap3A_115], %swap3A_118 {strides = array<i32>} : memref<4x640xf32, #tpu.memory_space<vmem>>, vector<1x16xf32>,
        %add3A_119 = arith.addf %get3A_74, %mul3A_90 : vector<16xf32>
        %mul3A_120 = arith.mulf %add3A_119, %get3A_96 : vector<16xf32>
        %swap3A_121 = arith.constant 3 : i32
        %swap3A_122 = arith.index_cast %swap3A_121 : i32 to index
        %swap3A_123 = arith.index_cast %mul3A_65 : i32 to index
        %swap3A_124 = tpu.vector_load %arg20[%swap3A_122, %swap3A_123] {strides = array<i32>} : memref<4x640xf32, #tpu.memory_space<vmem>>, vector<1x16xf32>,
        %swap3A_125 = vector.shape_cast %swap3A_124 : vector<1x16xf32> to vector<16xf32>
        %swap3A_126 = vector.shape_cast %mul3A_120 : vector<16xf32> to vector<1x16xf32>
        tpu.vector_store %arg20[%swap3A_122, %swap3A_123], %swap3A_126 {strides = array<i32>} : memref<4x640xf32, #tpu.memory_space<vmem>>, vector<1x16xf32>,
      }
      %scan3A_56 = arith.constant 40 : i32
      "tpu.region"() ({
        %run_scoped3A = tpu.sem_alloc : memref<!tpu.dma_semaphore, #tpu.memory_space<semaphore_mem>>
        %dma_start3A = arith.constant 0 : i32
        %dma_start3A_63 = tpu.memref_slice %arg11[%dma_start3A, %mul3A_27] : memref<4x80000xf32, #tpu.memory_space<hbm>> -> memref<4x640xf32, #tpu.memory_space<hbm>>
        %dma_start3A_64 = arith.constant 0 : i32
        %dma_start3A_65 = tpu.memref_slice %arg11[%dma_start3A_64, %mul3A_27] : memref<4x80000xf32, #tpu.memory_space<hbm>> -> memref<4x640xf32, #tpu.memory_space<hbm>>
        tpu.enqueue_dma source(%arg20 : memref<4x640xf32, #tpu.memory_space<vmem>>) target(%dma_start3A_65 : memref<4x640xf32, #tpu.memory_space<hbm>>) target_semaphore(%run_scoped3A : memref<!tpu.dma_semaphore, #tpu.memory_space<semaphore_mem>>)
        %dma_wait3A = arith.constant 0 : i32
        %dma_wait3A_66 = tpu.memref_slice %arg11[%dma_wait3A, %mul3A_27] : memref<4x80000xf32, #tpu.memory_space<hbm>> -> memref<4x640xf32, #tpu.memory_space<hbm>>
        %dma_wait3A_67 = arith.constant 0 : i32
        %dma_wait3A_68 = tpu.memref_slice %arg11[%dma_wait3A_67, %mul3A_27] : memref<4x80000xf32, #tpu.memory_space<hbm>> -> memref<4x640xf32, #tpu.memory_space<hbm>>
        tpu.wait_dma2 semaphore(%run_scoped3A : memref<!tpu.dma_semaphore, #tpu.memory_space<semaphore_mem>>) src(%arg20 : memref<4x640xf32, #tpu.memory_space<vmem>>) dst(%dma_wait3A_68 : memref<4x640xf32, #tpu.memory_space<hbm>>)
        tpu.yield
      }) : () -> ()
      "tpu.region"() ({
        %run_scoped3A = tpu.sem_alloc : memref<!tpu.dma_semaphore, #tpu.memory_space<semaphore_mem>>
        %dma_start3A = arith.constant 0 : i32
        %dma_start3A_63 = tpu.memref_slice %arg5[%dma_start3A, %mul3A_27] : memref<4x80000xf32, #tpu.memory_space<hbm>> -> memref<4x640xf32, #tpu.memory_space<hbm>>
        %dma_start3A_64 = arith.constant 0 : i32
        %dma_start3A_65 = tpu.memref_slice %arg5[%dma_start3A_64, %mul3A_27] : memref<4x80000xf32, #tpu.memory_space<hbm>> -> memref<4x640xf32, #tpu.memory_space<hbm>>
        tpu.enqueue_dma source(%dma_start3A_65 : memref<4x640xf32, #tpu.memory_space<hbm>>) target(%arg20 : memref<4x640xf32, #tpu.memory_space<vmem>>) target_semaphore(%run_scoped3A : memref<!tpu.dma_semaphore, #tpu.memory_space<semaphore_mem>>)
        %dma_wait3A = arith.constant 0 : i32
        %dma_wait3A_66 = tpu.memref_slice %arg5[%dma_wait3A, %mul3A_27] : memref<4x80000xf32, #tpu.memory_space<hbm>> -> memref<4x640xf32, #tpu.memory_space<hbm>>
        %dma_wait3A_67 = arith.constant 0 : i32
        %dma_wait3A_68 = tpu.memref_slice %arg5[%dma_wait3A_67, %mul3A_27] : memref<4x80000xf32, #tpu.memory_space<hbm>> -> memref<4x640xf32, #tpu.memory_space<hbm>>
        tpu.wait_dma2 semaphore(%run_scoped3A : memref<!tpu.dma_semaphore, #tpu.memory_space<semaphore_mem>>) src(%dma_wait3A_68 : memref<4x640xf32, #tpu.memory_space<hbm>>) dst(%arg20 : memref<4x640xf32, #tpu.memory_space<vmem>>)
        tpu.yield
      }) : () -> ()
      %scan3A_57 = arith.constant 0 : i32
      %scan3A_58 = arith.constant 0 : i32
      %scan3A_59 = arith.constant 40 : i32
      %scan3A_60 = arith.addi %scan3A_58, %scan3A_59 : i32
      %scan3A_61 = arith.constant 1 : i32
      scf.for %scan3A_63 = %scan3A_58 to %scan3A_60 step %scan3A_61  : i32 {
        %mul3A_64 = arith.constant 16 : i32
        %mul3A_65 = arith.muli %scan3A_63, %mul3A_64 : i32
        %get3A = arith.constant 0 : i32
        %get3A_66 = arith.index_cast %get3A : i32 to index
        %get3A_67 = arith.index_cast %mul3A_65 : i32 to index
        %get3A_68 = tpu.vector_load %arg20[%get3A_66, %get3A_67] {strides = array<i32>} : memref<4x640xf32, #tpu.memory_space<vmem>>, vector<1x16xf32>,
        %get3A_69 = vector.shape_cast %get3A_68 : vector<1x16xf32> to vector<16xf32>
        %get3A_70 = arith.constant 1 : i32
        %get3A_71 = arith.index_cast %get3A_70 : i32 to index
        %get3A_72 = arith.index_cast %mul3A_65 : i32 to index
        %get3A_73 = tpu.vector_load %arg20[%get3A_71, %get3A_72] {strides = array<i32>} : memref<4x640xf32, #tpu.memory_space<vmem>>, vector<1x16xf32>,
        %get3A_74 = vector.shape_cast %get3A_73 : vector<1x16xf32> to vector<16xf32>
        %get3A_75 = arith.constant 2 : i32
        %get3A_76 = arith.index_cast %get3A_75 : i32 to index
        %get3A_77 = arith.index_cast %mul3A_65 : i32 to index
        %get3A_78 = tpu.vector_load %arg20[%get3A_76, %get3A_77] {strides = array<i32>} : memref<4x640xf32, #tpu.memory_space<vmem>>, vector<1x16xf32>,
        %get3A_79 = vector.shape_cast %get3A_78 : vector<1x16xf32> to vector<16xf32>
        %mul3A_80 = arith.constant 5.000000e-01 : f32
        %mul3A_81 = vector.broadcast %mul3A_80 : f32 to vector<16xf32>
        %mul3A_82 = arith.mulf %get3A_79, %mul3A_81 : vector<16xf32>
        %get3A_83 = arith.constant 3 : i32
        %get3A_84 = arith.index_cast %get3A_83 : i32 to index
        %get3A_85 = arith.index_cast %mul3A_65 : i32 to index
        %get3A_86 = tpu.vector_load %arg20[%get3A_84, %get3A_85] {strides = array<i32>} : memref<4x640xf32, #tpu.memory_space<vmem>>, vector<1x16xf32>,
        %get3A_87 = vector.shape_cast %get3A_86 : vector<1x16xf32> to vector<16xf32>
        %mul3A_88 = arith.constant 5.000000e-01 : f32
        %mul3A_89 = vector.broadcast %mul3A_88 : f32 to vector<16xf32>
        %mul3A_90 = arith.mulf %get3A_87, %mul3A_89 : vector<16xf32>
        %get3A_91 = arith.index_cast %mul3A_65 : i32 to index
        %get3A_92 = tpu.vector_load %arg18[%get3A_91] {strides = array<i32>} : memref<640xf32, #tpu.memory_space<vmem>>, vector<16xf32>,
        %get3A_93 = vector.shape_cast %get3A_92 : vector<16xf32> to vector<16xf32>
        %get3A_94 = arith.index_cast %mul3A_65 : i32 to index
        %get3A_95 = tpu.vector_load %arg19[%get3A_94] {strides = array<i32>} : memref<640xf32, #tpu.memory_space<vmem>>, vector<16xf32>,
        %get3A_96 = vector.shape_cast %get3A_95 : vector<16xf32> to vector<16xf32>
        %sub3A = arith.subf %get3A_69, %mul3A_82 : vector<16xf32>
        %mul3A_97 = arith.mulf %sub3A, %get3A_93 : vector<16xf32>
        %swap3A = arith.constant 0 : i32
        %swap3A_98 = arith.index_cast %swap3A : i32 to index
        %swap3A_99 = arith.index_cast %mul3A_65 : i32 to index
        %swap3A_100 = tpu.vector_load %arg20[%swap3A_98, %swap3A_99] {strides = array<i32>} : memref<4x640xf32, #tpu.memory_space<vmem>>, vector<1x16xf32>,
        %swap3A_101 = vector.shape_cast %swap3A_100 : vector<1x16xf32> to vector<16xf32>
        %swap3A_102 = vector.shape_cast %mul3A_97 : vector<16xf32> to vector<1x16xf32>
        tpu.vector_store %arg20[%swap3A_98, %swap3A_99], %swap3A_102 {strides = array<i32>} : memref<4x640xf32, #tpu.memory_space<vmem>>, vector<1x16xf32>,
        %sub3A_103 = arith.subf %get3A_74, %mul3A_90 : vector<16xf32>
        %mul3A_104 = arith.mulf %sub3A_103, %get3A_96 : vector<16xf32>
        %swap3A_105 = arith.constant 1 : i32
        %swap3A_106 = arith.index_cast %swap3A_105 : i32 to index
        %swap3A_107 = arith.index_cast %mul3A_65 : i32 to index
        %swap3A_108 = tpu.vector_load %arg20[%swap3A_106, %swap3A_107] {strides = array<i32>} : memref<4x640xf32, #tpu.memory_space<vmem>>, vector<1x16xf32>,
        %swap3A_109 = vector.shape_cast %swap3A_108 : vector<1x16xf32> to vector<16xf32>
        %swap3A_110 = vector.shape_cast %mul3A_104 : vector<16xf32> to vector<1x16xf32>
        tpu.vector_store %arg20[%swap3A_106, %swap3A_107], %swap3A_110 {strides = array<i32>} : memref<4x640xf32, #tpu.memory_space<vmem>>, vector<1x16xf32>,
        %add3A_111 = arith.addf %get3A_69, %mul3A_82 : vector<16xf32>
        %mul3A_112 = arith.mulf %add3A_111, %get3A_93 : vector<16xf32>
        %swap3A_113 = arith.constant 2 : i32
        %swap3A_114 = arith.index_cast %swap3A_113 : i32 to index
        %swap3A_115 = arith.index_cast %mul3A_65 : i32 to index
        %swap3A_116 = tpu.vector_load %arg20[%swap3A_114, %swap3A_115] {strides = array<i32>} : memref<4x640xf32, #tpu.memory_space<vmem>>, vector<1x16xf32>,
        %swap3A_117 = vector.shape_cast %swap3A_116 : vector<1x16xf32> to vector<16xf32>
        %swap3A_118 = vector.shape_cast %mul3A_112 : vector<16xf32> to vector<1x16xf32>
        tpu.vector_store %arg20[%swap3A_114, %swap3A_115], %swap3A_118 {strides = array<i32>} : memref<4x640xf32, #tpu.memory_space<vmem>>, vector<1x16xf32>,
        %add3A_119 = arith.addf %get3A_74, %mul3A_90 : vector<16xf32>
        %mul3A_120 = arith.mulf %add3A_119, %get3A_96 : vector<16xf32>
        %swap3A_121 = arith.constant 3 : i32
        %swap3A_122 = arith.index_cast %swap3A_121 : i32 to index
        %swap3A_123 = arith.index_cast %mul3A_65 : i32 to index
        %swap3A_124 = tpu.vector_load %arg20[%swap3A_122, %swap3A_123] {strides = array<i32>} : memref<4x640xf32, #tpu.memory_space<vmem>>, vector<1x16xf32>,
        %swap3A_125 = vector.shape_cast %swap3A_124 : vector<1x16xf32> to vector<16xf32>
        %swap3A_126 = vector.shape_cast %mul3A_120 : vector<16xf32> to vector<1x16xf32>
        tpu.vector_store %arg20[%swap3A_122, %swap3A_123], %swap3A_126 {strides = array<i32>} : memref<4x640xf32, #tpu.memory_space<vmem>>, vector<1x16xf32>,
      }
      %scan3A_62 = arith.constant 40 : i32
      "tpu.region"() ({
        %run_scoped3A = tpu.sem_alloc : memref<!tpu.dma_semaphore, #tpu.memory_space<semaphore_mem>>
        %dma_start3A = arith.constant 0 : i32
        %dma_start3A_63 = tpu.memref_slice %arg12[%dma_start3A, %mul3A_27] : memref<4x80000xf32, #tpu.memory_space<hbm>> -> memref<4x640xf32, #tpu.memory_space<hbm>>
        %dma_start3A_64 = arith.constant 0 : i32
        %dma_start3A_65 = tpu.memref_slice %arg12[%dma_start3A_64, %mul3A_27] : memref<4x80000xf32, #tpu.memory_space<hbm>> -> memref<4x640xf32, #tpu.memory_space<hbm>>
        tpu.enqueue_dma source(%arg20 : memref<4x640xf32, #tpu.memory_space<vmem>>) target(%dma_start3A_65 : memref<4x640xf32, #tpu.memory_space<hbm>>) target_semaphore(%run_scoped3A : memref<!tpu.dma_semaphore, #tpu.memory_space<semaphore_mem>>)
        %dma_wait3A = arith.constant 0 : i32
        %dma_wait3A_66 = tpu.memref_slice %arg12[%dma_wait3A, %mul3A_27] : memref<4x80000xf32, #tpu.memory_space<hbm>> -> memref<4x640xf32, #tpu.memory_space<hbm>>
        %dma_wait3A_67 = arith.constant 0 : i32
        %dma_wait3A_68 = tpu.memref_slice %arg12[%dma_wait3A_67, %mul3A_27] : memref<4x80000xf32, #tpu.memory_space<hbm>> -> memref<4x640xf32, #tpu.memory_space<hbm>>
        tpu.wait_dma2 semaphore(%run_scoped3A : memref<!tpu.dma_semaphore, #tpu.memory_space<semaphore_mem>>) src(%arg20 : memref<4x640xf32, #tpu.memory_space<vmem>>) dst(%dma_wait3A_68 : memref<4x640xf32, #tpu.memory_space<hbm>>)
        tpu.yield
      }) : () -> ()
    } else {
    }
    %add3A_12 = arith.constant 64 : i32
    %add3A_13 = arith.addi %add3A_12, %add3A : i32
    %lt3A_14 = arith.constant 125 : i32
    %lt3A_15 = arith.cmpi slt, %add3A_13, %lt3A_14 : i32
    %convert_element_type3A_16 = arith.extui %lt3A_15 : i1 to i32
    %cond3A_17 = arith.constant 0 : i32
    %cond3A_18 = arith.cmpi ne, %convert_element_type3A_16, %cond3A_17 : i32
    scf.if %cond3A_18 {
      %mul3A_26 = arith.constant 640 : i32
      %mul3A_27 = arith.muli %add3A_13, %mul3A_26 : i32
      "tpu.region"() ({
        %run_scoped3A = tpu.sem_alloc : memref<!tpu.dma_semaphore, #tpu.memory_space<semaphore_mem>>
        %dma_start3A = arith.constant 0 : i32
        %dma_start3A_63 = tpu.memref_slice %arg2[%dma_start3A, %mul3A_27] : memref<81x80000xf32, #tpu.memory_space<hbm>> -> memref<81x640xf32, #tpu.memory_space<hbm>>
        %dma_start3A_64 = arith.constant 0 : i32
        %dma_start3A_65 = tpu.memref_slice %arg2[%dma_start3A_64, %mul3A_27] : memref<81x80000xf32, #tpu.memory_space<hbm>> -> memref<81x640xf32, #tpu.memory_space<hbm>>
        tpu.enqueue_dma source(%dma_start3A_65 : memref<81x640xf32, #tpu.memory_space<hbm>>) target(%arg13 : memref<81x640xf32, #tpu.memory_space<vmem>>) target_semaphore(%run_scoped3A : memref<!tpu.dma_semaphore, #tpu.memory_space<semaphore_mem>>)
        %dma_wait3A = arith.constant 0 : i32
        %dma_wait3A_66 = tpu.memref_slice %arg2[%dma_wait3A, %mul3A_27] : memref<81x80000xf32, #tpu.memory_space<hbm>> -> memref<81x640xf32, #tpu.memory_space<hbm>>
        %dma_wait3A_67 = arith.constant 0 : i32
        %dma_wait3A_68 = tpu.memref_slice %arg2[%dma_wait3A_67, %mul3A_27] : memref<81x80000xf32, #tpu.memory_space<hbm>> -> memref<81x640xf32, #tpu.memory_space<hbm>>
        tpu.wait_dma2 semaphore(%run_scoped3A : memref<!tpu.dma_semaphore, #tpu.memory_space<semaphore_mem>>) src(%dma_wait3A_68 : memref<81x640xf32, #tpu.memory_space<hbm>>) dst(%arg13 : memref<81x640xf32, #tpu.memory_space<vmem>>)
        tpu.yield
      }) : () -> ()
      %scan3A = arith.constant 0 : i32
      %scan3A_28 = arith.constant 0 : i32
      %scan3A_29 = arith.constant 40 : i32
      %scan3A_30 = arith.addi %scan3A_28, %scan3A_29 : i32
      %scan3A_31 = arith.constant 1 : i32
      scf.for %scan3A_63 = %scan3A_28 to %scan3A_30 step %scan3A_31  : i32 {
        %mul3A_64 = arith.constant 16 : i32
        %mul3A_65 = arith.muli %scan3A_63, %mul3A_64 : i32
        %broadcast_in_dim3A = arith.constant 0.000000e+00 : f32
        %broadcast_in_dim3A_66 = vector.broadcast %broadcast_in_dim3A : f32 to vector<16xf32>
        %add3A_67 = arith.constant -1.000000e+30 : f32
        %add3A_68 = vector.broadcast %add3A_67 : f32 to vector<16xf32>
        %add3A_69 = arith.addf %broadcast_in_dim3A_66, %add3A_68 : vector<16xf32>
        %broadcast_in_dim3A_70 = arith.constant 0 : i32
        %broadcast_in_dim3A_71 = vector.broadcast %broadcast_in_dim3A_70 : i32 to vector<16xi32>
        %add3A_72 = arith.constant 0 : i32
        %add3A_73 = vector.broadcast %add3A_72 : i32 to vector<16xi32>
        %add3A_74 = arith.addi %broadcast_in_dim3A_71, %add3A_73 : vector<16xi32>
        %scan3A_75 = arith.constant 0 : i32
        %scan3A_76 = arith.constant 80 : i32
        %scan3A_77 = arith.addi %scan3A_75, %scan3A_76 : i32
        %scan3A_78 = arith.constant 1 : i32
        %scan3A_79:2 = scf.for %scan3A_101 = %scan3A_75 to %scan3A_77 step %scan3A_78 iter_args(%scan3A_102 = %add3A_69, %scan3A_103 = %add3A_74) -> (vector<16xf32>, vector<16xi32>)  : i32 {
          %get3A = arith.index_cast %scan3A_101 : i32 to index
          %get3A_104 = arith.index_cast %mul3A_65 : i32 to index
          %get3A_105 = tpu.vector_load %arg13[%get3A, %get3A_104] {strides = array<i32>} : memref<81x640xf32, #tpu.memory_space<vmem>>, vector<1x16xf32>,
          %get3A_106 = vector.shape_cast %get3A_105 : vector<1x16xf32> to vector<16xf32>
          %gt3A = arith.cmpf ogt, %get3A_106, %scan3A_102 : vector<16xf32>
          %select_n3A = arith.select %gt3A, %get3A_106, %scan3A_102 : vector<16xi1>, vector<16xf32>
          %broadcast_in_dim3A_107 = arith.constant 0 : i32
          %broadcast_in_dim3A_108 = vector.broadcast %broadcast_in_dim3A_107 : i32 to vector<16xi32>
          %add3A_109 = vector.broadcast %scan3A_101 : i32 to vector<16xi32>
          %add3A_110 = arith.addi %broadcast_in_dim3A_108, %add3A_109 : vector<16xi32>
          %select_n3A_111 = arith.select %gt3A, %add3A_110, %scan3A_103 : vector<16xi1>, vector<16xi32>
          scf.yield %select_n3A, %select_n3A_111 : vector<16xf32>, vector<16xi32>
        }
        %scan3A_80 = arith.constant 80 : i32
        %broadcast_in_dim3A_81 = arith.constant 0.000000e+00 : f32
        %broadcast_in_dim3A_82 = vector.broadcast %broadcast_in_dim3A_81 : f32 to vector<16xf32>
        %add3A_83 = arith.constant 0.000000e+00 : f32
        %add3A_84 = vector.broadcast %add3A_83 : f32 to vector<16xf32>
        %add3A_85 = arith.addf %broadcast_in_dim3A_82, %add3A_84 : vector<16xf32>
        %scan3A_86 = arith.constant 0 : i32
        %scan3A_87 = arith.constant 81 : i32
        %scan3A_88 = arith.addi %scan3A_86, %scan3A_87 : i32
        %scan3A_89 = arith.constant 1 : i32
        %scan3A_90 = scf.for %scan3A_101 = %scan3A_86 to %scan3A_88 step %scan3A_89 iter_args(%scan3A_102 = %add3A_85) -> (vector<16xf32>)  : i32 {
          %get3A = arith.index_cast %scan3A_101 : i32 to index
          %get3A_103 = arith.index_cast %mul3A_65 : i32 to index
          %get3A_104 = tpu.vector_load %arg13[%get3A, %get3A_103] {strides = array<i32>} : memref<81x640xf32, #tpu.memory_space<vmem>>, vector<1x16xf32>,
          %get3A_105 = vector.shape_cast %get3A_104 : vector<1x16xf32> to vector<16xf32>
          %sub3A = arith.subf %get3A_105, %scan3A_79#0 : vector<16xf32>
          %exp3A = math.exp %sub3A : vector<16xf32>
          %add3A_106 = arith.addf %scan3A_102, %exp3A : vector<16xf32>
          scf.yield %add3A_106 : vector<16xf32>
        }
        %scan3A_91 = arith.constant 81 : i32
        %div3A = arith.constant 1.000000e+00 : f32
        %div3A_92 = vector.broadcast %div3A : f32 to vector<16xf32>
        %div3A_93 = arith.divf %div3A_92, %scan3A_90 : vector<16xf32>
        %swap3A = arith.index_cast %mul3A_65 : i32 to index
        %swap3A_94 = tpu.vector_load %arg16[%swap3A] {strides = array<i32>} : memref<640xf32, #tpu.memory_space<vmem>>, vector<16xf32>,
        %swap3A_95 = vector.shape_cast %swap3A_94 : vector<16xf32> to vector<16xf32>
        %swap3A_96 = vector.shape_cast %div3A_93 : vector<16xf32> to vector<16xf32>
        tpu.vector_store %arg16[%swap3A], %swap3A_96 {strides = array<i32>} : memref<640xf32, #tpu.memory_space<vmem>>, vector<16xf32>,
        %swap3A_97 = arith.index_cast %mul3A_65 : i32 to index
        %swap3A_98 = tpu.vector_load %arg17[%swap3A_97] {strides = array<i32>} : memref<640xi32, #tpu.memory_space<vmem>>, vector<16xi32>,
        %swap3A_99 = vector.shape_cast %swap3A_98 : vector<16xi32> to vector<16xi32>
        %swap3A_100 = vector.shape_cast %scan3A_79#1 : vector<16xi32> to vector<16xi32>
        tpu.vector_store %arg17[%swap3A_97], %swap3A_100 {strides = array<i32>} : memref<640xi32, #tpu.memory_space<vmem>>, vector<16xi32>,
      }
      %scan3A_32 = arith.constant 40 : i32
      "tpu.region"() ({
        %run_scoped3A = tpu.sem_alloc : memref<!tpu.dma_semaphore, #tpu.memory_space<semaphore_mem>>
        %dma_start3A = tpu.memref_slice %arg10[%mul3A_27] : memref<80000xf32, #tpu.memory_space<hbm>> -> memref<640xf32, #tpu.memory_space<hbm>>
        %dma_start3A_63 = tpu.memref_slice %arg10[%mul3A_27] : memref<80000xf32, #tpu.memory_space<hbm>> -> memref<640xf32, #tpu.memory_space<hbm>>
        tpu.enqueue_dma source(%arg16 : memref<640xf32, #tpu.memory_space<vmem>>) target(%dma_start3A_63 : memref<640xf32, #tpu.memory_space<hbm>>) target_semaphore(%run_scoped3A : memref<!tpu.dma_semaphore, #tpu.memory_space<semaphore_mem>>)
        %dma_wait3A = tpu.memref_slice %arg10[%mul3A_27] : memref<80000xf32, #tpu.memory_space<hbm>> -> memref<640xf32, #tpu.memory_space<hbm>>
        %dma_wait3A_64 = tpu.memref_slice %arg10[%mul3A_27] : memref<80000xf32, #tpu.memory_space<hbm>> -> memref<640xf32, #tpu.memory_space<hbm>>
        tpu.wait_dma2 semaphore(%run_scoped3A : memref<!tpu.dma_semaphore, #tpu.memory_space<semaphore_mem>>) src(%arg16 : memref<640xf32, #tpu.memory_space<vmem>>) dst(%dma_wait3A_64 : memref<640xf32, #tpu.memory_space<hbm>>)
        tpu.yield
      }) : () -> ()
      "tpu.region"() ({
        %run_scoped3A = tpu.sem_alloc : memref<!tpu.dma_semaphore, #tpu.memory_space<semaphore_mem>>
        %dma_start3A = tpu.memref_slice %arg9[%mul3A_27] : memref<80000xi32, #tpu.memory_space<hbm>> -> memref<640xi32, #tpu.memory_space<hbm>>
        %dma_start3A_63 = tpu.memref_slice %arg9[%mul3A_27] : memref<80000xi32, #tpu.memory_space<hbm>> -> memref<640xi32, #tpu.memory_space<hbm>>
        tpu.enqueue_dma source(%arg17 : memref<640xi32, #tpu.memory_space<vmem>>) target(%dma_start3A_63 : memref<640xi32, #tpu.memory_space<hbm>>) target_semaphore(%run_scoped3A : memref<!tpu.dma_semaphore, #tpu.memory_space<semaphore_mem>>)
        %dma_wait3A = tpu.memref_slice %arg9[%mul3A_27] : memref<80000xi32, #tpu.memory_space<hbm>> -> memref<640xi32, #tpu.memory_space<hbm>>
        %dma_wait3A_64 = tpu.memref_slice %arg9[%mul3A_27] : memref<80000xi32, #tpu.memory_space<hbm>> -> memref<640xi32, #tpu.memory_space<hbm>>
        tpu.wait_dma2 semaphore(%run_scoped3A : memref<!tpu.dma_semaphore, #tpu.memory_space<semaphore_mem>>) src(%arg17 : memref<640xi32, #tpu.memory_space<vmem>>) dst(%dma_wait3A_64 : memref<640xi32, #tpu.memory_space<hbm>>)
        tpu.yield
      }) : () -> ()
      "tpu.region"() ({
        %run_scoped3A = tpu.sem_alloc : memref<!tpu.dma_semaphore, #tpu.memory_space<semaphore_mem>>
        %dma_start3A = arith.constant 0 : i32
        %dma_start3A_63 = tpu.memref_slice %arg3[%dma_start3A, %mul3A_27] : memref<117x80000xf32, #tpu.memory_space<hbm>> -> memref<48x640xf32, #tpu.memory_space<hbm>>
        %dma_start3A_64 = arith.constant 0 : i32
        %dma_start3A_65 = tpu.memref_slice %arg3[%dma_start3A_64, %mul3A_27] : memref<117x80000xf32, #tpu.memory_space<hbm>> -> memref<48x640xf32, #tpu.memory_space<hbm>>
        tpu.enqueue_dma source(%dma_start3A_65 : memref<48x640xf32, #tpu.memory_space<hbm>>) target(%arg14 : memref<48x640xf32, #tpu.memory_space<vmem>>) target_semaphore(%run_scoped3A : memref<!tpu.dma_semaphore, #tpu.memory_space<semaphore_mem>>)
        %dma_wait3A = arith.constant 0 : i32
        %dma_wait3A_66 = tpu.memref_slice %arg3[%dma_wait3A, %mul3A_27] : memref<117x80000xf32, #tpu.memory_space<hbm>> -> memref<48x640xf32, #tpu.memory_space<hbm>>
        %dma_wait3A_67 = arith.constant 0 : i32
        %dma_wait3A_68 = tpu.memref_slice %arg3[%dma_wait3A_67, %mul3A_27] : memref<117x80000xf32, #tpu.memory_space<hbm>> -> memref<48x640xf32, #tpu.memory_space<hbm>>
        tpu.wait_dma2 semaphore(%run_scoped3A : memref<!tpu.dma_semaphore, #tpu.memory_space<semaphore_mem>>) src(%dma_wait3A_68 : memref<48x640xf32, #tpu.memory_space<hbm>>) dst(%arg14 : memref<48x640xf32, #tpu.memory_space<vmem>>)
        tpu.yield
      }) : () -> ()
      %scan3A_33 = arith.constant 0 : i32
      %scan3A_34 = arith.constant 0 : i32
      %scan3A_35 = arith.constant 40 : i32
      %scan3A_36 = arith.addi %scan3A_34, %scan3A_35 : i32
      %scan3A_37 = arith.constant 1 : i32
      scf.for %scan3A_63 = %scan3A_34 to %scan3A_36 step %scan3A_37  : i32 {
        %mul3A_64 = arith.constant 16 : i32
        %mul3A_65 = arith.muli %scan3A_63, %mul3A_64 : i32
        %get3A = arith.index_cast %mul3A_65 : i32 to index
        %get3A_66 = tpu.vector_load %arg16[%get3A] {strides = array<i32>} : memref<640xf32, #tpu.memory_space<vmem>>, vector<16xf32>,
        %get3A_67 = vector.shape_cast %get3A_66 : vector<16xf32> to vector<16xf32>
        %scan3A_68 = arith.constant 0 : i32
        %scan3A_69 = arith.constant 0 : i32
        %scan3A_70 = arith.constant 48 : i32
        %scan3A_71 = arith.addi %scan3A_69, %scan3A_70 : i32
        %scan3A_72 = arith.constant 1 : i32
        scf.for %scan3A_74 = %scan3A_69 to %scan3A_71 step %scan3A_72  : i32 {
          %get3A_75 = arith.index_cast %scan3A_74 : i32 to index
          %get3A_76 = arith.index_cast %mul3A_65 : i32 to index
          %get3A_77 = tpu.vector_load %arg14[%get3A_75, %get3A_76] {strides = array<i32>} : memref<48x640xf32, #tpu.memory_space<vmem>>, vector<1x16xf32>,
          %get3A_78 = vector.shape_cast %get3A_77 : vector<1x16xf32> to vector<16xf32>
          %neg3A = arith.constant 0.000000e+00 : f32
          %neg3A_79 = vector.broadcast %neg3A : f32 to vector<16xf32>
          %neg3A_80 = arith.subf %neg3A_79, %get3A_78 : vector<16xf32>
          %exp3A = math.exp %neg3A_80 : vector<16xf32>
          %add3A_81 = arith.constant 1.000000e+00 : f32
          %add3A_82 = vector.broadcast %add3A_81 : f32 to vector<16xf32>
          %add3A_83 = arith.addf %add3A_82, %exp3A : vector<16xf32>
          %div3A = arith.divf %get3A_67, %add3A_83 : vector<16xf32>
          %swap3A = arith.index_cast %scan3A_74 : i32 to index
          %swap3A_84 = arith.index_cast %mul3A_65 : i32 to index
          %swap3A_85 = tpu.vector_load %arg14[%swap3A, %swap3A_84] {strides = array<i32>} : memref<48x640xf32, #tpu.memory_space<vmem>>, vector<1x16xf32>,
          %swap3A_86 = vector.shape_cast %swap3A_85 : vector<1x16xf32> to vector<16xf32>
          %swap3A_87 = vector.shape_cast %div3A : vector<16xf32> to vector<1x16xf32>
          tpu.vector_store %arg14[%swap3A, %swap3A_84], %swap3A_87 {strides = array<i32>} : memref<48x640xf32, #tpu.memory_space<vmem>>, vector<1x16xf32>,
        }
        %scan3A_73 = arith.constant 48 : i32
      }
      %scan3A_38 = arith.constant 40 : i32
      "tpu.region"() ({
        %run_scoped3A = tpu.sem_alloc : memref<!tpu.dma_semaphore, #tpu.memory_space<semaphore_mem>>
        %dma_start3A = arith.constant 0 : i32
        %dma_start3A_63 = tpu.memref_slice %arg8[%dma_start3A, %mul3A_27] : memref<117x80000xf32, #tpu.memory_space<hbm>> -> memref<48x640xf32, #tpu.memory_space<hbm>>
        %dma_start3A_64 = arith.constant 0 : i32
        %dma_start3A_65 = tpu.memref_slice %arg8[%dma_start3A_64, %mul3A_27] : memref<117x80000xf32, #tpu.memory_space<hbm>> -> memref<48x640xf32, #tpu.memory_space<hbm>>
        tpu.enqueue_dma source(%arg14 : memref<48x640xf32, #tpu.memory_space<vmem>>) target(%dma_start3A_65 : memref<48x640xf32, #tpu.memory_space<hbm>>) target_semaphore(%run_scoped3A : memref<!tpu.dma_semaphore, #tpu.memory_space<semaphore_mem>>)
        %dma_wait3A = arith.constant 0 : i32
        %dma_wait3A_66 = tpu.memref_slice %arg8[%dma_wait3A, %mul3A_27] : memref<117x80000xf32, #tpu.memory_space<hbm>> -> memref<48x640xf32, #tpu.memory_space<hbm>>
        %dma_wait3A_67 = arith.constant 0 : i32
        %dma_wait3A_68 = tpu.memref_slice %arg8[%dma_wait3A_67, %mul3A_27] : memref<117x80000xf32, #tpu.memory_space<hbm>> -> memref<48x640xf32, #tpu.memory_space<hbm>>
        tpu.wait_dma2 semaphore(%run_scoped3A : memref<!tpu.dma_semaphore, #tpu.memory_space<semaphore_mem>>) src(%arg14 : memref<48x640xf32, #tpu.memory_space<vmem>>) dst(%dma_wait3A_68 : memref<48x640xf32, #tpu.memory_space<hbm>>)
        tpu.yield
      }) : () -> ()
      "tpu.region"() ({
        %run_scoped3A = tpu.sem_alloc : memref<!tpu.dma_semaphore, #tpu.memory_space<semaphore_mem>>
        %dma_start3A = arith.constant 48 : i32
        %dma_start3A_63 = tpu.memref_slice %arg3[%dma_start3A, %mul3A_27] : memref<117x80000xf32, #tpu.memory_space<hbm>> -> memref<48x640xf32, #tpu.memory_space<hbm>>
        %dma_start3A_64 = arith.constant 48 : i32
        %dma_start3A_65 = tpu.memref_slice %arg3[%dma_start3A_64, %mul3A_27] : memref<117x80000xf32, #tpu.memory_space<hbm>> -> memref<48x640xf32, #tpu.memory_space<hbm>>
        tpu.enqueue_dma source(%dma_start3A_65 : memref<48x640xf32, #tpu.memory_space<hbm>>) target(%arg14 : memref<48x640xf32, #tpu.memory_space<vmem>>) target_semaphore(%run_scoped3A : memref<!tpu.dma_semaphore, #tpu.memory_space<semaphore_mem>>)
        %dma_wait3A = arith.constant 48 : i32
        %dma_wait3A_66 = tpu.memref_slice %arg3[%dma_wait3A, %mul3A_27] : memref<117x80000xf32, #tpu.memory_space<hbm>> -> memref<48x640xf32, #tpu.memory_space<hbm>>
        %dma_wait3A_67 = arith.constant 48 : i32
        %dma_wait3A_68 = tpu.memref_slice %arg3[%dma_wait3A_67, %mul3A_27] : memref<117x80000xf32, #tpu.memory_space<hbm>> -> memref<48x640xf32, #tpu.memory_space<hbm>>
        tpu.wait_dma2 semaphore(%run_scoped3A : memref<!tpu.dma_semaphore, #tpu.memory_space<semaphore_mem>>) src(%dma_wait3A_68 : memref<48x640xf32, #tpu.memory_space<hbm>>) dst(%arg14 : memref<48x640xf32, #tpu.memory_space<vmem>>)
        tpu.yield
      }) : () -> ()
      %scan3A_39 = arith.constant 0 : i32
      %scan3A_40 = arith.constant 0 : i32
      %scan3A_41 = arith.constant 40 : i32
      %scan3A_42 = arith.addi %scan3A_40, %scan3A_41 : i32
      %scan3A_43 = arith.constant 1 : i32
      scf.for %scan3A_63 = %scan3A_40 to %scan3A_42 step %scan3A_43  : i32 {
        %mul3A_64 = arith.constant 16 : i32
        %mul3A_65 = arith.muli %scan3A_63, %mul3A_64 : i32
        %get3A = arith.index_cast %mul3A_65 : i32 to index
        %get3A_66 = tpu.vector_load %arg16[%get3A] {strides = array<i32>} : memref<640xf32, #tpu.memory_space<vmem>>, vector<16xf32>,
        %get3A_67 = vector.shape_cast %get3A_66 : vector<16xf32> to vector<16xf32>
        %scan3A_68 = arith.constant 0 : i32
        %scan3A_69 = arith.constant 0 : i32
        %scan3A_70 = arith.constant 48 : i32
        %scan3A_71 = arith.addi %scan3A_69, %scan3A_70 : i32
        %scan3A_72 = arith.constant 1 : i32
        scf.for %scan3A_74 = %scan3A_69 to %scan3A_71 step %scan3A_72  : i32 {
          %get3A_75 = arith.index_cast %scan3A_74 : i32 to index
          %get3A_76 = arith.index_cast %mul3A_65 : i32 to index
          %get3A_77 = tpu.vector_load %arg14[%get3A_75, %get3A_76] {strides = array<i32>} : memref<48x640xf32, #tpu.memory_space<vmem>>, vector<1x16xf32>,
          %get3A_78 = vector.shape_cast %get3A_77 : vector<1x16xf32> to vector<16xf32>
          %neg3A = arith.constant 0.000000e+00 : f32
          %neg3A_79 = vector.broadcast %neg3A : f32 to vector<16xf32>
          %neg3A_80 = arith.subf %neg3A_79, %get3A_78 : vector<16xf32>
          %exp3A = math.exp %neg3A_80 : vector<16xf32>
          %add3A_81 = arith.constant 1.000000e+00 : f32
          %add3A_82 = vector.broadcast %add3A_81 : f32 to vector<16xf32>
          %add3A_83 = arith.addf %add3A_82, %exp3A : vector<16xf32>
          %div3A = arith.divf %get3A_67, %add3A_83 : vector<16xf32>
          %swap3A = arith.index_cast %scan3A_74 : i32 to index
          %swap3A_84 = arith.index_cast %mul3A_65 : i32 to index
          %swap3A_85 = tpu.vector_load %arg14[%swap3A, %swap3A_84] {strides = array<i32>} : memref<48x640xf32, #tpu.memory_space<vmem>>, vector<1x16xf32>,
          %swap3A_86 = vector.shape_cast %swap3A_85 : vector<1x16xf32> to vector<16xf32>
          %swap3A_87 = vector.shape_cast %div3A : vector<16xf32> to vector<1x16xf32>
          tpu.vector_store %arg14[%swap3A, %swap3A_84], %swap3A_87 {strides = array<i32>} : memref<48x640xf32, #tpu.memory_space<vmem>>, vector<1x16xf32>,
        }
        %scan3A_73 = arith.constant 48 : i32
      }
      %scan3A_44 = arith.constant 40 : i32
      "tpu.region"() ({
        %run_scoped3A = tpu.sem_alloc : memref<!tpu.dma_semaphore, #tpu.memory_space<semaphore_mem>>
        %dma_start3A = arith.constant 48 : i32
        %dma_start3A_63 = tpu.memref_slice %arg8[%dma_start3A, %mul3A_27] : memref<117x80000xf32, #tpu.memory_space<hbm>> -> memref<48x640xf32, #tpu.memory_space<hbm>>
        %dma_start3A_64 = arith.constant 48 : i32
        %dma_start3A_65 = tpu.memref_slice %arg8[%dma_start3A_64, %mul3A_27] : memref<117x80000xf32, #tpu.memory_space<hbm>> -> memref<48x640xf32, #tpu.memory_space<hbm>>
        tpu.enqueue_dma source(%arg14 : memref<48x640xf32, #tpu.memory_space<vmem>>) target(%dma_start3A_65 : memref<48x640xf32, #tpu.memory_space<hbm>>) target_semaphore(%run_scoped3A : memref<!tpu.dma_semaphore, #tpu.memory_space<semaphore_mem>>)
        %dma_wait3A = arith.constant 48 : i32
        %dma_wait3A_66 = tpu.memref_slice %arg8[%dma_wait3A, %mul3A_27] : memref<117x80000xf32, #tpu.memory_space<hbm>> -> memref<48x640xf32, #tpu.memory_space<hbm>>
        %dma_wait3A_67 = arith.constant 48 : i32
        %dma_wait3A_68 = tpu.memref_slice %arg8[%dma_wait3A_67, %mul3A_27] : memref<117x80000xf32, #tpu.memory_space<hbm>> -> memref<48x640xf32, #tpu.memory_space<hbm>>
        tpu.wait_dma2 semaphore(%run_scoped3A : memref<!tpu.dma_semaphore, #tpu.memory_space<semaphore_mem>>) src(%arg14 : memref<48x640xf32, #tpu.memory_space<vmem>>) dst(%dma_wait3A_68 : memref<48x640xf32, #tpu.memory_space<hbm>>)
        tpu.yield
      }) : () -> ()
      "tpu.region"() ({
        %run_scoped3A = tpu.sem_alloc : memref<!tpu.dma_semaphore, #tpu.memory_space<semaphore_mem>>
        %dma_start3A = arith.constant 96 : i32
        %dma_start3A_63 = tpu.memref_slice %arg3[%dma_start3A, %mul3A_27] : memref<117x80000xf32, #tpu.memory_space<hbm>> -> memref<21x640xf32, #tpu.memory_space<hbm>>
        %dma_start3A_64 = arith.constant 96 : i32
        %dma_start3A_65 = tpu.memref_slice %arg3[%dma_start3A_64, %mul3A_27] : memref<117x80000xf32, #tpu.memory_space<hbm>> -> memref<21x640xf32, #tpu.memory_space<hbm>>
        tpu.enqueue_dma source(%dma_start3A_65 : memref<21x640xf32, #tpu.memory_space<hbm>>) target(%arg15 : memref<21x640xf32, #tpu.memory_space<vmem>>) target_semaphore(%run_scoped3A : memref<!tpu.dma_semaphore, #tpu.memory_space<semaphore_mem>>)
        %dma_wait3A = arith.constant 96 : i32
        %dma_wait3A_66 = tpu.memref_slice %arg3[%dma_wait3A, %mul3A_27] : memref<117x80000xf32, #tpu.memory_space<hbm>> -> memref<21x640xf32, #tpu.memory_space<hbm>>
        %dma_wait3A_67 = arith.constant 96 : i32
        %dma_wait3A_68 = tpu.memref_slice %arg3[%dma_wait3A_67, %mul3A_27] : memref<117x80000xf32, #tpu.memory_space<hbm>> -> memref<21x640xf32, #tpu.memory_space<hbm>>
        tpu.wait_dma2 semaphore(%run_scoped3A : memref<!tpu.dma_semaphore, #tpu.memory_space<semaphore_mem>>) src(%dma_wait3A_68 : memref<21x640xf32, #tpu.memory_space<hbm>>) dst(%arg15 : memref<21x640xf32, #tpu.memory_space<vmem>>)
        tpu.yield
      }) : () -> ()
      %scan3A_45 = arith.constant 0 : i32
      %scan3A_46 = arith.constant 0 : i32
      %scan3A_47 = arith.constant 40 : i32
      %scan3A_48 = arith.addi %scan3A_46, %scan3A_47 : i32
      %scan3A_49 = arith.constant 1 : i32
      scf.for %scan3A_63 = %scan3A_46 to %scan3A_48 step %scan3A_49  : i32 {
        %mul3A_64 = arith.constant 16 : i32
        %mul3A_65 = arith.muli %scan3A_63, %mul3A_64 : i32
        %get3A = arith.index_cast %mul3A_65 : i32 to index
        %get3A_66 = tpu.vector_load %arg16[%get3A] {strides = array<i32>} : memref<640xf32, #tpu.memory_space<vmem>>, vector<16xf32>,
        %get3A_67 = vector.shape_cast %get3A_66 : vector<16xf32> to vector<16xf32>
        %scan3A_68 = arith.constant 0 : i32
        %scan3A_69 = arith.constant 0 : i32
        %scan3A_70 = arith.constant 21 : i32
        %scan3A_71 = arith.addi %scan3A_69, %scan3A_70 : i32
        %scan3A_72 = arith.constant 1 : i32
        scf.for %scan3A_74 = %scan3A_69 to %scan3A_71 step %scan3A_72  : i32 {
          %get3A_75 = arith.index_cast %scan3A_74 : i32 to index
          %get3A_76 = arith.index_cast %mul3A_65 : i32 to index
          %get3A_77 = tpu.vector_load %arg15[%get3A_75, %get3A_76] {strides = array<i32>} : memref<21x640xf32, #tpu.memory_space<vmem>>, vector<1x16xf32>,
          %get3A_78 = vector.shape_cast %get3A_77 : vector<1x16xf32> to vector<16xf32>
          %neg3A = arith.constant 0.000000e+00 : f32
          %neg3A_79 = vector.broadcast %neg3A : f32 to vector<16xf32>
          %neg3A_80 = arith.subf %neg3A_79, %get3A_78 : vector<16xf32>
          %exp3A = math.exp %neg3A_80 : vector<16xf32>
          %add3A_81 = arith.constant 1.000000e+00 : f32
          %add3A_82 = vector.broadcast %add3A_81 : f32 to vector<16xf32>
          %add3A_83 = arith.addf %add3A_82, %exp3A : vector<16xf32>
          %div3A = arith.divf %get3A_67, %add3A_83 : vector<16xf32>
          %swap3A = arith.index_cast %scan3A_74 : i32 to index
          %swap3A_84 = arith.index_cast %mul3A_65 : i32 to index
          %swap3A_85 = tpu.vector_load %arg15[%swap3A, %swap3A_84] {strides = array<i32>} : memref<21x640xf32, #tpu.memory_space<vmem>>, vector<1x16xf32>,
          %swap3A_86 = vector.shape_cast %swap3A_85 : vector<1x16xf32> to vector<16xf32>
          %swap3A_87 = vector.shape_cast %div3A : vector<16xf32> to vector<1x16xf32>
          tpu.vector_store %arg15[%swap3A, %swap3A_84], %swap3A_87 {strides = array<i32>} : memref<21x640xf32, #tpu.memory_space<vmem>>, vector<1x16xf32>,
        }
        %scan3A_73 = arith.constant 21 : i32
      }
      %scan3A_50 = arith.constant 40 : i32
      "tpu.region"() ({
        %run_scoped3A = tpu.sem_alloc : memref<!tpu.dma_semaphore, #tpu.memory_space<semaphore_mem>>
        %dma_start3A = arith.constant 96 : i32
        %dma_start3A_63 = tpu.memref_slice %arg8[%dma_start3A, %mul3A_27] : memref<117x80000xf32, #tpu.memory_space<hbm>> -> memref<21x640xf32, #tpu.memory_space<hbm>>
        %dma_start3A_64 = arith.constant 96 : i32
        %dma_start3A_65 = tpu.memref_slice %arg8[%dma_start3A_64, %mul3A_27] : memref<117x80000xf32, #tpu.memory_space<hbm>> -> memref<21x640xf32, #tpu.memory_space<hbm>>
        tpu.enqueue_dma source(%arg15 : memref<21x640xf32, #tpu.memory_space<vmem>>) target(%dma_start3A_65 : memref<21x640xf32, #tpu.memory_space<hbm>>) target_semaphore(%run_scoped3A : memref<!tpu.dma_semaphore, #tpu.memory_space<semaphore_mem>>)
        %dma_wait3A = arith.constant 96 : i32
        %dma_wait3A_66 = tpu.memref_slice %arg8[%dma_wait3A, %mul3A_27] : memref<117x80000xf32, #tpu.memory_space<hbm>> -> memref<21x640xf32, #tpu.memory_space<hbm>>
        %dma_wait3A_67 = arith.constant 96 : i32
        %dma_wait3A_68 = tpu.memref_slice %arg8[%dma_wait3A_67, %mul3A_27] : memref<117x80000xf32, #tpu.memory_space<hbm>> -> memref<21x640xf32, #tpu.memory_space<hbm>>
        tpu.wait_dma2 semaphore(%run_scoped3A : memref<!tpu.dma_semaphore, #tpu.memory_space<semaphore_mem>>) src(%arg15 : memref<21x640xf32, #tpu.memory_space<vmem>>) dst(%dma_wait3A_68 : memref<21x640xf32, #tpu.memory_space<hbm>>)
        tpu.yield
      }) : () -> ()
      "tpu.region"() ({
        %run_scoped3A = tpu.sem_alloc : memref<!tpu.dma_semaphore, #tpu.memory_space<semaphore_mem>>
        %dma_start3A = tpu.memref_slice %arg6[%mul3A_27] : memref<80000xf32, #tpu.memory_space<hbm>> -> memref<640xf32, #tpu.memory_space<hbm>>
        %dma_start3A_63 = tpu.memref_slice %arg6[%mul3A_27] : memref<80000xf32, #tpu.memory_space<hbm>> -> memref<640xf32, #tpu.memory_space<hbm>>
        tpu.enqueue_dma source(%dma_start3A_63 : memref<640xf32, #tpu.memory_space<hbm>>) target(%arg18 : memref<640xf32, #tpu.memory_space<vmem>>) target_semaphore(%run_scoped3A : memref<!tpu.dma_semaphore, #tpu.memory_space<semaphore_mem>>)
        %dma_wait3A = tpu.memref_slice %arg6[%mul3A_27] : memref<80000xf32, #tpu.memory_space<hbm>> -> memref<640xf32, #tpu.memory_space<hbm>>
        %dma_wait3A_64 = tpu.memref_slice %arg6[%mul3A_27] : memref<80000xf32, #tpu.memory_space<hbm>> -> memref<640xf32, #tpu.memory_space<hbm>>
        tpu.wait_dma2 semaphore(%run_scoped3A : memref<!tpu.dma_semaphore, #tpu.memory_space<semaphore_mem>>) src(%dma_wait3A_64 : memref<640xf32, #tpu.memory_space<hbm>>) dst(%arg18 : memref<640xf32, #tpu.memory_space<vmem>>)
        tpu.yield
      }) : () -> ()
      "tpu.region"() ({
        %run_scoped3A = tpu.sem_alloc : memref<!tpu.dma_semaphore, #tpu.memory_space<semaphore_mem>>
        %dma_start3A = tpu.memref_slice %arg7[%mul3A_27] : memref<80000xf32, #tpu.memory_space<hbm>> -> memref<640xf32, #tpu.memory_space<hbm>>
        %dma_start3A_63 = tpu.memref_slice %arg7[%mul3A_27] : memref<80000xf32, #tpu.memory_space<hbm>> -> memref<640xf32, #tpu.memory_space<hbm>>
        tpu.enqueue_dma source(%dma_start3A_63 : memref<640xf32, #tpu.memory_space<hbm>>) target(%arg19 : memref<640xf32, #tpu.memory_space<vmem>>) target_semaphore(%run_scoped3A : memref<!tpu.dma_semaphore, #tpu.memory_space<semaphore_mem>>)
        %dma_wait3A = tpu.memref_slice %arg7[%mul3A_27] : memref<80000xf32, #tpu.memory_space<hbm>> -> memref<640xf32, #tpu.memory_space<hbm>>
        %dma_wait3A_64 = tpu.memref_slice %arg7[%mul3A_27] : memref<80000xf32, #tpu.memory_space<hbm>> -> memref<640xf32, #tpu.memory_space<hbm>>
        tpu.wait_dma2 semaphore(%run_scoped3A : memref<!tpu.dma_semaphore, #tpu.memory_space<semaphore_mem>>) src(%dma_wait3A_64 : memref<640xf32, #tpu.memory_space<hbm>>) dst(%arg19 : memref<640xf32, #tpu.memory_space<vmem>>)
        tpu.yield
      }) : () -> ()
      "tpu.region"() ({
        %run_scoped3A = tpu.sem_alloc : memref<!tpu.dma_semaphore, #tpu.memory_space<semaphore_mem>>
        %dma_start3A = arith.constant 0 : i32
        %dma_start3A_63 = tpu.memref_slice %arg4[%dma_start3A, %mul3A_27] : memref<4x80000xf32, #tpu.memory_space<hbm>> -> memref<4x640xf32, #tpu.memory_space<hbm>>
        %dma_start3A_64 = arith.constant 0 : i32
        %dma_start3A_65 = tpu.memref_slice %arg4[%dma_start3A_64, %mul3A_27] : memref<4x80000xf32, #tpu.memory_space<hbm>> -> memref<4x640xf32, #tpu.memory_space<hbm>>
        tpu.enqueue_dma source(%dma_start3A_65 : memref<4x640xf32, #tpu.memory_space<hbm>>) target(%arg20 : memref<4x640xf32, #tpu.memory_space<vmem>>) target_semaphore(%run_scoped3A : memref<!tpu.dma_semaphore, #tpu.memory_space<semaphore_mem>>)
        %dma_wait3A = arith.constant 0 : i32
        %dma_wait3A_66 = tpu.memref_slice %arg4[%dma_wait3A, %mul3A_27] : memref<4x80000xf32, #tpu.memory_space<hbm>> -> memref<4x640xf32, #tpu.memory_space<hbm>>
        %dma_wait3A_67 = arith.constant 0 : i32
        %dma_wait3A_68 = tpu.memref_slice %arg4[%dma_wait3A_67, %mul3A_27] : memref<4x80000xf32, #tpu.memory_space<hbm>> -> memref<4x640xf32, #tpu.memory_space<hbm>>
        tpu.wait_dma2 semaphore(%run_scoped3A : memref<!tpu.dma_semaphore, #tpu.memory_space<semaphore_mem>>) src(%dma_wait3A_68 : memref<4x640xf32, #tpu.memory_space<hbm>>) dst(%arg20 : memref<4x640xf32, #tpu.memory_space<vmem>>)
        tpu.yield
      }) : () -> ()
      %scan3A_51 = arith.constant 0 : i32
      %scan3A_52 = arith.constant 0 : i32
      %scan3A_53 = arith.constant 40 : i32
      %scan3A_54 = arith.addi %scan3A_52, %scan3A_53 : i32
      %scan3A_55 = arith.constant 1 : i32
      scf.for %scan3A_63 = %scan3A_52 to %scan3A_54 step %scan3A_55  : i32 {
        %mul3A_64 = arith.constant 16 : i32
        %mul3A_65 = arith.muli %scan3A_63, %mul3A_64 : i32
        %get3A = arith.constant 0 : i32
        %get3A_66 = arith.index_cast %get3A : i32 to index
        %get3A_67 = arith.index_cast %mul3A_65 : i32 to index
        %get3A_68 = tpu.vector_load %arg20[%get3A_66, %get3A_67] {strides = array<i32>} : memref<4x640xf32, #tpu.memory_space<vmem>>, vector<1x16xf32>,
        %get3A_69 = vector.shape_cast %get3A_68 : vector<1x16xf32> to vector<16xf32>
        %get3A_70 = arith.constant 1 : i32
        %get3A_71 = arith.index_cast %get3A_70 : i32 to index
        %get3A_72 = arith.index_cast %mul3A_65 : i32 to index
        %get3A_73 = tpu.vector_load %arg20[%get3A_71, %get3A_72] {strides = array<i32>} : memref<4x640xf32, #tpu.memory_space<vmem>>, vector<1x16xf32>,
        %get3A_74 = vector.shape_cast %get3A_73 : vector<1x16xf32> to vector<16xf32>
        %get3A_75 = arith.constant 2 : i32
        %get3A_76 = arith.index_cast %get3A_75 : i32 to index
        %get3A_77 = arith.index_cast %mul3A_65 : i32 to index
        %get3A_78 = tpu.vector_load %arg20[%get3A_76, %get3A_77] {strides = array<i32>} : memref<4x640xf32, #tpu.memory_space<vmem>>, vector<1x16xf32>,
        %get3A_79 = vector.shape_cast %get3A_78 : vector<1x16xf32> to vector<16xf32>
        %mul3A_80 = arith.constant 5.000000e-01 : f32
        %mul3A_81 = vector.broadcast %mul3A_80 : f32 to vector<16xf32>
        %mul3A_82 = arith.mulf %get3A_79, %mul3A_81 : vector<16xf32>
        %get3A_83 = arith.constant 3 : i32
        %get3A_84 = arith.index_cast %get3A_83 : i32 to index
        %get3A_85 = arith.index_cast %mul3A_65 : i32 to index
        %get3A_86 = tpu.vector_load %arg20[%get3A_84, %get3A_85] {strides = array<i32>} : memref<4x640xf32, #tpu.memory_space<vmem>>, vector<1x16xf32>,
        %get3A_87 = vector.shape_cast %get3A_86 : vector<1x16xf32> to vector<16xf32>
        %mul3A_88 = arith.constant 5.000000e-01 : f32
        %mul3A_89 = vector.broadcast %mul3A_88 : f32 to vector<16xf32>
        %mul3A_90 = arith.mulf %get3A_87, %mul3A_89 : vector<16xf32>
        %get3A_91 = arith.index_cast %mul3A_65 : i32 to index
        %get3A_92 = tpu.vector_load %arg18[%get3A_91] {strides = array<i32>} : memref<640xf32, #tpu.memory_space<vmem>>, vector<16xf32>,
        %get3A_93 = vector.shape_cast %get3A_92 : vector<16xf32> to vector<16xf32>
        %get3A_94 = arith.index_cast %mul3A_65 : i32 to index
        %get3A_95 = tpu.vector_load %arg19[%get3A_94] {strides = array<i32>} : memref<640xf32, #tpu.memory_space<vmem>>, vector<16xf32>,
        %get3A_96 = vector.shape_cast %get3A_95 : vector<16xf32> to vector<16xf32>
        %sub3A = arith.subf %get3A_69, %mul3A_82 : vector<16xf32>
        %mul3A_97 = arith.mulf %sub3A, %get3A_93 : vector<16xf32>
        %swap3A = arith.constant 0 : i32
        %swap3A_98 = arith.index_cast %swap3A : i32 to index
        %swap3A_99 = arith.index_cast %mul3A_65 : i32 to index
        %swap3A_100 = tpu.vector_load %arg20[%swap3A_98, %swap3A_99] {strides = array<i32>} : memref<4x640xf32, #tpu.memory_space<vmem>>, vector<1x16xf32>,
        %swap3A_101 = vector.shape_cast %swap3A_100 : vector<1x16xf32> to vector<16xf32>
        %swap3A_102 = vector.shape_cast %mul3A_97 : vector<16xf32> to vector<1x16xf32>
        tpu.vector_store %arg20[%swap3A_98, %swap3A_99], %swap3A_102 {strides = array<i32>} : memref<4x640xf32, #tpu.memory_space<vmem>>, vector<1x16xf32>,
        %sub3A_103 = arith.subf %get3A_74, %mul3A_90 : vector<16xf32>
        %mul3A_104 = arith.mulf %sub3A_103, %get3A_96 : vector<16xf32>
        %swap3A_105 = arith.constant 1 : i32
        %swap3A_106 = arith.index_cast %swap3A_105 : i32 to index
        %swap3A_107 = arith.index_cast %mul3A_65 : i32 to index
        %swap3A_108 = tpu.vector_load %arg20[%swap3A_106, %swap3A_107] {strides = array<i32>} : memref<4x640xf32, #tpu.memory_space<vmem>>, vector<1x16xf32>,
        %swap3A_109 = vector.shape_cast %swap3A_108 : vector<1x16xf32> to vector<16xf32>
        %swap3A_110 = vector.shape_cast %mul3A_104 : vector<16xf32> to vector<1x16xf32>
        tpu.vector_store %arg20[%swap3A_106, %swap3A_107], %swap3A_110 {strides = array<i32>} : memref<4x640xf32, #tpu.memory_space<vmem>>, vector<1x16xf32>,
        %add3A_111 = arith.addf %get3A_69, %mul3A_82 : vector<16xf32>
        %mul3A_112 = arith.mulf %add3A_111, %get3A_93 : vector<16xf32>
        %swap3A_113 = arith.constant 2 : i32
        %swap3A_114 = arith.index_cast %swap3A_113 : i32 to index
        %swap3A_115 = arith.index_cast %mul3A_65 : i32 to index
        %swap3A_116 = tpu.vector_load %arg20[%swap3A_114, %swap3A_115] {strides = array<i32>} : memref<4x640xf32, #tpu.memory_space<vmem>>, vector<1x16xf32>,
        %swap3A_117 = vector.shape_cast %swap3A_116 : vector<1x16xf32> to vector<16xf32>
        %swap3A_118 = vector.shape_cast %mul3A_112 : vector<16xf32> to vector<1x16xf32>
        tpu.vector_store %arg20[%swap3A_114, %swap3A_115], %swap3A_118 {strides = array<i32>} : memref<4x640xf32, #tpu.memory_space<vmem>>, vector<1x16xf32>,
        %add3A_119 = arith.addf %get3A_74, %mul3A_90 : vector<16xf32>
        %mul3A_120 = arith.mulf %add3A_119, %get3A_96 : vector<16xf32>
        %swap3A_121 = arith.constant 3 : i32
        %swap3A_122 = arith.index_cast %swap3A_121 : i32 to index
        %swap3A_123 = arith.index_cast %mul3A_65 : i32 to index
        %swap3A_124 = tpu.vector_load %arg20[%swap3A_122, %swap3A_123] {strides = array<i32>} : memref<4x640xf32, #tpu.memory_space<vmem>>, vector<1x16xf32>,
        %swap3A_125 = vector.shape_cast %swap3A_124 : vector<1x16xf32> to vector<16xf32>
        %swap3A_126 = vector.shape_cast %mul3A_120 : vector<16xf32> to vector<1x16xf32>
        tpu.vector_store %arg20[%swap3A_122, %swap3A_123], %swap3A_126 {strides = array<i32>} : memref<4x640xf32, #tpu.memory_space<vmem>>, vector<1x16xf32>,
      }
      %scan3A_56 = arith.constant 40 : i32
      "tpu.region"() ({
        %run_scoped3A = tpu.sem_alloc : memref<!tpu.dma_semaphore, #tpu.memory_space<semaphore_mem>>
        %dma_start3A = arith.constant 0 : i32
        %dma_start3A_63 = tpu.memref_slice %arg11[%dma_start3A, %mul3A_27] : memref<4x80000xf32, #tpu.memory_space<hbm>> -> memref<4x640xf32, #tpu.memory_space<hbm>>
        %dma_start3A_64 = arith.constant 0 : i32
        %dma_start3A_65 = tpu.memref_slice %arg11[%dma_start3A_64, %mul3A_27] : memref<4x80000xf32, #tpu.memory_space<hbm>> -> memref<4x640xf32, #tpu.memory_space<hbm>>
        tpu.enqueue_dma source(%arg20 : memref<4x640xf32, #tpu.memory_space<vmem>>) target(%dma_start3A_65 : memref<4x640xf32, #tpu.memory_space<hbm>>) target_semaphore(%run_scoped3A : memref<!tpu.dma_semaphore, #tpu.memory_space<semaphore_mem>>)
        %dma_wait3A = arith.constant 0 : i32
        %dma_wait3A_66 = tpu.memref_slice %arg11[%dma_wait3A, %mul3A_27] : memref<4x80000xf32, #tpu.memory_space<hbm>> -> memref<4x640xf32, #tpu.memory_space<hbm>>
        %dma_wait3A_67 = arith.constant 0 : i32
        %dma_wait3A_68 = tpu.memref_slice %arg11[%dma_wait3A_67, %mul3A_27] : memref<4x80000xf32, #tpu.memory_space<hbm>> -> memref<4x640xf32, #tpu.memory_space<hbm>>
        tpu.wait_dma2 semaphore(%run_scoped3A : memref<!tpu.dma_semaphore, #tpu.memory_space<semaphore_mem>>) src(%arg20 : memref<4x640xf32, #tpu.memory_space<vmem>>) dst(%dma_wait3A_68 : memref<4x640xf32, #tpu.memory_space<hbm>>)
        tpu.yield
      }) : () -> ()
      "tpu.region"() ({
        %run_scoped3A = tpu.sem_alloc : memref<!tpu.dma_semaphore, #tpu.memory_space<semaphore_mem>>
        %dma_start3A = arith.constant 0 : i32
        %dma_start3A_63 = tpu.memref_slice %arg5[%dma_start3A, %mul3A_27] : memref<4x80000xf32, #tpu.memory_space<hbm>> -> memref<4x640xf32, #tpu.memory_space<hbm>>
        %dma_start3A_64 = arith.constant 0 : i32
        %dma_start3A_65 = tpu.memref_slice %arg5[%dma_start3A_64, %mul3A_27] : memref<4x80000xf32, #tpu.memory_space<hbm>> -> memref<4x640xf32, #tpu.memory_space<hbm>>
        tpu.enqueue_dma source(%dma_start3A_65 : memref<4x640xf32, #tpu.memory_space<hbm>>) target(%arg20 : memref<4x640xf32, #tpu.memory_space<vmem>>) target_semaphore(%run_scoped3A : memref<!tpu.dma_semaphore, #tpu.memory_space<semaphore_mem>>)
        %dma_wait3A = arith.constant 0 : i32
        %dma_wait3A_66 = tpu.memref_slice %arg5[%dma_wait3A, %mul3A_27] : memref<4x80000xf32, #tpu.memory_space<hbm>> -> memref<4x640xf32, #tpu.memory_space<hbm>>
        %dma_wait3A_67 = arith.constant 0 : i32
        %dma_wait3A_68 = tpu.memref_slice %arg5[%dma_wait3A_67, %mul3A_27] : memref<4x80000xf32, #tpu.memory_space<hbm>> -> memref<4x640xf32, #tpu.memory_space<hbm>>
        tpu.wait_dma2 semaphore(%run_scoped3A : memref<!tpu.dma_semaphore, #tpu.memory_space<semaphore_mem>>) src(%dma_wait3A_68 : memref<4x640xf32, #tpu.memory_space<hbm>>) dst(%arg20 : memref<4x640xf32, #tpu.memory_space<vmem>>)
        tpu.yield
      }) : () -> ()
      %scan3A_57 = arith.constant 0 : i32
      %scan3A_58 = arith.constant 0 : i32
      %scan3A_59 = arith.constant 40 : i32
      %scan3A_60 = arith.addi %scan3A_58, %scan3A_59 : i32
      %scan3A_61 = arith.constant 1 : i32
      scf.for %scan3A_63 = %scan3A_58 to %scan3A_60 step %scan3A_61  : i32 {
        %mul3A_64 = arith.constant 16 : i32
        %mul3A_65 = arith.muli %scan3A_63, %mul3A_64 : i32
        %get3A = arith.constant 0 : i32
        %get3A_66 = arith.index_cast %get3A : i32 to index
        %get3A_67 = arith.index_cast %mul3A_65 : i32 to index
        %get3A_68 = tpu.vector_load %arg20[%get3A_66, %get3A_67] {strides = array<i32>} : memref<4x640xf32, #tpu.memory_space<vmem>>, vector<1x16xf32>,
        %get3A_69 = vector.shape_cast %get3A_68 : vector<1x16xf32> to vector<16xf32>
        %get3A_70 = arith.constant 1 : i32
        %get3A_71 = arith.index_cast %get3A_70 : i32 to index
        %get3A_72 = arith.index_cast %mul3A_65 : i32 to index
        %get3A_73 = tpu.vector_load %arg20[%get3A_71, %get3A_72] {strides = array<i32>} : memref<4x640xf32, #tpu.memory_space<vmem>>, vector<1x16xf32>,
        %get3A_74 = vector.shape_cast %get3A_73 : vector<1x16xf32> to vector<16xf32>
        %get3A_75 = arith.constant 2 : i32
        %get3A_76 = arith.index_cast %get3A_75 : i32 to index
        %get3A_77 = arith.index_cast %mul3A_65 : i32 to index
        %get3A_78 = tpu.vector_load %arg20[%get3A_76, %get3A_77] {strides = array<i32>} : memref<4x640xf32, #tpu.memory_space<vmem>>, vector<1x16xf32>,
        %get3A_79 = vector.shape_cast %get3A_78 : vector<1x16xf32> to vector<16xf32>
        %mul3A_80 = arith.constant 5.000000e-01 : f32
        %mul3A_81 = vector.broadcast %mul3A_80 : f32 to vector<16xf32>
        %mul3A_82 = arith.mulf %get3A_79, %mul3A_81 : vector<16xf32>
        %get3A_83 = arith.constant 3 : i32
        %get3A_84 = arith.index_cast %get3A_83 : i32 to index
        %get3A_85 = arith.index_cast %mul3A_65 : i32 to index
        %get3A_86 = tpu.vector_load %arg20[%get3A_84, %get3A_85] {strides = array<i32>} : memref<4x640xf32, #tpu.memory_space<vmem>>, vector<1x16xf32>,
        %get3A_87 = vector.shape_cast %get3A_86 : vector<1x16xf32> to vector<16xf32>
        %mul3A_88 = arith.constant 5.000000e-01 : f32
        %mul3A_89 = vector.broadcast %mul3A_88 : f32 to vector<16xf32>
        %mul3A_90 = arith.mulf %get3A_87, %mul3A_89 : vector<16xf32>
        %get3A_91 = arith.index_cast %mul3A_65 : i32 to index
        %get3A_92 = tpu.vector_load %arg18[%get3A_91] {strides = array<i32>} : memref<640xf32, #tpu.memory_space<vmem>>, vector<16xf32>,
        %get3A_93 = vector.shape_cast %get3A_92 : vector<16xf32> to vector<16xf32>
        %get3A_94 = arith.index_cast %mul3A_65 : i32 to index
        %get3A_95 = tpu.vector_load %arg19[%get3A_94] {strides = array<i32>} : memref<640xf32, #tpu.memory_space<vmem>>, vector<16xf32>,
        %get3A_96 = vector.shape_cast %get3A_95 : vector<16xf32> to vector<16xf32>
        %sub3A = arith.subf %get3A_69, %mul3A_82 : vector<16xf32>
        %mul3A_97 = arith.mulf %sub3A, %get3A_93 : vector<16xf32>
        %swap3A = arith.constant 0 : i32
        %swap3A_98 = arith.index_cast %swap3A : i32 to index
        %swap3A_99 = arith.index_cast %mul3A_65 : i32 to index
        %swap3A_100 = tpu.vector_load %arg20[%swap3A_98, %swap3A_99] {strides = array<i32>} : memref<4x640xf32, #tpu.memory_space<vmem>>, vector<1x16xf32>,
        %swap3A_101 = vector.shape_cast %swap3A_100 : vector<1x16xf32> to vector<16xf32>
        %swap3A_102 = vector.shape_cast %mul3A_97 : vector<16xf32> to vector<1x16xf32>
        tpu.vector_store %arg20[%swap3A_98, %swap3A_99], %swap3A_102 {strides = array<i32>} : memref<4x640xf32, #tpu.memory_space<vmem>>, vector<1x16xf32>,
        %sub3A_103 = arith.subf %get3A_74, %mul3A_90 : vector<16xf32>
        %mul3A_104 = arith.mulf %sub3A_103, %get3A_96 : vector<16xf32>
        %swap3A_105 = arith.constant 1 : i32
        %swap3A_106 = arith.index_cast %swap3A_105 : i32 to index
        %swap3A_107 = arith.index_cast %mul3A_65 : i32 to index
        %swap3A_108 = tpu.vector_load %arg20[%swap3A_106, %swap3A_107] {strides = array<i32>} : memref<4x640xf32, #tpu.memory_space<vmem>>, vector<1x16xf32>,
        %swap3A_109 = vector.shape_cast %swap3A_108 : vector<1x16xf32> to vector<16xf32>
        %swap3A_110 = vector.shape_cast %mul3A_104 : vector<16xf32> to vector<1x16xf32>
        tpu.vector_store %arg20[%swap3A_106, %swap3A_107], %swap3A_110 {strides = array<i32>} : memref<4x640xf32, #tpu.memory_space<vmem>>, vector<1x16xf32>,
        %add3A_111 = arith.addf %get3A_69, %mul3A_82 : vector<16xf32>
        %mul3A_112 = arith.mulf %add3A_111, %get3A_93 : vector<16xf32>
        %swap3A_113 = arith.constant 2 : i32
        %swap3A_114 = arith.index_cast %swap3A_113 : i32 to index
        %swap3A_115 = arith.index_cast %mul3A_65 : i32 to index
        %swap3A_116 = tpu.vector_load %arg20[%swap3A_114, %swap3A_115] {strides = array<i32>} : memref<4x640xf32, #tpu.memory_space<vmem>>, vector<1x16xf32>,
        %swap3A_117 = vector.shape_cast %swap3A_116 : vector<1x16xf32> to vector<16xf32>
        %swap3A_118 = vector.shape_cast %mul3A_112 : vector<16xf32> to vector<1x16xf32>
        tpu.vector_store %arg20[%swap3A_114, %swap3A_115], %swap3A_118 {strides = array<i32>} : memref<4x640xf32, #tpu.memory_space<vmem>>, vector<1x16xf32>,
        %add3A_119 = arith.addf %get3A_74, %mul3A_90 : vector<16xf32>
        %mul3A_120 = arith.mulf %add3A_119, %get3A_96 : vector<16xf32>
        %swap3A_121 = arith.constant 3 : i32
        %swap3A_122 = arith.index_cast %swap3A_121 : i32 to index
        %swap3A_123 = arith.index_cast %mul3A_65 : i32 to index
        %swap3A_124 = tpu.vector_load %arg20[%swap3A_122, %swap3A_123] {strides = array<i32>} : memref<4x640xf32, #tpu.memory_space<vmem>>, vector<1x16xf32>,
        %swap3A_125 = vector.shape_cast %swap3A_124 : vector<1x16xf32> to vector<16xf32>
        %swap3A_126 = vector.shape_cast %mul3A_120 : vector<16xf32> to vector<1x16xf32>
        tpu.vector_store %arg20[%swap3A_122, %swap3A_123], %swap3A_126 {strides = array<i32>} : memref<4x640xf32, #tpu.memory_space<vmem>>, vector<1x16xf32>,
      }
      %scan3A_62 = arith.constant 40 : i32
      "tpu.region"() ({
        %run_scoped3A = tpu.sem_alloc : memref<!tpu.dma_semaphore, #tpu.memory_space<semaphore_mem>>
        %dma_start3A = arith.constant 0 : i32
        %dma_start3A_63 = tpu.memref_slice %arg12[%dma_start3A, %mul3A_27] : memref<4x80000xf32, #tpu.memory_space<hbm>> -> memref<4x640xf32, #tpu.memory_space<hbm>>
        %dma_start3A_64 = arith.constant 0 : i32
        %dma_start3A_65 = tpu.memref_slice %arg12[%dma_start3A_64, %mul3A_27] : memref<4x80000xf32, #tpu.memory_space<hbm>> -> memref<4x640xf32, #tpu.memory_space<hbm>>
        tpu.enqueue_dma source(%arg20 : memref<4x640xf32, #tpu.memory_space<vmem>>) target(%dma_start3A_65 : memref<4x640xf32, #tpu.memory_space<hbm>>) target_semaphore(%run_scoped3A : memref<!tpu.dma_semaphore, #tpu.memory_space<semaphore_mem>>)
        %dma_wait3A = arith.constant 0 : i32
        %dma_wait3A_66 = tpu.memref_slice %arg12[%dma_wait3A, %mul3A_27] : memref<4x80000xf32, #tpu.memory_space<hbm>> -> memref<4x640xf32, #tpu.memory_space<hbm>>
        %dma_wait3A_67 = arith.constant 0 : i32
        %dma_wait3A_68 = tpu.memref_slice %arg12[%dma_wait3A_67, %mul3A_27] : memref<4x80000xf32, #tpu.memory_space<hbm>> -> memref<4x640xf32, #tpu.memory_space<hbm>>
        tpu.wait_dma2 semaphore(%run_scoped3A : memref<!tpu.dma_semaphore, #tpu.memory_space<semaphore_mem>>) src(%arg20 : memref<4x640xf32, #tpu.memory_space<vmem>>) dst(%dma_wait3A_68 : memref<4x640xf32, #tpu.memory_space<hbm>>)
        tpu.yield
      }) : () -> ()
    } else {
    }
    %add3A_19 = arith.constant 96 : i32
    %add3A_20 = arith.addi %add3A_19, %add3A : i32
    %lt3A_21 = arith.constant 125 : i32
    %lt3A_22 = arith.cmpi slt, %add3A_20, %lt3A_21 : i32
    %convert_element_type3A_23 = arith.extui %lt3A_22 : i1 to i32
    %cond3A_24 = arith.constant 0 : i32
    %cond3A_25 = arith.cmpi ne, %convert_element_type3A_23, %cond3A_24 : i32
    scf.if %cond3A_25 {
      %mul3A_26 = arith.constant 640 : i32
      %mul3A_27 = arith.muli %add3A_20, %mul3A_26 : i32
      "tpu.region"() ({
        %run_scoped3A = tpu.sem_alloc : memref<!tpu.dma_semaphore, #tpu.memory_space<semaphore_mem>>
        %dma_start3A = arith.constant 0 : i32
        %dma_start3A_63 = tpu.memref_slice %arg2[%dma_start3A, %mul3A_27] : memref<81x80000xf32, #tpu.memory_space<hbm>> -> memref<81x640xf32, #tpu.memory_space<hbm>>
        %dma_start3A_64 = arith.constant 0 : i32
        %dma_start3A_65 = tpu.memref_slice %arg2[%dma_start3A_64, %mul3A_27] : memref<81x80000xf32, #tpu.memory_space<hbm>> -> memref<81x640xf32, #tpu.memory_space<hbm>>
        tpu.enqueue_dma source(%dma_start3A_65 : memref<81x640xf32, #tpu.memory_space<hbm>>) target(%arg13 : memref<81x640xf32, #tpu.memory_space<vmem>>) target_semaphore(%run_scoped3A : memref<!tpu.dma_semaphore, #tpu.memory_space<semaphore_mem>>)
        %dma_wait3A = arith.constant 0 : i32
        %dma_wait3A_66 = tpu.memref_slice %arg2[%dma_wait3A, %mul3A_27] : memref<81x80000xf32, #tpu.memory_space<hbm>> -> memref<81x640xf32, #tpu.memory_space<hbm>>
        %dma_wait3A_67 = arith.constant 0 : i32
        %dma_wait3A_68 = tpu.memref_slice %arg2[%dma_wait3A_67, %mul3A_27] : memref<81x80000xf32, #tpu.memory_space<hbm>> -> memref<81x640xf32, #tpu.memory_space<hbm>>
        tpu.wait_dma2 semaphore(%run_scoped3A : memref<!tpu.dma_semaphore, #tpu.memory_space<semaphore_mem>>) src(%dma_wait3A_68 : memref<81x640xf32, #tpu.memory_space<hbm>>) dst(%arg13 : memref<81x640xf32, #tpu.memory_space<vmem>>)
        tpu.yield
      }) : () -> ()
      %scan3A = arith.constant 0 : i32
      %scan3A_28 = arith.constant 0 : i32
      %scan3A_29 = arith.constant 40 : i32
      %scan3A_30 = arith.addi %scan3A_28, %scan3A_29 : i32
      %scan3A_31 = arith.constant 1 : i32
      scf.for %scan3A_63 = %scan3A_28 to %scan3A_30 step %scan3A_31  : i32 {
        %mul3A_64 = arith.constant 16 : i32
        %mul3A_65 = arith.muli %scan3A_63, %mul3A_64 : i32
        %broadcast_in_dim3A = arith.constant 0.000000e+00 : f32
        %broadcast_in_dim3A_66 = vector.broadcast %broadcast_in_dim3A : f32 to vector<16xf32>
        %add3A_67 = arith.constant -1.000000e+30 : f32
        %add3A_68 = vector.broadcast %add3A_67 : f32 to vector<16xf32>
        %add3A_69 = arith.addf %broadcast_in_dim3A_66, %add3A_68 : vector<16xf32>
        %broadcast_in_dim3A_70 = arith.constant 0 : i32
        %broadcast_in_dim3A_71 = vector.broadcast %broadcast_in_dim3A_70 : i32 to vector<16xi32>
        %add3A_72 = arith.constant 0 : i32
        %add3A_73 = vector.broadcast %add3A_72 : i32 to vector<16xi32>
        %add3A_74 = arith.addi %broadcast_in_dim3A_71, %add3A_73 : vector<16xi32>
        %scan3A_75 = arith.constant 0 : i32
        %scan3A_76 = arith.constant 80 : i32
        %scan3A_77 = arith.addi %scan3A_75, %scan3A_76 : i32
        %scan3A_78 = arith.constant 1 : i32
        %scan3A_79:2 = scf.for %scan3A_101 = %scan3A_75 to %scan3A_77 step %scan3A_78 iter_args(%scan3A_102 = %add3A_69, %scan3A_103 = %add3A_74) -> (vector<16xf32>, vector<16xi32>)  : i32 {
          %get3A = arith.index_cast %scan3A_101 : i32 to index
          %get3A_104 = arith.index_cast %mul3A_65 : i32 to index
          %get3A_105 = tpu.vector_load %arg13[%get3A, %get3A_104] {strides = array<i32>} : memref<81x640xf32, #tpu.memory_space<vmem>>, vector<1x16xf32>,
          %get3A_106 = vector.shape_cast %get3A_105 : vector<1x16xf32> to vector<16xf32>
          %gt3A = arith.cmpf ogt, %get3A_106, %scan3A_102 : vector<16xf32>
          %select_n3A = arith.select %gt3A, %get3A_106, %scan3A_102 : vector<16xi1>, vector<16xf32>
          %broadcast_in_dim3A_107 = arith.constant 0 : i32
          %broadcast_in_dim3A_108 = vector.broadcast %broadcast_in_dim3A_107 : i32 to vector<16xi32>
          %add3A_109 = vector.broadcast %scan3A_101 : i32 to vector<16xi32>
          %add3A_110 = arith.addi %broadcast_in_dim3A_108, %add3A_109 : vector<16xi32>
          %select_n3A_111 = arith.select %gt3A, %add3A_110, %scan3A_103 : vector<16xi1>, vector<16xi32>
          scf.yield %select_n3A, %select_n3A_111 : vector<16xf32>, vector<16xi32>
        }
        %scan3A_80 = arith.constant 80 : i32
        %broadcast_in_dim3A_81 = arith.constant 0.000000e+00 : f32
        %broadcast_in_dim3A_82 = vector.broadcast %broadcast_in_dim3A_81 : f32 to vector<16xf32>
        %add3A_83 = arith.constant 0.000000e+00 : f32
        %add3A_84 = vector.broadcast %add3A_83 : f32 to vector<16xf32>
        %add3A_85 = arith.addf %broadcast_in_dim3A_82, %add3A_84 : vector<16xf32>
        %scan3A_86 = arith.constant 0 : i32
        %scan3A_87 = arith.constant 81 : i32
        %scan3A_88 = arith.addi %scan3A_86, %scan3A_87 : i32
        %scan3A_89 = arith.constant 1 : i32
        %scan3A_90 = scf.for %scan3A_101 = %scan3A_86 to %scan3A_88 step %scan3A_89 iter_args(%scan3A_102 = %add3A_85) -> (vector<16xf32>)  : i32 {
          %get3A = arith.index_cast %scan3A_101 : i32 to index
          %get3A_103 = arith.index_cast %mul3A_65 : i32 to index
          %get3A_104 = tpu.vector_load %arg13[%get3A, %get3A_103] {strides = array<i32>} : memref<81x640xf32, #tpu.memory_space<vmem>>, vector<1x16xf32>,
          %get3A_105 = vector.shape_cast %get3A_104 : vector<1x16xf32> to vector<16xf32>
          %sub3A = arith.subf %get3A_105, %scan3A_79#0 : vector<16xf32>
          %exp3A = math.exp %sub3A : vector<16xf32>
          %add3A_106 = arith.addf %scan3A_102, %exp3A : vector<16xf32>
          scf.yield %add3A_106 : vector<16xf32>
        }
        %scan3A_91 = arith.constant 81 : i32
        %div3A = arith.constant 1.000000e+00 : f32
        %div3A_92 = vector.broadcast %div3A : f32 to vector<16xf32>
        %div3A_93 = arith.divf %div3A_92, %scan3A_90 : vector<16xf32>
        %swap3A = arith.index_cast %mul3A_65 : i32 to index
        %swap3A_94 = tpu.vector_load %arg16[%swap3A] {strides = array<i32>} : memref<640xf32, #tpu.memory_space<vmem>>, vector<16xf32>,
        %swap3A_95 = vector.shape_cast %swap3A_94 : vector<16xf32> to vector<16xf32>
        %swap3A_96 = vector.shape_cast %div3A_93 : vector<16xf32> to vector<16xf32>
        tpu.vector_store %arg16[%swap3A], %swap3A_96 {strides = array<i32>} : memref<640xf32, #tpu.memory_space<vmem>>, vector<16xf32>,
        %swap3A_97 = arith.index_cast %mul3A_65 : i32 to index
        %swap3A_98 = tpu.vector_load %arg17[%swap3A_97] {strides = array<i32>} : memref<640xi32, #tpu.memory_space<vmem>>, vector<16xi32>,
        %swap3A_99 = vector.shape_cast %swap3A_98 : vector<16xi32> to vector<16xi32>
        %swap3A_100 = vector.shape_cast %scan3A_79#1 : vector<16xi32> to vector<16xi32>
        tpu.vector_store %arg17[%swap3A_97], %swap3A_100 {strides = array<i32>} : memref<640xi32, #tpu.memory_space<vmem>>, vector<16xi32>,
      }
      %scan3A_32 = arith.constant 40 : i32
      "tpu.region"() ({
        %run_scoped3A = tpu.sem_alloc : memref<!tpu.dma_semaphore, #tpu.memory_space<semaphore_mem>>
        %dma_start3A = tpu.memref_slice %arg10[%mul3A_27] : memref<80000xf32, #tpu.memory_space<hbm>> -> memref<640xf32, #tpu.memory_space<hbm>>
        %dma_start3A_63 = tpu.memref_slice %arg10[%mul3A_27] : memref<80000xf32, #tpu.memory_space<hbm>> -> memref<640xf32, #tpu.memory_space<hbm>>
        tpu.enqueue_dma source(%arg16 : memref<640xf32, #tpu.memory_space<vmem>>) target(%dma_start3A_63 : memref<640xf32, #tpu.memory_space<hbm>>) target_semaphore(%run_scoped3A : memref<!tpu.dma_semaphore, #tpu.memory_space<semaphore_mem>>)
        %dma_wait3A = tpu.memref_slice %arg10[%mul3A_27] : memref<80000xf32, #tpu.memory_space<hbm>> -> memref<640xf32, #tpu.memory_space<hbm>>
        %dma_wait3A_64 = tpu.memref_slice %arg10[%mul3A_27] : memref<80000xf32, #tpu.memory_space<hbm>> -> memref<640xf32, #tpu.memory_space<hbm>>
        tpu.wait_dma2 semaphore(%run_scoped3A : memref<!tpu.dma_semaphore, #tpu.memory_space<semaphore_mem>>) src(%arg16 : memref<640xf32, #tpu.memory_space<vmem>>) dst(%dma_wait3A_64 : memref<640xf32, #tpu.memory_space<hbm>>)
        tpu.yield
      }) : () -> ()
      "tpu.region"() ({
        %run_scoped3A = tpu.sem_alloc : memref<!tpu.dma_semaphore, #tpu.memory_space<semaphore_mem>>
        %dma_start3A = tpu.memref_slice %arg9[%mul3A_27] : memref<80000xi32, #tpu.memory_space<hbm>> -> memref<640xi32, #tpu.memory_space<hbm>>
        %dma_start3A_63 = tpu.memref_slice %arg9[%mul3A_27] : memref<80000xi32, #tpu.memory_space<hbm>> -> memref<640xi32, #tpu.memory_space<hbm>>
        tpu.enqueue_dma source(%arg17 : memref<640xi32, #tpu.memory_space<vmem>>) target(%dma_start3A_63 : memref<640xi32, #tpu.memory_space<hbm>>) target_semaphore(%run_scoped3A : memref<!tpu.dma_semaphore, #tpu.memory_space<semaphore_mem>>)
        %dma_wait3A = tpu.memref_slice %arg9[%mul3A_27] : memref<80000xi32, #tpu.memory_space<hbm>> -> memref<640xi32, #tpu.memory_space<hbm>>
        %dma_wait3A_64 = tpu.memref_slice %arg9[%mul3A_27] : memref<80000xi32, #tpu.memory_space<hbm>> -> memref<640xi32, #tpu.memory_space<hbm>>
        tpu.wait_dma2 semaphore(%run_scoped3A : memref<!tpu.dma_semaphore, #tpu.memory_space<semaphore_mem>>) src(%arg17 : memref<640xi32, #tpu.memory_space<vmem>>) dst(%dma_wait3A_64 : memref<640xi32, #tpu.memory_space<hbm>>)
        tpu.yield
      }) : () -> ()
      "tpu.region"() ({
        %run_scoped3A = tpu.sem_alloc : memref<!tpu.dma_semaphore, #tpu.memory_space<semaphore_mem>>
        %dma_start3A = arith.constant 0 : i32
        %dma_start3A_63 = tpu.memref_slice %arg3[%dma_start3A, %mul3A_27] : memref<117x80000xf32, #tpu.memory_space<hbm>> -> memref<48x640xf32, #tpu.memory_space<hbm>>
        %dma_start3A_64 = arith.constant 0 : i32
        %dma_start3A_65 = tpu.memref_slice %arg3[%dma_start3A_64, %mul3A_27] : memref<117x80000xf32, #tpu.memory_space<hbm>> -> memref<48x640xf32, #tpu.memory_space<hbm>>
        tpu.enqueue_dma source(%dma_start3A_65 : memref<48x640xf32, #tpu.memory_space<hbm>>) target(%arg14 : memref<48x640xf32, #tpu.memory_space<vmem>>) target_semaphore(%run_scoped3A : memref<!tpu.dma_semaphore, #tpu.memory_space<semaphore_mem>>)
        %dma_wait3A = arith.constant 0 : i32
        %dma_wait3A_66 = tpu.memref_slice %arg3[%dma_wait3A, %mul3A_27] : memref<117x80000xf32, #tpu.memory_space<hbm>> -> memref<48x640xf32, #tpu.memory_space<hbm>>
        %dma_wait3A_67 = arith.constant 0 : i32
        %dma_wait3A_68 = tpu.memref_slice %arg3[%dma_wait3A_67, %mul3A_27] : memref<117x80000xf32, #tpu.memory_space<hbm>> -> memref<48x640xf32, #tpu.memory_space<hbm>>
        tpu.wait_dma2 semaphore(%run_scoped3A : memref<!tpu.dma_semaphore, #tpu.memory_space<semaphore_mem>>) src(%dma_wait3A_68 : memref<48x640xf32, #tpu.memory_space<hbm>>) dst(%arg14 : memref<48x640xf32, #tpu.memory_space<vmem>>)
        tpu.yield
      }) : () -> ()
      %scan3A_33 = arith.constant 0 : i32
      %scan3A_34 = arith.constant 0 : i32
      %scan3A_35 = arith.constant 40 : i32
      %scan3A_36 = arith.addi %scan3A_34, %scan3A_35 : i32
      %scan3A_37 = arith.constant 1 : i32
      scf.for %scan3A_63 = %scan3A_34 to %scan3A_36 step %scan3A_37  : i32 {
        %mul3A_64 = arith.constant 16 : i32
        %mul3A_65 = arith.muli %scan3A_63, %mul3A_64 : i32
        %get3A = arith.index_cast %mul3A_65 : i32 to index
        %get3A_66 = tpu.vector_load %arg16[%get3A] {strides = array<i32>} : memref<640xf32, #tpu.memory_space<vmem>>, vector<16xf32>,
        %get3A_67 = vector.shape_cast %get3A_66 : vector<16xf32> to vector<16xf32>
        %scan3A_68 = arith.constant 0 : i32
        %scan3A_69 = arith.constant 0 : i32
        %scan3A_70 = arith.constant 48 : i32
        %scan3A_71 = arith.addi %scan3A_69, %scan3A_70 : i32
        %scan3A_72 = arith.constant 1 : i32
        scf.for %scan3A_74 = %scan3A_69 to %scan3A_71 step %scan3A_72  : i32 {
          %get3A_75 = arith.index_cast %scan3A_74 : i32 to index
          %get3A_76 = arith.index_cast %mul3A_65 : i32 to index
          %get3A_77 = tpu.vector_load %arg14[%get3A_75, %get3A_76] {strides = array<i32>} : memref<48x640xf32, #tpu.memory_space<vmem>>, vector<1x16xf32>,
          %get3A_78 = vector.shape_cast %get3A_77 : vector<1x16xf32> to vector<16xf32>
          %neg3A = arith.constant 0.000000e+00 : f32
          %neg3A_79 = vector.broadcast %neg3A : f32 to vector<16xf32>
          %neg3A_80 = arith.subf %neg3A_79, %get3A_78 : vector<16xf32>
          %exp3A = math.exp %neg3A_80 : vector<16xf32>
          %add3A_81 = arith.constant 1.000000e+00 : f32
          %add3A_82 = vector.broadcast %add3A_81 : f32 to vector<16xf32>
          %add3A_83 = arith.addf %add3A_82, %exp3A : vector<16xf32>
          %div3A = arith.divf %get3A_67, %add3A_83 : vector<16xf32>
          %swap3A = arith.index_cast %scan3A_74 : i32 to index
          %swap3A_84 = arith.index_cast %mul3A_65 : i32 to index
          %swap3A_85 = tpu.vector_load %arg14[%swap3A, %swap3A_84] {strides = array<i32>} : memref<48x640xf32, #tpu.memory_space<vmem>>, vector<1x16xf32>,
          %swap3A_86 = vector.shape_cast %swap3A_85 : vector<1x16xf32> to vector<16xf32>
          %swap3A_87 = vector.shape_cast %div3A : vector<16xf32> to vector<1x16xf32>
          tpu.vector_store %arg14[%swap3A, %swap3A_84], %swap3A_87 {strides = array<i32>} : memref<48x640xf32, #tpu.memory_space<vmem>>, vector<1x16xf32>,
        }
        %scan3A_73 = arith.constant 48 : i32
      }
      %scan3A_38 = arith.constant 40 : i32
      "tpu.region"() ({
        %run_scoped3A = tpu.sem_alloc : memref<!tpu.dma_semaphore, #tpu.memory_space<semaphore_mem>>
        %dma_start3A = arith.constant 0 : i32
        %dma_start3A_63 = tpu.memref_slice %arg8[%dma_start3A, %mul3A_27] : memref<117x80000xf32, #tpu.memory_space<hbm>> -> memref<48x640xf32, #tpu.memory_space<hbm>>
        %dma_start3A_64 = arith.constant 0 : i32
        %dma_start3A_65 = tpu.memref_slice %arg8[%dma_start3A_64, %mul3A_27] : memref<117x80000xf32, #tpu.memory_space<hbm>> -> memref<48x640xf32, #tpu.memory_space<hbm>>
        tpu.enqueue_dma source(%arg14 : memref<48x640xf32, #tpu.memory_space<vmem>>) target(%dma_start3A_65 : memref<48x640xf32, #tpu.memory_space<hbm>>) target_semaphore(%run_scoped3A : memref<!tpu.dma_semaphore, #tpu.memory_space<semaphore_mem>>)
        %dma_wait3A = arith.constant 0 : i32
        %dma_wait3A_66 = tpu.memref_slice %arg8[%dma_wait3A, %mul3A_27] : memref<117x80000xf32, #tpu.memory_space<hbm>> -> memref<48x640xf32, #tpu.memory_space<hbm>>
        %dma_wait3A_67 = arith.constant 0 : i32
        %dma_wait3A_68 = tpu.memref_slice %arg8[%dma_wait3A_67, %mul3A_27] : memref<117x80000xf32, #tpu.memory_space<hbm>> -> memref<48x640xf32, #tpu.memory_space<hbm>>
        tpu.wait_dma2 semaphore(%run_scoped3A : memref<!tpu.dma_semaphore, #tpu.memory_space<semaphore_mem>>) src(%arg14 : memref<48x640xf32, #tpu.memory_space<vmem>>) dst(%dma_wait3A_68 : memref<48x640xf32, #tpu.memory_space<hbm>>)
        tpu.yield
      }) : () -> ()
      "tpu.region"() ({
        %run_scoped3A = tpu.sem_alloc : memref<!tpu.dma_semaphore, #tpu.memory_space<semaphore_mem>>
        %dma_start3A = arith.constant 48 : i32
        %dma_start3A_63 = tpu.memref_slice %arg3[%dma_start3A, %mul3A_27] : memref<117x80000xf32, #tpu.memory_space<hbm>> -> memref<48x640xf32, #tpu.memory_space<hbm>>
        %dma_start3A_64 = arith.constant 48 : i32
        %dma_start3A_65 = tpu.memref_slice %arg3[%dma_start3A_64, %mul3A_27] : memref<117x80000xf32, #tpu.memory_space<hbm>> -> memref<48x640xf32, #tpu.memory_space<hbm>>
        tpu.enqueue_dma source(%dma_start3A_65 : memref<48x640xf32, #tpu.memory_space<hbm>>) target(%arg14 : memref<48x640xf32, #tpu.memory_space<vmem>>) target_semaphore(%run_scoped3A : memref<!tpu.dma_semaphore, #tpu.memory_space<semaphore_mem>>)
        %dma_wait3A = arith.constant 48 : i32
        %dma_wait3A_66 = tpu.memref_slice %arg3[%dma_wait3A, %mul3A_27] : memref<117x80000xf32, #tpu.memory_space<hbm>> -> memref<48x640xf32, #tpu.memory_space<hbm>>
        %dma_wait3A_67 = arith.constant 48 : i32
        %dma_wait3A_68 = tpu.memref_slice %arg3[%dma_wait3A_67, %mul3A_27] : memref<117x80000xf32, #tpu.memory_space<hbm>> -> memref<48x640xf32, #tpu.memory_space<hbm>>
        tpu.wait_dma2 semaphore(%run_scoped3A : memref<!tpu.dma_semaphore, #tpu.memory_space<semaphore_mem>>) src(%dma_wait3A_68 : memref<48x640xf32, #tpu.memory_space<hbm>>) dst(%arg14 : memref<48x640xf32, #tpu.memory_space<vmem>>)
        tpu.yield
      }) : () -> ()
      %scan3A_39 = arith.constant 0 : i32
      %scan3A_40 = arith.constant 0 : i32
      %scan3A_41 = arith.constant 40 : i32
      %scan3A_42 = arith.addi %scan3A_40, %scan3A_41 : i32
      %scan3A_43 = arith.constant 1 : i32
      scf.for %scan3A_63 = %scan3A_40 to %scan3A_42 step %scan3A_43  : i32 {
        %mul3A_64 = arith.constant 16 : i32
        %mul3A_65 = arith.muli %scan3A_63, %mul3A_64 : i32
        %get3A = arith.index_cast %mul3A_65 : i32 to index
        %get3A_66 = tpu.vector_load %arg16[%get3A] {strides = array<i32>} : memref<640xf32, #tpu.memory_space<vmem>>, vector<16xf32>,
        %get3A_67 = vector.shape_cast %get3A_66 : vector<16xf32> to vector<16xf32>
        %scan3A_68 = arith.constant 0 : i32
        %scan3A_69 = arith.constant 0 : i32
        %scan3A_70 = arith.constant 48 : i32
        %scan3A_71 = arith.addi %scan3A_69, %scan3A_70 : i32
        %scan3A_72 = arith.constant 1 : i32
        scf.for %scan3A_74 = %scan3A_69 to %scan3A_71 step %scan3A_72  : i32 {
          %get3A_75 = arith.index_cast %scan3A_74 : i32 to index
          %get3A_76 = arith.index_cast %mul3A_65 : i32 to index
          %get3A_77 = tpu.vector_load %arg14[%get3A_75, %get3A_76] {strides = array<i32>} : memref<48x640xf32, #tpu.memory_space<vmem>>, vector<1x16xf32>,
          %get3A_78 = vector.shape_cast %get3A_77 : vector<1x16xf32> to vector<16xf32>
          %neg3A = arith.constant 0.000000e+00 : f32
          %neg3A_79 = vector.broadcast %neg3A : f32 to vector<16xf32>
          %neg3A_80 = arith.subf %neg3A_79, %get3A_78 : vector<16xf32>
          %exp3A = math.exp %neg3A_80 : vector<16xf32>
          %add3A_81 = arith.constant 1.000000e+00 : f32
          %add3A_82 = vector.broadcast %add3A_81 : f32 to vector<16xf32>
          %add3A_83 = arith.addf %add3A_82, %exp3A : vector<16xf32>
          %div3A = arith.divf %get3A_67, %add3A_83 : vector<16xf32>
          %swap3A = arith.index_cast %scan3A_74 : i32 to index
          %swap3A_84 = arith.index_cast %mul3A_65 : i32 to index
          %swap3A_85 = tpu.vector_load %arg14[%swap3A, %swap3A_84] {strides = array<i32>} : memref<48x640xf32, #tpu.memory_space<vmem>>, vector<1x16xf32>,
          %swap3A_86 = vector.shape_cast %swap3A_85 : vector<1x16xf32> to vector<16xf32>
          %swap3A_87 = vector.shape_cast %div3A : vector<16xf32> to vector<1x16xf32>
          tpu.vector_store %arg14[%swap3A, %swap3A_84], %swap3A_87 {strides = array<i32>} : memref<48x640xf32, #tpu.memory_space<vmem>>, vector<1x16xf32>,
        }
        %scan3A_73 = arith.constant 48 : i32
      }
      %scan3A_44 = arith.constant 40 : i32
      "tpu.region"() ({
        %run_scoped3A = tpu.sem_alloc : memref<!tpu.dma_semaphore, #tpu.memory_space<semaphore_mem>>
        %dma_start3A = arith.constant 48 : i32
        %dma_start3A_63 = tpu.memref_slice %arg8[%dma_start3A, %mul3A_27] : memref<117x80000xf32, #tpu.memory_space<hbm>> -> memref<48x640xf32, #tpu.memory_space<hbm>>
        %dma_start3A_64 = arith.constant 48 : i32
        %dma_start3A_65 = tpu.memref_slice %arg8[%dma_start3A_64, %mul3A_27] : memref<117x80000xf32, #tpu.memory_space<hbm>> -> memref<48x640xf32, #tpu.memory_space<hbm>>
        tpu.enqueue_dma source(%arg14 : memref<48x640xf32, #tpu.memory_space<vmem>>) target(%dma_start3A_65 : memref<48x640xf32, #tpu.memory_space<hbm>>) target_semaphore(%run_scoped3A : memref<!tpu.dma_semaphore, #tpu.memory_space<semaphore_mem>>)
        %dma_wait3A = arith.constant 48 : i32
        %dma_wait3A_66 = tpu.memref_slice %arg8[%dma_wait3A, %mul3A_27] : memref<117x80000xf32, #tpu.memory_space<hbm>> -> memref<48x640xf32, #tpu.memory_space<hbm>>
        %dma_wait3A_67 = arith.constant 48 : i32
        %dma_wait3A_68 = tpu.memref_slice %arg8[%dma_wait3A_67, %mul3A_27] : memref<117x80000xf32, #tpu.memory_space<hbm>> -> memref<48x640xf32, #tpu.memory_space<hbm>>
        tpu.wait_dma2 semaphore(%run_scoped3A : memref<!tpu.dma_semaphore, #tpu.memory_space<semaphore_mem>>) src(%arg14 : memref<48x640xf32, #tpu.memory_space<vmem>>) dst(%dma_wait3A_68 : memref<48x640xf32, #tpu.memory_space<hbm>>)
        tpu.yield
      }) : () -> ()
      "tpu.region"() ({
        %run_scoped3A = tpu.sem_alloc : memref<!tpu.dma_semaphore, #tpu.memory_space<semaphore_mem>>
        %dma_start3A = arith.constant 96 : i32
        %dma_start3A_63 = tpu.memref_slice %arg3[%dma_start3A, %mul3A_27] : memref<117x80000xf32, #tpu.memory_space<hbm>> -> memref<21x640xf32, #tpu.memory_space<hbm>>
        %dma_start3A_64 = arith.constant 96 : i32
        %dma_start3A_65 = tpu.memref_slice %arg3[%dma_start3A_64, %mul3A_27] : memref<117x80000xf32, #tpu.memory_space<hbm>> -> memref<21x640xf32, #tpu.memory_space<hbm>>
        tpu.enqueue_dma source(%dma_start3A_65 : memref<21x640xf32, #tpu.memory_space<hbm>>) target(%arg15 : memref<21x640xf32, #tpu.memory_space<vmem>>) target_semaphore(%run_scoped3A : memref<!tpu.dma_semaphore, #tpu.memory_space<semaphore_mem>>)
        %dma_wait3A = arith.constant 96 : i32
        %dma_wait3A_66 = tpu.memref_slice %arg3[%dma_wait3A, %mul3A_27] : memref<117x80000xf32, #tpu.memory_space<hbm>> -> memref<21x640xf32, #tpu.memory_space<hbm>>
        %dma_wait3A_67 = arith.constant 96 : i32
        %dma_wait3A_68 = tpu.memref_slice %arg3[%dma_wait3A_67, %mul3A_27] : memref<117x80000xf32, #tpu.memory_space<hbm>> -> memref<21x640xf32, #tpu.memory_space<hbm>>
        tpu.wait_dma2 semaphore(%run_scoped3A : memref<!tpu.dma_semaphore, #tpu.memory_space<semaphore_mem>>) src(%dma_wait3A_68 : memref<21x640xf32, #tpu.memory_space<hbm>>) dst(%arg15 : memref<21x640xf32, #tpu.memory_space<vmem>>)
        tpu.yield
      }) : () -> ()
      %scan3A_45 = arith.constant 0 : i32
      %scan3A_46 = arith.constant 0 : i32
      %scan3A_47 = arith.constant 40 : i32
      %scan3A_48 = arith.addi %scan3A_46, %scan3A_47 : i32
      %scan3A_49 = arith.constant 1 : i32
      scf.for %scan3A_63 = %scan3A_46 to %scan3A_48 step %scan3A_49  : i32 {
        %mul3A_64 = arith.constant 16 : i32
        %mul3A_65 = arith.muli %scan3A_63, %mul3A_64 : i32
        %get3A = arith.index_cast %mul3A_65 : i32 to index
        %get3A_66 = tpu.vector_load %arg16[%get3A] {strides = array<i32>} : memref<640xf32, #tpu.memory_space<vmem>>, vector<16xf32>,
        %get3A_67 = vector.shape_cast %get3A_66 : vector<16xf32> to vector<16xf32>
        %scan3A_68 = arith.constant 0 : i32
        %scan3A_69 = arith.constant 0 : i32
        %scan3A_70 = arith.constant 21 : i32
        %scan3A_71 = arith.addi %scan3A_69, %scan3A_70 : i32
        %scan3A_72 = arith.constant 1 : i32
        scf.for %scan3A_74 = %scan3A_69 to %scan3A_71 step %scan3A_72  : i32 {
          %get3A_75 = arith.index_cast %scan3A_74 : i32 to index
          %get3A_76 = arith.index_cast %mul3A_65 : i32 to index
          %get3A_77 = tpu.vector_load %arg15[%get3A_75, %get3A_76] {strides = array<i32>} : memref<21x640xf32, #tpu.memory_space<vmem>>, vector<1x16xf32>,
          %get3A_78 = vector.shape_cast %get3A_77 : vector<1x16xf32> to vector<16xf32>
          %neg3A = arith.constant 0.000000e+00 : f32
          %neg3A_79 = vector.broadcast %neg3A : f32 to vector<16xf32>
          %neg3A_80 = arith.subf %neg3A_79, %get3A_78 : vector<16xf32>
          %exp3A = math.exp %neg3A_80 : vector<16xf32>
          %add3A_81 = arith.constant 1.000000e+00 : f32
          %add3A_82 = vector.broadcast %add3A_81 : f32 to vector<16xf32>
          %add3A_83 = arith.addf %add3A_82, %exp3A : vector<16xf32>
          %div3A = arith.divf %get3A_67, %add3A_83 : vector<16xf32>
          %swap3A = arith.index_cast %scan3A_74 : i32 to index
          %swap3A_84 = arith.index_cast %mul3A_65 : i32 to index
          %swap3A_85 = tpu.vector_load %arg15[%swap3A, %swap3A_84] {strides = array<i32>} : memref<21x640xf32, #tpu.memory_space<vmem>>, vector<1x16xf32>,
          %swap3A_86 = vector.shape_cast %swap3A_85 : vector<1x16xf32> to vector<16xf32>
          %swap3A_87 = vector.shape_cast %div3A : vector<16xf32> to vector<1x16xf32>
          tpu.vector_store %arg15[%swap3A, %swap3A_84], %swap3A_87 {strides = array<i32>} : memref<21x640xf32, #tpu.memory_space<vmem>>, vector<1x16xf32>,
        }
        %scan3A_73 = arith.constant 21 : i32
      }
      %scan3A_50 = arith.constant 40 : i32
      "tpu.region"() ({
        %run_scoped3A = tpu.sem_alloc : memref<!tpu.dma_semaphore, #tpu.memory_space<semaphore_mem>>
        %dma_start3A = arith.constant 96 : i32
        %dma_start3A_63 = tpu.memref_slice %arg8[%dma_start3A, %mul3A_27] : memref<117x80000xf32, #tpu.memory_space<hbm>> -> memref<21x640xf32, #tpu.memory_space<hbm>>
        %dma_start3A_64 = arith.constant 96 : i32
        %dma_start3A_65 = tpu.memref_slice %arg8[%dma_start3A_64, %mul3A_27] : memref<117x80000xf32, #tpu.memory_space<hbm>> -> memref<21x640xf32, #tpu.memory_space<hbm>>
        tpu.enqueue_dma source(%arg15 : memref<21x640xf32, #tpu.memory_space<vmem>>) target(%dma_start3A_65 : memref<21x640xf32, #tpu.memory_space<hbm>>) target_semaphore(%run_scoped3A : memref<!tpu.dma_semaphore, #tpu.memory_space<semaphore_mem>>)
        %dma_wait3A = arith.constant 96 : i32
        %dma_wait3A_66 = tpu.memref_slice %arg8[%dma_wait3A, %mul3A_27] : memref<117x80000xf32, #tpu.memory_space<hbm>> -> memref<21x640xf32, #tpu.memory_space<hbm>>
        %dma_wait3A_67 = arith.constant 96 : i32
        %dma_wait3A_68 = tpu.memref_slice %arg8[%dma_wait3A_67, %mul3A_27] : memref<117x80000xf32, #tpu.memory_space<hbm>> -> memref<21x640xf32, #tpu.memory_space<hbm>>
        tpu.wait_dma2 semaphore(%run_scoped3A : memref<!tpu.dma_semaphore, #tpu.memory_space<semaphore_mem>>) src(%arg15 : memref<21x640xf32, #tpu.memory_space<vmem>>) dst(%dma_wait3A_68 : memref<21x640xf32, #tpu.memory_space<hbm>>)
        tpu.yield
      }) : () -> ()
      "tpu.region"() ({
        %run_scoped3A = tpu.sem_alloc : memref<!tpu.dma_semaphore, #tpu.memory_space<semaphore_mem>>
        %dma_start3A = tpu.memref_slice %arg6[%mul3A_27] : memref<80000xf32, #tpu.memory_space<hbm>> -> memref<640xf32, #tpu.memory_space<hbm>>
        %dma_start3A_63 = tpu.memref_slice %arg6[%mul3A_27] : memref<80000xf32, #tpu.memory_space<hbm>> -> memref<640xf32, #tpu.memory_space<hbm>>
        tpu.enqueue_dma source(%dma_start3A_63 : memref<640xf32, #tpu.memory_space<hbm>>) target(%arg18 : memref<640xf32, #tpu.memory_space<vmem>>) target_semaphore(%run_scoped3A : memref<!tpu.dma_semaphore, #tpu.memory_space<semaphore_mem>>)
        %dma_wait3A = tpu.memref_slice %arg6[%mul3A_27] : memref<80000xf32, #tpu.memory_space<hbm>> -> memref<640xf32, #tpu.memory_space<hbm>>
        %dma_wait3A_64 = tpu.memref_slice %arg6[%mul3A_27] : memref<80000xf32, #tpu.memory_space<hbm>> -> memref<640xf32, #tpu.memory_space<hbm>>
        tpu.wait_dma2 semaphore(%run_scoped3A : memref<!tpu.dma_semaphore, #tpu.memory_space<semaphore_mem>>) src(%dma_wait3A_64 : memref<640xf32, #tpu.memory_space<hbm>>) dst(%arg18 : memref<640xf32, #tpu.memory_space<vmem>>)
        tpu.yield
      }) : () -> ()
      "tpu.region"() ({
        %run_scoped3A = tpu.sem_alloc : memref<!tpu.dma_semaphore, #tpu.memory_space<semaphore_mem>>
        %dma_start3A = tpu.memref_slice %arg7[%mul3A_27] : memref<80000xf32, #tpu.memory_space<hbm>> -> memref<640xf32, #tpu.memory_space<hbm>>
        %dma_start3A_63 = tpu.memref_slice %arg7[%mul3A_27] : memref<80000xf32, #tpu.memory_space<hbm>> -> memref<640xf32, #tpu.memory_space<hbm>>
        tpu.enqueue_dma source(%dma_start3A_63 : memref<640xf32, #tpu.memory_space<hbm>>) target(%arg19 : memref<640xf32, #tpu.memory_space<vmem>>) target_semaphore(%run_scoped3A : memref<!tpu.dma_semaphore, #tpu.memory_space<semaphore_mem>>)
        %dma_wait3A = tpu.memref_slice %arg7[%mul3A_27] : memref<80000xf32, #tpu.memory_space<hbm>> -> memref<640xf32, #tpu.memory_space<hbm>>
        %dma_wait3A_64 = tpu.memref_slice %arg7[%mul3A_27] : memref<80000xf32, #tpu.memory_space<hbm>> -> memref<640xf32, #tpu.memory_space<hbm>>
        tpu.wait_dma2 semaphore(%run_scoped3A : memref<!tpu.dma_semaphore, #tpu.memory_space<semaphore_mem>>) src(%dma_wait3A_64 : memref<640xf32, #tpu.memory_space<hbm>>) dst(%arg19 : memref<640xf32, #tpu.memory_space<vmem>>)
        tpu.yield
      }) : () -> ()
      "tpu.region"() ({
        %run_scoped3A = tpu.sem_alloc : memref<!tpu.dma_semaphore, #tpu.memory_space<semaphore_mem>>
        %dma_start3A = arith.constant 0 : i32
        %dma_start3A_63 = tpu.memref_slice %arg4[%dma_start3A, %mul3A_27] : memref<4x80000xf32, #tpu.memory_space<hbm>> -> memref<4x640xf32, #tpu.memory_space<hbm>>
        %dma_start3A_64 = arith.constant 0 : i32
        %dma_start3A_65 = tpu.memref_slice %arg4[%dma_start3A_64, %mul3A_27] : memref<4x80000xf32, #tpu.memory_space<hbm>> -> memref<4x640xf32, #tpu.memory_space<hbm>>
        tpu.enqueue_dma source(%dma_start3A_65 : memref<4x640xf32, #tpu.memory_space<hbm>>) target(%arg20 : memref<4x640xf32, #tpu.memory_space<vmem>>) target_semaphore(%run_scoped3A : memref<!tpu.dma_semaphore, #tpu.memory_space<semaphore_mem>>)
        %dma_wait3A = arith.constant 0 : i32
        %dma_wait3A_66 = tpu.memref_slice %arg4[%dma_wait3A, %mul3A_27] : memref<4x80000xf32, #tpu.memory_space<hbm>> -> memref<4x640xf32, #tpu.memory_space<hbm>>
        %dma_wait3A_67 = arith.constant 0 : i32
        %dma_wait3A_68 = tpu.memref_slice %arg4[%dma_wait3A_67, %mul3A_27] : memref<4x80000xf32, #tpu.memory_space<hbm>> -> memref<4x640xf32, #tpu.memory_space<hbm>>
        tpu.wait_dma2 semaphore(%run_scoped3A : memref<!tpu.dma_semaphore, #tpu.memory_space<semaphore_mem>>) src(%dma_wait3A_68 : memref<4x640xf32, #tpu.memory_space<hbm>>) dst(%arg20 : memref<4x640xf32, #tpu.memory_space<vmem>>)
        tpu.yield
      }) : () -> ()
      %scan3A_51 = arith.constant 0 : i32
      %scan3A_52 = arith.constant 0 : i32
      %scan3A_53 = arith.constant 40 : i32
      %scan3A_54 = arith.addi %scan3A_52, %scan3A_53 : i32
      %scan3A_55 = arith.constant 1 : i32
      scf.for %scan3A_63 = %scan3A_52 to %scan3A_54 step %scan3A_55  : i32 {
        %mul3A_64 = arith.constant 16 : i32
        %mul3A_65 = arith.muli %scan3A_63, %mul3A_64 : i32
        %get3A = arith.constant 0 : i32
        %get3A_66 = arith.index_cast %get3A : i32 to index
        %get3A_67 = arith.index_cast %mul3A_65 : i32 to index
        %get3A_68 = tpu.vector_load %arg20[%get3A_66, %get3A_67] {strides = array<i32>} : memref<4x640xf32, #tpu.memory_space<vmem>>, vector<1x16xf32>,
        %get3A_69 = vector.shape_cast %get3A_68 : vector<1x16xf32> to vector<16xf32>
        %get3A_70 = arith.constant 1 : i32
        %get3A_71 = arith.index_cast %get3A_70 : i32 to index
        %get3A_72 = arith.index_cast %mul3A_65 : i32 to index
        %get3A_73 = tpu.vector_load %arg20[%get3A_71, %get3A_72] {strides = array<i32>} : memref<4x640xf32, #tpu.memory_space<vmem>>, vector<1x16xf32>,
        %get3A_74 = vector.shape_cast %get3A_73 : vector<1x16xf32> to vector<16xf32>
        %get3A_75 = arith.constant 2 : i32
        %get3A_76 = arith.index_cast %get3A_75 : i32 to index
        %get3A_77 = arith.index_cast %mul3A_65 : i32 to index
        %get3A_78 = tpu.vector_load %arg20[%get3A_76, %get3A_77] {strides = array<i32>} : memref<4x640xf32, #tpu.memory_space<vmem>>, vector<1x16xf32>,
        %get3A_79 = vector.shape_cast %get3A_78 : vector<1x16xf32> to vector<16xf32>
        %mul3A_80 = arith.constant 5.000000e-01 : f32
        %mul3A_81 = vector.broadcast %mul3A_80 : f32 to vector<16xf32>
        %mul3A_82 = arith.mulf %get3A_79, %mul3A_81 : vector<16xf32>
        %get3A_83 = arith.constant 3 : i32
        %get3A_84 = arith.index_cast %get3A_83 : i32 to index
        %get3A_85 = arith.index_cast %mul3A_65 : i32 to index
        %get3A_86 = tpu.vector_load %arg20[%get3A_84, %get3A_85] {strides = array<i32>} : memref<4x640xf32, #tpu.memory_space<vmem>>, vector<1x16xf32>,
        %get3A_87 = vector.shape_cast %get3A_86 : vector<1x16xf32> to vector<16xf32>
        %mul3A_88 = arith.constant 5.000000e-01 : f32
        %mul3A_89 = vector.broadcast %mul3A_88 : f32 to vector<16xf32>
        %mul3A_90 = arith.mulf %get3A_87, %mul3A_89 : vector<16xf32>
        %get3A_91 = arith.index_cast %mul3A_65 : i32 to index
        %get3A_92 = tpu.vector_load %arg18[%get3A_91] {strides = array<i32>} : memref<640xf32, #tpu.memory_space<vmem>>, vector<16xf32>,
        %get3A_93 = vector.shape_cast %get3A_92 : vector<16xf32> to vector<16xf32>
        %get3A_94 = arith.index_cast %mul3A_65 : i32 to index
        %get3A_95 = tpu.vector_load %arg19[%get3A_94] {strides = array<i32>} : memref<640xf32, #tpu.memory_space<vmem>>, vector<16xf32>,
        %get3A_96 = vector.shape_cast %get3A_95 : vector<16xf32> to vector<16xf32>
        %sub3A = arith.subf %get3A_69, %mul3A_82 : vector<16xf32>
        %mul3A_97 = arith.mulf %sub3A, %get3A_93 : vector<16xf32>
        %swap3A = arith.constant 0 : i32
        %swap3A_98 = arith.index_cast %swap3A : i32 to index
        %swap3A_99 = arith.index_cast %mul3A_65 : i32 to index
        %swap3A_100 = tpu.vector_load %arg20[%swap3A_98, %swap3A_99] {strides = array<i32>} : memref<4x640xf32, #tpu.memory_space<vmem>>, vector<1x16xf32>,
        %swap3A_101 = vector.shape_cast %swap3A_100 : vector<1x16xf32> to vector<16xf32>
        %swap3A_102 = vector.shape_cast %mul3A_97 : vector<16xf32> to vector<1x16xf32>
        tpu.vector_store %arg20[%swap3A_98, %swap3A_99], %swap3A_102 {strides = array<i32>} : memref<4x640xf32, #tpu.memory_space<vmem>>, vector<1x16xf32>,
        %sub3A_103 = arith.subf %get3A_74, %mul3A_90 : vector<16xf32>
        %mul3A_104 = arith.mulf %sub3A_103, %get3A_96 : vector<16xf32>
        %swap3A_105 = arith.constant 1 : i32
        %swap3A_106 = arith.index_cast %swap3A_105 : i32 to index
        %swap3A_107 = arith.index_cast %mul3A_65 : i32 to index
        %swap3A_108 = tpu.vector_load %arg20[%swap3A_106, %swap3A_107] {strides = array<i32>} : memref<4x640xf32, #tpu.memory_space<vmem>>, vector<1x16xf32>,
        %swap3A_109 = vector.shape_cast %swap3A_108 : vector<1x16xf32> to vector<16xf32>
        %swap3A_110 = vector.shape_cast %mul3A_104 : vector<16xf32> to vector<1x16xf32>
        tpu.vector_store %arg20[%swap3A_106, %swap3A_107], %swap3A_110 {strides = array<i32>} : memref<4x640xf32, #tpu.memory_space<vmem>>, vector<1x16xf32>,
        %add3A_111 = arith.addf %get3A_69, %mul3A_82 : vector<16xf32>
        %mul3A_112 = arith.mulf %add3A_111, %get3A_93 : vector<16xf32>
        %swap3A_113 = arith.constant 2 : i32
        %swap3A_114 = arith.index_cast %swap3A_113 : i32 to index
        %swap3A_115 = arith.index_cast %mul3A_65 : i32 to index
        %swap3A_116 = tpu.vector_load %arg20[%swap3A_114, %swap3A_115] {strides = array<i32>} : memref<4x640xf32, #tpu.memory_space<vmem>>, vector<1x16xf32>,
        %swap3A_117 = vector.shape_cast %swap3A_116 : vector<1x16xf32> to vector<16xf32>
        %swap3A_118 = vector.shape_cast %mul3A_112 : vector<16xf32> to vector<1x16xf32>
        tpu.vector_store %arg20[%swap3A_114, %swap3A_115], %swap3A_118 {strides = array<i32>} : memref<4x640xf32, #tpu.memory_space<vmem>>, vector<1x16xf32>,
        %add3A_119 = arith.addf %get3A_74, %mul3A_90 : vector<16xf32>
        %mul3A_120 = arith.mulf %add3A_119, %get3A_96 : vector<16xf32>
        %swap3A_121 = arith.constant 3 : i32
        %swap3A_122 = arith.index_cast %swap3A_121 : i32 to index
        %swap3A_123 = arith.index_cast %mul3A_65 : i32 to index
        %swap3A_124 = tpu.vector_load %arg20[%swap3A_122, %swap3A_123] {strides = array<i32>} : memref<4x640xf32, #tpu.memory_space<vmem>>, vector<1x16xf32>,
        %swap3A_125 = vector.shape_cast %swap3A_124 : vector<1x16xf32> to vector<16xf32>
        %swap3A_126 = vector.shape_cast %mul3A_120 : vector<16xf32> to vector<1x16xf32>
        tpu.vector_store %arg20[%swap3A_122, %swap3A_123], %swap3A_126 {strides = array<i32>} : memref<4x640xf32, #tpu.memory_space<vmem>>, vector<1x16xf32>,
      }
      %scan3A_56 = arith.constant 40 : i32
      "tpu.region"() ({
        %run_scoped3A = tpu.sem_alloc : memref<!tpu.dma_semaphore, #tpu.memory_space<semaphore_mem>>
        %dma_start3A = arith.constant 0 : i32
        %dma_start3A_63 = tpu.memref_slice %arg11[%dma_start3A, %mul3A_27] : memref<4x80000xf32, #tpu.memory_space<hbm>> -> memref<4x640xf32, #tpu.memory_space<hbm>>
        %dma_start3A_64 = arith.constant 0 : i32
        %dma_start3A_65 = tpu.memref_slice %arg11[%dma_start3A_64, %mul3A_27] : memref<4x80000xf32, #tpu.memory_space<hbm>> -> memref<4x640xf32, #tpu.memory_space<hbm>>
        tpu.enqueue_dma source(%arg20 : memref<4x640xf32, #tpu.memory_space<vmem>>) target(%dma_start3A_65 : memref<4x640xf32, #tpu.memory_space<hbm>>) target_semaphore(%run_scoped3A : memref<!tpu.dma_semaphore, #tpu.memory_space<semaphore_mem>>)
        %dma_wait3A = arith.constant 0 : i32
        %dma_wait3A_66 = tpu.memref_slice %arg11[%dma_wait3A, %mul3A_27] : memref<4x80000xf32, #tpu.memory_space<hbm>> -> memref<4x640xf32, #tpu.memory_space<hbm>>
        %dma_wait3A_67 = arith.constant 0 : i32
        %dma_wait3A_68 = tpu.memref_slice %arg11[%dma_wait3A_67, %mul3A_27] : memref<4x80000xf32, #tpu.memory_space<hbm>> -> memref<4x640xf32, #tpu.memory_space<hbm>>
        tpu.wait_dma2 semaphore(%run_scoped3A : memref<!tpu.dma_semaphore, #tpu.memory_space<semaphore_mem>>) src(%arg20 : memref<4x640xf32, #tpu.memory_space<vmem>>) dst(%dma_wait3A_68 : memref<4x640xf32, #tpu.memory_space<hbm>>)
        tpu.yield
      }) : () -> ()
      "tpu.region"() ({
        %run_scoped3A = tpu.sem_alloc : memref<!tpu.dma_semaphore, #tpu.memory_space<semaphore_mem>>
        %dma_start3A = arith.constant 0 : i32
        %dma_start3A_63 = tpu.memref_slice %arg5[%dma_start3A, %mul3A_27] : memref<4x80000xf32, #tpu.memory_space<hbm>> -> memref<4x640xf32, #tpu.memory_space<hbm>>
        %dma_start3A_64 = arith.constant 0 : i32
        %dma_start3A_65 = tpu.memref_slice %arg5[%dma_start3A_64, %mul3A_27] : memref<4x80000xf32, #tpu.memory_space<hbm>> -> memref<4x640xf32, #tpu.memory_space<hbm>>
        tpu.enqueue_dma source(%dma_start3A_65 : memref<4x640xf32, #tpu.memory_space<hbm>>) target(%arg20 : memref<4x640xf32, #tpu.memory_space<vmem>>) target_semaphore(%run_scoped3A : memref<!tpu.dma_semaphore, #tpu.memory_space<semaphore_mem>>)
        %dma_wait3A = arith.constant 0 : i32
        %dma_wait3A_66 = tpu.memref_slice %arg5[%dma_wait3A, %mul3A_27] : memref<4x80000xf32, #tpu.memory_space<hbm>> -> memref<4x640xf32, #tpu.memory_space<hbm>>
        %dma_wait3A_67 = arith.constant 0 : i32
        %dma_wait3A_68 = tpu.memref_slice %arg5[%dma_wait3A_67, %mul3A_27] : memref<4x80000xf32, #tpu.memory_space<hbm>> -> memref<4x640xf32, #tpu.memory_space<hbm>>
        tpu.wait_dma2 semaphore(%run_scoped3A : memref<!tpu.dma_semaphore, #tpu.memory_space<semaphore_mem>>) src(%dma_wait3A_68 : memref<4x640xf32, #tpu.memory_space<hbm>>) dst(%arg20 : memref<4x640xf32, #tpu.memory_space<vmem>>)
        tpu.yield
      }) : () -> ()
      %scan3A_57 = arith.constant 0 : i32
      %scan3A_58 = arith.constant 0 : i32
      %scan3A_59 = arith.constant 40 : i32
      %scan3A_60 = arith.addi %scan3A_58, %scan3A_59 : i32
      %scan3A_61 = arith.constant 1 : i32
      scf.for %scan3A_63 = %scan3A_58 to %scan3A_60 step %scan3A_61  : i32 {
        %mul3A_64 = arith.constant 16 : i32
        %mul3A_65 = arith.muli %scan3A_63, %mul3A_64 : i32
        %get3A = arith.constant 0 : i32
        %get3A_66 = arith.index_cast %get3A : i32 to index
        %get3A_67 = arith.index_cast %mul3A_65 : i32 to index
        %get3A_68 = tpu.vector_load %arg20[%get3A_66, %get3A_67] {strides = array<i32>} : memref<4x640xf32, #tpu.memory_space<vmem>>, vector<1x16xf32>,
        %get3A_69 = vector.shape_cast %get3A_68 : vector<1x16xf32> to vector<16xf32>
        %get3A_70 = arith.constant 1 : i32
        %get3A_71 = arith.index_cast %get3A_70 : i32 to index
        %get3A_72 = arith.index_cast %mul3A_65 : i32 to index
        %get3A_73 = tpu.vector_load %arg20[%get3A_71, %get3A_72] {strides = array<i32>} : memref<4x640xf32, #tpu.memory_space<vmem>>, vector<1x16xf32>,
        %get3A_74 = vector.shape_cast %get3A_73 : vector<1x16xf32> to vector<16xf32>
        %get3A_75 = arith.constant 2 : i32
        %get3A_76 = arith.index_cast %get3A_75 : i32 to index
        %get3A_77 = arith.index_cast %mul3A_65 : i32 to index
        %get3A_78 = tpu.vector_load %arg20[%get3A_76, %get3A_77] {strides = array<i32>} : memref<4x640xf32, #tpu.memory_space<vmem>>, vector<1x16xf32>,
        %get3A_79 = vector.shape_cast %get3A_78 : vector<1x16xf32> to vector<16xf32>
        %mul3A_80 = arith.constant 5.000000e-01 : f32
        %mul3A_81 = vector.broadcast %mul3A_80 : f32 to vector<16xf32>
        %mul3A_82 = arith.mulf %get3A_79, %mul3A_81 : vector<16xf32>
        %get3A_83 = arith.constant 3 : i32
        %get3A_84 = arith.index_cast %get3A_83 : i32 to index
        %get3A_85 = arith.index_cast %mul3A_65 : i32 to index
        %get3A_86 = tpu.vector_load %arg20[%get3A_84, %get3A_85] {strides = array<i32>} : memref<4x640xf32, #tpu.memory_space<vmem>>, vector<1x16xf32>,
        %get3A_87 = vector.shape_cast %get3A_86 : vector<1x16xf32> to vector<16xf32>
        %mul3A_88 = arith.constant 5.000000e-01 : f32
        %mul3A_89 = vector.broadcast %mul3A_88 : f32 to vector<16xf32>
        %mul3A_90 = arith.mulf %get3A_87, %mul3A_89 : vector<16xf32>
        %get3A_91 = arith.index_cast %mul3A_65 : i32 to index
        %get3A_92 = tpu.vector_load %arg18[%get3A_91] {strides = array<i32>} : memref<640xf32, #tpu.memory_space<vmem>>, vector<16xf32>,
        %get3A_93 = vector.shape_cast %get3A_92 : vector<16xf32> to vector<16xf32>
        %get3A_94 = arith.index_cast %mul3A_65 : i32 to index
        %get3A_95 = tpu.vector_load %arg19[%get3A_94] {strides = array<i32>} : memref<640xf32, #tpu.memory_space<vmem>>, vector<16xf32>,
        %get3A_96 = vector.shape_cast %get3A_95 : vector<16xf32> to vector<16xf32>
        %sub3A = arith.subf %get3A_69, %mul3A_82 : vector<16xf32>
        %mul3A_97 = arith.mulf %sub3A, %get3A_93 : vector<16xf32>
        %swap3A = arith.constant 0 : i32
        %swap3A_98 = arith.index_cast %swap3A : i32 to index
        %swap3A_99 = arith.index_cast %mul3A_65 : i32 to index
        %swap3A_100 = tpu.vector_load %arg20[%swap3A_98, %swap3A_99] {strides = array<i32>} : memref<4x640xf32, #tpu.memory_space<vmem>>, vector<1x16xf32>,
        %swap3A_101 = vector.shape_cast %swap3A_100 : vector<1x16xf32> to vector<16xf32>
        %swap3A_102 = vector.shape_cast %mul3A_97 : vector<16xf32> to vector<1x16xf32>
        tpu.vector_store %arg20[%swap3A_98, %swap3A_99], %swap3A_102 {strides = array<i32>} : memref<4x640xf32, #tpu.memory_space<vmem>>, vector<1x16xf32>,
        %sub3A_103 = arith.subf %get3A_74, %mul3A_90 : vector<16xf32>
        %mul3A_104 = arith.mulf %sub3A_103, %get3A_96 : vector<16xf32>
        %swap3A_105 = arith.constant 1 : i32
        %swap3A_106 = arith.index_cast %swap3A_105 : i32 to index
        %swap3A_107 = arith.index_cast %mul3A_65 : i32 to index
        %swap3A_108 = tpu.vector_load %arg20[%swap3A_106, %swap3A_107] {strides = array<i32>} : memref<4x640xf32, #tpu.memory_space<vmem>>, vector<1x16xf32>,
        %swap3A_109 = vector.shape_cast %swap3A_108 : vector<1x16xf32> to vector<16xf32>
        %swap3A_110 = vector.shape_cast %mul3A_104 : vector<16xf32> to vector<1x16xf32>
        tpu.vector_store %arg20[%swap3A_106, %swap3A_107], %swap3A_110 {strides = array<i32>} : memref<4x640xf32, #tpu.memory_space<vmem>>, vector<1x16xf32>,
        %add3A_111 = arith.addf %get3A_69, %mul3A_82 : vector<16xf32>
        %mul3A_112 = arith.mulf %add3A_111, %get3A_93 : vector<16xf32>
        %swap3A_113 = arith.constant 2 : i32
        %swap3A_114 = arith.index_cast %swap3A_113 : i32 to index
        %swap3A_115 = arith.index_cast %mul3A_65 : i32 to index
        %swap3A_116 = tpu.vector_load %arg20[%swap3A_114, %swap3A_115] {strides = array<i32>} : memref<4x640xf32, #tpu.memory_space<vmem>>, vector<1x16xf32>,
        %swap3A_117 = vector.shape_cast %swap3A_116 : vector<1x16xf32> to vector<16xf32>
        %swap3A_118 = vector.shape_cast %mul3A_112 : vector<16xf32> to vector<1x16xf32>
        tpu.vector_store %arg20[%swap3A_114, %swap3A_115], %swap3A_118 {strides = array<i32>} : memref<4x640xf32, #tpu.memory_space<vmem>>, vector<1x16xf32>,
        %add3A_119 = arith.addf %get3A_74, %mul3A_90 : vector<16xf32>
        %mul3A_120 = arith.mulf %add3A_119, %get3A_96 : vector<16xf32>
        %swap3A_121 = arith.constant 3 : i32
        %swap3A_122 = arith.index_cast %swap3A_121 : i32 to index
        %swap3A_123 = arith.index_cast %mul3A_65 : i32 to index
        %swap3A_124 = tpu.vector_load %arg20[%swap3A_122, %swap3A_123] {strides = array<i32>} : memref<4x640xf32, #tpu.memory_space<vmem>>, vector<1x16xf32>,
        %swap3A_125 = vector.shape_cast %swap3A_124 : vector<1x16xf32> to vector<16xf32>
        %swap3A_126 = vector.shape_cast %mul3A_120 : vector<16xf32> to vector<1x16xf32>
        tpu.vector_store %arg20[%swap3A_122, %swap3A_123], %swap3A_126 {strides = array<i32>} : memref<4x640xf32, #tpu.memory_space<vmem>>, vector<1x16xf32>,
      }
      %scan3A_62 = arith.constant 40 : i32
      "tpu.region"() ({
        %run_scoped3A = tpu.sem_alloc : memref<!tpu.dma_semaphore, #tpu.memory_space<semaphore_mem>>
        %dma_start3A = arith.constant 0 : i32
        %dma_start3A_63 = tpu.memref_slice %arg12[%dma_start3A, %mul3A_27] : memref<4x80000xf32, #tpu.memory_space<hbm>> -> memref<4x640xf32, #tpu.memory_space<hbm>>
        %dma_start3A_64 = arith.constant 0 : i32
        %dma_start3A_65 = tpu.memref_slice %arg12[%dma_start3A_64, %mul3A_27] : memref<4x80000xf32, #tpu.memory_space<hbm>> -> memref<4x640xf32, #tpu.memory_space<hbm>>
        tpu.enqueue_dma source(%arg20 : memref<4x640xf32, #tpu.memory_space<vmem>>) target(%dma_start3A_65 : memref<4x640xf32, #tpu.memory_space<hbm>>) target_semaphore(%run_scoped3A : memref<!tpu.dma_semaphore, #tpu.memory_space<semaphore_mem>>)
        %dma_wait3A = arith.constant 0 : i32
        %dma_wait3A_66 = tpu.memref_slice %arg12[%dma_wait3A, %mul3A_27] : memref<4x80000xf32, #tpu.memory_space<hbm>> -> memref<4x640xf32, #tpu.memory_space<hbm>>
        %dma_wait3A_67 = arith.constant 0 : i32
        %dma_wait3A_68 = tpu.memref_slice %arg12[%dma_wait3A_67, %mul3A_27] : memref<4x80000xf32, #tpu.memory_space<hbm>> -> memref<4x640xf32, #tpu.memory_space<hbm>>
        tpu.wait_dma2 semaphore(%run_scoped3A : memref<!tpu.dma_semaphore, #tpu.memory_space<semaphore_mem>>) src(%arg20 : memref<4x640xf32, #tpu.memory_space<vmem>>) dst(%dma_wait3A_68 : memref<4x640xf32, #tpu.memory_space<hbm>>)
        tpu.yield
      }) : () -> ()
    } else {
    }
    return
  }
}

</mosaic_0001>

<sc_bundles>
// kernel: kernel.3.cloned.1.call-start
scs
__scs_entry_jumppad:
0x0: {  	(pc) =	sbr.rel $0x88, $3  }
0x1: {  	(tag) =	ssettag $0x0;
	lr =	simm.s32 $0x1  }
0x2: {  	[smem:$0x3F9C] =	sst lr;
	_ =	strace $0xD0000000  }
0x3: {  	_ = 	snop  }
0x4: {  	_ = 	snop  }
0x5: {  	_ = 	snop  }
0x6: {  	_ = 	snop  }
0x7: {  	_ = 	snop  }
__scs_overlays_trampoline_lowered:
0x8: {  	[smem:$0x3FAB] =	sst s0  }
0x9: {  	[smem:$0x3FAC] =	sst s1  }
0xa: {  	[smem:$0x3FAD] =	sst s2  }
0xb: {  	[smem:$0x3FAE] =	sst s3  }
0xc: {  	[smem:$0x3FAF] =	sst s4  }
0xd: {  	[smem:$0x3FB0] =	sst s5  }
0xe: {  	[smem:$0x3FB1] =	sst s6  }
0xf: {  	[smem:$0x3FB2] =	sst s7  }
0x10: {  	[smem:$0x3FB3] =	sst s8  }
0x11: {  	[smem:$0x3FB4] =	sst s9;
	s0 =	simm.s32 @!p0 $0x0  }
0x12: {  	s1 =	sld [smem:$0x3F9A];
	s0 =	simm.s32 @p0 $0x1  }
0x13: {  	[smem:$0x3FB5] =	sst s0;
	s0 =	simm.s32 @!p1 $0x0  }
0x14: {  	s2 =	sld [smem:$0x3F99];
	s0 =	simm.s32 @p1 $0x1  }
0x15: {  	[smem:$0x3FB6] =	sst s0;
	s0 =	simm.s32 @!p2 $0x0  }
0x16: {  	s3 =	sld [smem:$0x3FDB];
	s0 =	simm.s32 @p2 $0x1  }
0x17: {  	s4 =	simm.s32 $0x1BF5;
	[smem:$0x3FB8] =	sst s0  }
0x18: {  	s0 =	sld [smem:$0x3F9B];
	_ =	swait.ge [sflag:s4], $0x0  }
0x19: {  	s7 =	sld [smem:$0x3F9C]  }
0x1a: {  	s8 =	sadd.s32 $0xFFFFE003, lr  }
0x1b: {  	s9 =	sadd.s32 $0xFFFFFEF7, lr;
	s5 =	simm.s32 $0xFFFFFFFF;
	p2 =	slt.u32 s8, $0xFFFFF086  }
0x1c: {  	p1 =	slt.u32 s9, $0xF7A;
	s5 =	simm.s32 @!p2 $0x0  }
0x1d: {  	s5 =	simm.s32 @p1 $0x1;
	p0 =	seq.s32 s7, s2  }
0x1e: {  	s7 =	smul.u32 @!p0 $0xF7A, s2;
	p2 =	seq.s32 @!p0 s5, $0x0  }
0x1f: {  	s9 =	smul.u32 $0xF7A, s1;
	s8 =	simm.s32 @!p0 $0x1BF5;
	p2 =	por !p2, p0  }
0x20: {  	[sflag:s8] =	ssyncset.s32 @!p0 $0xFFFFF086;
	s6 =	sadd.s32 @!p0 s3, s7;
	s7 =	simm.s32 @!p0 $0x108  }
0x21: {  	s3 =	sadd.s32 s3, s9;
	s6 =	sadd.s32 @!p0 $0x88, s6;
	s7 =	simm.s32 @p2 $0x1082  }
0x22: {  	[simem:s7], [sflag:s8] =	dma.local @!p0 [hbm:s6], $0xF7A  }
0x23: {  	s9 =	sor.u32 $0xD0000000, s2;
	s6 =	simm.s32 $0x108;
	_ =	swait.ge @!p0 [sflag:s8], $0x0  }
0x24: {  	s3 =	sadd.s32 $0x88, s3;
	s6 =	simm.s32 @!p1 $0x1082;
	[sflag:s4] =	ssyncset.s32 $0xFFFFF086  }
0x25: {  	[simem:s6], [sflag:s4] =	dma.local [hbm:s3], $0xF7A  }
0x26: {  	[smem:$0x3F9C] =	sst s1;
	(tag) =	ssettag s2;
	_ =	strace s9  }
0x27: {  	s1 =	sld [smem:$0x3FAC]  }
0x28: {  	s2 =	sld [smem:$0x3FAD]  }
0x29: {  	s4 =	sld [smem:$0x3FAF]  }
0x2a: {  	p0 =	seq.s32 s5, $0x0;
	s5 =	sld [smem:$0x3FB0]  }
0x2b: {  	s6 =	sld [smem:$0x3FB1]  }
0x2c: {  	s7 =	sld [smem:$0x3FB2]  }
0x2d: {  	s3 =	simm.s32 $0x108;
	s8 =	sld [smem:$0x3FB3]  }
0x2e: {  	s3 =	simm.s32 @!p0 $0x1082;
	s9 =	sld [smem:$0x3FB4]  }
0x2f: {  	lr =	sadd.s32 s0, s3;
	s0 =	sld [smem:$0x3FAB]  }
0x30: {  	s3 =	sld [smem:$0x3FAE]  }
0x31: {  	[smem:$0x3FB7] =	sst s10  }
0x32: {  	s10 =	sld [smem:$0x3FB5];
	_ =	sdelay $0x3  }
0x33: {  	p0 =	seq.s32 s10, $0x1;
	s10 =	sld [smem:$0x3FB7];
	_ =	sdelay $0x3  }
0x34: {  	[smem:$0x3FB7] =	sst s10  }
0x35: {  	s10 =	sld [smem:$0x3FB6];
	_ =	sdelay $0x3  }
0x36: {  	p1 =	seq.s32 s10, $0x1;
	s10 =	sld [smem:$0x3FB7];
	_ =	sdelay $0x3  }
0x37: {  	[smem:$0x3FB7] =	sst s10  }
0x38: {  	s10 =	sld [smem:$0x3FB8]  }
0x39: {  	_ = 	snop;
	(pc) =	sbr.ind lr, $3  }
0x3a: {  	_ = 	snop  }
0x3b: {  	_ = 	snop  }
0x3c: {  	p2 =	seq.s32 s10, $0x1;
	s10 =	sld [smem:$0x3FB7]  }
0x3d: {  	_ =	shalt  }
0x3e: {  	_ =	shalt  }
0x3f: {  	_ =	shalt  }
0x40: {  	_ =	shalt  }
0x41: {  	_ =	shalt  }
0x42: {  	_ =	shalt  }
0x43: {  	_ =	shalt  }
0x44: {  	_ =	shalt  }
0x45: {  	_ =	shalt  }
0x46: {  	_ =	shalt  }
0x47: {  	_ =	shalt  }
0x48: {  	_ =	shalt  }
0x49: {  	_ =	shalt  }
0x4a: {  	_ =	shalt  }
0x4b: {  	_ =	shalt  }
0x4c: {  	_ =	shalt  }
0x4d: {  	_ =	shalt  }
0x4e: {  	_ =	shalt  }
0x4f: {  	_ =	shalt  }
0x50: {  	_ =	shalt  }
0x51: {  	_ =	shalt  }
0x52: {  	_ =	shalt  }
0x53: {  	_ =	shalt  }
0x54: {  	_ =	shalt  }
0x55: {  	_ =	shalt  }
0x56: {  	_ =	shalt  }
0x57: {  	_ =	shalt  }
0x58: {  	_ =	shalt  }
0x59: {  	_ =	shalt  }
0x5a: {  	_ =	shalt  }
0x5b: {  	_ =	shalt  }
0x5c: {  	_ =	shalt  }
0x5d: {  	_ =	shalt  }
0x5e: {  	_ =	shalt  }
0x5f: {  	_ =	shalt  }
0x60: {  	_ =	shalt  }
0x61: {  	_ =	shalt  }
0x62: {  	_ =	shalt  }
0x63: {  	_ =	shalt  }
0x64: {  	_ =	shalt  }
0x65: {  	_ =	shalt  }
0x66: {  	_ =	shalt  }
0x67: {  	_ =	shalt  }
0x68: {  	_ =	shalt  }
0x69: {  	_ =	shalt  }
0x6a: {  	_ =	shalt  }
0x6b: {  	_ =	shalt  }
0x6c: {  	_ =	shalt  }
0x6d: {  	_ =	shalt  }
0x6e: {  	_ =	shalt  }
0x6f: {  	_ =	shalt  }
0x70: {  	_ =	shalt  }
0x71: {  	_ =	shalt  }
0x72: {  	_ =	shalt  }
0x73: {  	_ =	shalt  }
0x74: {  	_ =	shalt  }
0x75: {  	_ =	shalt  }
0x76: {  	_ =	shalt  }
0x77: {  	_ =	shalt  }
0x78: {  	_ =	shalt  }
0x79: {  	_ =	shalt  }
0x7a: {  	_ =	shalt  }
0x7b: {  	_ =	shalt  }
0x7c: {  	_ =	shalt  }
0x7d: {  	_ =	shalt  }
0x7e: {  	_ =	shalt  }
0x7f: {  	_ =	shalt  }
0x80: {  	_ =	shalt  }
0x81: {  	_ =	shalt  }
0x82: {  	_ =	shalt  }
0x83: {  	_ =	shalt  }
0x84: {  	_ =	shalt  }
0x85: {  	_ =	shalt  }
0x86: {  	_ =	shalt  }
0x87: {  	_ =	shalt  }
.Lfunc_end0:
.L_simem_size_0:
called_computation_lowered:
.L_overlay_start_0:
0x88: {  	s2 =	sld [smem:$0x3FD9]  }
0x89: {  	s3 =	sld [smem:$0x3FFE];
	_ =	sdelay $0x1  }
0x8a: {  	s1 =	srdreg.scid  }
0x8b: {  	s0 =	sand.u32 $0x1, s1  }
0x8c: {  	s14 =	sshll.u32 s0, $0xA;
	s2 =	sadd.s32 s3, s2  }
0x8d: {  	s2 =	sadd.s32 s2, s14  }
0x8e: {  	[smem:$0x3FC3] =	sst s2  }
0x8f: {  	_ = 	snop  }
0x90: {  	s2 =	sld [smem:$0x3FD0];
	_ =	sdelay $0x2  }
0x91: {  	s15 =	simm.s32 $0xA;
	s4 =	simm.s32 $0x10  }
0x92: {  	[smem:s4], [sflag:s15] =	dma.local [hbm:s2], $0x1  }
0x93: {  	_ =	swait.eq [sflag:s15], $0x1  }
0x94: {  	s16 =	sld [smem:$0x10]  }
0x95: {  	s17 =	sld [smem:$0x11];
	[sflag:s15] =	ssyncset.done $0x0  }
0x96: {  	s5 =	sld [smem:$0x12];
	[sflag:s15] =	ssyncadd.s32 $0xFFFFFFFF  }
0x97: {  	s18 =	sld [smem:$0x13];
	(tm) =	ssettm $0x1  }
0x98: {  	s6 =	sld [smem:$0x3FFB];
	_ =	sdelay $0x3  }
0x99: {  	_ =	strace s6  }
0x9a: {  	s6 =	sld [smem:$0x3FFC];
	_ =	sdelay $0x3  }
0x9b: {  	_ =	strace s6  }
0x9c: {  	s6 =	sld [smem:$0x3FFD];
	_ =	sdelay $0x3  }
0x9d: {  	_ =	strace s6  }
0x9e: {  	_ =	strace $0x8FFFFFFF  }
0x9f: {  	s19 =	sld [smem:$0x3FDB];
	_ =	sdelay $0x1  }
0xa0: {  	s7 =	simm.s32 $_scs_section_size  }
0xa1: {  	s8 =	simm.s32 $_size__tile_overlayer_lowered;
	s9 =	simm.s32 $_tile_overlayer_lowered  }
0xa2: {  	s22 =	simm.s32 $0x1BFF;
	s21 =	sshll.u32 s9, $0x1;
	s6 =	sadd.s32 s7, s19  }
0xa3: {  	s10 =	simm.s32 $0x0;
	s20 =	sshll.u32 s8, $0x1;
	s8 =	sadd.s32 s21, s6  }
0xa4: {  	[timem:s10], [sflag:s22] =	dma.local [hbm:s8], s20  }
0xa5: {  	_ =	swait.ge [sflag:s22], s20  }
0xa6: {  	s7 =	ssub.s32 $0x0, s20;
	[sflag:s22] =	ssyncset.done $0x0  }
0xa7: {  	[sflag:s22] =	ssyncadd.s32 s7;
	_ =	sdelay $0x1  }
0xa8: {  	s23 =	simm.s32 $0x1B8B  }
0xa9: {  	_ =	swait.ge [sflag:s23], $0x1  }
0xaa: {  	[sflag:s23] =	ssyncset.done $0x0  }
0xab: {  	s25 =	simm.s32 $0x1B8E;
	s24 =	sld [smem:$0x3FFE];
	[sflag:s23] =	ssyncadd.s32 $0xFFFFFFFF  }
0xac: {  	s26 =	simm.s32 $execute0_lowered;
	[smem:$0x3FD2] =	sst s25  }
0xad: {  	s8 =	sshll.u32 s26, $0x1;
	_ =	strace $0x80000046;
	[dreg:$0x1] =	wrdreg $0xFFFFFFFF  }
0xae: {  	s28 =	simm.s32 $_size_execute0_lowered;
	s6 =	sadd.s32 s6, s8;
	[dreg:$0x0] =	wrdreg $0x0  }
0xaf: {  	s8 =	sshll.u32 s28, $0x1;
	[dreg:$0x2] =	wrdreg s6  }
0xb0: {  	[dreg:$0x3] =	wrdreg s8  }
0xb1: {  	[dreg:$0x4] =	wrdreg $0xC0  }
0xb2: {  	_ =	task [dreg:s10], $0x5FFFF  }
0xb3: {  	[dreg:$0x1] =	wrdreg $0xFFFFFFFF  }
0xb4: {  	[dreg:$0x0] =	wrdreg $0x60  }
0xb5: {  	[dreg:$0x2] =	wrdreg s18  }
0xb6: {  	[dreg:$0x3] =	wrdreg s24  }
0xb7: {  	[dreg:$0x4] =	wrdreg s17  }
0xb8: {  	[dreg:$0x5] =	wrdreg s5  }
0xb9: {  	[dreg:$0x6] =	wrdreg s16  }
0xba: {  	[dreg:$0x7] =	wrdreg $0x9  }
0xbb: {  	_ =	task.clear_ibuf [dreg:s10], $0x8FFFF;
	_ =	strace $0x90000046  }
0xbc: {  	s29 =	simm.s32 $0x9;
	_ =	strace $0x80000048  }
0xbd: {  	_ =	swait.ge [sflag:s29], $0x1  }
0xbe: {  	[sflag:s29] =	ssyncadd.s32 $0xFFFFFFFF  }
0xbf: {  	_ =	strace $0x90000048  }
0xc0: {  	_ =	sfence  }
0xc1: {  	s30 =	sld [smem:$0x0];
	_ =	sdelay $0x2  }
0xc2: {  	s31 =	sshll.u32 s1, $0xD;
	s1 =	sshrl.u32 s1, $0x2  }
0xc3: {  	s3 =	sand.u32 $0x4000, s31;
	s1 =	sadd.s32 s1, s30  }
0xc4: {  	s0 =	sor.u32 s3, s0;
	s1 =	sshll.u32 s1, $0x11  }
0xc5: {  	s0 =	sor.u32 s1, s0  }
0xc6: {  	s0 =	sadd.s32 $0x8F2B, s0  }
0xc7: {  	[sflag:s0] =	ssyncadd.remote.s32 $0x1  }
0xc8: {  	_ =	sfence.sel $0xFFFF  }
0xc9: {  	[dreg:$0x0] =	wrdreg $0xFFFFFFFF;
	(pc) =	sbr.abs _section_cstart, $3  }
0xca: {  	[dreg:$0x1] =	wrdreg $0xFFFFFFFF  }
0xcb: {  	_ =	task.clear_ibuf [dreg:s10], $0x2FFFF;
	_ =	strace $0x9FFFFFFF  }
0xcc: {  	(tm) =	ssettm $0x7FFFFFFF  }
0xcd: {  	_ =	shalt  }
tec
execute0_lowered:
.L_overlay_start_1:
0x0: {  	(tag) =	ssettag $0x1  }
0x1: {  	s0 =	srdreg.scid;
	s2 =	stileid.u32  }
0x2: {  	s1 =	sand.u32 $0x1, s0;
	s16 =	sshll.u32 s2, $0x1  }
0x3: {  	s0 =	sor.u32 s1, s16  }
0x4: {  	s4 =	rddreg [dreg:$0x1];
	s17 =	smul.u32 $0x1400, s0  }
0x5: {  	s3 =	rddreg [dreg:$0x0];
	s1 =	ssub.s32 $0x2, s1  }
0x6: {  	s5 =	sadd.s32 $0x5C00, s4;
	s7 =	sshrl.u32 s1, $0x1;
	s2 =	sshrl.u32 s17, $0x3  }
0x7: {  	s6 =	sadd.s32 $0x13E800, s4;
	s16 =	ssub.s32 s1, s7;
	s18 =	sadd.s32 s3, s2  }
0x8: {  	s1 =	sor.u32 $0x20, s0;
	s19 =	sadd.s32 s5, s2;
	[dreg:$0x6] =	wrdreg s18  }
0x9: {  	s20 =	sadd.s32 $0x75300, s2;
	s9 =	sadd.s32 s6, s2;
	[dreg:$0x7] =	wrdreg s19  }
0xa: {  	s8 =	smul.u32 $0x1400, s1;
	[dreg:$0x8] =	wrdreg s9;
	s21 =	sadd.s32 s5, s20  }
0xb: {  	s2 =	sadd.s32 $0xEA600, s2;
	s7 =	sadd.s32 s6, s20;
	[dreg:$0x9] =	wrdreg s21  }
0xc: {  	s22 =	sadd.s32 s5, s2;
	[dreg:$0xa] =	wrdreg s7  }
0xd: {  	s23 =	sshrl.u32 s8, $0x3;
	s2 =	sadd.s32 s6, s2;
	[dreg:$0xb] =	wrdreg s22  }
0xe: {  	[dreg:$0xc] =	wrdreg s2;
	s24 =	sadd.s32 s3, s23  }
0xf: {  	s2 =	sor.u32 $0x40, s0;
	s8 =	sadd.s32 s5, s23;
	[dreg:$0xd] =	wrdreg s24  }
0x10: {  	s25 =	sadd.s32 $0x75300, s23;
	s10 =	sadd.s32 s6, s23;
	[dreg:$0xe] =	wrdreg s8  }
0x11: {  	s7 =	sadd.s32 $0xEA600, s23;
	[dreg:$0xf] =	wrdreg s10;
	s28 =	sadd.s32 s5, s25  }
0x12: {  	s26 =	smul.u32 $0x1400, s2;
	s8 =	sadd.s32 s6, s25;
	[dreg:$0x10] =	wrdreg s28  }
0x13: {  	s29 =	sadd.s32 s5, s7;
	[dreg:$0x11] =	wrdreg s8  }
0x14: {  	s7 =	sadd.s32 s6, s7;
	[dreg:$0x12] =	wrdreg s29;
	s10 =	sshrl.u32 s26, $0x3  }
0x15: {  	[dreg:$0x13] =	wrdreg s7;
	s12 =	sadd.s32 s3, s10  }
0x16: {  	s7 =	sor.u32 $0x60, s0;
	s9 =	sadd.s32 s5, s10;
	[dreg:$0x14] =	wrdreg s12  }
0x17: {  	s13 =	sadd.s32 $0x75300, s10;
	s11 =	sadd.s32 s6, s10;
	[dreg:$0x15] =	wrdreg s9  }
0x18: {  	s29 =	sadd.s32 $0x266000, s4;
	[dreg:$0x16] =	wrdreg s11;
	s15 =	sadd.s32 s5, s13  }
0x19: {  	s8 =	sadd.s32 $0xEA600, s10;
	s9 =	sadd.s32 s6, s13;
	[dreg:$0x17] =	wrdreg s15  }
0x1a: {  	s26 =	smul.u32 $0x50, s0;
	s18 =	sadd.s32 s5, s8;
	[dreg:$0x18] =	wrdreg s9  }
0x1b: {  	s14 =	smul.u32 $0x1400, s7;
	s8 =	sadd.s32 s6, s8;
	[dreg:$0x19] =	wrdreg s18  }
0x1c: {  	s28 =	sadd.s32 $0x263800, s4;
	s12 =	sadd.s32 s29, s26;
	[dreg:$0x1a] =	wrdreg s8  }
0x1d: {  	s17 =	sshrl.u32 s14, $0x3;
	s13 =	sadd.s32 s28, s26;
	[smem:$0x7E5] =	sst s12  }
0x1e: {  	s3 =	sadd.s32 s3, s17;
	[smem:$0x7E6] =	sst s13  }
0x1f: {  	s19 =	sadd.s32 s5, s17;
	[dreg:$0x1b] =	wrdreg s3  }
0x20: {  	s20 =	sadd.s32 s6, s17;
	s21 =	sadd.s32 $0x75300, s17;
	[dreg:$0x1c] =	wrdreg s19  }
0x21: {  	[dreg:$0x1d] =	wrdreg s20;
	s23 =	sadd.s32 s5, s21  }
0x22: {  	s22 =	sadd.s32 $0xEA600, s17;
	s3 =	sadd.s32 s6, s21;
	[dreg:$0x1e] =	wrdreg s23  }
0x23: {  	s24 =	sadd.s32 s5, s22;
	[dreg:$0x1f] =	wrdreg s3  }
0x24: {  	s14 =	smul.u32 $0x50, s1;
	s25 =	sadd.s32 s6, s22;
	[smem:$0x7E3] =	sst s24  }
0x25: {  	[smem:$0x7E4] =	sst s25  }
0x26: {  	s18 =	sadd.s32 s29, s14;
	s3 =	rddreg [dreg:$0x4]  }
0x27: {  	s19 =	sadd.s32 s28, s14;
	[smem:$0x7E9] =	sst s18  }
0x28: {  	s30 =	simm.s32 $0xDC00;
	s6 =	sadd.s32 $0x3400, s4;
	[smem:$0x7EA] =	sst s19  }
0x29: {  	s17 =	smul.u32 $0x50, s2;
	s5 =	sadd.s32 s6, s26;
	s18 =	rddreg [dreg:$0x3]  }
0x2a: {  	s31 =	simm.s32 $0x15400;
	s10 =	sadd.s32 s6, s14;
	[smem:$0x7E8] =	sst s5  }
0x2b: {  	p0 =	sgt.u32 s0, $0x1C;
	s21 =	sadd.s32 s29, s17;
	[smem:$0x7EC] =	sst s10  }
0x2c: {  	s1 =	smul.u32 $0x140, s1;
	s23 =	sadd.s32 s28, s17;
	[smem:$0x7ED] =	sst s21  }
0x2d: {  	s2 =	smul.u32 $0x140, s2;
	s15 =	sadd.s32 s3, s26;
	[smem:$0x7EE] =	sst s23  }
0x2e: {  	s24 =	sadd.s32 s3, s17;
	s5 =	sadd.s32 s6, s17;
	s17 =	rddreg [dreg:$0x2]  }
0x2f: {  	s22 =	smul.u32 $0x50, s7;
	s20 =	sadd.s32 s3, s14;
	[smem:$0x7E7] =	sst s15  }
0x30: {  	s16 =	smax.u32 s16, $0x1;
	s19 =	smul.u32 $0x140, s0;
	[smem:$0x7EB] =	sst s20  }
0x31: {  	s0 =	simm.s32 $0x19500;
	s25 =	sadd.s32 s29, s22;
	[smem:$0x7EF] =	sst s24  }
0x32: {  	s26 =	sadd.s32 s28, s22;
	s3 =	sadd.s32 s3, s22;
	[smem:$0x7F0] =	sst s5  }
0x33: {  	s28 =	sadd.s32 s6, s22;
	s29 =	sadd.s32 $0x12AC00, s4;
	[smem:$0x7F1] =	sst s25  }
0x34: {  	s4 =	sadd.s32 $0x134A00, s4;
	s23 =	smul.u32 $0x140, s7;
	[smem:$0x7F2] =	sst s26  }
0x35: {  	s10 =	sadd.s32 s18, s1;
	s14 =	sadd.s32 s18, s2;
	[smem:$0x7F3] =	sst s3  }
0x36: {  	[smem:$0x7F4] =	sst s28;
	s3 =	simm.s32 $0x0;
	s20 =	sadd.s32 s17, s19  }
0x37: {  	s21 =	sadd.s32 s29, s19;
	s22 =	sadd.s32 s18, s19;
	[smem:$0x7FF] =	sst s3  }
0x38: {  	s6 =	sadd.s32 s4, s19;
	s24 =	sadd.s32 s17, s1;
	[smem:$0x7F5] =	sst s20  }
0x39: {  	s9 =	sadd.s32 s29, s1;
	s11 =	sadd.s32 s4, s1;
	[smem:$0x7F6] =	sst s21  }
0x3a: {  	s12 =	sadd.s32 s17, s2;
	s13 =	sadd.s32 s29, s2;
	[smem:$0x7F7] =	sst s22  }
0x3b: {  	s15 =	sadd.s32 s4, s2;
	s19 =	simm.s32 $0x1;
	[smem:$0x7F8] =	sst s6  }
0x3c: {  	[smem:$0x7F9] =	sst s24;
	s25 =	sadd.s32 s17, s23;
	s26 =	sadd.s32 s29, s23  }
.Ltmp0:
0x3d: {  	s28 =	sadd.s32 s18, s23;
	[smem:$0x7FA] =	sst s25;
	(pc) =	sbr.rel .LBB2_1-.Ltmp0, $4  }
0x3e: {  	s29 =	sadd.s32 s4, s23;
	s17 =	simm.s32 $0x1400;
	[smem:$0x7FB] =	sst s26  }
0x3f: {  	s18 =	simm.s32 $0x9C400;
	s20 =	simm.s32 $0x19000;
	[smem:$0x7FC] =	sst s28  }
0x40: {  	s21 =	simm.s32 $0x19280;
	s22 =	simm.s32 $0x19780;
	[smem:$0x7FD] =	sst s29  }
0x41: {  	s23 =	simm.s32 $0x19A00;
	s24 =	simm.s32 $0x0;
	_ =	strace $0x80000047  }
.LBB2_91:
0x42: {  	s24 =	sadd.s32 $0x1, s24  }
0x43: {  	p1 =	sne.s32 s24, s16  }
.Ltmp1:
0x44: {  	_ = 	snop;
	(pc) =	sbr.rel @!p1 .LBB2_92-.Ltmp1, $1  }
0x45: {  	_ =	sdelay $0x3  }
.LBB2_1:
0x46: {  	s1 =	rddreg [dreg:$0x6]  }
0x47: {  	[tilespmem:s3], [sflag:$0x1] =	stream.strided.gather [hbm4b:s1+s17], $0xDC00, s18, s17, $0x38;
	[tilespmem:$0x1A400] =	vst v63  }
0x48: {  	_ =	swait.ge [sflag:s19], $0xDC00  }
0x49: {  	[sflag:s19] =	ssyncset.done $0x0  }
0x4a: {  	s25 =	simm.s32 $0x0;
	[sflag:s19] =	ssyncadd.s32 $0xFFFF2400  }
.LBB2_2:
0x4b: {  	s26 =	sshll.u32 s25, $0x4  }
0x4c: {  	s2 =	simm.s32 $0x0;
	s1 =	sand.u32 $0x70, s26  }
0x4d: {  	s2 =	smul.u32 $0x5000, s2;
	v0 =	vmov s1  }
0x4e: {  	s5 =	sshll.u32 s25, $0x7  }
0x4f: {  	s28 =	sand.u32 $0x1C00, s5;
	s1 =	simm.s32 $0x0;
	s2 =	sshra.s32 s2, $0x2  }
0x50: {  	s4 =	simm.s32 $0x0;
	s6 =	sand.u32 $0x380, s1;
	s2 =	sadd.s32 s2, s28  }
0x51: {  	s4 =	smul.u32 $0x5000, s4;
	s29 =	sadd.s32 s6, s2  }
0x52: {  	v3 =	vld.idx.msk [tilespmem:v0+s29+$0x0 ss:$0x1], $0xffff  }
0x53: {  	s5 =	simm.s32 $0x80;
	s4 =	sshra.s32 s4, $0x2  }
0x54: {  	s7 =	sand.u32 $0x380, s5;
	s4 =	sadd.s32 s4, s28  }
0x55: {  	v1 =	vimm.f32 $-1.000000020e+30;
	v2 =	vimm.s32 $0x0;
	s2 =	simm.s32 $0x1;
	s6 =	simm.s32 $0x2;
	s7 =	sadd.s32 s7, s4  }
.LBB2_3:
0x56: {  	s8 =	sshrl.u32 s6, $0x3;
	p1 =	sne.s32 s6, $0x4F  }
0x57: {  	vm0 =	vgt.f32 v3, v1;
	v4 =	vmov v3;
	v3 =	vld.idx.msk [tilespmem:v0+s7+$0x0 ss:$0x1], $0xffff;
	s7 =	smov.u32 s6;
	s6 =	sadd.s32 $0x1, s6;
	s8 =	smul.u32 $0x5000, s8  }
.Ltmp2:
0x58: {  	v1 =	vsel vm0, v4, v1;
	v2 =	vsel vm0, s1, v2;
	(pc) =	sbr.rel @p1 .LBB2_3-.Ltmp2, $4  }
0x59: {  	s1 =	smov.u32 s2;
	s2 =	smov.u32 s7  }
0x5a: {  	s5 =	sadd.s32 $0x80, s5;
	s7 =	sshra.s32 s8, $0x2  }
0x5b: {  	s8 =	sand.u32 $0x380, s5;
	s7 =	sadd.s32 s7, s28  }
0x5c: {  	s7 =	sadd.s32 s8, s7  }
0x5d: {  	_ =	sdelay $0x3  }
0x5e: {  	v4 =	vld.idx.msk [tilespmem:v0+s7+$0x0 ss:$0x1], $0xffff;
	_ =	sdelay $0x1  }
0x5f: {  	v5 =	vld.idx.msk [tilespmem:v0+s29+$0x0 ss:$0x1], $0xffff  }
0x60: {  	s5 =	simm.s32 $0x80;
	vm0 =	vgt.f32 v3, v1  }
0x61: {  	s5 =	sand.u32 $0x380, s5;
	v1 =	vsel vm0, v3, v1  }
0x62: {  	s4 =	sadd.s32 s5, s4;
	vm1 =	vgt.f32 v4, v1  }
0x63: {  	v6 =	vld.idx.msk [tilespmem:v0+s4+$0x0 ss:$0x1], $0xffff;
	v1 =	vsel vm1, v4, v1  }
0x64: {  	v3 =	vsub.f32 v5, v1  }
0x65: {  	s6 =	simm.s32 $0x0  }
0x66: {  	s4 =	smul.u32 $0x5000, s6;
	v3 =	vmul.f32 $1.442695020e+00, v3;
	_ =	sdelay $0x1  }
0x67: {  	s6 =	simm.s32 $0x100;
	s4 =	sshra.s32 s4, $0x2;
	v4 =	vsub.f32 v6, v1;
	(erf) = vpow2.f32 v3  }
0x68: {  	s7 =	simm.s32 $0x0;
	s6 =	sand.u32 $0x380, s6;
	s4 =	sadd.s32 s4, s28  }
0x69: {  	s5 =	smul.u32 $0x5000, s7;
	s4 =	sadd.s32 s6, s4;
	v5 =	vmul.f32 $1.442695020e+00, v4  }
0x6a: {  	v4 =	vld.idx.msk [tilespmem:v0+s4+$0x0 ss:$0x1], $0xffff  }
0x6b: {  	s29 =	simm.s32 $0x180;
	s5 =	sshra.s32 s5, $0x2;
	(erf) = vpow2.f32 v5  }
0x6c: {  	v2 =	vsel vm0, s1, v2;
	s8 =	sand.u32 $0x380, s29;
	s5 =	sadd.s32 s5, s28  }
0x6d: {  	s1 =	simm.s32 $0x4;
	v2 =	vsel vm1, s2, v2;
	s2 =	sadd.s32 s8, s5;
	v3 =	vimm.f32 $0.0e+00  }
.LBB2_5:
0x6e: {  	s4 =	sshrl.u32 s1, $0x3  }
0x6f: {  	p1 =	sne.s32 s1, $0x50;
	s1 =	sadd.s32 $0x1, s1;
	v5 =	vsub.f32 v4, v1;
	v4 =	vld.idx.msk [tilespmem:v0+s2+$0x0 ss:$0x1], $0xffff;
	s2 =	smul.u32 $0x5000, s4  }
.Ltmp3:
0x70: {  	v6 =	vpop (erf);
	(pc) =	sbr.rel @p1 .LBB2_5-.Ltmp3, $4  }
0x71: {  	v5 =	vmul.f32 $1.442695020e+00, v5;
	v3 =	vadd.f32 v6, v3  }
0x72: {  	s29 =	sadd.s32 $0x80, s29;
	s2 =	sshra.s32 s2, $0x2  }
0x73: {  	s4 =	sand.u32 $0x380, s29;
	s2 =	sadd.s32 s2, s28;
	(erf) = vpow2.f32 v5  }
0x74: {  	s2 =	sadd.s32 s4, s2  }
0x75: {  	_ =	sdelay $0x3  }
0x76: {  	v0 =	vld.idx.msk [tilespmem:v0+s2+$0x0 ss:$0x1], $0xffff;
	_ =	sdelay $0x2  }
0x77: {  	v4 =	vsub.f32 v4, v1;
	_ =	sdelay $0x1  }
0x78: {  	v4 =	vmul.f32 $1.442695020e+00, v4;
	v0 =	vsub.f32 v0, v1;
	_ =	sdelay $0x1  }
0x79: {  	(erf) = vpow2.f32 v4;
	v0 =	vmul.f32 $1.442695020e+00, v0;
	_ =	sdelay $0x1  }
0x7a: {  	(erf) = vpow2.f32 v0;
	_ =	sdelay $0x2  }
0x7b: {  	v60 =	vpop (erf)  }
0x7c: {  	v0 =	vadd.f32 v60, v3  }
0x7d: {  	v61 =	vpop (erf)  }
0x7e: {  	v0 =	vadd.f32 v61, v0  }
0x7f: {  	v62 =	vpop (erf)  }
0x80: {  	v0 =	vadd.f32 v62, v0  }
0x81: {  	v63 =	vpop (erf)  }
0x82: {  	v0 =	vadd.f32 v63, v0;
	_ =	sdelay $0x1  }
0x83: {  	(erf) = vrcp.f32 v0;
	_ =	sdelay $0x3  }
0x84: {  	s25 =	sadd.s32 $0x1, s25  }
0x85: {  	p1 =	sne.s32 s25, $0x28  }
.Ltmp4:
0x86: {  	_ = 	snop;
	(pc) =	sbr.rel @p1 .LBB2_2-.Ltmp4, $3  }
0x87: {  	_ =	sdelay $0x1  }
0x88: {  	[tilespmem:s26+$0x19280] =	vst v2;
	v0 =	vpop (erf)  }
0x89: {  	[tilespmem:s26+$0x19000] =	vst v0  }
0x8a: {  	s1 =	sld [smem:$0x7E5];
	_ =	sdelay $0x1  }
0x8b: {  	s25 =	simm.s32 $0x0  }
0x8c: {  	[hbm4b:s1+s25] =	stream.linear.scatter [tilespmem:s20], [sflag:$0x1], $0x280, $0x38;
	[tilespmem:$0x1A400] =	vst v63  }
0x8d: {  	_ =	swait.ge [sflag:s19], $0x280  }
0x8e: {  	s28 =	sld [smem:$0x7E6]  }
0x8f: {  	[sflag:s19] =	ssyncset.done $0x0  }
0x90: {  	[sflag:s19] =	ssyncadd.s32 $0xFFFFFD80  }
0x91: {  	[hbm4b:s28+s25] =	stream.linear.scatter [tilespmem:s21], [sflag:$0x1], $0x280, $0x38;
	[tilespmem:$0x1A400] =	vst v63  }
0x92: {  	_ =	swait.ge [sflag:s19], $0x280  }
0x93: {  	[sflag:s19] =	ssyncset.done $0x0  }
0x94: {  	s29 =	rddreg [dreg:$0x7];
	[sflag:s19] =	ssyncadd.s32 $0xFFFFFD80  }
0x95: {  	[tilespmem:s30], [sflag:$0x1] =	stream.strided.gather [hbm4b:s29+s17], $0x7800, s18, s17, $0x38;
	[tilespmem:$0x1A400] =	vst v63  }
0x96: {  	_ =	swait.ge [sflag:s19], $0x7800  }
0x97: {  	[sflag:s19] =	ssyncset.done $0x0  }
0x98: {  	s26 =	simm.s32 $0x0;
	[sflag:s19] =	ssyncadd.s32 $0xFFFF8800  }
.LBB2_8:
0x99: {  	s2 =	sshll.u32 s26, $0x4  }
0x9a: {  	s4 =	simm.s32 $0x0;
	s1 =	sand.u32 $0x70, s2  }
0x9b: {  	s5 =	sshll.u32 s26, $0x7;
	s4 =	smul.u32 $0x5000, s4;
	v0 =	vmov s1  }
0x9c: {  	s7 =	sand.u32 $0x1C00, s5  }
0x9d: {  	s1 =	sadd.s32 $0xDC00, s7;
	s4 =	sshra.s32 s4, $0x2  }
0x9e: {  	s8 =	sand.u32 $0x380, s25;
	s4 =	sadd.s32 s4, s1  }
0x9f: {  	s28 =	sadd.s32 s8, s4  }
0xa0: {  	v1 =	vld.idx.msk [tilespmem:v0+s28+$0x0 ss:$0x1], $0xffff;
	_ =	sdelay $0x4  }
0xa1: {  	v1 =	vsub.f32 $0.0e+00, v1;
	_ =	sdelay $0x1  }
0xa2: {  	v1 =	vmul.f32 $1.442695020e+00, v1;
	_ =	sdelay $0x1  }
0xa3: {  	(erf) = vpow2.f32 v1;
	_ =	sdelay $0x8  }
0xa4: {  	v1 =	vpop (erf)  }
0xa5: {  	v2 =	vadd.f32 $1.000000000e+00, v1;
	_ =	sdelay $0x1  }
0xa6: {  	(erf) = vrcp.f32 v2;
	_ =	sdelay $0x4  }
0xa7: {  	v1 =	vld [tilespmem:s2+$0x19000];
	_ =	sdelay $0x1  }
0xa8: {  	s29 =	simm.s32 $0x0;
	s4 =	simm.s32 $0x0;
	s2 =	simm.s32 $0x2  }
.LBB2_9:
0xa9: {  	p1 =	sne.s32 s2, $0x2F;
	s4 =	smul.u32 $0x5000, s4  }
0xaa: {  	v2 =	vpop (erf)  }
0xab: {  	s29 =	sadd.s32 $0x80, s29;
	s4 =	sshra.s32 s4, $0x2;
	v2 =	vmul.f32 v2, v1  }
0xac: {  	s5 =	sand.u32 $0x380, s29;
	s4 =	sadd.s32 s4, s1  }
0xad: {  	[tilespmem:v0+s28+$0x0 ss:$0x1] =	vst.idx.msk $0xffff, v2;
	s28 =	sadd.s32 s5, s4  }
0xae: {  	v2 =	vld.idx.msk [tilespmem:v0+s28+$0x0 ss:$0x1], $0xffff;
	_ =	sdelay $0x5  }
0xaf: {  	v2 =	vsub.f32 $0.0e+00, v2;
	_ =	sdelay $0x1  }
0xb0: {  	v2 =	vmul.f32 $1.442695020e+00, v2;
	_ =	sdelay $0x1  }
0xb1: {  	(erf) = vpow2.f32 v2;
	_ =	sdelay $0x8  }
0xb2: {  	v2 =	vpop (erf)  }
0xb3: {  	v2 =	vadd.f32 $1.000000000e+00, v2;
	_ =	sdelay $0x1  }
0xb4: {  	(erf) = vrcp.f32 v2;
	_ =	sdelay $0x2  }
.Ltmp5:
0xb5: {  	(pc) =	sbr.rel @p1 .LBB2_9-.Ltmp5, $2  }
0xb6: {  	_ =	sdelay $0x2  }
0xb7: {  	s4 =	sshrl.u32 s2, $0x3;
	s2 =	sadd.s32 $0x1, s2  }
0xb8: {  	s2 =	smul.u32 $0x5000, s4  }
0xb9: {  	v2 =	vpop (erf)  }
0xba: {  	s29 =	sadd.s32 $0x80, s29;
	s2 =	sshra.s32 s2, $0x2;
	v2 =	vmul.f32 v2, v1  }
0xbb: {  	s4 =	sand.u32 $0x380, s29;
	s1 =	sadd.s32 s2, s1  }
0xbc: {  	s1 =	sadd.s32 s4, s1;
	[tilespmem:v0+s28+$0x0 ss:$0x1] =	vst.idx.msk $0xffff, v2  }
0xbd: {  	v2 =	vld.idx.msk [tilespmem:v0+s1+$0x0 ss:$0x1], $0xffff;
	_ =	sdelay $0x4  }
0xbe: {  	v2 =	vsub.f32 $0.0e+00, v2;
	_ =	sdelay $0x1  }
0xbf: {  	v2 =	vmul.f32 $1.442695020e+00, v2;
	_ =	sdelay $0x1  }
0xc0: {  	(erf) = vpow2.f32 v2;
	_ =	sdelay $0x8  }
0xc1: {  	v2 =	vpop (erf)  }
0xc2: {  	v2 =	vadd.f32 $1.000000000e+00, v2;
	_ =	sdelay $0x1  }
0xc3: {  	(erf) = vrcp.f32 v2;
	_ =	sdelay $0x5  }
0xc4: {  	s26 =	sadd.s32 $0x1, s26  }
0xc5: {  	p1 =	sne.s32 s26, $0x28  }
.Ltmp6:
0xc6: {  	_ = 	snop;
	(pc) =	sbr.rel @p1 .LBB2_8-.Ltmp6, $3  }
0xc7: {  	v2 =	vpop (erf)  }
0xc8: {  	v63 =	vmul.f32 v2, v1;
	_ =	sdelay $0x1  }
0xc9: {  	[tilespmem:v0+s1+$0x0 ss:$0x1] =	vst.idx.msk $0xffff, v63  }
0xca: {  	s1 =	rddreg [dreg:$0x8]  }
0xcb: {  	[hbm4b:s1+s17] =	stream.strided.scatter [tilespmem:s30], [sflag:$0x1], $0x7800, s18, s17, $0x38;
	[tilespmem:$0x1A400] =	vst v63  }
0xcc: {  	_ =	swait.ge [sflag:s19], $0x7800  }
0xcd: {  	[sflag:s19] =	ssyncset.done $0x0  }
0xce: {  	s29 =	rddreg [dreg:$0x9];
	[sflag:s19] =	ssyncadd.s32 $0xFFFF8800  }
0xcf: {  	[tilespmem:s30], [sflag:$0x1] =	stream.strided.gather [hbm4b:s29+s17], $0x7800, s18, s17, $0x38;
	[tilespmem:$0x1A400] =	vst v63  }
0xd0: {  	_ =	swait.ge [sflag:s19], $0x7800  }
0xd1: {  	[sflag:s19] =	ssyncset.done $0x0  }
0xd2: {  	s25 =	simm.s32 $0x0;
	s26 =	simm.s32 $0x0;
	[sflag:s19] =	ssyncadd.s32 $0xFFFF8800  }
.LBB2_12:
0xd3: {  	s2 =	sshll.u32 s26, $0x4  }
0xd4: {  	s4 =	simm.s32 $0x0;
	s1 =	sand.u32 $0x70, s2  }
0xd5: {  	s5 =	sshll.u32 s26, $0x7;
	s4 =	smul.u32 $0x5000, s4;
	v0 =	vmov s1  }
0xd6: {  	s7 =	sand.u32 $0x1C00, s5  }
0xd7: {  	s1 =	sadd.s32 $0xDC00, s7;
	s4 =	sshra.s32 s4, $0x2  }
0xd8: {  	s8 =	sand.u32 $0x380, s25;
	s4 =	sadd.s32 s4, s1  }
0xd9: {  	s28 =	sadd.s32 s8, s4  }
0xda: {  	v1 =	vld.idx.msk [tilespmem:v0+s28+$0x0 ss:$0x1], $0xffff;
	_ =	sdelay $0x4  }
0xdb: {  	v1 =	vsub.f32 $0.0e+00, v1;
	_ =	sdelay $0x1  }
0xdc: {  	v1 =	vmul.f32 $1.442695020e+00, v1;
	_ =	sdelay $0x1  }
0xdd: {  	(erf) = vpow2.f32 v1;
	_ =	sdelay $0x8  }
0xde: {  	v1 =	vpop (erf)  }
0xdf: {  	v2 =	vadd.f32 $1.000000000e+00, v1;
	_ =	sdelay $0x1  }
0xe0: {  	(erf) = vrcp.f32 v2;
	_ =	sdelay $0x4  }
0xe1: {  	v1 =	vld [tilespmem:s2+$0x19000];
	_ =	sdelay $0x1  }
0xe2: {  	s29 =	simm.s32 $0x0;
	s4 =	simm.s32 $0x0;
	s2 =	simm.s32 $0x2  }
.LBB2_13:
0xe3: {  	p1 =	sne.s32 s2, $0x2F;
	s4 =	smul.u32 $0x5000, s4  }
0xe4: {  	v2 =	vpop (erf)  }
0xe5: {  	s29 =	sadd.s32 $0x80, s29;
	s4 =	sshra.s32 s4, $0x2;
	v2 =	vmul.f32 v2, v1  }
0xe6: {  	s5 =	sand.u32 $0x380, s29;
	s4 =	sadd.s32 s4, s1  }
0xe7: {  	[tilespmem:v0+s28+$0x0 ss:$0x1] =	vst.idx.msk $0xffff, v2;
	s28 =	sadd.s32 s5, s4  }
0xe8: {  	v2 =	vld.idx.msk [tilespmem:v0+s28+$0x0 ss:$0x1], $0xffff;
	_ =	sdelay $0x5  }
0xe9: {  	v2 =	vsub.f32 $0.0e+00, v2;
	_ =	sdelay $0x1  }
0xea: {  	v2 =	vmul.f32 $1.442695020e+00, v2;
	_ =	sdelay $0x1  }
0xeb: {  	(erf) = vpow2.f32 v2;
	_ =	sdelay $0x8  }
0xec: {  	v2 =	vpop (erf)  }
0xed: {  	v2 =	vadd.f32 $1.000000000e+00, v2;
	_ =	sdelay $0x1  }
0xee: {  	(erf) = vrcp.f32 v2;
	_ =	sdelay $0x2  }
.Ltmp7:
0xef: {  	(pc) =	sbr.rel @p1 .LBB2_13-.Ltmp7, $2  }
0xf0: {  	_ =	sdelay $0x2  }
0xf1: {  	s4 =	sshrl.u32 s2, $0x3;
	s2 =	sadd.s32 $0x1, s2  }
0xf2: {  	s2 =	smul.u32 $0x5000, s4  }
0xf3: {  	v2 =	vpop (erf)  }
0xf4: {  	s29 =	sadd.s32 $0x80, s29;
	s2 =	sshra.s32 s2, $0x2;
	v2 =	vmul.f32 v2, v1  }
0xf5: {  	s4 =	sand.u32 $0x380, s29;
	s1 =	sadd.s32 s2, s1  }
0xf6: {  	s1 =	sadd.s32 s4, s1;
	[tilespmem:v0+s28+$0x0 ss:$0x1] =	vst.idx.msk $0xffff, v2  }
0xf7: {  	v2 =	vld.idx.msk [tilespmem:v0+s1+$0x0 ss:$0x1], $0xffff;
	_ =	sdelay $0x4  }
0xf8: {  	v2 =	vsub.f32 $0.0e+00, v2;
	_ =	sdelay $0x1  }
0xf9: {  	v2 =	vmul.f32 $1.442695020e+00, v2;
	_ =	sdelay $0x1  }
0xfa: {  	(erf) = vpow2.f32 v2;
	_ =	sdelay $0x8  }
0xfb: {  	v2 =	vpop (erf)  }
0xfc: {  	v2 =	vadd.f32 $1.000000000e+00, v2;
	_ =	sdelay $0x1  }
0xfd: {  	(erf) = vrcp.f32 v2;
	_ =	sdelay $0x5  }
0xfe: {  	s26 =	sadd.s32 $0x1, s26  }
0xff: {  	p1 =	sne.s32 s26, $0x28  }
.Ltmp8:
0x100: {  	_ = 	snop;
	(pc) =	sbr.rel @p1 .LBB2_12-.Ltmp8, $3  }
0x101: {  	v2 =	vpop (erf)  }
0x102: {  	v63 =	vmul.f32 v2, v1;
	_ =	sdelay $0x1  }
0x103: {  	[tilespmem:v0+s1+$0x0 ss:$0x1] =	vst.idx.msk $0xffff, v63  }
0x104: {  	s1 =	rddreg [dreg:$0xa]  }
0x105: {  	[hbm4b:s1+s17] =	stream.strided.scatter [tilespmem:s30], [sflag:$0x1], $0x7800, s18, s17, $0x38;
	[tilespmem:$0x1A400] =	vst v63  }
0x106: {  	_ =	swait.ge [sflag:s19], $0x7800  }
0x107: {  	[sflag:s19] =	ssyncset.done $0x0  }
0x108: {  	s29 =	rddreg [dreg:$0xb];
	[sflag:s19] =	ssyncadd.s32 $0xFFFF8800  }
0x109: {  	[tilespmem:s31], [sflag:$0x1] =	stream.strided.gather [hbm4b:s29+s17], $0x3C00, s18, s17, $0x38;
	[tilespmem:$0x1A400] =	vst v63  }
0x10a: {  	_ =	swait.ge [sflag:s19], $0x3C00  }
0x10b: {  	[sflag:s19] =	ssyncset.done $0x0  }
0x10c: {  	s25 =	simm.s32 $0x0;
	s26 =	simm.s32 $0x0;
	[sflag:s19] =	ssyncadd.s32 $0xFFFFC400  }
.LBB2_16:
0x10d: {  	s2 =	sshll.u32 s26, $0x4  }
0x10e: {  	s4 =	simm.s32 $0x0;
	s1 =	sand.u32 $0x70, s2  }
0x10f: {  	s5 =	sshll.u32 s26, $0x7;
	s4 =	smul.u32 $0x5000, s4;
	v0 =	vmov s1  }
0x110: {  	s7 =	sand.u32 $0x1C00, s5  }
0x111: {  	s1 =	sadd.s32 $0x15400, s7;
	s4 =	sshra.s32 s4, $0x2  }
0x112: {  	s8 =	sand.u32 $0x380, s25;
	s4 =	sadd.s32 s4, s1  }
0x113: {  	s28 =	sadd.s32 s8, s4  }
0x114: {  	v1 =	vld.idx.msk [tilespmem:v0+s28+$0x0 ss:$0x1], $0xffff;
	_ =	sdelay $0x4  }
0x115: {  	v1 =	vsub.f32 $0.0e+00, v1;
	_ =	sdelay $0x1  }
0x116: {  	v1 =	vmul.f32 $1.442695020e+00, v1;
	_ =	sdelay $0x1  }
0x117: {  	(erf) = vpow2.f32 v1;
	_ =	sdelay $0x8  }
0x118: {  	v1 =	vpop (erf)  }
0x119: {  	v2 =	vadd.f32 $1.000000000e+00, v1;
	_ =	sdelay $0x1  }
0x11a: {  	(erf) = vrcp.f32 v2;
	_ =	sdelay $0x4  }
0x11b: {  	v1 =	vld [tilespmem:s2+$0x19000];
	_ =	sdelay $0x1  }
0x11c: {  	s29 =	simm.s32 $0x0;
	s4 =	simm.s32 $0x0;
	s2 =	simm.s32 $0x2  }
.LBB2_17:
0x11d: {  	p1 =	sne.s32 s2, $0x14;
	s4 =	smul.u32 $0x5000, s4  }
0x11e: {  	v2 =	vpop (erf)  }
0x11f: {  	s29 =	sadd.s32 $0x80, s29;
	s4 =	sshra.s32 s4, $0x2;
	v2 =	vmul.f32 v2, v1  }
0x120: {  	s5 =	sand.u32 $0x380, s29;
	s4 =	sadd.s32 s4, s1  }
0x121: {  	[tilespmem:v0+s28+$0x0 ss:$0x1] =	vst.idx.msk $0xffff, v2;
	s28 =	sadd.s32 s5, s4  }
0x122: {  	v2 =	vld.idx.msk [tilespmem:v0+s28+$0x0 ss:$0x1], $0xffff;
	_ =	sdelay $0x5  }
0x123: {  	v2 =	vsub.f32 $0.0e+00, v2;
	_ =	sdelay $0x1  }
0x124: {  	v2 =	vmul.f32 $1.442695020e+00, v2;
	_ =	sdelay $0x1  }
0x125: {  	(erf) = vpow2.f32 v2;
	_ =	sdelay $0x8  }
0x126: {  	v2 =	vpop (erf)  }
0x127: {  	v2 =	vadd.f32 $1.000000000e+00, v2;
	_ =	sdelay $0x1  }
0x128: {  	(erf) = vrcp.f32 v2;
	_ =	sdelay $0x2  }
.Ltmp9:
0x129: {  	(pc) =	sbr.rel @p1 .LBB2_17-.Ltmp9, $2  }
0x12a: {  	_ =	sdelay $0x2  }
0x12b: {  	s4 =	sshrl.u32 s2, $0x3;
	s2 =	sadd.s32 $0x1, s2  }
0x12c: {  	s2 =	smul.u32 $0x5000, s4  }
0x12d: {  	v2 =	vpop (erf)  }
0x12e: {  	s29 =	sadd.s32 $0x80, s29;
	s2 =	sshra.s32 s2, $0x2;
	v2 =	vmul.f32 v2, v1  }
0x12f: {  	s4 =	sand.u32 $0x380, s29;
	s1 =	sadd.s32 s2, s1  }
0x130: {  	s1 =	sadd.s32 s4, s1;
	[tilespmem:v0+s28+$0x0 ss:$0x1] =	vst.idx.msk $0xffff, v2  }
0x131: {  	v2 =	vld.idx.msk [tilespmem:v0+s1+$0x0 ss:$0x1], $0xffff;
	_ =	sdelay $0x4  }
0x132: {  	v2 =	vsub.f32 $0.0e+00, v2;
	_ =	sdelay $0x1  }
0x133: {  	v2 =	vmul.f32 $1.442695020e+00, v2;
	_ =	sdelay $0x1  }
0x134: {  	(erf) = vpow2.f32 v2;
	_ =	sdelay $0x8  }
0x135: {  	v2 =	vpop (erf)  }
0x136: {  	v2 =	vadd.f32 $1.000000000e+00, v2;
	_ =	sdelay $0x1  }
0x137: {  	(erf) = vrcp.f32 v2;
	_ =	sdelay $0x5  }
0x138: {  	s26 =	sadd.s32 $0x1, s26  }
0x139: {  	p1 =	sne.s32 s26, $0x28  }
.Ltmp10:
0x13a: {  	_ = 	snop;
	(pc) =	sbr.rel @p1 .LBB2_16-.Ltmp10, $3  }
0x13b: {  	v2 =	vpop (erf)  }
0x13c: {  	v63 =	vmul.f32 v2, v1;
	_ =	sdelay $0x1  }
0x13d: {  	[tilespmem:v0+s1+$0x0 ss:$0x1] =	vst.idx.msk $0xffff, v63  }
0x13e: {  	s1 =	rddreg [dreg:$0xc]  }
0x13f: {  	[hbm4b:s1+s17] =	stream.strided.scatter [tilespmem:s31], [sflag:$0x1], $0x3C00, s18, s17, $0x38;
	[tilespmem:$0x1A400] =	vst v63  }
0x140: {  	_ =	swait.ge [sflag:s19], $0x3C00  }
0x141: {  	s2 =	sld [smem:$0x7E7]  }
0x142: {  	[sflag:s19] =	ssyncset.done $0x0  }
0x143: {  	s25 =	simm.s32 $0x0;
	[sflag:s19] =	ssyncadd.s32 $0xFFFFC400  }
0x144: {  	[tilespmem:s0], [sflag:$0x1] =	stream.linear.gather [hbm4b:s2+s25], $0x280, $0x38;
	[tilespmem:$0x1A400] =	vst v63  }
0x145: {  	_ =	swait.ge [sflag:s19], $0x280  }
0x146: {  	s26 =	sld [smem:$0x7E8]  }
0x147: {  	[sflag:s19] =	ssyncset.done $0x0  }
0x148: {  	[sflag:s19] =	ssyncadd.s32 $0xFFFFFD80  }
0x149: {  	[tilespmem:s22], [sflag:$0x1] =	stream.linear.gather [hbm4b:s26+s25], $0x280, $0x38;
	[tilespmem:$0x1A400] =	vst v63  }
0x14a: {  	_ =	swait.ge [sflag:s19], $0x280  }
0x14b: {  	s28 =	sld [smem:$0x7F5]  }
0x14c: {  	[sflag:s19] =	ssyncset.done $0x0  }
0x14d: {  	[sflag:s19] =	ssyncadd.s32 $0xFFFFFD80  }
0x14e: {  	[tilespmem:s23], [sflag:$0x1] =	stream.linear.gather [hbm4b:s28+s25], $0xA00, $0x38;
	[tilespmem:$0x1A400] =	vst v63  }
0x14f: {  	s29 =	sand.u32 $0x70, s25;
	s1 =	sand.u32 $0xE00, s25;
	_ =	swait.ge [sflag:s19], $0xA00  }
0x150: {  	s25 =	sor.u32 s29, s1;
	[sflag:s19] =	ssyncset.done $0x0  }
0x151: {  	s1 =	sadd.s32 $0x19A00, s25;
	[sflag:s19] =	ssyncadd.s32 $0xFFFFF600  }
0x152: {  	v0 =	vld [tilespmem:s1+$0x100]  }
0x153: {  	v1 =	vld [tilespmem:s25+$0x19A00]  }
0x154: {  	v2 =	vld [tilespmem:s1+$0x180];
	_ =	sdelay $0x1  }
0x155: {  	s4 =	simm.s32 $0x0;
	v4 =	vld [tilespmem:s1+$0x80]  }
0x156: {  	v3 =	vld [tilespmem:s4+$0x19500];
	v0 =	vmul.f32 $5.000000000e-01, v0;
	_ =	sdelay $0x1  }
0x157: {  	v6 =	vmul.f32 $5.000000000e-01, v2;
	v5 =	vsub.f32 v1, v0;
	v7 =	vadd.f32 v0, v1;
	v0 =	vld [tilespmem:s4+$0x19780];
	_ =	sdelay $0x1  }
0x158: {  	s5 =	simm.s32 $0x10;
	s26 =	simm.s32 $0x40;
	v2 =	vsub.f32 v4, v6  }
0x159: {  	s2 =	simm.s32 $0x20;
	s4 =	sand.u32 $0x70, s5;
	s5 =	sand.u32 $0xE00, s26;
	v4 =	vadd.f32 v6, v4;
	v1 =	vmul.f32 v3, v5;
	v3 =	vmul.f32 v3, v7  }
.LBB2_20:
0x15a: {  	p1 =	sne.s32 s2, $0x270  }
0x15b: {  	[tilespmem:s25+$0x19A00] =	vst v1;
	s25 =	sor.u32 s4, s5;
	v1 =	vmul.f32 v0, v2;
	s4 =	smov.u32 s2;
	s2 =	sadd.s32 $0x10, s2  }
0x15c: {  	s5 =	sadd.s32 $0x19A00, s25;
	[tilespmem:s1+$0x100] =	vst v3;
	v0 =	vmul.f32 v0, v4  }
0x15d: {  	v2 =	vld [tilespmem:s5+$0x100];
	[tilespmem:s1+$0x80] =	vst v1  }
0x15e: {  	v1 =	vld [tilespmem:s25+$0x19A00];
	[tilespmem:s1+$0x180] =	vst v0;
	s1 =	smov.u32 s5  }
0x15f: {  	v3 =	vld [tilespmem:s1+$0x180]  }
0x160: {  	s5 =	sshra.s32 s26, $0x2;
	v4 =	vld [tilespmem:s1+$0x80]  }
0x161: {  	v5 =	vld [tilespmem:s5+$0x19500]  }
0x162: {  	v2 =	vmul.f32 $5.000000000e-01, v2  }
.Ltmp11:
0x163: {  	v0 =	vld [tilespmem:s5+$0x19780];
	(pc) =	sbr.rel @p1 .LBB2_20-.Ltmp11, $3  }
0x164: {  	v6 =	vmul.f32 $5.000000000e-01, v3;
	v3 =	vsub.f32 v1, v2;
	v7 =	vadd.f32 v2, v1;
	_ =	sdelay $0x1  }
0x165: {  	s26 =	sadd.s32 $0x40, s26;
	v1 =	vmul.f32 v5, v3;
	v2 =	vsub.f32 v4, v6;
	v3 =	vmul.f32 v5, v7  }
0x166: {  	s4 =	sand.u32 $0x70, s4;
	s5 =	sand.u32 $0xE00, s26;
	v4 =	vadd.f32 v6, v4  }
0x167: {  	s2 =	sor.u32 s4, s5  }
0x168: {  	[tilespmem:s1+$0x100] =	vst v3;
	s4 =	sadd.s32 $0x19A00, s2;
	v3 =	vmul.f32 v0, v4  }
0x169: {  	[tilespmem:s25+$0x19A00] =	vst v1;
	v0 =	vmul.f32 v0, v2;
	v1 =	vld [tilespmem:s4+$0x100]  }
0x16a: {  	v2 =	vld [tilespmem:s2+$0x19A00];
	[tilespmem:s1+$0x180] =	vst v3  }
0x16b: {  	[tilespmem:s1+$0x80] =	vst v0;
	v0 =	vld [tilespmem:s4+$0x180]  }
0x16c: {  	s6 =	sshra.s32 s26, $0x2;
	v3 =	vld [tilespmem:s4+$0x80]  }
0x16d: {  	v4 =	vld [tilespmem:s6+$0x19500]  }
0x16e: {  	v1 =	vmul.f32 $5.000000000e-01, v1  }
0x16f: {  	v5 =	vld [tilespmem:s6+$0x19780]  }
0x170: {  	v0 =	vmul.f32 $5.000000000e-01, v0;
	v6 =	vsub.f32 v2, v1  }
0x171: {  	v1 =	vadd.f32 v1, v2  }
0x172: {  	v2 =	vmul.f32 v4, v6;
	v6 =	vsub.f32 v3, v0  }
0x173: {  	v1 =	vmul.f32 v4, v1;
	v0 =	vadd.f32 v0, v3  }
0x174: {  	[tilespmem:s2+$0x19A00] =	vst v2;
	v2 =	vmul.f32 v5, v6  }
0x175: {  	s8 =	sld [smem:$0x7F6];
	[tilespmem:s4+$0x100] =	vst v1;
	v0 =	vmul.f32 v5, v0  }
0x176: {  	[tilespmem:s4+$0x80] =	vst v2  }
0x177: {  	s7 =	simm.s32 $0x0;
	[tilespmem:s4+$0x180] =	vst v0  }
0x178: {  	[hbm4b:s8+s7] =	stream.linear.scatter [tilespmem:s23], [sflag:$0x1], $0xA00, $0x38;
	[tilespmem:$0x1A400] =	vst v63  }
0x179: {  	_ =	swait.ge [sflag:s19], $0xA00  }
0x17a: {  	s25 =	sld [smem:$0x7F7]  }
0x17b: {  	[sflag:s19] =	ssyncset.done $0x0  }
0x17c: {  	[sflag:s19] =	ssyncadd.s32 $0xFFFFF600  }
0x17d: {  	[tilespmem:s23], [sflag:$0x1] =	stream.linear.gather [hbm4b:s25+s7], $0xA00, $0x38;
	[tilespmem:$0x1A400] =	vst v63  }
0x17e: {  	s26 =	sand.u32 $0x70, s7;
	s1 =	sand.u32 $0xE00, s7;
	_ =	swait.ge [sflag:s19], $0xA00  }
0x17f: {  	s25 =	sor.u32 s26, s1;
	[sflag:s19] =	ssyncset.done $0x0  }
0x180: {  	s1 =	sadd.s32 $0x19A00, s25;
	[sflag:s19] =	ssyncadd.s32 $0xFFFFF600  }
0x181: {  	v0 =	vld [tilespmem:s1+$0x100]  }
0x182: {  	v1 =	vld [tilespmem:s25+$0x19A00]  }
0x183: {  	v2 =	vld [tilespmem:s1+$0x180];
	_ =	sdelay $0x1  }
0x184: {  	s28 =	simm.s32 $0x0;
	v4 =	vld [tilespmem:s1+$0x80]  }
0x185: {  	v3 =	vld [tilespmem:s28+$0x19500];
	v0 =	vmul.f32 $5.000000000e-01, v0;
	_ =	sdelay $0x1  }
0x186: {  	v6 =	vmul.f32 $5.000000000e-01, v2;
	v5 =	vsub.f32 v1, v0;
	v7 =	vadd.f32 v0, v1;
	v0 =	vld [tilespmem:s28+$0x19780];
	_ =	sdelay $0x1  }
0x187: {  	s29 =	simm.s32 $0x10;
	s26 =	simm.s32 $0x40;
	v2 =	vsub.f32 v4, v6  }
0x188: {  	s2 =	simm.s32 $0x20;
	s4 =	sand.u32 $0x70, s29;
	s5 =	sand.u32 $0xE00, s26;
	v4 =	vadd.f32 v6, v4;
	v1 =	vmul.f32 v3, v5;
	v3 =	vmul.f32 v3, v7  }
.LBB2_22:
0x189: {  	p1 =	sne.s32 s2, $0x270  }
0x18a: {  	[tilespmem:s25+$0x19A00] =	vst v1;
	s25 =	sor.u32 s4, s5;
	v1 =	vmul.f32 v0, v2;
	s4 =	smov.u32 s2;
	s2 =	sadd.s32 $0x10, s2  }
0x18b: {  	s5 =	sadd.s32 $0x19A00, s25;
	[tilespmem:s1+$0x100] =	vst v3;
	v0 =	vmul.f32 v0, v4  }
0x18c: {  	v2 =	vld [tilespmem:s5+$0x100];
	[tilespmem:s1+$0x80] =	vst v1  }
0x18d: {  	v1 =	vld [tilespmem:s25+$0x19A00];
	[tilespmem:s1+$0x180] =	vst v0;
	s1 =	smov.u32 s5  }
0x18e: {  	v3 =	vld [tilespmem:s1+$0x180]  }
0x18f: {  	s5 =	sshra.s32 s26, $0x2;
	v4 =	vld [tilespmem:s1+$0x80]  }
0x190: {  	v5 =	vld [tilespmem:s5+$0x19500]  }
0x191: {  	v2 =	vmul.f32 $5.000000000e-01, v2  }
.Ltmp12:
0x192: {  	v0 =	vld [tilespmem:s5+$0x19780];
	(pc) =	sbr.rel @p1 .LBB2_22-.Ltmp12, $3  }
0x193: {  	v6 =	vmul.f32 $5.000000000e-01, v3;
	v3 =	vsub.f32 v1, v2;
	v7 =	vadd.f32 v2, v1;
	_ =	sdelay $0x1  }
0x194: {  	s26 =	sadd.s32 $0x40, s26;
	v1 =	vmul.f32 v5, v3;
	v2 =	vsub.f32 v4, v6;
	v3 =	vmul.f32 v5, v7  }
0x195: {  	s4 =	sand.u32 $0x70, s4;
	s5 =	sand.u32 $0xE00, s26;
	v4 =	vadd.f32 v6, v4  }
0x196: {  	s2 =	sor.u32 s4, s5  }
0x197: {  	[tilespmem:s1+$0x100] =	vst v3;
	s4 =	sadd.s32 $0x19A00, s2;
	v54 =	vmul.f32 v0, v4  }
0x198: {  	[tilespmem:s25+$0x19A00] =	vst v1;
	v55 =	vmul.f32 v0, v2;
	v56 =	vld [tilespmem:s4+$0x100]  }
0x199: {  	v57 =	vld [tilespmem:s2+$0x19A00];
	[tilespmem:s1+$0x180] =	vst v54  }
0x19a: {  	[tilespmem:s1+$0x80] =	vst v55;
	v58 =	vld [tilespmem:s4+$0x180]  }
0x19b: {  	s26 =	sshra.s32 s26, $0x2;
	v59 =	vld [tilespmem:s4+$0x80]  }
0x19c: {  	v60 =	vld [tilespmem:s26+$0x19500]  }
0x19d: {  	v1 =	vmul.f32 $5.000000000e-01, v56  }
0x19e: {  	v5 =	vld [tilespmem:s26+$0x19780]  }
0x19f: {  	v0 =	vmul.f32 $5.000000000e-01, v58;
	v6 =	vsub.f32 v57, v1  }
0x1a0: {  	v1 =	vadd.f32 v1, v57  }
0x1a1: {  	v61 =	vmul.f32 v60, v6;
	v62 =	vsub.f32 v59, v0  }
0x1a2: {  	v1 =	vmul.f32 v60, v1;
	v0 =	vadd.f32 v0, v59  }
0x1a3: {  	[tilespmem:s2+$0x19A00] =	vst v61;
	v63 =	vmul.f32 v5, v62  }
0x1a4: {  	s28 =	sld [smem:$0x7F8];
	[tilespmem:s4+$0x100] =	vst v1;
	v0 =	vmul.f32 v5, v0  }
0x1a5: {  	[tilespmem:s4+$0x80] =	vst v63  }
0x1a6: {  	s25 =	simm.s32 $0x0;
	[tilespmem:s4+$0x180] =	vst v0  }
0x1a7: {  	[hbm4b:s28+s25] =	stream.linear.scatter [tilespmem:s23], [sflag:$0x1], $0xA00, $0x38;
	[tilespmem:$0x1A400] =	vst v63  }
0x1a8: {  	_ =	swait.ge [sflag:s19], $0xA00  }
0x1a9: {  	[sflag:s19] =	ssyncset.done $0x0  }
0x1aa: {  	s29 =	rddreg [dreg:$0xd];
	[sflag:s19] =	ssyncadd.s32 $0xFFFFF600  }
0x1ab: {  	[tilespmem:s25], [sflag:$0x1] =	stream.strided.gather [hbm4b:s29+s17], $0xDC00, s18, s17, $0x38;
	[tilespmem:$0x1A400] =	vst v63  }
0x1ac: {  	_ =	swait.ge [sflag:s19], $0xDC00  }
0x1ad: {  	[sflag:s19] =	ssyncset.done $0x0  }
0x1ae: {  	s26 =	simm.s32 $0x0;
	[sflag:s19] =	ssyncadd.s32 $0xFFFF2400  }
.LBB2_24:
0x1af: {  	s28 =	sshll.u32 s26, $0x4  }
0x1b0: {  	s2 =	simm.s32 $0x0;
	s1 =	sand.u32 $0x70, s28  }
0x1b1: {  	s2 =	smul.u32 $0x5000, s2;
	v0 =	vmov s1  }
0x1b2: {  	s4 =	sshll.u32 s26, $0x7  }
0x1b3: {  	s29 =	sand.u32 $0x1C00, s4;
	s2 =	sshra.s32 s2, $0x2  }
0x1b4: {  	s7 =	simm.s32 $0x0;
	s5 =	sand.u32 $0x380, s25;
	s2 =	sadd.s32 s2, s29  }
0x1b5: {  	s8 =	smul.u32 $0x5000, s7;
	s2 =	sadd.s32 s5, s2  }
0x1b6: {  	v3 =	vld.idx.msk [tilespmem:v0+s2+$0x0 ss:$0x1], $0xffff  }
0x1b7: {  	s4 =	simm.s32 $0x80;
	s6 =	sshra.s32 s8, $0x2  }
0x1b8: {  	s1 =	simm.s32 $0x1;
	s7 =	sand.u32 $0x380, s4;
	s6 =	sadd.s32 s6, s29  }
0x1b9: {  	v2 =	vimm.f32 $-1.000000020e+30;
	v1 =	vimm.s32 $0x0;
	s5 =	simm.s32 $0x2;
	s6 =	sadd.s32 s7, s6;
	s2 =	simm.s32 $0x0  }
.LBB2_25:
0x1ba: {  	s7 =	sshrl.u32 s5, $0x3;
	p1 =	sne.s32 s5, $0x4F  }
0x1bb: {  	vm0 =	vgt.f32 v3, v2;
	v4 =	vmov v3;
	v3 =	vld.idx.msk [tilespmem:v0+s6+$0x0 ss:$0x1], $0xffff;
	s6 =	smov.u32 s5;
	s5 =	sadd.s32 $0x1, s5;
	s7 =	smul.u32 $0x5000, s7  }
.Ltmp13:
0x1bc: {  	v2 =	vsel vm0, v4, v2;
	v1 =	vsel vm0, s2, v1;
	(pc) =	sbr.rel @p1 .LBB2_25-.Ltmp13, $4  }
0x1bd: {  	s2 =	smov.u32 s1;
	s1 =	smov.u32 s6  }
0x1be: {  	s4 =	sadd.s32 $0x80, s4;
	s6 =	sshra.s32 s7, $0x2  }
0x1bf: {  	s7 =	sand.u32 $0x380, s4;
	s6 =	sadd.s32 s6, s29  }
0x1c0: {  	s6 =	sadd.s32 s7, s6  }
0x1c1: {  	s4 =	simm.s32 $0x0  }
0x1c2: {  	s4 =	smul.u32 $0x5000, s4;
	_ =	sdelay $0x1  }
0x1c3: {  	s7 =	simm.s32 $0x0;
	s4 =	sshra.s32 s4, $0x2  }
0x1c4: {  	s5 =	simm.s32 $0x0;
	v4 =	vld.idx.msk [tilespmem:v0+s6+$0x0 ss:$0x1], $0xffff;
	s7 =	sand.u32 $0x380, s7;
	s4 =	sadd.s32 s4, s29  }
0x1c5: {  	s5 =	smul.u32 $0x5000, s5;
	s4 =	sadd.s32 s7, s4  }
0x1c6: {  	v5 =	vld.idx.msk [tilespmem:v0+s4+$0x0 ss:$0x1], $0xffff  }
0x1c7: {  	s8 =	simm.s32 $0x80;
	vm0 =	vgt.f32 v3, v2;
	s5 =	sshra.s32 s5, $0x2  }
0x1c8: {  	s6 =	sand.u32 $0x380, s8;
	v2 =	vsel vm0, v3, v2;
	s5 =	sadd.s32 s5, s29  }
0x1c9: {  	s8 =	sadd.s32 s6, s5;
	vm1 =	vgt.f32 v4, v2  }
0x1ca: {  	v6 =	vld.idx.msk [tilespmem:v0+s8+$0x0 ss:$0x1], $0xffff;
	v2 =	vsel vm1, v4, v2  }
0x1cb: {  	v3 =	vsub.f32 v5, v2  }
0x1cc: {  	s5 =	simm.s32 $0x0  }
0x1cd: {  	s4 =	smul.u32 $0x5000, s5;
	v3 =	vmul.f32 $1.442695020e+00, v3;
	_ =	sdelay $0x1  }
0x1ce: {  	s6 =	simm.s32 $0x0;
	s7 =	simm.s32 $0x100;
	s4 =	sshra.s32 s4, $0x2;
	v4 =	vsub.f32 v6, v2;
	(erf) = vpow2.f32 v3  }
0x1cf: {  	s5 =	smul.u32 $0x5000, s6;
	s6 =	sand.u32 $0x380, s7;
	s8 =	sadd.s32 s4, s29  }
0x1d0: {  	s7 =	sadd.s32 s6, s8;
	v5 =	vmul.f32 $1.442695020e+00, v4  }
0x1d1: {  	v4 =	vld.idx.msk [tilespmem:v0+s7+$0x0 ss:$0x1], $0xffff  }
0x1d2: {  	s5 =	sshra.s32 s5, $0x2;
	s4 =	simm.s32 $0x180;
	(erf) = vpow2.f32 v5  }
0x1d3: {  	v1 =	vsel vm0, s2, v1;
	s5 =	sadd.s32 s5, s29;
	s8 =	sand.u32 $0x380, s4  }
0x1d4: {  	v1 =	vsel vm1, s1, v1;
	s1 =	simm.s32 $0x4;
	s2 =	sadd.s32 s8, s5;
	v3 =	vimm.f32 $0.0e+00  }
.LBB2_27:
0x1d5: {  	s5 =	sshrl.u32 s1, $0x3  }
0x1d6: {  	p1 =	sne.s32 s1, $0x50;
	s1 =	sadd.s32 $0x1, s1;
	v5 =	vsub.f32 v4, v2;
	v4 =	vld.idx.msk [tilespmem:v0+s2+$0x0 ss:$0x1], $0xffff;
	s2 =	smul.u32 $0x5000, s5  }
.Ltmp14:
0x1d7: {  	v6 =	vpop (erf);
	(pc) =	sbr.rel @p1 .LBB2_27-.Ltmp14, $4  }
0x1d8: {  	v5 =	vmul.f32 $1.442695020e+00, v5;
	v3 =	vadd.f32 v6, v3  }
0x1d9: {  	s4 =	sadd.s32 $0x80, s4;
	s2 =	sshra.s32 s2, $0x2  }
0x1da: {  	s5 =	sand.u32 $0x380, s4;
	s2 =	sadd.s32 s2, s29;
	(erf) = vpow2.f32 v5  }
0x1db: {  	s2 =	sadd.s32 s5, s2  }
0x1dc: {  	_ =	sdelay $0x3  }
0x1dd: {  	v0 =	vld.idx.msk [tilespmem:v0+s2+$0x0 ss:$0x1], $0xffff;
	_ =	sdelay $0x2  }
0x1de: {  	v4 =	vsub.f32 v4, v2;
	_ =	sdelay $0x1  }
0x1df: {  	v4 =	vmul.f32 $1.442695020e+00, v4;
	v0 =	vsub.f32 v0, v2;
	_ =	sdelay $0x1  }
0x1e0: {  	(erf) = vpow2.f32 v4;
	v0 =	vmul.f32 $1.442695020e+00, v0;
	_ =	sdelay $0x1  }
0x1e1: {  	(erf) = vpow2.f32 v0;
	_ =	sdelay $0x2  }
0x1e2: {  	v60 =	vpop (erf)  }
0x1e3: {  	v0 =	vadd.f32 v60, v3  }
0x1e4: {  	v61 =	vpop (erf)  }
0x1e5: {  	v0 =	vadd.f32 v61, v0  }
0x1e6: {  	v62 =	vpop (erf)  }
0x1e7: {  	v0 =	vadd.f32 v62, v0  }
0x1e8: {  	v63 =	vpop (erf)  }
0x1e9: {  	v0 =	vadd.f32 v63, v0;
	_ =	sdelay $0x1  }
0x1ea: {  	(erf) = vrcp.f32 v0;
	_ =	sdelay $0x3  }
0x1eb: {  	s26 =	sadd.s32 $0x1, s26  }
0x1ec: {  	p1 =	sne.s32 s26, $0x28  }
.Ltmp15:
0x1ed: {  	_ = 	snop;
	(pc) =	sbr.rel @p1 .LBB2_24-.Ltmp15, $3  }
0x1ee: {  	_ =	sdelay $0x1  }
0x1ef: {  	[tilespmem:s28+$0x19280] =	vst v1;
	v0 =	vpop (erf)  }
0x1f0: {  	[tilespmem:s28+$0x19000] =	vst v0  }
0x1f1: {  	s1 =	sld [smem:$0x7E9];
	_ =	sdelay $0x1  }
0x1f2: {  	s25 =	simm.s32 $0x0  }
0x1f3: {  	[hbm4b:s1+s25] =	stream.linear.scatter [tilespmem:s20], [sflag:$0x1], $0x280, $0x38;
	[tilespmem:$0x1A400] =	vst v63  }
0x1f4: {  	_ =	swait.ge [sflag:s19], $0x280  }
0x1f5: {  	s28 =	sld [smem:$0x7EA]  }
0x1f6: {  	[sflag:s19] =	ssyncset.done $0x0  }
0x1f7: {  	[sflag:s19] =	ssyncadd.s32 $0xFFFFFD80  }
0x1f8: {  	[hbm4b:s28+s25] =	stream.linear.scatter [tilespmem:s21], [sflag:$0x1], $0x280, $0x38;
	[tilespmem:$0x1A400] =	vst v63  }
0x1f9: {  	_ =	swait.ge [sflag:s19], $0x280  }
0x1fa: {  	[sflag:s19] =	ssyncset.done $0x0  }
0x1fb: {  	s29 =	rddreg [dreg:$0xe];
	[sflag:s19] =	ssyncadd.s32 $0xFFFFFD80  }
0x1fc: {  	[tilespmem:s30], [sflag:$0x1] =	stream.strided.gather [hbm4b:s29+s17], $0x7800, s18, s17, $0x38;
	[tilespmem:$0x1A400] =	vst v63  }
0x1fd: {  	_ =	swait.ge [sflag:s19], $0x7800  }
0x1fe: {  	[sflag:s19] =	ssyncset.done $0x0  }
0x1ff: {  	s26 =	simm.s32 $0x0;
	[sflag:s19] =	ssyncadd.s32 $0xFFFF8800  }
.LBB2_30:
0x200: {  	s2 =	sshll.u32 s26, $0x4  }
0x201: {  	s4 =	simm.s32 $0x0;
	s1 =	sand.u32 $0x70, s2  }
0x202: {  	s5 =	sshll.u32 s26, $0x7;
	s4 =	smul.u32 $0x5000, s4;
	v0 =	vmov s1  }
0x203: {  	s7 =	sand.u32 $0x1C00, s5  }
0x204: {  	s1 =	sadd.s32 $0xDC00, s7;
	s4 =	sshra.s32 s4, $0x2  }
0x205: {  	s8 =	sand.u32 $0x380, s25;
	s4 =	sadd.s32 s4, s1  }
0x206: {  	s28 =	sadd.s32 s8, s4  }
0x207: {  	v1 =	vld.idx.msk [tilespmem:v0+s28+$0x0 ss:$0x1], $0xffff;
	_ =	sdelay $0x4  }
0x208: {  	v1 =	vsub.f32 $0.0e+00, v1;
	_ =	sdelay $0x1  }
0x209: {  	v1 =	vmul.f32 $1.442695020e+00, v1;
	_ =	sdelay $0x1  }
0x20a: {  	(erf) = vpow2.f32 v1;
	_ =	sdelay $0x8  }
0x20b: {  	v1 =	vpop (erf)  }
0x20c: {  	v2 =	vadd.f32 $1.000000000e+00, v1;
	_ =	sdelay $0x1  }
0x20d: {  	(erf) = vrcp.f32 v2;
	_ =	sdelay $0x4  }
0x20e: {  	v1 =	vld [tilespmem:s2+$0x19000];
	_ =	sdelay $0x1  }
0x20f: {  	s29 =	simm.s32 $0x0;
	s4 =	simm.s32 $0x0;
	s2 =	simm.s32 $0x2  }
.LBB2_31:
0x210: {  	p1 =	sne.s32 s2, $0x2F;
	s4 =	smul.u32 $0x5000, s4  }
0x211: {  	v2 =	vpop (erf)  }
0x212: {  	s29 =	sadd.s32 $0x80, s29;
	s4 =	sshra.s32 s4, $0x2;
	v2 =	vmul.f32 v2, v1  }
0x213: {  	s5 =	sand.u32 $0x380, s29;
	s4 =	sadd.s32 s4, s1  }
0x214: {  	[tilespmem:v0+s28+$0x0 ss:$0x1] =	vst.idx.msk $0xffff, v2;
	s28 =	sadd.s32 s5, s4  }
0x215: {  	v2 =	vld.idx.msk [tilespmem:v0+s28+$0x0 ss:$0x1], $0xffff;
	_ =	sdelay $0x5  }
0x216: {  	v2 =	vsub.f32 $0.0e+00, v2;
	_ =	sdelay $0x1  }
0x217: {  	v2 =	vmul.f32 $1.442695020e+00, v2;
	_ =	sdelay $0x1  }
0x218: {  	(erf) = vpow2.f32 v2;
	_ =	sdelay $0x8  }
0x219: {  	v2 =	vpop (erf)  }
0x21a: {  	v2 =	vadd.f32 $1.000000000e+00, v2;
	_ =	sdelay $0x1  }
0x21b: {  	(erf) = vrcp.f32 v2;
	_ =	sdelay $0x2  }
.Ltmp16:
0x21c: {  	(pc) =	sbr.rel @p1 .LBB2_31-.Ltmp16, $2  }
0x21d: {  	_ =	sdelay $0x2  }
0x21e: {  	s4 =	sshrl.u32 s2, $0x3;
	s2 =	sadd.s32 $0x1, s2  }
0x21f: {  	s2 =	smul.u32 $0x5000, s4  }
0x220: {  	v2 =	vpop (erf)  }
0x221: {  	s29 =	sadd.s32 $0x80, s29;
	s2 =	sshra.s32 s2, $0x2;
	v2 =	vmul.f32 v2, v1  }
0x222: {  	s4 =	sand.u32 $0x380, s29;
	s1 =	sadd.s32 s2, s1  }
0x223: {  	s1 =	sadd.s32 s4, s1;
	[tilespmem:v0+s28+$0x0 ss:$0x1] =	vst.idx.msk $0xffff, v2  }
0x224: {  	v2 =	vld.idx.msk [tilespmem:v0+s1+$0x0 ss:$0x1], $0xffff;
	_ =	sdelay $0x4  }
0x225: {  	v2 =	vsub.f32 $0.0e+00, v2;
	_ =	sdelay $0x1  }
0x226: {  	v2 =	vmul.f32 $1.442695020e+00, v2;
	_ =	sdelay $0x1  }
0x227: {  	(erf) = vpow2.f32 v2;
	_ =	sdelay $0x8  }
0x228: {  	v2 =	vpop (erf)  }
0x229: {  	v2 =	vadd.f32 $1.000000000e+00, v2;
	_ =	sdelay $0x1  }
0x22a: {  	(erf) = vrcp.f32 v2;
	_ =	sdelay $0x5  }
0x22b: {  	s26 =	sadd.s32 $0x1, s26  }
0x22c: {  	p1 =	sne.s32 s26, $0x28  }
.Ltmp17:
0x22d: {  	_ = 	snop;
	(pc) =	sbr.rel @p1 .LBB2_30-.Ltmp17, $3  }
0x22e: {  	v2 =	vpop (erf)  }
0x22f: {  	v63 =	vmul.f32 v2, v1;
	_ =	sdelay $0x1  }
0x230: {  	[tilespmem:v0+s1+$0x0 ss:$0x1] =	vst.idx.msk $0xffff, v63  }
0x231: {  	s1 =	rddreg [dreg:$0xf]  }
0x232: {  	[hbm4b:s1+s17] =	stream.strided.scatter [tilespmem:s30], [sflag:$0x1], $0x7800, s18, s17, $0x38;
	[tilespmem:$0x1A400] =	vst v63  }
0x233: {  	_ =	swait.ge [sflag:s19], $0x7800  }
0x234: {  	[sflag:s19] =	ssyncset.done $0x0  }
0x235: {  	s29 =	rddreg [dreg:$0x10];
	[sflag:s19] =	ssyncadd.s32 $0xFFFF8800  }
0x236: {  	[tilespmem:s30], [sflag:$0x1] =	stream.strided.gather [hbm4b:s29+s17], $0x7800, s18, s17, $0x38;
	[tilespmem:$0x1A400] =	vst v63  }
0x237: {  	_ =	swait.ge [sflag:s19], $0x7800  }
0x238: {  	[sflag:s19] =	ssyncset.done $0x0  }
0x239: {  	s25 =	simm.s32 $0x0;
	s26 =	simm.s32 $0x0;
	[sflag:s19] =	ssyncadd.s32 $0xFFFF8800  }
.LBB2_34:
0x23a: {  	s2 =	sshll.u32 s26, $0x4  }
0x23b: {  	s4 =	simm.s32 $0x0;
	s1 =	sand.u32 $0x70, s2  }
0x23c: {  	s5 =	sshll.u32 s26, $0x7;
	s4 =	smul.u32 $0x5000, s4;
	v0 =	vmov s1  }
0x23d: {  	s7 =	sand.u32 $0x1C00, s5  }
0x23e: {  	s1 =	sadd.s32 $0xDC00, s7;
	s4 =	sshra.s32 s4, $0x2  }
0x23f: {  	s8 =	sand.u32 $0x380, s25;
	s4 =	sadd.s32 s4, s1  }
0x240: {  	s28 =	sadd.s32 s8, s4  }
0x241: {  	v1 =	vld.idx.msk [tilespmem:v0+s28+$0x0 ss:$0x1], $0xffff;
	_ =	sdelay $0x4  }
0x242: {  	v1 =	vsub.f32 $0.0e+00, v1;
	_ =	sdelay $0x1  }
0x243: {  	v1 =	vmul.f32 $1.442695020e+00, v1;
	_ =	sdelay $0x1  }
0x244: {  	(erf) = vpow2.f32 v1;
	_ =	sdelay $0x8  }
0x245: {  	v1 =	vpop (erf)  }
0x246: {  	v2 =	vadd.f32 $1.000000000e+00, v1;
	_ =	sdelay $0x1  }
0x247: {  	(erf) = vrcp.f32 v2;
	_ =	sdelay $0x4  }
0x248: {  	v1 =	vld [tilespmem:s2+$0x19000];
	_ =	sdelay $0x1  }
0x249: {  	s29 =	simm.s32 $0x0;
	s4 =	simm.s32 $0x0;
	s2 =	simm.s32 $0x2  }
.LBB2_35:
0x24a: {  	p1 =	sne.s32 s2, $0x2F;
	s4 =	smul.u32 $0x5000, s4  }
0x24b: {  	v2 =	vpop (erf)  }
0x24c: {  	s29 =	sadd.s32 $0x80, s29;
	s4 =	sshra.s32 s4, $0x2;
	v2 =	vmul.f32 v2, v1  }
0x24d: {  	s5 =	sand.u32 $0x380, s29;
	s4 =	sadd.s32 s4, s1  }
0x24e: {  	[tilespmem:v0+s28+$0x0 ss:$0x1] =	vst.idx.msk $0xffff, v2;
	s28 =	sadd.s32 s5, s4  }
0x24f: {  	v2 =	vld.idx.msk [tilespmem:v0+s28+$0x0 ss:$0x1], $0xffff;
	_ =	sdelay $0x5  }
0x250: {  	v2 =	vsub.f32 $0.0e+00, v2;
	_ =	sdelay $0x1  }
0x251: {  	v2 =	vmul.f32 $1.442695020e+00, v2;
	_ =	sdelay $0x1  }
0x252: {  	(erf) = vpow2.f32 v2;
	_ =	sdelay $0x8  }
0x253: {  	v2 =	vpop (erf)  }
0x254: {  	v2 =	vadd.f32 $1.000000000e+00, v2;
	_ =	sdelay $0x1  }
0x255: {  	(erf) = vrcp.f32 v2;
	_ =	sdelay $0x2  }
.Ltmp18:
0x256: {  	(pc) =	sbr.rel @p1 .LBB2_35-.Ltmp18, $2  }
0x257: {  	_ =	sdelay $0x2  }
0x258: {  	s4 =	sshrl.u32 s2, $0x3;
	s2 =	sadd.s32 $0x1, s2  }
0x259: {  	s2 =	smul.u32 $0x5000, s4  }
0x25a: {  	v2 =	vpop (erf)  }
0x25b: {  	s29 =	sadd.s32 $0x80, s29;
	s2 =	sshra.s32 s2, $0x2;
	v2 =	vmul.f32 v2, v1  }
0x25c: {  	s4 =	sand.u32 $0x380, s29;
	s1 =	sadd.s32 s2, s1  }
0x25d: {  	s1 =	sadd.s32 s4, s1;
	[tilespmem:v0+s28+$0x0 ss:$0x1] =	vst.idx.msk $0xffff, v2  }
0x25e: {  	v2 =	vld.idx.msk [tilespmem:v0+s1+$0x0 ss:$0x1], $0xffff;
	_ =	sdelay $0x4  }
0x25f: {  	v2 =	vsub.f32 $0.0e+00, v2;
	_ =	sdelay $0x1  }
0x260: {  	v2 =	vmul.f32 $1.442695020e+00, v2;
	_ =	sdelay $0x1  }
0x261: {  	(erf) = vpow2.f32 v2;
	_ =	sdelay $0x8  }
0x262: {  	v2 =	vpop (erf)  }
0x263: {  	v2 =	vadd.f32 $1.000000000e+00, v2;
	_ =	sdelay $0x1  }
0x264: {  	(erf) = vrcp.f32 v2;
	_ =	sdelay $0x5  }
0x265: {  	s26 =	sadd.s32 $0x1, s26  }
0x266: {  	p1 =	sne.s32 s26, $0x28  }
.Ltmp19:
0x267: {  	_ = 	snop;
	(pc) =	sbr.rel @p1 .LBB2_34-.Ltmp19, $3  }
0x268: {  	v2 =	vpop (erf)  }
0x269: {  	v63 =	vmul.f32 v2, v1;
	_ =	sdelay $0x1  }
0x26a: {  	[tilespmem:v0+s1+$0x0 ss:$0x1] =	vst.idx.msk $0xffff, v63  }
0x26b: {  	s1 =	rddreg [dreg:$0x11]  }
0x26c: {  	[hbm4b:s1+s17] =	stream.strided.scatter [tilespmem:s30], [sflag:$0x1], $0x7800, s18, s17, $0x38;
	[tilespmem:$0x1A400] =	vst v63  }
0x26d: {  	_ =	swait.ge [sflag:s19], $0x7800  }
0x26e: {  	[sflag:s19] =	ssyncset.done $0x0  }
0x26f: {  	s29 =	rddreg [dreg:$0x12];
	[sflag:s19] =	ssyncadd.s32 $0xFFFF8800  }
0x270: {  	[tilespmem:s31], [sflag:$0x1] =	stream.strided.gather [hbm4b:s29+s17], $0x3C00, s18, s17, $0x38;
	[tilespmem:$0x1A400] =	vst v63  }
0x271: {  	_ =	swait.ge [sflag:s19], $0x3C00  }
0x272: {  	[sflag:s19] =	ssyncset.done $0x0  }
0x273: {  	s25 =	simm.s32 $0x0;
	s26 =	simm.s32 $0x0;
	[sflag:s19] =	ssyncadd.s32 $0xFFFFC400  }
.LBB2_38:
0x274: {  	s2 =	sshll.u32 s26, $0x4  }
0x275: {  	s4 =	simm.s32 $0x0;
	s1 =	sand.u32 $0x70, s2  }
0x276: {  	s5 =	sshll.u32 s26, $0x7;
	s4 =	smul.u32 $0x5000, s4;
	v0 =	vmov s1  }
0x277: {  	s7 =	sand.u32 $0x1C00, s5  }
0x278: {  	s1 =	sadd.s32 $0x15400, s7;
	s4 =	sshra.s32 s4, $0x2  }
0x279: {  	s8 =	sand.u32 $0x380, s25;
	s4 =	sadd.s32 s4, s1  }
0x27a: {  	s28 =	sadd.s32 s8, s4  }
0x27b: {  	v1 =	vld.idx.msk [tilespmem:v0+s28+$0x0 ss:$0x1], $0xffff;
	_ =	sdelay $0x4  }
0x27c: {  	v1 =	vsub.f32 $0.0e+00, v1;
	_ =	sdelay $0x1  }
0x27d: {  	v1 =	vmul.f32 $1.442695020e+00, v1;
	_ =	sdelay $0x1  }
0x27e: {  	(erf) = vpow2.f32 v1;
	_ =	sdelay $0x8  }
0x27f: {  	v1 =	vpop (erf)  }
0x280: {  	v2 =	vadd.f32 $1.000000000e+00, v1;
	_ =	sdelay $0x1  }
0x281: {  	(erf) = vrcp.f32 v2;
	_ =	sdelay $0x4  }
0x282: {  	v1 =	vld [tilespmem:s2+$0x19000];
	_ =	sdelay $0x1  }
0x283: {  	s29 =	simm.s32 $0x0;
	s4 =	simm.s32 $0x0;
	s2 =	simm.s32 $0x2  }
.LBB2_39:
0x284: {  	p1 =	sne.s32 s2, $0x14;
	s4 =	smul.u32 $0x5000, s4  }
0x285: {  	v2 =	vpop (erf)  }
0x286: {  	s29 =	sadd.s32 $0x80, s29;
	s4 =	sshra.s32 s4, $0x2;
	v2 =	vmul.f32 v2, v1  }
0x287: {  	s5 =	sand.u32 $0x380, s29;
	s4 =	sadd.s32 s4, s1  }
0x288: {  	[tilespmem:v0+s28+$0x0 ss:$0x1] =	vst.idx.msk $0xffff, v2;
	s28 =	sadd.s32 s5, s4  }
0x289: {  	v2 =	vld.idx.msk [tilespmem:v0+s28+$0x0 ss:$0x1], $0xffff;
	_ =	sdelay $0x5  }
0x28a: {  	v2 =	vsub.f32 $0.0e+00, v2;
	_ =	sdelay $0x1  }
0x28b: {  	v2 =	vmul.f32 $1.442695020e+00, v2;
	_ =	sdelay $0x1  }
0x28c: {  	(erf) = vpow2.f32 v2;
	_ =	sdelay $0x8  }
0x28d: {  	v2 =	vpop (erf)  }
0x28e: {  	v2 =	vadd.f32 $1.000000000e+00, v2;
	_ =	sdelay $0x1  }
0x28f: {  	(erf) = vrcp.f32 v2;
	_ =	sdelay $0x2  }
.Ltmp20:
0x290: {  	(pc) =	sbr.rel @p1 .LBB2_39-.Ltmp20, $2  }
0x291: {  	_ =	sdelay $0x2  }
0x292: {  	s4 =	sshrl.u32 s2, $0x3;
	s2 =	sadd.s32 $0x1, s2  }
0x293: {  	s2 =	smul.u32 $0x5000, s4  }
0x294: {  	v2 =	vpop (erf)  }
0x295: {  	s29 =	sadd.s32 $0x80, s29;
	s2 =	sshra.s32 s2, $0x2;
	v2 =	vmul.f32 v2, v1  }
0x296: {  	s4 =	sand.u32 $0x380, s29;
	s1 =	sadd.s32 s2, s1  }
0x297: {  	s1 =	sadd.s32 s4, s1;
	[tilespmem:v0+s28+$0x0 ss:$0x1] =	vst.idx.msk $0xffff, v2  }
0x298: {  	v2 =	vld.idx.msk [tilespmem:v0+s1+$0x0 ss:$0x1], $0xffff;
	_ =	sdelay $0x4  }
0x299: {  	v2 =	vsub.f32 $0.0e+00, v2;
	_ =	sdelay $0x1  }
0x29a: {  	v2 =	vmul.f32 $1.442695020e+00, v2;
	_ =	sdelay $0x1  }
0x29b: {  	(erf) = vpow2.f32 v2;
	_ =	sdelay $0x8  }
0x29c: {  	v2 =	vpop (erf)  }
0x29d: {  	v2 =	vadd.f32 $1.000000000e+00, v2;
	_ =	sdelay $0x1  }
0x29e: {  	(erf) = vrcp.f32 v2;
	_ =	sdelay $0x5  }
0x29f: {  	s26 =	sadd.s32 $0x1, s26  }
0x2a0: {  	p1 =	sne.s32 s26, $0x28  }
.Ltmp21:
0x2a1: {  	_ = 	snop;
	(pc) =	sbr.rel @p1 .LBB2_38-.Ltmp21, $3  }
0x2a2: {  	v2 =	vpop (erf)  }
0x2a3: {  	v63 =	vmul.f32 v2, v1;
	_ =	sdelay $0x1  }
0x2a4: {  	[tilespmem:v0+s1+$0x0 ss:$0x1] =	vst.idx.msk $0xffff, v63  }
0x2a5: {  	s1 =	rddreg [dreg:$0x13]  }
0x2a6: {  	[hbm4b:s1+s17] =	stream.strided.scatter [tilespmem:s31], [sflag:$0x1], $0x3C00, s18, s17, $0x38;
	[tilespmem:$0x1A400] =	vst v63  }
0x2a7: {  	_ =	swait.ge [sflag:s19], $0x3C00  }
0x2a8: {  	s2 =	sld [smem:$0x7EB]  }
0x2a9: {  	[sflag:s19] =	ssyncset.done $0x0  }
0x2aa: {  	s25 =	simm.s32 $0x0;
	[sflag:s19] =	ssyncadd.s32 $0xFFFFC400  }
0x2ab: {  	[tilespmem:s0], [sflag:$0x1] =	stream.linear.gather [hbm4b:s2+s25], $0x280, $0x38;
	[tilespmem:$0x1A400] =	vst v63  }
0x2ac: {  	_ =	swait.ge [sflag:s19], $0x280  }
0x2ad: {  	s26 =	sld [smem:$0x7EC]  }
0x2ae: {  	[sflag:s19] =	ssyncset.done $0x0  }
0x2af: {  	[sflag:s19] =	ssyncadd.s32 $0xFFFFFD80  }
0x2b0: {  	[tilespmem:s22], [sflag:$0x1] =	stream.linear.gather [hbm4b:s26+s25], $0x280, $0x38;
	[tilespmem:$0x1A400] =	vst v63  }
0x2b1: {  	_ =	swait.ge [sflag:s19], $0x280  }
0x2b2: {  	s28 =	sld [smem:$0x7F9]  }
0x2b3: {  	[sflag:s19] =	ssyncset.done $0x0  }
0x2b4: {  	[sflag:s19] =	ssyncadd.s32 $0xFFFFFD80  }
0x2b5: {  	[tilespmem:s23], [sflag:$0x1] =	stream.linear.gather [hbm4b:s28+s25], $0xA00, $0x38;
	[tilespmem:$0x1A400] =	vst v63  }
0x2b6: {  	s29 =	sand.u32 $0x70, s25;
	s1 =	sand.u32 $0xE00, s25;
	_ =	swait.ge [sflag:s19], $0xA00  }
0x2b7: {  	s25 =	sor.u32 s29, s1;
	[sflag:s19] =	ssyncset.done $0x0  }
0x2b8: {  	s1 =	sadd.s32 $0x19A00, s25;
	[sflag:s19] =	ssyncadd.s32 $0xFFFFF600  }
0x2b9: {  	v0 =	vld [tilespmem:s1+$0x100]  }
0x2ba: {  	v1 =	vld [tilespmem:s25+$0x19A00]  }
0x2bb: {  	v2 =	vld [tilespmem:s1+$0x180];
	_ =	sdelay $0x1  }
0x2bc: {  	s4 =	simm.s32 $0x0;
	v4 =	vld [tilespmem:s1+$0x80]  }
0x2bd: {  	v3 =	vld [tilespmem:s4+$0x19500];
	v0 =	vmul.f32 $5.000000000e-01, v0;
	_ =	sdelay $0x1  }
0x2be: {  	v6 =	vmul.f32 $5.000000000e-01, v2;
	v5 =	vsub.f32 v1, v0;
	v7 =	vadd.f32 v0, v1;
	v0 =	vld [tilespmem:s4+$0x19780];
	_ =	sdelay $0x1  }
0x2bf: {  	s5 =	simm.s32 $0x10;
	s26 =	simm.s32 $0x40;
	v2 =	vsub.f32 v4, v6  }
0x2c0: {  	s2 =	simm.s32 $0x20;
	s4 =	sand.u32 $0x70, s5;
	s5 =	sand.u32 $0xE00, s26;
	v4 =	vadd.f32 v6, v4;
	v1 =	vmul.f32 v3, v5;
	v3 =	vmul.f32 v3, v7  }
.LBB2_42:
0x2c1: {  	p1 =	sne.s32 s2, $0x270  }
0x2c2: {  	[tilespmem:s25+$0x19A00] =	vst v1;
	s25 =	sor.u32 s4, s5;
	v1 =	vmul.f32 v0, v2;
	s4 =	smov.u32 s2;
	s2 =	sadd.s32 $0x10, s2  }
0x2c3: {  	s5 =	sadd.s32 $0x19A00, s25;
	[tilespmem:s1+$0x100] =	vst v3;
	v0 =	vmul.f32 v0, v4  }
0x2c4: {  	v2 =	vld [tilespmem:s5+$0x100];
	[tilespmem:s1+$0x80] =	vst v1  }
0x2c5: {  	v1 =	vld [tilespmem:s25+$0x19A00];
	[tilespmem:s1+$0x180] =	vst v0;
	s1 =	smov.u32 s5  }
0x2c6: {  	v3 =	vld [tilespmem:s1+$0x180]  }
0x2c7: {  	s5 =	sshra.s32 s26, $0x2;
	v4 =	vld [tilespmem:s1+$0x80]  }
0x2c8: {  	v5 =	vld [tilespmem:s5+$0x19500]  }
0x2c9: {  	v2 =	vmul.f32 $5.000000000e-01, v2  }
.Ltmp22:
0x2ca: {  	v0 =	vld [tilespmem:s5+$0x19780];
	(pc) =	sbr.rel @p1 .LBB2_42-.Ltmp22, $3  }
0x2cb: {  	v6 =	vmul.f32 $5.000000000e-01, v3;
	v3 =	vsub.f32 v1, v2;
	v7 =	vadd.f32 v2, v1;
	_ =	sdelay $0x1  }
0x2cc: {  	s26 =	sadd.s32 $0x40, s26;
	v1 =	vmul.f32 v5, v3;
	v2 =	vsub.f32 v4, v6;
	v3 =	vmul.f32 v5, v7  }
0x2cd: {  	s4 =	sand.u32 $0x70, s4;
	s5 =	sand.u32 $0xE00, s26;
	v4 =	vadd.f32 v6, v4  }
0x2ce: {  	s2 =	sor.u32 s4, s5  }
0x2cf: {  	[tilespmem:s1+$0x100] =	vst v3;
	s4 =	sadd.s32 $0x19A00, s2;
	v3 =	vmul.f32 v0, v4  }
0x2d0: {  	[tilespmem:s25+$0x19A00] =	vst v1;
	v0 =	vmul.f32 v0, v2;
	v1 =	vld [tilespmem:s4+$0x100]  }
0x2d1: {  	v2 =	vld [tilespmem:s2+$0x19A00];
	[tilespmem:s1+$0x180] =	vst v3  }
0x2d2: {  	[tilespmem:s1+$0x80] =	vst v0;
	v0 =	vld [tilespmem:s4+$0x180]  }
0x2d3: {  	s8 =	sshra.s32 s26, $0x2;
	v3 =	vld [tilespmem:s4+$0x80]  }
0x2d4: {  	v4 =	vld [tilespmem:s8+$0x19500]  }
0x2d5: {  	v1 =	vmul.f32 $5.000000000e-01, v1  }
0x2d6: {  	v5 =	vld [tilespmem:s8+$0x19780]  }
0x2d7: {  	v0 =	vmul.f32 $5.000000000e-01, v0;
	v6 =	vsub.f32 v2, v1  }
0x2d8: {  	v1 =	vadd.f32 v1, v2  }
0x2d9: {  	v2 =	vmul.f32 v4, v6;
	v6 =	vsub.f32 v3, v0  }
0x2da: {  	v1 =	vmul.f32 v4, v1;
	v0 =	vadd.f32 v0, v3  }
0x2db: {  	[tilespmem:s2+$0x19A00] =	vst v2;
	v2 =	vmul.f32 v5, v6  }
0x2dc: {  	[tilespmem:s4+$0x100] =	vst v1;
	v0 =	vmul.f32 v5, v0  }
0x2dd: {  	[tilespmem:s4+$0x80] =	vst v2  }
0x2de: {  	s25 =	simm.s32 $0x0;
	[tilespmem:s4+$0x180] =	vst v0  }
0x2df: {  	[hbm4b:s9+s25] =	stream.linear.scatter [tilespmem:s23], [sflag:$0x1], $0xA00, $0x38;
	[tilespmem:$0x1A400] =	vst v63  }
0x2e0: {  	_ =	swait.ge [sflag:s19], $0xA00  }
0x2e1: {  	[sflag:s19] =	ssyncset.done $0x0  }
0x2e2: {  	[sflag:s19] =	ssyncadd.s32 $0xFFFFF600  }
0x2e3: {  	[tilespmem:s23], [sflag:$0x1] =	stream.linear.gather [hbm4b:s10+s25], $0xA00, $0x38;
	[tilespmem:$0x1A400] =	vst v63  }
0x2e4: {  	s26 =	sand.u32 $0x70, s25;
	s1 =	sand.u32 $0xE00, s25;
	_ =	swait.ge [sflag:s19], $0xA00  }
0x2e5: {  	s25 =	sor.u32 s26, s1;
	[sflag:s19] =	ssyncset.done $0x0  }
0x2e6: {  	s1 =	sadd.s32 $0x19A00, s25;
	[sflag:s19] =	ssyncadd.s32 $0xFFFFF600  }
0x2e7: {  	v0 =	vld [tilespmem:s1+$0x100]  }
0x2e8: {  	v1 =	vld [tilespmem:s25+$0x19A00]  }
0x2e9: {  	v2 =	vld [tilespmem:s1+$0x180];
	_ =	sdelay $0x1  }
0x2ea: {  	s28 =	simm.s32 $0x0;
	v4 =	vld [tilespmem:s1+$0x80]  }
0x2eb: {  	v3 =	vld [tilespmem:s28+$0x19500];
	v0 =	vmul.f32 $5.000000000e-01, v0;
	_ =	sdelay $0x1  }
0x2ec: {  	v6 =	vmul.f32 $5.000000000e-01, v2;
	v5 =	vsub.f32 v1, v0;
	v7 =	vadd.f32 v0, v1;
	v0 =	vld [tilespmem:s28+$0x19780];
	_ =	sdelay $0x1  }
0x2ed: {  	s29 =	simm.s32 $0x10;
	s26 =	simm.s32 $0x40;
	v2 =	vsub.f32 v4, v6  }
0x2ee: {  	s2 =	simm.s32 $0x20;
	s4 =	sand.u32 $0x70, s29;
	s5 =	sand.u32 $0xE00, s26;
	v4 =	vadd.f32 v6, v4;
	v1 =	vmul.f32 v3, v5;
	v3 =	vmul.f32 v3, v7  }
.LBB2_44:
0x2ef: {  	p1 =	sne.s32 s2, $0x270  }
0x2f0: {  	[tilespmem:s25+$0x19A00] =	vst v1;
	s25 =	sor.u32 s4, s5;
	v1 =	vmul.f32 v0, v2;
	s4 =	smov.u32 s2;
	s2 =	sadd.s32 $0x10, s2  }
0x2f1: {  	s5 =	sadd.s32 $0x19A00, s25;
	[tilespmem:s1+$0x100] =	vst v3;
	v0 =	vmul.f32 v0, v4  }
0x2f2: {  	v2 =	vld [tilespmem:s5+$0x100];
	[tilespmem:s1+$0x80] =	vst v1  }
0x2f3: {  	v1 =	vld [tilespmem:s25+$0x19A00];
	[tilespmem:s1+$0x180] =	vst v0;
	s1 =	smov.u32 s5  }
0x2f4: {  	v3 =	vld [tilespmem:s1+$0x180]  }
0x2f5: {  	s5 =	sshra.s32 s26, $0x2;
	v4 =	vld [tilespmem:s1+$0x80]  }
0x2f6: {  	v5 =	vld [tilespmem:s5+$0x19500]  }
0x2f7: {  	v2 =	vmul.f32 $5.000000000e-01, v2  }
.Ltmp23:
0x2f8: {  	v0 =	vld [tilespmem:s5+$0x19780];
	(pc) =	sbr.rel @p1 .LBB2_44-.Ltmp23, $3  }
0x2f9: {  	v6 =	vmul.f32 $5.000000000e-01, v3;
	v3 =	vsub.f32 v1, v2;
	v7 =	vadd.f32 v2, v1;
	_ =	sdelay $0x1  }
0x2fa: {  	s26 =	sadd.s32 $0x40, s26;
	v1 =	vmul.f32 v5, v3;
	v2 =	vsub.f32 v4, v6;
	v3 =	vmul.f32 v5, v7  }
0x2fb: {  	s4 =	sand.u32 $0x70, s4;
	s5 =	sand.u32 $0xE00, s26;
	v4 =	vadd.f32 v6, v4  }
0x2fc: {  	s2 =	sor.u32 s4, s5  }
0x2fd: {  	[tilespmem:s1+$0x100] =	vst v3;
	s4 =	sadd.s32 $0x19A00, s2;
	v54 =	vmul.f32 v0, v4  }
0x2fe: {  	[tilespmem:s25+$0x19A00] =	vst v1;
	v55 =	vmul.f32 v0, v2;
	v56 =	vld [tilespmem:s4+$0x100]  }
0x2ff: {  	v57 =	vld [tilespmem:s2+$0x19A00];
	[tilespmem:s1+$0x180] =	vst v54  }
0x300: {  	[tilespmem:s1+$0x80] =	vst v55;
	v58 =	vld [tilespmem:s4+$0x180]  }
0x301: {  	s28 =	sshra.s32 s26, $0x2;
	v59 =	vld [tilespmem:s4+$0x80]  }
0x302: {  	v60 =	vld [tilespmem:s28+$0x19500]  }
0x303: {  	v1 =	vmul.f32 $5.000000000e-01, v56  }
0x304: {  	v5 =	vld [tilespmem:s28+$0x19780]  }
0x305: {  	v0 =	vmul.f32 $5.000000000e-01, v58;
	v6 =	vsub.f32 v57, v1  }
0x306: {  	v1 =	vadd.f32 v1, v57  }
0x307: {  	v61 =	vmul.f32 v60, v6;
	v62 =	vsub.f32 v59, v0  }
0x308: {  	v1 =	vmul.f32 v60, v1;
	v0 =	vadd.f32 v0, v59  }
0x309: {  	[tilespmem:s2+$0x19A00] =	vst v61;
	v63 =	vmul.f32 v5, v62  }
0x30a: {  	[tilespmem:s4+$0x100] =	vst v1;
	v0 =	vmul.f32 v5, v0  }
0x30b: {  	[tilespmem:s4+$0x80] =	vst v63  }
0x30c: {  	s25 =	simm.s32 $0x0;
	[tilespmem:s4+$0x180] =	vst v0  }
0x30d: {  	[hbm4b:s11+s25] =	stream.linear.scatter [tilespmem:s23], [sflag:$0x1], $0xA00, $0x38;
	[tilespmem:$0x1A400] =	vst v63  }
0x30e: {  	_ =	swait.ge [sflag:s19], $0xA00  }
0x30f: {  	[sflag:s19] =	ssyncset.done $0x0  }
0x310: {  	s29 =	rddreg [dreg:$0x14];
	[sflag:s19] =	ssyncadd.s32 $0xFFFFF600  }
0x311: {  	[tilespmem:s25], [sflag:$0x1] =	stream.strided.gather [hbm4b:s29+s17], $0xDC00, s18, s17, $0x38;
	[tilespmem:$0x1A400] =	vst v63  }
0x312: {  	_ =	swait.ge [sflag:s19], $0xDC00  }
0x313: {  	[sflag:s19] =	ssyncset.done $0x0  }
0x314: {  	s26 =	simm.s32 $0x0;
	[sflag:s19] =	ssyncadd.s32 $0xFFFF2400  }
.LBB2_46:
0x315: {  	s28 =	sshll.u32 s26, $0x4  }
0x316: {  	s2 =	simm.s32 $0x0;
	s1 =	sand.u32 $0x70, s28  }
0x317: {  	s2 =	smul.u32 $0x5000, s2;
	v0 =	vmov s1  }
0x318: {  	s4 =	sshll.u32 s26, $0x7  }
0x319: {  	s29 =	sand.u32 $0x1C00, s4;
	s2 =	sshra.s32 s2, $0x2  }
0x31a: {  	s7 =	simm.s32 $0x0;
	s5 =	sand.u32 $0x380, s25;
	s2 =	sadd.s32 s2, s29  }
0x31b: {  	s8 =	smul.u32 $0x5000, s7;
	s2 =	sadd.s32 s5, s2  }
0x31c: {  	v3 =	vld.idx.msk [tilespmem:v0+s2+$0x0 ss:$0x1], $0xffff  }
0x31d: {  	s4 =	simm.s32 $0x80;
	s6 =	sshra.s32 s8, $0x2  }
0x31e: {  	s1 =	simm.s32 $0x1;
	s7 =	sand.u32 $0x380, s4;
	s6 =	sadd.s32 s6, s29  }
0x31f: {  	v2 =	vimm.f32 $-1.000000020e+30;
	v1 =	vimm.s32 $0x0;
	s5 =	simm.s32 $0x2;
	s6 =	sadd.s32 s7, s6;
	s2 =	simm.s32 $0x0  }
.LBB2_47:
0x320: {  	s7 =	sshrl.u32 s5, $0x3;
	p1 =	sne.s32 s5, $0x4F  }
0x321: {  	vm0 =	vgt.f32 v3, v2;
	v4 =	vmov v3;
	v3 =	vld.idx.msk [tilespmem:v0+s6+$0x0 ss:$0x1], $0xffff;
	s6 =	smov.u32 s5;
	s5 =	sadd.s32 $0x1, s5;
	s7 =	smul.u32 $0x5000, s7  }
.Ltmp24:
0x322: {  	v2 =	vsel vm0, v4, v2;
	v1 =	vsel vm0, s2, v1;
	(pc) =	sbr.rel @p1 .LBB2_47-.Ltmp24, $4  }
0x323: {  	s2 =	smov.u32 s1;
	s1 =	smov.u32 s6  }
0x324: {  	s4 =	sadd.s32 $0x80, s4;
	s6 =	sshra.s32 s7, $0x2  }
0x325: {  	s7 =	sand.u32 $0x380, s4;
	s6 =	sadd.s32 s6, s29  }
0x326: {  	s6 =	sadd.s32 s7, s6  }
0x327: {  	s4 =	simm.s32 $0x0  }
0x328: {  	s4 =	smul.u32 $0x5000, s4;
	_ =	sdelay $0x1  }
0x329: {  	s7 =	simm.s32 $0x0;
	s4 =	sshra.s32 s4, $0x2  }
0x32a: {  	s5 =	simm.s32 $0x0;
	v4 =	vld.idx.msk [tilespmem:v0+s6+$0x0 ss:$0x1], $0xffff;
	s7 =	sand.u32 $0x380, s7;
	s4 =	sadd.s32 s4, s29  }
0x32b: {  	s5 =	smul.u32 $0x5000, s5;
	s4 =	sadd.s32 s7, s4  }
0x32c: {  	v5 =	vld.idx.msk [tilespmem:v0+s4+$0x0 ss:$0x1], $0xffff  }
0x32d: {  	s8 =	simm.s32 $0x80;
	vm0 =	vgt.f32 v3, v2;
	s5 =	sshra.s32 s5, $0x2  }
0x32e: {  	s6 =	sand.u32 $0x380, s8;
	v2 =	vsel vm0, v3, v2;
	s5 =	sadd.s32 s5, s29  }
0x32f: {  	s8 =	sadd.s32 s6, s5;
	vm1 =	vgt.f32 v4, v2  }
0x330: {  	v6 =	vld.idx.msk [tilespmem:v0+s8+$0x0 ss:$0x1], $0xffff;
	v2 =	vsel vm1, v4, v2  }
0x331: {  	v3 =	vsub.f32 v5, v2  }
0x332: {  	s5 =	simm.s32 $0x0  }
0x333: {  	s4 =	smul.u32 $0x5000, s5;
	v3 =	vmul.f32 $1.442695020e+00, v3;
	_ =	sdelay $0x1  }
0x334: {  	s6 =	simm.s32 $0x0;
	s7 =	simm.s32 $0x100;
	s4 =	sshra.s32 s4, $0x2;
	v4 =	vsub.f32 v6, v2;
	(erf) = vpow2.f32 v3  }
0x335: {  	s5 =	smul.u32 $0x5000, s6;
	s6 =	sand.u32 $0x380, s7;
	s8 =	sadd.s32 s4, s29  }
0x336: {  	s7 =	sadd.s32 s6, s8;
	v5 =	vmul.f32 $1.442695020e+00, v4  }
0x337: {  	v4 =	vld.idx.msk [tilespmem:v0+s7+$0x0 ss:$0x1], $0xffff  }
0x338: {  	s5 =	sshra.s32 s5, $0x2;
	s4 =	simm.s32 $0x180;
	(erf) = vpow2.f32 v5  }
0x339: {  	v1 =	vsel vm0, s2, v1;
	s5 =	sadd.s32 s5, s29;
	s8 =	sand.u32 $0x380, s4  }
0x33a: {  	v1 =	vsel vm1, s1, v1;
	s1 =	simm.s32 $0x4;
	s2 =	sadd.s32 s8, s5;
	v3 =	vimm.f32 $0.0e+00  }
.LBB2_49:
0x33b: {  	s5 =	sshrl.u32 s1, $0x3  }
0x33c: {  	p1 =	sne.s32 s1, $0x50;
	s1 =	sadd.s32 $0x1, s1;
	v5 =	vsub.f32 v4, v2;
	v4 =	vld.idx.msk [tilespmem:v0+s2+$0x0 ss:$0x1], $0xffff;
	s2 =	smul.u32 $0x5000, s5  }
.Ltmp25:
0x33d: {  	v6 =	vpop (erf);
	(pc) =	sbr.rel @p1 .LBB2_49-.Ltmp25, $4  }
0x33e: {  	v5 =	vmul.f32 $1.442695020e+00, v5;
	v3 =	vadd.f32 v6, v3  }
0x33f: {  	s4 =	sadd.s32 $0x80, s4;
	s2 =	sshra.s32 s2, $0x2  }
0x340: {  	s5 =	sand.u32 $0x380, s4;
	s2 =	sadd.s32 s2, s29;
	(erf) = vpow2.f32 v5  }
0x341: {  	s2 =	sadd.s32 s5, s2  }
0x342: {  	_ =	sdelay $0x3  }
0x343: {  	v0 =	vld.idx.msk [tilespmem:v0+s2+$0x0 ss:$0x1], $0xffff;
	_ =	sdelay $0x2  }
0x344: {  	v4 =	vsub.f32 v4, v2;
	_ =	sdelay $0x1  }
0x345: {  	v4 =	vmul.f32 $1.442695020e+00, v4;
	v0 =	vsub.f32 v0, v2;
	_ =	sdelay $0x1  }
0x346: {  	(erf) = vpow2.f32 v4;
	v0 =	vmul.f32 $1.442695020e+00, v0;
	_ =	sdelay $0x1  }
0x347: {  	(erf) = vpow2.f32 v0;
	_ =	sdelay $0x2  }
0x348: {  	v60 =	vpop (erf)  }
0x349: {  	v0 =	vadd.f32 v60, v3  }
0x34a: {  	v61 =	vpop (erf)  }
0x34b: {  	v0 =	vadd.f32 v61, v0  }
0x34c: {  	v62 =	vpop (erf)  }
0x34d: {  	v0 =	vadd.f32 v62, v0  }
0x34e: {  	v63 =	vpop (erf)  }
0x34f: {  	v0 =	vadd.f32 v63, v0;
	_ =	sdelay $0x1  }
0x350: {  	(erf) = vrcp.f32 v0;
	_ =	sdelay $0x3  }
0x351: {  	s26 =	sadd.s32 $0x1, s26  }
0x352: {  	p1 =	sne.s32 s26, $0x28  }
.Ltmp26:
0x353: {  	_ = 	snop;
	(pc) =	sbr.rel @p1 .LBB2_46-.Ltmp26, $3  }
0x354: {  	_ =	sdelay $0x1  }
0x355: {  	[tilespmem:s28+$0x19280] =	vst v1;
	v0 =	vpop (erf)  }
0x356: {  	[tilespmem:s28+$0x19000] =	vst v0  }
0x357: {  	s1 =	sld [smem:$0x7ED];
	_ =	sdelay $0x1  }
0x358: {  	s25 =	simm.s32 $0x0  }
0x359: {  	[hbm4b:s1+s25] =	stream.linear.scatter [tilespmem:s20], [sflag:$0x1], $0x280, $0x38;
	[tilespmem:$0x1A400] =	vst v63  }
0x35a: {  	_ =	swait.ge [sflag:s19], $0x280  }
0x35b: {  	s28 =	sld [smem:$0x7EE]  }
0x35c: {  	[sflag:s19] =	ssyncset.done $0x0  }
0x35d: {  	[sflag:s19] =	ssyncadd.s32 $0xFFFFFD80  }
0x35e: {  	[hbm4b:s28+s25] =	stream.linear.scatter [tilespmem:s21], [sflag:$0x1], $0x280, $0x38;
	[tilespmem:$0x1A400] =	vst v63  }
0x35f: {  	_ =	swait.ge [sflag:s19], $0x280  }
0x360: {  	[sflag:s19] =	ssyncset.done $0x0  }
0x361: {  	s29 =	rddreg [dreg:$0x15];
	[sflag:s19] =	ssyncadd.s32 $0xFFFFFD80  }
0x362: {  	[tilespmem:s30], [sflag:$0x1] =	stream.strided.gather [hbm4b:s29+s17], $0x7800, s18, s17, $0x38;
	[tilespmem:$0x1A400] =	vst v63  }
0x363: {  	_ =	swait.ge [sflag:s19], $0x7800  }
0x364: {  	[sflag:s19] =	ssyncset.done $0x0  }
0x365: {  	s26 =	simm.s32 $0x0;
	[sflag:s19] =	ssyncadd.s32 $0xFFFF8800  }
.LBB2_52:
0x366: {  	s2 =	sshll.u32 s26, $0x4  }
0x367: {  	s4 =	simm.s32 $0x0;
	s1 =	sand.u32 $0x70, s2  }
0x368: {  	s5 =	sshll.u32 s26, $0x7;
	s4 =	smul.u32 $0x5000, s4;
	v0 =	vmov s1  }
0x369: {  	s7 =	sand.u32 $0x1C00, s5  }
0x36a: {  	s1 =	sadd.s32 $0xDC00, s7;
	s4 =	sshra.s32 s4, $0x2  }
0x36b: {  	s8 =	sand.u32 $0x380, s25;
	s4 =	sadd.s32 s4, s1  }
0x36c: {  	s28 =	sadd.s32 s8, s4  }
0x36d: {  	v1 =	vld.idx.msk [tilespmem:v0+s28+$0x0 ss:$0x1], $0xffff;
	_ =	sdelay $0x4  }
0x36e: {  	v1 =	vsub.f32 $0.0e+00, v1;
	_ =	sdelay $0x1  }
0x36f: {  	v1 =	vmul.f32 $1.442695020e+00, v1;
	_ =	sdelay $0x1  }
0x370: {  	(erf) = vpow2.f32 v1;
	_ =	sdelay $0x8  }
0x371: {  	v1 =	vpop (erf)  }
0x372: {  	v2 =	vadd.f32 $1.000000000e+00, v1;
	_ =	sdelay $0x1  }
0x373: {  	(erf) = vrcp.f32 v2;
	_ =	sdelay $0x4  }
0x374: {  	v1 =	vld [tilespmem:s2+$0x19000];
	_ =	sdelay $0x1  }
0x375: {  	s29 =	simm.s32 $0x0;
	s4 =	simm.s32 $0x0;
	s2 =	simm.s32 $0x2  }
.LBB2_53:
0x376: {  	p1 =	sne.s32 s2, $0x2F;
	s4 =	smul.u32 $0x5000, s4  }
0x377: {  	v2 =	vpop (erf)  }
0x378: {  	s29 =	sadd.s32 $0x80, s29;
	s4 =	sshra.s32 s4, $0x2;
	v2 =	vmul.f32 v2, v1  }
0x379: {  	s5 =	sand.u32 $0x380, s29;
	s4 =	sadd.s32 s4, s1  }
0x37a: {  	[tilespmem:v0+s28+$0x0 ss:$0x1] =	vst.idx.msk $0xffff, v2;
	s28 =	sadd.s32 s5, s4  }
0x37b: {  	v2 =	vld.idx.msk [tilespmem:v0+s28+$0x0 ss:$0x1], $0xffff;
	_ =	sdelay $0x5  }
0x37c: {  	v2 =	vsub.f32 $0.0e+00, v2;
	_ =	sdelay $0x1  }
0x37d: {  	v2 =	vmul.f32 $1.442695020e+00, v2;
	_ =	sdelay $0x1  }
0x37e: {  	(erf) = vpow2.f32 v2;
	_ =	sdelay $0x8  }
0x37f: {  	v2 =	vpop (erf)  }
0x380: {  	v2 =	vadd.f32 $1.000000000e+00, v2;
	_ =	sdelay $0x1  }
0x381: {  	(erf) = vrcp.f32 v2;
	_ =	sdelay $0x2  }
.Ltmp27:
0x382: {  	(pc) =	sbr.rel @p1 .LBB2_53-.Ltmp27, $2  }
0x383: {  	_ =	sdelay $0x2  }
0x384: {  	s4 =	sshrl.u32 s2, $0x3;
	s2 =	sadd.s32 $0x1, s2  }
0x385: {  	s2 =	smul.u32 $0x5000, s4  }
0x386: {  	v2 =	vpop (erf)  }
0x387: {  	s29 =	sadd.s32 $0x80, s29;
	s2 =	sshra.s32 s2, $0x2;
	v2 =	vmul.f32 v2, v1  }
0x388: {  	s4 =	sand.u32 $0x380, s29;
	s1 =	sadd.s32 s2, s1  }
0x389: {  	s1 =	sadd.s32 s4, s1;
	[tilespmem:v0+s28+$0x0 ss:$0x1] =	vst.idx.msk $0xffff, v2  }
0x38a: {  	v2 =	vld.idx.msk [tilespmem:v0+s1+$0x0 ss:$0x1], $0xffff;
	_ =	sdelay $0x4  }
0x38b: {  	v2 =	vsub.f32 $0.0e+00, v2;
	_ =	sdelay $0x1  }
0x38c: {  	v2 =	vmul.f32 $1.442695020e+00, v2;
	_ =	sdelay $0x1  }
0x38d: {  	(erf) = vpow2.f32 v2;
	_ =	sdelay $0x8  }
0x38e: {  	v2 =	vpop (erf)  }
0x38f: {  	v2 =	vadd.f32 $1.000000000e+00, v2;
	_ =	sdelay $0x1  }
0x390: {  	(erf) = vrcp.f32 v2;
	_ =	sdelay $0x5  }
0x391: {  	s26 =	sadd.s32 $0x1, s26  }
0x392: {  	p1 =	sne.s32 s26, $0x28  }
.Ltmp28:
0x393: {  	_ = 	snop;
	(pc) =	sbr.rel @p1 .LBB2_52-.Ltmp28, $3  }
0x394: {  	v2 =	vpop (erf)  }
0x395: {  	v63 =	vmul.f32 v2, v1;
	_ =	sdelay $0x1  }
0x396: {  	[tilespmem:v0+s1+$0x0 ss:$0x1] =	vst.idx.msk $0xffff, v63  }
0x397: {  	s1 =	rddreg [dreg:$0x16]  }
0x398: {  	[hbm4b:s1+s17] =	stream.strided.scatter [tilespmem:s30], [sflag:$0x1], $0x7800, s18, s17, $0x38;
	[tilespmem:$0x1A400] =	vst v63  }
0x399: {  	_ =	swait.ge [sflag:s19], $0x7800  }
0x39a: {  	[sflag:s19] =	ssyncset.done $0x0  }
0x39b: {  	s29 =	rddreg [dreg:$0x17];
	[sflag:s19] =	ssyncadd.s32 $0xFFFF8800  }
0x39c: {  	[tilespmem:s30], [sflag:$0x1] =	stream.strided.gather [hbm4b:s29+s17], $0x7800, s18, s17, $0x38;
	[tilespmem:$0x1A400] =	vst v63  }
0x39d: {  	_ =	swait.ge [sflag:s19], $0x7800  }
0x39e: {  	[sflag:s19] =	ssyncset.done $0x0  }
0x39f: {  	s25 =	simm.s32 $0x0;
	s26 =	simm.s32 $0x0;
	[sflag:s19] =	ssyncadd.s32 $0xFFFF8800  }
.LBB2_56:
0x3a0: {  	s2 =	sshll.u32 s26, $0x4  }
0x3a1: {  	s4 =	simm.s32 $0x0;
	s1 =	sand.u32 $0x70, s2  }
0x3a2: {  	s5 =	sshll.u32 s26, $0x7;
	s4 =	smul.u32 $0x5000, s4;
	v0 =	vmov s1  }
0x3a3: {  	s7 =	sand.u32 $0x1C00, s5  }
0x3a4: {  	s1 =	sadd.s32 $0xDC00, s7;
	s4 =	sshra.s32 s4, $0x2  }
0x3a5: {  	s8 =	sand.u32 $0x380, s25;
	s4 =	sadd.s32 s4, s1  }
0x3a6: {  	s28 =	sadd.s32 s8, s4  }
0x3a7: {  	v1 =	vld.idx.msk [tilespmem:v0+s28+$0x0 ss:$0x1], $0xffff;
	_ =	sdelay $0x4  }
0x3a8: {  	v1 =	vsub.f32 $0.0e+00, v1;
	_ =	sdelay $0x1  }
0x3a9: {  	v1 =	vmul.f32 $1.442695020e+00, v1;
	_ =	sdelay $0x1  }
0x3aa: {  	(erf) = vpow2.f32 v1;
	_ =	sdelay $0x8  }
0x3ab: {  	v1 =	vpop (erf)  }
0x3ac: {  	v2 =	vadd.f32 $1.000000000e+00, v1;
	_ =	sdelay $0x1  }
0x3ad: {  	(erf) = vrcp.f32 v2;
	_ =	sdelay $0x4  }
0x3ae: {  	v1 =	vld [tilespmem:s2+$0x19000];
	_ =	sdelay $0x1  }
0x3af: {  	s29 =	simm.s32 $0x0;
	s4 =	simm.s32 $0x0;
	s2 =	simm.s32 $0x2  }
.LBB2_57:
0x3b0: {  	p1 =	sne.s32 s2, $0x2F;
	s4 =	smul.u32 $0x5000, s4  }
0x3b1: {  	v2 =	vpop (erf)  }
0x3b2: {  	s29 =	sadd.s32 $0x80, s29;
	s4 =	sshra.s32 s4, $0x2;
	v2 =	vmul.f32 v2, v1  }
0x3b3: {  	s5 =	sand.u32 $0x380, s29;
	s4 =	sadd.s32 s4, s1  }
0x3b4: {  	[tilespmem:v0+s28+$0x0 ss:$0x1] =	vst.idx.msk $0xffff, v2;
	s28 =	sadd.s32 s5, s4  }
0x3b5: {  	v2 =	vld.idx.msk [tilespmem:v0+s28+$0x0 ss:$0x1], $0xffff;
	_ =	sdelay $0x5  }
0x3b6: {  	v2 =	vsub.f32 $0.0e+00, v2;
	_ =	sdelay $0x1  }
0x3b7: {  	v2 =	vmul.f32 $1.442695020e+00, v2;
	_ =	sdelay $0x1  }
0x3b8: {  	(erf) = vpow2.f32 v2;
	_ =	sdelay $0x8  }
0x3b9: {  	v2 =	vpop (erf)  }
0x3ba: {  	v2 =	vadd.f32 $1.000000000e+00, v2;
	_ =	sdelay $0x1  }
0x3bb: {  	(erf) = vrcp.f32 v2;
	_ =	sdelay $0x2  }
.Ltmp29:
0x3bc: {  	(pc) =	sbr.rel @p1 .LBB2_57-.Ltmp29, $2  }
0x3bd: {  	_ =	sdelay $0x2  }
0x3be: {  	s4 =	sshrl.u32 s2, $0x3;
	s2 =	sadd.s32 $0x1, s2  }
0x3bf: {  	s2 =	smul.u32 $0x5000, s4  }
0x3c0: {  	v2 =	vpop (erf)  }
0x3c1: {  	s29 =	sadd.s32 $0x80, s29;
	s2 =	sshra.s32 s2, $0x2;
	v2 =	vmul.f32 v2, v1  }
0x3c2: {  	s4 =	sand.u32 $0x380, s29;
	s1 =	sadd.s32 s2, s1  }
0x3c3: {  	s1 =	sadd.s32 s4, s1;
	[tilespmem:v0+s28+$0x0 ss:$0x1] =	vst.idx.msk $0xffff, v2  }
0x3c4: {  	v2 =	vld.idx.msk [tilespmem:v0+s1+$0x0 ss:$0x1], $0xffff;
	_ =	sdelay $0x4  }
0x3c5: {  	v2 =	vsub.f32 $0.0e+00, v2;
	_ =	sdelay $0x1  }
0x3c6: {  	v2 =	vmul.f32 $1.442695020e+00, v2;
	_ =	sdelay $0x1  }
0x3c7: {  	(erf) = vpow2.f32 v2;
	_ =	sdelay $0x8  }
0x3c8: {  	v2 =	vpop (erf)  }
0x3c9: {  	v2 =	vadd.f32 $1.000000000e+00, v2;
	_ =	sdelay $0x1  }
0x3ca: {  	(erf) = vrcp.f32 v2;
	_ =	sdelay $0x5  }
0x3cb: {  	s26 =	sadd.s32 $0x1, s26  }
0x3cc: {  	p1 =	sne.s32 s26, $0x28  }
.Ltmp30:
0x3cd: {  	_ = 	snop;
	(pc) =	sbr.rel @p1 .LBB2_56-.Ltmp30, $3  }
0x3ce: {  	v2 =	vpop (erf)  }
0x3cf: {  	v63 =	vmul.f32 v2, v1;
	_ =	sdelay $0x1  }
0x3d0: {  	[tilespmem:v0+s1+$0x0 ss:$0x1] =	vst.idx.msk $0xffff, v63  }
0x3d1: {  	s1 =	rddreg [dreg:$0x18]  }
0x3d2: {  	[hbm4b:s1+s17] =	stream.strided.scatter [tilespmem:s30], [sflag:$0x1], $0x7800, s18, s17, $0x38;
	[tilespmem:$0x1A400] =	vst v63  }
0x3d3: {  	_ =	swait.ge [sflag:s19], $0x7800  }
0x3d4: {  	[sflag:s19] =	ssyncset.done $0x0  }
0x3d5: {  	s29 =	rddreg [dreg:$0x19];
	[sflag:s19] =	ssyncadd.s32 $0xFFFF8800  }
0x3d6: {  	[tilespmem:s31], [sflag:$0x1] =	stream.strided.gather [hbm4b:s29+s17], $0x3C00, s18, s17, $0x38;
	[tilespmem:$0x1A400] =	vst v63  }
0x3d7: {  	_ =	swait.ge [sflag:s19], $0x3C00  }
0x3d8: {  	[sflag:s19] =	ssyncset.done $0x0  }
0x3d9: {  	s25 =	simm.s32 $0x0;
	s26 =	simm.s32 $0x0;
	[sflag:s19] =	ssyncadd.s32 $0xFFFFC400  }
.LBB2_60:
0x3da: {  	s2 =	sshll.u32 s26, $0x4  }
0x3db: {  	s4 =	simm.s32 $0x0;
	s1 =	sand.u32 $0x70, s2  }
0x3dc: {  	s5 =	sshll.u32 s26, $0x7;
	s4 =	smul.u32 $0x5000, s4;
	v0 =	vmov s1  }
0x3dd: {  	s7 =	sand.u32 $0x1C00, s5  }
0x3de: {  	s1 =	sadd.s32 $0x15400, s7;
	s4 =	sshra.s32 s4, $0x2  }
0x3df: {  	s8 =	sand.u32 $0x380, s25;
	s4 =	sadd.s32 s4, s1  }
0x3e0: {  	s28 =	sadd.s32 s8, s4  }
0x3e1: {  	v1 =	vld.idx.msk [tilespmem:v0+s28+$0x0 ss:$0x1], $0xffff;
	_ =	sdelay $0x4  }
0x3e2: {  	v1 =	vsub.f32 $0.0e+00, v1;
	_ =	sdelay $0x1  }
0x3e3: {  	v1 =	vmul.f32 $1.442695020e+00, v1;
	_ =	sdelay $0x1  }
0x3e4: {  	(erf) = vpow2.f32 v1;
	_ =	sdelay $0x8  }
0x3e5: {  	v1 =	vpop (erf)  }
0x3e6: {  	v2 =	vadd.f32 $1.000000000e+00, v1;
	_ =	sdelay $0x1  }
0x3e7: {  	(erf) = vrcp.f32 v2;
	_ =	sdelay $0x4  }
0x3e8: {  	v1 =	vld [tilespmem:s2+$0x19000];
	_ =	sdelay $0x1  }
0x3e9: {  	s29 =	simm.s32 $0x0;
	s4 =	simm.s32 $0x0;
	s2 =	simm.s32 $0x2  }
.LBB2_61:
0x3ea: {  	p1 =	sne.s32 s2, $0x14;
	s4 =	smul.u32 $0x5000, s4  }
0x3eb: {  	v2 =	vpop (erf)  }
0x3ec: {  	s29 =	sadd.s32 $0x80, s29;
	s4 =	sshra.s32 s4, $0x2;
	v2 =	vmul.f32 v2, v1  }
0x3ed: {  	s5 =	sand.u32 $0x380, s29;
	s4 =	sadd.s32 s4, s1  }
0x3ee: {  	[tilespmem:v0+s28+$0x0 ss:$0x1] =	vst.idx.msk $0xffff, v2;
	s28 =	sadd.s32 s5, s4  }
0x3ef: {  	v2 =	vld.idx.msk [tilespmem:v0+s28+$0x0 ss:$0x1], $0xffff;
	_ =	sdelay $0x5  }
0x3f0: {  	v2 =	vsub.f32 $0.0e+00, v2;
	_ =	sdelay $0x1  }
0x3f1: {  	v2 =	vmul.f32 $1.442695020e+00, v2;
	_ =	sdelay $0x1  }
0x3f2: {  	(erf) = vpow2.f32 v2;
	_ =	sdelay $0x8  }
0x3f3: {  	v2 =	vpop (erf)  }
0x3f4: {  	v2 =	vadd.f32 $1.000000000e+00, v2;
	_ =	sdelay $0x1  }
0x3f5: {  	(erf) = vrcp.f32 v2;
	_ =	sdelay $0x2  }
.Ltmp31:
0x3f6: {  	(pc) =	sbr.rel @p1 .LBB2_61-.Ltmp31, $2  }
0x3f7: {  	_ =	sdelay $0x2  }
0x3f8: {  	s4 =	sshrl.u32 s2, $0x3;
	s2 =	sadd.s32 $0x1, s2  }
0x3f9: {  	s2 =	smul.u32 $0x5000, s4  }
0x3fa: {  	v2 =	vpop (erf)  }
0x3fb: {  	s29 =	sadd.s32 $0x80, s29;
	s2 =	sshra.s32 s2, $0x2;
	v2 =	vmul.f32 v2, v1  }
0x3fc: {  	s4 =	sand.u32 $0x380, s29;
	s1 =	sadd.s32 s2, s1  }
0x3fd: {  	s1 =	sadd.s32 s4, s1;
	[tilespmem:v0+s28+$0x0 ss:$0x1] =	vst.idx.msk $0xffff, v2  }
0x3fe: {  	v2 =	vld.idx.msk [tilespmem:v0+s1+$0x0 ss:$0x1], $0xffff;
	_ =	sdelay $0x4  }
0x3ff: {  	v2 =	vsub.f32 $0.0e+00, v2;
	_ =	sdelay $0x1  }
0x400: {  	v2 =	vmul.f32 $1.442695020e+00, v2;
	_ =	sdelay $0x1  }
0x401: {  	(erf) = vpow2.f32 v2;
	_ =	sdelay $0x8  }
0x402: {  	v2 =	vpop (erf)  }
0x403: {  	v2 =	vadd.f32 $1.000000000e+00, v2;
	_ =	sdelay $0x1  }
0x404: {  	(erf) = vrcp.f32 v2;
	_ =	sdelay $0x5  }
0x405: {  	s26 =	sadd.s32 $0x1, s26  }
0x406: {  	p1 =	sne.s32 s26, $0x28  }
.Ltmp32:
0x407: {  	_ = 	snop;
	(pc) =	sbr.rel @p1 .LBB2_60-.Ltmp32, $3  }
0x408: {  	v2 =	vpop (erf)  }
0x409: {  	v63 =	vmul.f32 v2, v1;
	_ =	sdelay $0x1  }
0x40a: {  	[tilespmem:v0+s1+$0x0 ss:$0x1] =	vst.idx.msk $0xffff, v63  }
0x40b: {  	s1 =	rddreg [dreg:$0x1a]  }
0x40c: {  	[hbm4b:s1+s17] =	stream.strided.scatter [tilespmem:s31], [sflag:$0x1], $0x3C00, s18, s17, $0x38;
	[tilespmem:$0x1A400] =	vst v63  }
0x40d: {  	_ =	swait.ge [sflag:s19], $0x3C00  }
0x40e: {  	s2 =	sld [smem:$0x7EF]  }
0x40f: {  	[sflag:s19] =	ssyncset.done $0x0  }
0x410: {  	s26 =	simm.s32 $0x0;
	[sflag:s19] =	ssyncadd.s32 $0xFFFFC400  }
0x411: {  	[tilespmem:s0], [sflag:$0x1] =	stream.linear.gather [hbm4b:s2+s26], $0x280, $0x38;
	[tilespmem:$0x1A400] =	vst v63  }
0x412: {  	_ =	swait.ge [sflag:s19], $0x280  }
0x413: {  	s28 =	sld [smem:$0x7F0]  }
0x414: {  	[sflag:s19] =	ssyncset.done $0x0  }
0x415: {  	[sflag:s19] =	ssyncadd.s32 $0xFFFFFD80  }
0x416: {  	[tilespmem:s22], [sflag:$0x1] =	stream.linear.gather [hbm4b:s28+s26], $0x280, $0x38;
	[tilespmem:$0x1A400] =	vst v63  }
0x417: {  	_ =	swait.ge [sflag:s19], $0x280  }
0x418: {  	[sflag:s19] =	ssyncset.done $0x0  }
0x419: {  	[sflag:s19] =	ssyncadd.s32 $0xFFFFFD80  }
0x41a: {  	[tilespmem:s23], [sflag:$0x1] =	stream.linear.gather [hbm4b:s12+s26], $0xA00, $0x38;
	[tilespmem:$0x1A400] =	vst v63  }
0x41b: {  	s29 =	sand.u32 $0x70, s26;
	s1 =	sand.u32 $0xE00, s26;
	_ =	swait.ge [sflag:s19], $0xA00  }
0x41c: {  	s25 =	sor.u32 s29, s1;
	[sflag:s19] =	ssyncset.done $0x0  }
0x41d: {  	s1 =	sadd.s32 $0x19A00, s25;
	[sflag:s19] =	ssyncadd.s32 $0xFFFFF600  }
0x41e: {  	v0 =	vld [tilespmem:s1+$0x100]  }
0x41f: {  	v1 =	vld [tilespmem:s25+$0x19A00]  }
0x420: {  	v2 =	vld [tilespmem:s1+$0x180];
	_ =	sdelay $0x1  }
0x421: {  	s4 =	simm.s32 $0x0;
	v4 =	vld [tilespmem:s1+$0x80]  }
0x422: {  	v3 =	vld [tilespmem:s4+$0x19500];
	v0 =	vmul.f32 $5.000000000e-01, v0;
	_ =	sdelay $0x1  }
0x423: {  	v6 =	vmul.f32 $5.000000000e-01, v2;
	v5 =	vsub.f32 v1, v0;
	v7 =	vadd.f32 v0, v1;
	v0 =	vld [tilespmem:s4+$0x19780];
	_ =	sdelay $0x1  }
0x424: {  	s5 =	simm.s32 $0x10;
	s26 =	simm.s32 $0x40;
	v2 =	vsub.f32 v4, v6  }
0x425: {  	s2 =	simm.s32 $0x20;
	s4 =	sand.u32 $0x70, s5;
	s5 =	sand.u32 $0xE00, s26;
	v4 =	vadd.f32 v6, v4;
	v1 =	vmul.f32 v3, v5;
	v3 =	vmul.f32 v3, v7  }
.LBB2_64:
0x426: {  	p1 =	sne.s32 s2, $0x270  }
0x427: {  	[tilespmem:s25+$0x19A00] =	vst v1;
	s25 =	sor.u32 s4, s5;
	v1 =	vmul.f32 v0, v2;
	s4 =	smov.u32 s2;
	s2 =	sadd.s32 $0x10, s2  }
0x428: {  	s5 =	sadd.s32 $0x19A00, s25;
	[tilespmem:s1+$0x100] =	vst v3;
	v0 =	vmul.f32 v0, v4  }
0x429: {  	v2 =	vld [tilespmem:s5+$0x100];
	[tilespmem:s1+$0x80] =	vst v1  }
0x42a: {  	v1 =	vld [tilespmem:s25+$0x19A00];
	[tilespmem:s1+$0x180] =	vst v0;
	s1 =	smov.u32 s5  }
0x42b: {  	v3 =	vld [tilespmem:s1+$0x180]  }
0x42c: {  	s5 =	sshra.s32 s26, $0x2;
	v4 =	vld [tilespmem:s1+$0x80]  }
0x42d: {  	v5 =	vld [tilespmem:s5+$0x19500]  }
0x42e: {  	v2 =	vmul.f32 $5.000000000e-01, v2  }
.Ltmp33:
0x42f: {  	v0 =	vld [tilespmem:s5+$0x19780];
	(pc) =	sbr.rel @p1 .LBB2_64-.Ltmp33, $3  }
0x430: {  	v6 =	vmul.f32 $5.000000000e-01, v3;
	v3 =	vsub.f32 v1, v2;
	v7 =	vadd.f32 v2, v1;
	_ =	sdelay $0x1  }
0x431: {  	s26 =	sadd.s32 $0x40, s26;
	v1 =	vmul.f32 v5, v3;
	v2 =	vsub.f32 v4, v6;
	v3 =	vmul.f32 v5, v7  }
0x432: {  	s4 =	sand.u32 $0x70, s4;
	s5 =	sand.u32 $0xE00, s26;
	v4 =	vadd.f32 v6, v4  }
0x433: {  	s2 =	sor.u32 s4, s5  }
0x434: {  	[tilespmem:s1+$0x100] =	vst v3;
	s4 =	sadd.s32 $0x19A00, s2;
	v3 =	vmul.f32 v0, v4  }
0x435: {  	[tilespmem:s25+$0x19A00] =	vst v1;
	v0 =	vmul.f32 v0, v2;
	v1 =	vld [tilespmem:s4+$0x100]  }
0x436: {  	v2 =	vld [tilespmem:s2+$0x19A00];
	[tilespmem:s1+$0x180] =	vst v3  }
0x437: {  	[tilespmem:s1+$0x80] =	vst v0;
	v0 =	vld [tilespmem:s4+$0x180]  }
0x438: {  	s8 =	sshra.s32 s26, $0x2;
	v3 =	vld [tilespmem:s4+$0x80]  }
0x439: {  	v4 =	vld [tilespmem:s8+$0x19500]  }
0x43a: {  	v1 =	vmul.f32 $5.000000000e-01, v1  }
0x43b: {  	v5 =	vld [tilespmem:s8+$0x19780]  }
0x43c: {  	v0 =	vmul.f32 $5.000000000e-01, v0;
	v6 =	vsub.f32 v2, v1  }
0x43d: {  	v1 =	vadd.f32 v1, v2  }
0x43e: {  	v2 =	vmul.f32 v4, v6;
	v6 =	vsub.f32 v3, v0  }
0x43f: {  	v1 =	vmul.f32 v4, v1;
	v0 =	vadd.f32 v0, v3  }
0x440: {  	[tilespmem:s2+$0x19A00] =	vst v2;
	v2 =	vmul.f32 v5, v6  }
0x441: {  	[tilespmem:s4+$0x100] =	vst v1;
	v0 =	vmul.f32 v5, v0  }
0x442: {  	[tilespmem:s4+$0x80] =	vst v2  }
0x443: {  	s25 =	simm.s32 $0x0;
	[tilespmem:s4+$0x180] =	vst v0  }
0x444: {  	[hbm4b:s13+s25] =	stream.linear.scatter [tilespmem:s23], [sflag:$0x1], $0xA00, $0x38;
	[tilespmem:$0x1A400] =	vst v63  }
0x445: {  	_ =	swait.ge [sflag:s19], $0xA00  }
0x446: {  	[sflag:s19] =	ssyncset.done $0x0  }
0x447: {  	[sflag:s19] =	ssyncadd.s32 $0xFFFFF600  }
0x448: {  	[tilespmem:s23], [sflag:$0x1] =	stream.linear.gather [hbm4b:s14+s25], $0xA00, $0x38;
	[tilespmem:$0x1A400] =	vst v63  }
0x449: {  	s26 =	sand.u32 $0x70, s25;
	s1 =	sand.u32 $0xE00, s25;
	_ =	swait.ge [sflag:s19], $0xA00  }
0x44a: {  	s25 =	sor.u32 s26, s1;
	[sflag:s19] =	ssyncset.done $0x0  }
0x44b: {  	s1 =	sadd.s32 $0x19A00, s25;
	[sflag:s19] =	ssyncadd.s32 $0xFFFFF600  }
0x44c: {  	v0 =	vld [tilespmem:s1+$0x100]  }
0x44d: {  	v1 =	vld [tilespmem:s25+$0x19A00]  }
0x44e: {  	v2 =	vld [tilespmem:s1+$0x180];
	_ =	sdelay $0x1  }
0x44f: {  	s28 =	simm.s32 $0x0;
	v4 =	vld [tilespmem:s1+$0x80]  }
0x450: {  	v3 =	vld [tilespmem:s28+$0x19500];
	v0 =	vmul.f32 $5.000000000e-01, v0;
	_ =	sdelay $0x1  }
0x451: {  	v6 =	vmul.f32 $5.000000000e-01, v2;
	v5 =	vsub.f32 v1, v0;
	v7 =	vadd.f32 v0, v1;
	v0 =	vld [tilespmem:s28+$0x19780];
	_ =	sdelay $0x1  }
0x452: {  	s29 =	simm.s32 $0x10;
	s26 =	simm.s32 $0x40;
	v2 =	vsub.f32 v4, v6  }
0x453: {  	s2 =	simm.s32 $0x20;
	s4 =	sand.u32 $0x70, s29;
	s5 =	sand.u32 $0xE00, s26;
	v4 =	vadd.f32 v6, v4;
	v1 =	vmul.f32 v3, v5;
	v3 =	vmul.f32 v3, v7  }
.LBB2_66:
0x454: {  	p1 =	sne.s32 s2, $0x270  }
0x455: {  	[tilespmem:s25+$0x19A00] =	vst v1;
	s25 =	sor.u32 s4, s5;
	v1 =	vmul.f32 v0, v2;
	s4 =	smov.u32 s2;
	s2 =	sadd.s32 $0x10, s2  }
0x456: {  	s5 =	sadd.s32 $0x19A00, s25;
	[tilespmem:s1+$0x100] =	vst v3;
	v0 =	vmul.f32 v0, v4  }
0x457: {  	v2 =	vld [tilespmem:s5+$0x100];
	[tilespmem:s1+$0x80] =	vst v1  }
0x458: {  	v1 =	vld [tilespmem:s25+$0x19A00];
	[tilespmem:s1+$0x180] =	vst v0;
	s1 =	smov.u32 s5  }
0x459: {  	v3 =	vld [tilespmem:s1+$0x180]  }
0x45a: {  	s5 =	sshra.s32 s26, $0x2;
	v4 =	vld [tilespmem:s1+$0x80]  }
0x45b: {  	v5 =	vld [tilespmem:s5+$0x19500]  }
0x45c: {  	v2 =	vmul.f32 $5.000000000e-01, v2  }
.Ltmp34:
0x45d: {  	v0 =	vld [tilespmem:s5+$0x19780];
	(pc) =	sbr.rel @p1 .LBB2_66-.Ltmp34, $3  }
0x45e: {  	v6 =	vmul.f32 $5.000000000e-01, v3;
	v3 =	vsub.f32 v1, v2;
	v7 =	vadd.f32 v2, v1;
	_ =	sdelay $0x1  }
0x45f: {  	s26 =	sadd.s32 $0x40, s26;
	v1 =	vmul.f32 v5, v3;
	v2 =	vsub.f32 v4, v6;
	v3 =	vmul.f32 v5, v7  }
0x460: {  	s4 =	sand.u32 $0x70, s4;
	s5 =	sand.u32 $0xE00, s26;
	v4 =	vadd.f32 v6, v4  }
0x461: {  	s2 =	sor.u32 s4, s5  }
0x462: {  	[tilespmem:s1+$0x100] =	vst v3;
	s4 =	sadd.s32 $0x19A00, s2;
	v54 =	vmul.f32 v0, v4  }
0x463: {  	[tilespmem:s25+$0x19A00] =	vst v1;
	v55 =	vmul.f32 v0, v2;
	v56 =	vld [tilespmem:s4+$0x100]  }
0x464: {  	v57 =	vld [tilespmem:s2+$0x19A00];
	[tilespmem:s1+$0x180] =	vst v54  }
0x465: {  	[tilespmem:s1+$0x80] =	vst v55;
	v58 =	vld [tilespmem:s4+$0x180]  }
0x466: {  	s29 =	sshra.s32 s26, $0x2;
	v59 =	vld [tilespmem:s4+$0x80]  }
0x467: {  	v60 =	vld [tilespmem:s29+$0x19500]  }
0x468: {  	v1 =	vmul.f32 $5.000000000e-01, v56  }
0x469: {  	v5 =	vld [tilespmem:s29+$0x19780]  }
0x46a: {  	v0 =	vmul.f32 $5.000000000e-01, v58;
	v6 =	vsub.f32 v57, v1  }
0x46b: {  	v1 =	vadd.f32 v1, v57  }
0x46c: {  	v61 =	vmul.f32 v60, v6;
	v62 =	vsub.f32 v59, v0  }
0x46d: {  	v1 =	vmul.f32 v60, v1;
	v0 =	vadd.f32 v0, v59  }
0x46e: {  	[tilespmem:s2+$0x19A00] =	vst v61;
	v63 =	vmul.f32 v5, v62  }
0x46f: {  	[tilespmem:s4+$0x100] =	vst v1;
	v0 =	vmul.f32 v5, v0  }
0x470: {  	[tilespmem:s4+$0x80] =	vst v63  }
.Ltmp35:
0x471: {  	[tilespmem:s4+$0x180] =	vst v0;
	(pc) =	sbr.rel @p0 .LBB2_91-.Ltmp35, $4  }
0x472: {  	[hbm4b:s15+s3] =	stream.linear.scatter [tilespmem:s23], [sflag:$0x1], $0xA00, $0x38;
	[tilespmem:$0x1A400] =	vst v63  }
0x473: {  	_ =	swait.ge [sflag:s19], $0xA00  }
0x474: {  	[sflag:s19] =	ssyncset.done $0x0  }
0x475: {  	[sflag:s19] =	ssyncadd.s32 $0xFFFFF600  }
0x476: {  	s25 =	simm.s32 $0x0;
	s1 =	rddreg [dreg:$0x1b]  }
0x477: {  	[tilespmem:s25], [sflag:$0x1] =	stream.strided.gather [hbm4b:s1+s17], $0xDC00, s18, s17, $0x38;
	[tilespmem:$0x1A400] =	vst v63  }
0x478: {  	_ =	swait.ge [sflag:s19], $0xDC00  }
0x479: {  	[sflag:s19] =	ssyncset.done $0x0  }
0x47a: {  	s26 =	simm.s32 $0x0;
	[sflag:s19] =	ssyncadd.s32 $0xFFFF2400  }
.LBB2_69:
0x47b: {  	s28 =	sshll.u32 s26, $0x4  }
0x47c: {  	s2 =	simm.s32 $0x0;
	s1 =	sand.u32 $0x70, s28  }
0x47d: {  	s2 =	smul.u32 $0x5000, s2;
	v0 =	vmov s1  }
0x47e: {  	s4 =	sshll.u32 s26, $0x7  }
0x47f: {  	s29 =	sand.u32 $0x1C00, s4;
	s2 =	sshra.s32 s2, $0x2  }
0x480: {  	s7 =	simm.s32 $0x0;
	s5 =	sand.u32 $0x380, s25;
	s2 =	sadd.s32 s2, s29  }
0x481: {  	s8 =	smul.u32 $0x5000, s7;
	s2 =	sadd.s32 s5, s2  }
0x482: {  	v3 =	vld.idx.msk [tilespmem:v0+s2+$0x0 ss:$0x1], $0xffff  }
0x483: {  	s4 =	simm.s32 $0x80;
	s6 =	sshra.s32 s8, $0x2  }
0x484: {  	s1 =	simm.s32 $0x1;
	s7 =	sand.u32 $0x380, s4;
	s6 =	sadd.s32 s6, s29  }
0x485: {  	v2 =	vimm.f32 $-1.000000020e+30;
	v1 =	vimm.s32 $0x0;
	s5 =	simm.s32 $0x2;
	s6 =	sadd.s32 s7, s6;
	s2 =	simm.s32 $0x0  }
.LBB2_70:
0x486: {  	s7 =	sshrl.u32 s5, $0x3;
	p1 =	sne.s32 s5, $0x4F  }
0x487: {  	vm0 =	vgt.f32 v3, v2;
	v4 =	vmov v3;
	v3 =	vld.idx.msk [tilespmem:v0+s6+$0x0 ss:$0x1], $0xffff;
	s6 =	smov.u32 s5;
	s5 =	sadd.s32 $0x1, s5;
	s7 =	smul.u32 $0x5000, s7  }
.Ltmp36:
0x488: {  	v2 =	vsel vm0, v4, v2;
	v1 =	vsel vm0, s2, v1;
	(pc) =	sbr.rel @p1 .LBB2_70-.Ltmp36, $4  }
0x489: {  	s2 =	smov.u32 s1;
	s1 =	smov.u32 s6  }
0x48a: {  	s4 =	sadd.s32 $0x80, s4;
	s6 =	sshra.s32 s7, $0x2  }
0x48b: {  	s7 =	sand.u32 $0x380, s4;
	s6 =	sadd.s32 s6, s29  }
0x48c: {  	s6 =	sadd.s32 s7, s6  }
0x48d: {  	s4 =	simm.s32 $0x0  }
0x48e: {  	s4 =	smul.u32 $0x5000, s4;
	_ =	sdelay $0x1  }
0x48f: {  	s7 =	simm.s32 $0x0;
	s4 =	sshra.s32 s4, $0x2  }
0x490: {  	s5 =	simm.s32 $0x0;
	v4 =	vld.idx.msk [tilespmem:v0+s6+$0x0 ss:$0x1], $0xffff;
	s7 =	sand.u32 $0x380, s7;
	s4 =	sadd.s32 s4, s29  }
0x491: {  	s5 =	smul.u32 $0x5000, s5;
	s4 =	sadd.s32 s7, s4  }
0x492: {  	v5 =	vld.idx.msk [tilespmem:v0+s4+$0x0 ss:$0x1], $0xffff  }
0x493: {  	s8 =	simm.s32 $0x80;
	vm0 =	vgt.f32 v3, v2;
	s5 =	sshra.s32 s5, $0x2  }
0x494: {  	s6 =	sand.u32 $0x380, s8;
	v2 =	vsel vm0, v3, v2;
	s5 =	sadd.s32 s5, s29  }
0x495: {  	s8 =	sadd.s32 s6, s5;
	vm1 =	vgt.f32 v4, v2  }
0x496: {  	v6 =	vld.idx.msk [tilespmem:v0+s8+$0x0 ss:$0x1], $0xffff;
	v2 =	vsel vm1, v4, v2  }
0x497: {  	v3 =	vsub.f32 v5, v2  }
0x498: {  	s5 =	simm.s32 $0x0  }
0x499: {  	s4 =	smul.u32 $0x5000, s5;
	v3 =	vmul.f32 $1.442695020e+00, v3;
	_ =	sdelay $0x1  }
0x49a: {  	s6 =	simm.s32 $0x0;
	s7 =	simm.s32 $0x100;
	s4 =	sshra.s32 s4, $0x2;
	v4 =	vsub.f32 v6, v2;
	(erf) = vpow2.f32 v3  }
0x49b: {  	s5 =	smul.u32 $0x5000, s6;
	s6 =	sand.u32 $0x380, s7;
	s8 =	sadd.s32 s4, s29  }
0x49c: {  	s7 =	sadd.s32 s6, s8;
	v5 =	vmul.f32 $1.442695020e+00, v4  }
0x49d: {  	v4 =	vld.idx.msk [tilespmem:v0+s7+$0x0 ss:$0x1], $0xffff  }
0x49e: {  	s5 =	sshra.s32 s5, $0x2;
	s4 =	simm.s32 $0x180;
	(erf) = vpow2.f32 v5  }
0x49f: {  	v1 =	vsel vm0, s2, v1;
	s5 =	sadd.s32 s5, s29;
	s8 =	sand.u32 $0x380, s4  }
0x4a0: {  	v1 =	vsel vm1, s1, v1;
	s1 =	simm.s32 $0x4;
	s2 =	sadd.s32 s8, s5;
	v3 =	vimm.f32 $0.0e+00  }
.LBB2_72:
0x4a1: {  	s5 =	sshrl.u32 s1, $0x3  }
0x4a2: {  	p1 =	sne.s32 s1, $0x50;
	s1 =	sadd.s32 $0x1, s1;
	v5 =	vsub.f32 v4, v2;
	v4 =	vld.idx.msk [tilespmem:v0+s2+$0x0 ss:$0x1], $0xffff;
	s2 =	smul.u32 $0x5000, s5  }
.Ltmp37:
0x4a3: {  	v6 =	vpop (erf);
	(pc) =	sbr.rel @p1 .LBB2_72-.Ltmp37, $4  }
0x4a4: {  	v5 =	vmul.f32 $1.442695020e+00, v5;
	v3 =	vadd.f32 v6, v3  }
0x4a5: {  	s4 =	sadd.s32 $0x80, s4;
	s2 =	sshra.s32 s2, $0x2  }
0x4a6: {  	s5 =	sand.u32 $0x380, s4;
	s2 =	sadd.s32 s2, s29;
	(erf) = vpow2.f32 v5  }
0x4a7: {  	s2 =	sadd.s32 s5, s2  }
0x4a8: {  	_ =	sdelay $0x3  }
0x4a9: {  	v0 =	vld.idx.msk [tilespmem:v0+s2+$0x0 ss:$0x1], $0xffff;
	_ =	sdelay $0x2  }
0x4aa: {  	v4 =	vsub.f32 v4, v2;
	_ =	sdelay $0x1  }
0x4ab: {  	v4 =	vmul.f32 $1.442695020e+00, v4;
	v0 =	vsub.f32 v0, v2;
	_ =	sdelay $0x1  }
0x4ac: {  	(erf) = vpow2.f32 v4;
	v0 =	vmul.f32 $1.442695020e+00, v0;
	_ =	sdelay $0x1  }
0x4ad: {  	(erf) = vpow2.f32 v0;
	_ =	sdelay $0x2  }
0x4ae: {  	v60 =	vpop (erf)  }
0x4af: {  	v0 =	vadd.f32 v60, v3  }
0x4b0: {  	v61 =	vpop (erf)  }
0x4b1: {  	v0 =	vadd.f32 v61, v0  }
0x4b2: {  	v62 =	vpop (erf)  }
0x4b3: {  	v0 =	vadd.f32 v62, v0  }
0x4b4: {  	v63 =	vpop (erf)  }
0x4b5: {  	v0 =	vadd.f32 v63, v0;
	_ =	sdelay $0x1  }
0x4b6: {  	(erf) = vrcp.f32 v0;
	_ =	sdelay $0x3  }
0x4b7: {  	s26 =	sadd.s32 $0x1, s26  }
0x4b8: {  	p1 =	sne.s32 s26, $0x28  }
.Ltmp38:
0x4b9: {  	_ = 	snop;
	(pc) =	sbr.rel @p1 .LBB2_69-.Ltmp38, $3  }
0x4ba: {  	_ =	sdelay $0x1  }
0x4bb: {  	[tilespmem:s28+$0x19280] =	vst v1;
	v0 =	vpop (erf)  }
0x4bc: {  	[tilespmem:s28+$0x19000] =	vst v0  }
0x4bd: {  	s1 =	sld [smem:$0x7F1];
	_ =	sdelay $0x1  }
0x4be: {  	s25 =	simm.s32 $0x0  }
0x4bf: {  	[hbm4b:s1+s25] =	stream.linear.scatter [tilespmem:s20], [sflag:$0x1], $0x280, $0x38;
	[tilespmem:$0x1A400] =	vst v63  }
0x4c0: {  	_ =	swait.ge [sflag:s19], $0x280  }
0x4c1: {  	s28 =	sld [smem:$0x7F2]  }
0x4c2: {  	[sflag:s19] =	ssyncset.done $0x0  }
0x4c3: {  	[sflag:s19] =	ssyncadd.s32 $0xFFFFFD80  }
0x4c4: {  	[hbm4b:s28+s25] =	stream.linear.scatter [tilespmem:s21], [sflag:$0x1], $0x280, $0x38;
	[tilespmem:$0x1A400] =	vst v63  }
0x4c5: {  	_ =	swait.ge [sflag:s19], $0x280  }
0x4c6: {  	[sflag:s19] =	ssyncset.done $0x0  }
0x4c7: {  	s29 =	rddreg [dreg:$0x1c];
	[sflag:s19] =	ssyncadd.s32 $0xFFFFFD80  }
0x4c8: {  	[tilespmem:s30], [sflag:$0x1] =	stream.strided.gather [hbm4b:s29+s17], $0x7800, s18, s17, $0x38;
	[tilespmem:$0x1A400] =	vst v63  }
0x4c9: {  	_ =	swait.ge [sflag:s19], $0x7800  }
0x4ca: {  	[sflag:s19] =	ssyncset.done $0x0  }
0x4cb: {  	s26 =	simm.s32 $0x0;
	[sflag:s19] =	ssyncadd.s32 $0xFFFF8800  }
.LBB2_75:
0x4cc: {  	s2 =	sshll.u32 s26, $0x4  }
0x4cd: {  	s4 =	simm.s32 $0x0;
	s1 =	sand.u32 $0x70, s2  }
0x4ce: {  	s5 =	sshll.u32 s26, $0x7;
	s4 =	smul.u32 $0x5000, s4;
	v0 =	vmov s1  }
0x4cf: {  	s7 =	sand.u32 $0x1C00, s5  }
0x4d0: {  	s1 =	sadd.s32 $0xDC00, s7;
	s4 =	sshra.s32 s4, $0x2  }
0x4d1: {  	s8 =	sand.u32 $0x380, s25;
	s4 =	sadd.s32 s4, s1  }
0x4d2: {  	s28 =	sadd.s32 s8, s4  }
0x4d3: {  	v1 =	vld.idx.msk [tilespmem:v0+s28+$0x0 ss:$0x1], $0xffff;
	_ =	sdelay $0x4  }
0x4d4: {  	v1 =	vsub.f32 $0.0e+00, v1;
	_ =	sdelay $0x1  }
0x4d5: {  	v1 =	vmul.f32 $1.442695020e+00, v1;
	_ =	sdelay $0x1  }
0x4d6: {  	(erf) = vpow2.f32 v1;
	_ =	sdelay $0x8  }
0x4d7: {  	v1 =	vpop (erf)  }
0x4d8: {  	v2 =	vadd.f32 $1.000000000e+00, v1;
	_ =	sdelay $0x1  }
0x4d9: {  	(erf) = vrcp.f32 v2;
	_ =	sdelay $0x4  }
0x4da: {  	v1 =	vld [tilespmem:s2+$0x19000];
	_ =	sdelay $0x1  }
0x4db: {  	s29 =	simm.s32 $0x0;
	s4 =	simm.s32 $0x0;
	s2 =	simm.s32 $0x2  }
.LBB2_76:
0x4dc: {  	p1 =	sne.s32 s2, $0x2F;
	s4 =	smul.u32 $0x5000, s4  }
0x4dd: {  	v2 =	vpop (erf)  }
0x4de: {  	s29 =	sadd.s32 $0x80, s29;
	s4 =	sshra.s32 s4, $0x2;
	v2 =	vmul.f32 v2, v1  }
0x4df: {  	s5 =	sand.u32 $0x380, s29;
	s4 =	sadd.s32 s4, s1  }
0x4e0: {  	[tilespmem:v0+s28+$0x0 ss:$0x1] =	vst.idx.msk $0xffff, v2;
	s28 =	sadd.s32 s5, s4  }
0x4e1: {  	v2 =	vld.idx.msk [tilespmem:v0+s28+$0x0 ss:$0x1], $0xffff;
	_ =	sdelay $0x5  }
0x4e2: {  	v2 =	vsub.f32 $0.0e+00, v2;
	_ =	sdelay $0x1  }
0x4e3: {  	v2 =	vmul.f32 $1.442695020e+00, v2;
	_ =	sdelay $0x1  }
0x4e4: {  	(erf) = vpow2.f32 v2;
	_ =	sdelay $0x8  }
0x4e5: {  	v2 =	vpop (erf)  }
0x4e6: {  	v2 =	vadd.f32 $1.000000000e+00, v2;
	_ =	sdelay $0x1  }
0x4e7: {  	(erf) = vrcp.f32 v2;
	_ =	sdelay $0x2  }
.Ltmp39:
0x4e8: {  	(pc) =	sbr.rel @p1 .LBB2_76-.Ltmp39, $2  }
0x4e9: {  	_ =	sdelay $0x2  }
0x4ea: {  	s4 =	sshrl.u32 s2, $0x3;
	s2 =	sadd.s32 $0x1, s2  }
0x4eb: {  	s2 =	smul.u32 $0x5000, s4  }
0x4ec: {  	v2 =	vpop (erf)  }
0x4ed: {  	s29 =	sadd.s32 $0x80, s29;
	s2 =	sshra.s32 s2, $0x2;
	v2 =	vmul.f32 v2, v1  }
0x4ee: {  	s4 =	sand.u32 $0x380, s29;
	s1 =	sadd.s32 s2, s1  }
0x4ef: {  	s1 =	sadd.s32 s4, s1;
	[tilespmem:v0+s28+$0x0 ss:$0x1] =	vst.idx.msk $0xffff, v2  }
0x4f0: {  	v2 =	vld.idx.msk [tilespmem:v0+s1+$0x0 ss:$0x1], $0xffff;
	_ =	sdelay $0x4  }
0x4f1: {  	v2 =	vsub.f32 $0.0e+00, v2;
	_ =	sdelay $0x1  }
0x4f2: {  	v2 =	vmul.f32 $1.442695020e+00, v2;
	_ =	sdelay $0x1  }
0x4f3: {  	(erf) = vpow2.f32 v2;
	_ =	sdelay $0x8  }
0x4f4: {  	v2 =	vpop (erf)  }
0x4f5: {  	v2 =	vadd.f32 $1.000000000e+00, v2;
	_ =	sdelay $0x1  }
0x4f6: {  	(erf) = vrcp.f32 v2;
	_ =	sdelay $0x5  }
0x4f7: {  	s26 =	sadd.s32 $0x1, s26  }
0x4f8: {  	p1 =	sne.s32 s26, $0x28  }
.Ltmp40:
0x4f9: {  	_ = 	snop;
	(pc) =	sbr.rel @p1 .LBB2_75-.Ltmp40, $3  }
0x4fa: {  	v2 =	vpop (erf)  }
0x4fb: {  	v63 =	vmul.f32 v2, v1;
	_ =	sdelay $0x1  }
0x4fc: {  	[tilespmem:v0+s1+$0x0 ss:$0x1] =	vst.idx.msk $0xffff, v63  }
0x4fd: {  	s1 =	rddreg [dreg:$0x1d]  }
0x4fe: {  	[hbm4b:s1+s17] =	stream.strided.scatter [tilespmem:s30], [sflag:$0x1], $0x7800, s18, s17, $0x38;
	[tilespmem:$0x1A400] =	vst v63  }
0x4ff: {  	_ =	swait.ge [sflag:s19], $0x7800  }
0x500: {  	[sflag:s19] =	ssyncset.done $0x0  }
0x501: {  	s29 =	rddreg [dreg:$0x1e];
	[sflag:s19] =	ssyncadd.s32 $0xFFFF8800  }
0x502: {  	[tilespmem:s30], [sflag:$0x1] =	stream.strided.gather [hbm4b:s29+s17], $0x7800, s18, s17, $0x38;
	[tilespmem:$0x1A400] =	vst v63  }
0x503: {  	_ =	swait.ge [sflag:s19], $0x7800  }
0x504: {  	[sflag:s19] =	ssyncset.done $0x0  }
0x505: {  	s25 =	simm.s32 $0x0;
	s26 =	simm.s32 $0x0;
	[sflag:s19] =	ssyncadd.s32 $0xFFFF8800  }
.LBB2_79:
0x506: {  	s2 =	sshll.u32 s26, $0x4  }
0x507: {  	s4 =	simm.s32 $0x0;
	s1 =	sand.u32 $0x70, s2  }
0x508: {  	s5 =	sshll.u32 s26, $0x7;
	s4 =	smul.u32 $0x5000, s4;
	v0 =	vmov s1  }
0x509: {  	s7 =	sand.u32 $0x1C00, s5  }
0x50a: {  	s1 =	sadd.s32 $0xDC00, s7;
	s4 =	sshra.s32 s4, $0x2  }
0x50b: {  	s8 =	sand.u32 $0x380, s25;
	s4 =	sadd.s32 s4, s1  }
0x50c: {  	s28 =	sadd.s32 s8, s4  }
0x50d: {  	v1 =	vld.idx.msk [tilespmem:v0+s28+$0x0 ss:$0x1], $0xffff;
	_ =	sdelay $0x4  }
0x50e: {  	v1 =	vsub.f32 $0.0e+00, v1;
	_ =	sdelay $0x1  }
0x50f: {  	v1 =	vmul.f32 $1.442695020e+00, v1;
	_ =	sdelay $0x1  }
0x510: {  	(erf) = vpow2.f32 v1;
	_ =	sdelay $0x8  }
0x511: {  	v1 =	vpop (erf)  }
0x512: {  	v2 =	vadd.f32 $1.000000000e+00, v1;
	_ =	sdelay $0x1  }
0x513: {  	(erf) = vrcp.f32 v2;
	_ =	sdelay $0x4  }
0x514: {  	v1 =	vld [tilespmem:s2+$0x19000];
	_ =	sdelay $0x1  }
0x515: {  	s29 =	simm.s32 $0x0;
	s4 =	simm.s32 $0x0;
	s2 =	simm.s32 $0x2  }
.LBB2_80:
0x516: {  	p1 =	sne.s32 s2, $0x2F;
	s4 =	smul.u32 $0x5000, s4  }
0x517: {  	v2 =	vpop (erf)  }
0x518: {  	s29 =	sadd.s32 $0x80, s29;
	s4 =	sshra.s32 s4, $0x2;
	v2 =	vmul.f32 v2, v1  }
0x519: {  	s5 =	sand.u32 $0x380, s29;
	s4 =	sadd.s32 s4, s1  }
0x51a: {  	[tilespmem:v0+s28+$0x0 ss:$0x1] =	vst.idx.msk $0xffff, v2;
	s28 =	sadd.s32 s5, s4  }
0x51b: {  	v2 =	vld.idx.msk [tilespmem:v0+s28+$0x0 ss:$0x1], $0xffff;
	_ =	sdelay $0x5  }
0x51c: {  	v2 =	vsub.f32 $0.0e+00, v2;
	_ =	sdelay $0x1  }
0x51d: {  	v2 =	vmul.f32 $1.442695020e+00, v2;
	_ =	sdelay $0x1  }
0x51e: {  	(erf) = vpow2.f32 v2;
	_ =	sdelay $0x8  }
0x51f: {  	v2 =	vpop (erf)  }
0x520: {  	v2 =	vadd.f32 $1.000000000e+00, v2;
	_ =	sdelay $0x1  }
0x521: {  	(erf) = vrcp.f32 v2;
	_ =	sdelay $0x2  }
.Ltmp41:
0x522: {  	(pc) =	sbr.rel @p1 .LBB2_80-.Ltmp41, $2  }
0x523: {  	_ =	sdelay $0x2  }
0x524: {  	s4 =	sshrl.u32 s2, $0x3;
	s2 =	sadd.s32 $0x1, s2  }
0x525: {  	s2 =	smul.u32 $0x5000, s4  }
0x526: {  	v2 =	vpop (erf)  }
0x527: {  	s29 =	sadd.s32 $0x80, s29;
	s2 =	sshra.s32 s2, $0x2;
	v2 =	vmul.f32 v2, v1  }
0x528: {  	s4 =	sand.u32 $0x380, s29;
	s1 =	sadd.s32 s2, s1  }
0x529: {  	s1 =	sadd.s32 s4, s1;
	[tilespmem:v0+s28+$0x0 ss:$0x1] =	vst.idx.msk $0xffff, v2  }
0x52a: {  	v2 =	vld.idx.msk [tilespmem:v0+s1+$0x0 ss:$0x1], $0xffff;
	_ =	sdelay $0x4  }
0x52b: {  	v2 =	vsub.f32 $0.0e+00, v2;
	_ =	sdelay $0x1  }
0x52c: {  	v2 =	vmul.f32 $1.442695020e+00, v2;
	_ =	sdelay $0x1  }
0x52d: {  	(erf) = vpow2.f32 v2;
	_ =	sdelay $0x8  }
0x52e: {  	v2 =	vpop (erf)  }
0x52f: {  	v2 =	vadd.f32 $1.000000000e+00, v2;
	_ =	sdelay $0x1  }
0x530: {  	(erf) = vrcp.f32 v2;
	_ =	sdelay $0x5  }
0x531: {  	s26 =	sadd.s32 $0x1, s26  }
0x532: {  	p1 =	sne.s32 s26, $0x28  }
.Ltmp42:
0x533: {  	_ = 	snop;
	(pc) =	sbr.rel @p1 .LBB2_79-.Ltmp42, $3  }
0x534: {  	v2 =	vpop (erf)  }
0x535: {  	v63 =	vmul.f32 v2, v1;
	_ =	sdelay $0x1  }
0x536: {  	[tilespmem:v0+s1+$0x0 ss:$0x1] =	vst.idx.msk $0xffff, v63  }
0x537: {  	s1 =	rddreg [dreg:$0x1f]  }
0x538: {  	[hbm4b:s1+s17] =	stream.strided.scatter [tilespmem:s30], [sflag:$0x1], $0x7800, s18, s17, $0x38;
	[tilespmem:$0x1A400] =	vst v63  }
0x539: {  	_ =	swait.ge [sflag:s19], $0x7800  }
0x53a: {  	s29 =	sld [smem:$0x7E3]  }
0x53b: {  	[sflag:s19] =	ssyncset.done $0x0  }
0x53c: {  	[sflag:s19] =	ssyncadd.s32 $0xFFFF8800  }
0x53d: {  	[tilespmem:s31], [sflag:$0x1] =	stream.strided.gather [hbm4b:s29+s17], $0x3C00, s18, s17, $0x38;
	[tilespmem:$0x1A400] =	vst v63  }
0x53e: {  	_ =	swait.ge [sflag:s19], $0x3C00  }
0x53f: {  	[sflag:s19] =	ssyncset.done $0x0  }
0x540: {  	s25 =	simm.s32 $0x0;
	s26 =	simm.s32 $0x0;
	[sflag:s19] =	ssyncadd.s32 $0xFFFFC400  }
.LBB2_83:
0x541: {  	s2 =	sshll.u32 s26, $0x4  }
0x542: {  	s4 =	simm.s32 $0x0;
	s1 =	sand.u32 $0x70, s2  }
0x543: {  	s5 =	sshll.u32 s26, $0x7;
	s4 =	smul.u32 $0x5000, s4;
	v0 =	vmov s1  }
0x544: {  	s7 =	sand.u32 $0x1C00, s5  }
0x545: {  	s1 =	sadd.s32 $0x15400, s7;
	s4 =	sshra.s32 s4, $0x2  }
0x546: {  	s8 =	sand.u32 $0x380, s25;
	s4 =	sadd.s32 s4, s1  }
0x547: {  	s28 =	sadd.s32 s8, s4  }
0x548: {  	v1 =	vld.idx.msk [tilespmem:v0+s28+$0x0 ss:$0x1], $0xffff;
	_ =	sdelay $0x4  }
0x549: {  	v1 =	vsub.f32 $0.0e+00, v1;
	_ =	sdelay $0x1  }
0x54a: {  	v1 =	vmul.f32 $1.442695020e+00, v1;
	_ =	sdelay $0x1  }
0x54b: {  	(erf) = vpow2.f32 v1;
	_ =	sdelay $0x8  }
0x54c: {  	v1 =	vpop (erf)  }
0x54d: {  	v2 =	vadd.f32 $1.000000000e+00, v1;
	_ =	sdelay $0x1  }
0x54e: {  	(erf) = vrcp.f32 v2;
	_ =	sdelay $0x4  }
0x54f: {  	v1 =	vld [tilespmem:s2+$0x19000];
	_ =	sdelay $0x1  }
0x550: {  	s29 =	simm.s32 $0x0;
	s4 =	simm.s32 $0x0;
	s2 =	simm.s32 $0x2  }
.LBB2_84:
0x551: {  	p1 =	sne.s32 s2, $0x14;
	s4 =	smul.u32 $0x5000, s4  }
0x552: {  	v2 =	vpop (erf)  }
0x553: {  	s29 =	sadd.s32 $0x80, s29;
	s4 =	sshra.s32 s4, $0x2;
	v2 =	vmul.f32 v2, v1  }
0x554: {  	s5 =	sand.u32 $0x380, s29;
	s4 =	sadd.s32 s4, s1  }
0x555: {  	[tilespmem:v0+s28+$0x0 ss:$0x1] =	vst.idx.msk $0xffff, v2;
	s28 =	sadd.s32 s5, s4  }
0x556: {  	v2 =	vld.idx.msk [tilespmem:v0+s28+$0x0 ss:$0x1], $0xffff;
	_ =	sdelay $0x5  }
0x557: {  	v2 =	vsub.f32 $0.0e+00, v2;
	_ =	sdelay $0x1  }
0x558: {  	v2 =	vmul.f32 $1.442695020e+00, v2;
	_ =	sdelay $0x1  }
0x559: {  	(erf) = vpow2.f32 v2;
	_ =	sdelay $0x8  }
0x55a: {  	v2 =	vpop (erf)  }
0x55b: {  	v2 =	vadd.f32 $1.000000000e+00, v2;
	_ =	sdelay $0x1  }
0x55c: {  	(erf) = vrcp.f32 v2;
	_ =	sdelay $0x2  }
.Ltmp43:
0x55d: {  	(pc) =	sbr.rel @p1 .LBB2_84-.Ltmp43, $2  }
0x55e: {  	_ =	sdelay $0x2  }
0x55f: {  	s4 =	sshrl.u32 s2, $0x3;
	s2 =	sadd.s32 $0x1, s2  }
0x560: {  	s2 =	smul.u32 $0x5000, s4  }
0x561: {  	v2 =	vpop (erf)  }
0x562: {  	s29 =	sadd.s32 $0x80, s29;
	s2 =	sshra.s32 s2, $0x2;
	v2 =	vmul.f32 v2, v1  }
0x563: {  	s4 =	sand.u32 $0x380, s29;
	s1 =	sadd.s32 s2, s1  }
0x564: {  	s1 =	sadd.s32 s4, s1;
	[tilespmem:v0+s28+$0x0 ss:$0x1] =	vst.idx.msk $0xffff, v2  }
0x565: {  	v2 =	vld.idx.msk [tilespmem:v0+s1+$0x0 ss:$0x1], $0xffff;
	_ =	sdelay $0x4  }
0x566: {  	v2 =	vsub.f32 $0.0e+00, v2;
	_ =	sdelay $0x1  }
0x567: {  	v2 =	vmul.f32 $1.442695020e+00, v2;
	_ =	sdelay $0x1  }
0x568: {  	(erf) = vpow2.f32 v2;
	_ =	sdelay $0x8  }
0x569: {  	v2 =	vpop (erf)  }
0x56a: {  	v2 =	vadd.f32 $1.000000000e+00, v2;
	_ =	sdelay $0x1  }
0x56b: {  	(erf) = vrcp.f32 v2;
	_ =	sdelay $0x5  }
0x56c: {  	s26 =	sadd.s32 $0x1, s26  }
0x56d: {  	p1 =	sne.s32 s26, $0x28  }
.Ltmp44:
0x56e: {  	_ = 	snop;
	(pc) =	sbr.rel @p1 .LBB2_83-.Ltmp44, $3  }
0x56f: {  	v2 =	vpop (erf)  }
0x570: {  	v63 =	vmul.f32 v2, v1;
	_ =	sdelay $0x1  }
0x571: {  	[tilespmem:v0+s1+$0x0 ss:$0x1] =	vst.idx.msk $0xffff, v63  }
0x572: {  	s1 =	sld [smem:$0x7E4];
	_ =	sdelay $0x2  }
0x573: {  	[hbm4b:s1+s17] =	stream.strided.scatter [tilespmem:s31], [sflag:$0x1], $0x3C00, s18, s17, $0x38;
	[tilespmem:$0x1A400] =	vst v63  }
0x574: {  	_ =	swait.ge [sflag:s19], $0x3C00  }
0x575: {  	s2 =	sld [smem:$0x7F3]  }
0x576: {  	[sflag:s19] =	ssyncset.done $0x0  }
0x577: {  	s25 =	simm.s32 $0x0;
	[sflag:s19] =	ssyncadd.s32 $0xFFFFC400  }
0x578: {  	[tilespmem:s0], [sflag:$0x1] =	stream.linear.gather [hbm4b:s2+s25], $0x280, $0x38;
	[tilespmem:$0x1A400] =	vst v63  }
0x579: {  	_ =	swait.ge [sflag:s19], $0x280  }
0x57a: {  	s26 =	sld [smem:$0x7F4]  }
0x57b: {  	[sflag:s19] =	ssyncset.done $0x0  }
0x57c: {  	[sflag:s19] =	ssyncadd.s32 $0xFFFFFD80  }
0x57d: {  	[tilespmem:s22], [sflag:$0x1] =	stream.linear.gather [hbm4b:s26+s25], $0x280, $0x38;
	[tilespmem:$0x1A400] =	vst v63  }
0x57e: {  	_ =	swait.ge [sflag:s19], $0x280  }
0x57f: {  	s28 =	sld [smem:$0x7FA]  }
0x580: {  	[sflag:s19] =	ssyncset.done $0x0  }
0x581: {  	[sflag:s19] =	ssyncadd.s32 $0xFFFFFD80  }
0x582: {  	[tilespmem:s23], [sflag:$0x1] =	stream.linear.gather [hbm4b:s28+s25], $0xA00, $0x38;
	[tilespmem:$0x1A400] =	vst v63  }
0x583: {  	s29 =	sand.u32 $0x70, s25;
	s1 =	sand.u32 $0xE00, s25;
	_ =	swait.ge [sflag:s19], $0xA00  }
0x584: {  	s25 =	sor.u32 s29, s1;
	[sflag:s19] =	ssyncset.done $0x0  }
0x585: {  	s1 =	sadd.s32 $0x19A00, s25;
	[sflag:s19] =	ssyncadd.s32 $0xFFFFF600  }
0x586: {  	v0 =	vld [tilespmem:s1+$0x100]  }
0x587: {  	v1 =	vld [tilespmem:s25+$0x19A00]  }
0x588: {  	v2 =	vld [tilespmem:s1+$0x180];
	_ =	sdelay $0x1  }
0x589: {  	s4 =	simm.s32 $0x0;
	v4 =	vld [tilespmem:s1+$0x80]  }
0x58a: {  	v3 =	vld [tilespmem:s4+$0x19500];
	v0 =	vmul.f32 $5.000000000e-01, v0;
	_ =	sdelay $0x1  }
0x58b: {  	v6 =	vmul.f32 $5.000000000e-01, v2;
	v5 =	vsub.f32 v1, v0;
	v7 =	vadd.f32 v0, v1;
	v0 =	vld [tilespmem:s4+$0x19780];
	_ =	sdelay $0x1  }
0x58c: {  	s5 =	simm.s32 $0x10;
	s26 =	simm.s32 $0x40;
	v2 =	vsub.f32 v4, v6  }
0x58d: {  	s2 =	simm.s32 $0x20;
	s4 =	sand.u32 $0x70, s5;
	s5 =	sand.u32 $0xE00, s26;
	v4 =	vadd.f32 v6, v4;
	v1 =	vmul.f32 v3, v5;
	v3 =	vmul.f32 v3, v7  }
.LBB2_87:
0x58e: {  	p1 =	sne.s32 s2, $0x270  }
0x58f: {  	[tilespmem:s25+$0x19A00] =	vst v1;
	s25 =	sor.u32 s4, s5;
	v1 =	vmul.f32 v0, v2;
	s4 =	smov.u32 s2;
	s2 =	sadd.s32 $0x10, s2  }
0x590: {  	s5 =	sadd.s32 $0x19A00, s25;
	[tilespmem:s1+$0x100] =	vst v3;
	v0 =	vmul.f32 v0, v4  }
0x591: {  	v2 =	vld [tilespmem:s5+$0x100];
	[tilespmem:s1+$0x80] =	vst v1  }
0x592: {  	v1 =	vld [tilespmem:s25+$0x19A00];
	[tilespmem:s1+$0x180] =	vst v0;
	s1 =	smov.u32 s5  }
0x593: {  	v3 =	vld [tilespmem:s1+$0x180]  }
0x594: {  	s5 =	sshra.s32 s26, $0x2;
	v4 =	vld [tilespmem:s1+$0x80]  }
0x595: {  	v5 =	vld [tilespmem:s5+$0x19500]  }
0x596: {  	v2 =	vmul.f32 $5.000000000e-01, v2  }
.Ltmp45:
0x597: {  	v0 =	vld [tilespmem:s5+$0x19780];
	(pc) =	sbr.rel @p1 .LBB2_87-.Ltmp45, $3  }
0x598: {  	v6 =	vmul.f32 $5.000000000e-01, v3;
	v3 =	vsub.f32 v1, v2;
	v7 =	vadd.f32 v2, v1;
	_ =	sdelay $0x1  }
0x599: {  	s26 =	sadd.s32 $0x40, s26;
	v1 =	vmul.f32 v5, v3;
	v2 =	vsub.f32 v4, v6;
	v3 =	vmul.f32 v5, v7  }
0x59a: {  	s4 =	sand.u32 $0x70, s4;
	s5 =	sand.u32 $0xE00, s26;
	v4 =	vadd.f32 v6, v4  }
0x59b: {  	s2 =	sor.u32 s4, s5  }
0x59c: {  	[tilespmem:s1+$0x100] =	vst v3;
	s4 =	sadd.s32 $0x19A00, s2;
	v3 =	vmul.f32 v0, v4  }
0x59d: {  	[tilespmem:s25+$0x19A00] =	vst v1;
	v0 =	vmul.f32 v0, v2;
	v1 =	vld [tilespmem:s4+$0x100]  }
0x59e: {  	v2 =	vld [tilespmem:s2+$0x19A00];
	[tilespmem:s1+$0x180] =	vst v3  }
0x59f: {  	[tilespmem:s1+$0x80] =	vst v0;
	v0 =	vld [tilespmem:s4+$0x180]  }
0x5a0: {  	s6 =	sshra.s32 s26, $0x2;
	v3 =	vld [tilespmem:s4+$0x80]  }
0x5a1: {  	v4 =	vld [tilespmem:s6+$0x19500]  }
0x5a2: {  	v1 =	vmul.f32 $5.000000000e-01, v1  }
0x5a3: {  	v5 =	vld [tilespmem:s6+$0x19780]  }
0x5a4: {  	v0 =	vmul.f32 $5.000000000e-01, v0;
	v6 =	vsub.f32 v2, v1  }
0x5a5: {  	v1 =	vadd.f32 v1, v2  }
0x5a6: {  	v2 =	vmul.f32 v4, v6;
	v6 =	vsub.f32 v3, v0  }
0x5a7: {  	v1 =	vmul.f32 v4, v1;
	v0 =	vadd.f32 v0, v3  }
0x5a8: {  	[tilespmem:s2+$0x19A00] =	vst v2;
	v2 =	vmul.f32 v5, v6  }
0x5a9: {  	s8 =	sld [smem:$0x7FB];
	[tilespmem:s4+$0x100] =	vst v1;
	v0 =	vmul.f32 v5, v0  }
0x5aa: {  	[tilespmem:s4+$0x80] =	vst v2  }
0x5ab: {  	s7 =	simm.s32 $0x0;
	[tilespmem:s4+$0x180] =	vst v0  }
0x5ac: {  	[hbm4b:s8+s7] =	stream.linear.scatter [tilespmem:s23], [sflag:$0x1], $0xA00, $0x38;
	[tilespmem:$0x1A400] =	vst v63  }
0x5ad: {  	_ =	swait.ge [sflag:s19], $0xA00  }
0x5ae: {  	s25 =	sld [smem:$0x7FC]  }
0x5af: {  	[sflag:s19] =	ssyncset.done $0x0  }
0x5b0: {  	[sflag:s19] =	ssyncadd.s32 $0xFFFFF600  }
0x5b1: {  	[tilespmem:s23], [sflag:$0x1] =	stream.linear.gather [hbm4b:s25+s7], $0xA00, $0x38;
	[tilespmem:$0x1A400] =	vst v63  }
0x5b2: {  	s26 =	sand.u32 $0x70, s7;
	s1 =	sand.u32 $0xE00, s7;
	_ =	swait.ge [sflag:s19], $0xA00  }
0x5b3: {  	s25 =	sor.u32 s26, s1;
	[sflag:s19] =	ssyncset.done $0x0  }
0x5b4: {  	s1 =	sadd.s32 $0x19A00, s25;
	[sflag:s19] =	ssyncadd.s32 $0xFFFFF600  }
0x5b5: {  	v0 =	vld [tilespmem:s1+$0x100]  }
0x5b6: {  	v1 =	vld [tilespmem:s25+$0x19A00]  }
0x5b7: {  	v2 =	vld [tilespmem:s1+$0x180];
	_ =	sdelay $0x1  }
0x5b8: {  	s28 =	simm.s32 $0x0;
	v4 =	vld [tilespmem:s1+$0x80]  }
0x5b9: {  	v3 =	vld [tilespmem:s28+$0x19500];
	v0 =	vmul.f32 $5.000000000e-01, v0;
	_ =	sdelay $0x1  }
0x5ba: {  	v6 =	vmul.f32 $5.000000000e-01, v2;
	v5 =	vsub.f32 v1, v0;
	v7 =	vadd.f32 v0, v1;
	v0 =	vld [tilespmem:s28+$0x19780];
	_ =	sdelay $0x1  }
0x5bb: {  	s29 =	simm.s32 $0x10;
	s26 =	simm.s32 $0x40;
	v2 =	vsub.f32 v4, v6  }
0x5bc: {  	s2 =	simm.s32 $0x20;
	s4 =	sand.u32 $0x70, s29;
	s5 =	sand.u32 $0xE00, s26;
	v4 =	vadd.f32 v6, v4;
	v1 =	vmul.f32 v3, v5;
	v3 =	vmul.f32 v3, v7  }
.LBB2_89:
0x5bd: {  	p1 =	sne.s32 s2, $0x270  }
0x5be: {  	[tilespmem:s25+$0x19A00] =	vst v1;
	s25 =	sor.u32 s4, s5;
	v1 =	vmul.f32 v0, v2;
	s4 =	smov.u32 s2;
	s2 =	sadd.s32 $0x10, s2  }
0x5bf: {  	s5 =	sadd.s32 $0x19A00, s25;
	[tilespmem:s1+$0x100] =	vst v3;
	v0 =	vmul.f32 v0, v4  }
0x5c0: {  	v2 =	vld [tilespmem:s5+$0x100];
	[tilespmem:s1+$0x80] =	vst v1  }
0x5c1: {  	v1 =	vld [tilespmem:s25+$0x19A00];
	[tilespmem:s1+$0x180] =	vst v0;
	s1 =	smov.u32 s5  }
0x5c2: {  	v3 =	vld [tilespmem:s1+$0x180]  }
0x5c3: {  	s5 =	sshra.s32 s26, $0x2;
	v4 =	vld [tilespmem:s1+$0x80]  }
0x5c4: {  	v5 =	vld [tilespmem:s5+$0x19500]  }
0x5c5: {  	v2 =	vmul.f32 $5.000000000e-01, v2  }
.Ltmp46:
0x5c6: {  	v0 =	vld [tilespmem:s5+$0x19780];
	(pc) =	sbr.rel @p1 .LBB2_89-.Ltmp46, $3  }
0x5c7: {  	v6 =	vmul.f32 $5.000000000e-01, v3;
	v3 =	vsub.f32 v1, v2;
	v7 =	vadd.f32 v2, v1;
	_ =	sdelay $0x1  }
0x5c8: {  	s26 =	sadd.s32 $0x40, s26;
	v1 =	vmul.f32 v5, v3;
	v2 =	vsub.f32 v4, v6;
	v3 =	vmul.f32 v5, v7  }
0x5c9: {  	s4 =	sand.u32 $0x70, s4;
	s5 =	sand.u32 $0xE00, s26;
	v4 =	vadd.f32 v6, v4  }
0x5ca: {  	s2 =	sor.u32 s4, s5  }
0x5cb: {  	[tilespmem:s1+$0x100] =	vst v3;
	s4 =	sadd.s32 $0x19A00, s2;
	v54 =	vmul.f32 v0, v4  }
0x5cc: {  	[tilespmem:s25+$0x19A00] =	vst v1;
	v55 =	vmul.f32 v0, v2;
	v56 =	vld [tilespmem:s4+$0x100]  }
0x5cd: {  	v57 =	vld [tilespmem:s2+$0x19A00];
	[tilespmem:s1+$0x180] =	vst v54  }
0x5ce: {  	[tilespmem:s1+$0x80] =	vst v55;
	v58 =	vld [tilespmem:s4+$0x180]  }
0x5cf: {  	s28 =	sshra.s32 s26, $0x2;
	v59 =	vld [tilespmem:s4+$0x80]  }
0x5d0: {  	v60 =	vld [tilespmem:s28+$0x19500]  }
0x5d1: {  	v1 =	vmul.f32 $5.000000000e-01, v56  }
0x5d2: {  	v5 =	vld [tilespmem:s28+$0x19780]  }
0x5d3: {  	v0 =	vmul.f32 $5.000000000e-01, v58;
	v6 =	vsub.f32 v57, v1  }
0x5d4: {  	v1 =	vadd.f32 v1, v57  }
0x5d5: {  	v61 =	vmul.f32 v60, v6;
	v62 =	vsub.f32 v59, v0  }
0x5d6: {  	v1 =	vmul.f32 v60, v1;
	v0 =	vadd.f32 v0, v59  }
0x5d7: {  	[tilespmem:s2+$0x19A00] =	vst v61;
	v63 =	vmul.f32 v5, v62  }
0x5d8: {  	s29 =	sld [smem:$0x7FD];
	[tilespmem:s4+$0x100] =	vst v1;
	v0 =	vmul.f32 v5, v0  }
0x5d9: {  	[tilespmem:s4+$0x80] =	vst v63  }
.Ltmp47:
0x5da: {  	[tilespmem:s4+$0x180] =	vst v0;
	(pc) =	sbr.rel .LBB2_91-.Ltmp47, $4  }
0x5db: {  	[hbm4b:s29+s3] =	stream.linear.scatter [tilespmem:s23], [sflag:$0x1], $0xA00, $0x38;
	[tilespmem:$0x1A400] =	vst v63  }
0x5dc: {  	_ =	swait.ge [sflag:s19], $0xA00  }
0x5dd: {  	[sflag:s19] =	ssyncset.done $0x0  }
0x5de: {  	[sflag:s19] =	ssyncadd.s32 $0xFFFFF600  }
.LBB2_92:
0x5df: {  	_ =	sfence.sel $0x180000  }
0x5e0: {  	[bflag:$0x0] =	sbarrier.arrive $0xFFFF  }
0x5e1: {  	_ =	strace $0x90000047  }
0x5e2: {  	s0 =	stileid.u32;
	[bflag:$0x2] =	sbarrier.arrive $0xFFFF  }
0x5e3: {  	p0 =	sne.s32 s0, $0x0;
	s0 =	rddreg [dreg:$0x5]  }
0x5e4: {  	s0 =	sadd.s32 @!p0 $0x100000, s0  }
0x5e5: {  	[sflag:s0] =	ssyncadd.tile.s32 @!p0 $0x1;
	_ =	shalt  }
.Lfunc_end2:
_tile_overlayer_lowered:
.L_overlay_start_2:
0x5e6: {  	(tag) =	ssettag $0x2  }
0x5e7: {  	s0 =	rddreg [dreg:$0x0];
	s2 =	stileid.u32  }
0x5e8: {  	s1 =	rddreg [dreg:$0x1];
	p0 =	sne.s32 s2, $0x0  }
0x5e9: {  	s3 =	rddreg [dreg:$0x2];
	[bflag:$0x3] =	sbarrier.arrive $0xFFFF;
	s2 =	simm.s32 @!p0 $0x1C01  }
0x5ea: {  	[timem:s3], [sflag:s2] =	dma.local @!p0 [hbm:s0], s1  }
0x5eb: {  	s0 =	simm.s32 @!p0 $0x1  }
0x5ec: {  	_ =	swait.ge @!p0 [sflag:s0], s1  }
0x5ed: {  	s1 =	ssub.s32 @!p0 $0x0, s1;
	[sflag:s0] =	ssyncset.done @!p0 $0x0  }
0x5ee: {  	[sflag:s0] =	ssyncadd.s32 @!p0 s1  }
0x5ef: {  	[bflag:$0x3] =	sbarrier.arrive $0xFFFF  }
0x5f0: {  	_ =	shalt  }

</sc_bundles>
